<compile_context>
chip_gen: v7x
topology: tpu7x:2x2x1
jax: 0.10.2.dev20260603
libtpu: 0.0.44.dev20260713+nightly
codegen_flags: <defaults>
</compile_context>

<pallas_src>
import jax
import jax.numpy as jnp
from jax import lax
from jax.experimental import pallas as pl
from jax.experimental.pallas import tpu as pltpu
from jax.experimental.pallas import tpu_sc as plsc

N = 10000
NP = 10240
E = 320000
SUB = 125
NC, NS = 2, 16
NW = NC * NS
STRIPE = NP // NS


def _seg_sum_kernel(D, J, with_cnt):
    mesh = plsc.VectorSubcoreMesh(core_axis_name="c", subcore_axis_name="s")
    cpw = E // (J * SUB * NW)
    assert cpw % 2 == 0
    RW = cpw * J

    ZR = 64

    out_type = [jax.ShapeDtypeStruct((NC, NP, D), jnp.float32)]
    scratch = [
        pltpu.VMEM((RW, SUB), jnp.int32),
        pltpu.VMEM((RW, SUB), jnp.int32),
        pltpu.VMEM((2, J, SUB, D), jnp.float32),
        pltpu.VMEM((ZR, D), jnp.float32),
        pltpu.VMEM_SHARED((NP, D), jnp.float32),
        pltpu.SemaphoreType.DMA,
        pltpu.SemaphoreType.DMA,
    ]
    if with_cnt:
        out_type.append(jax.ShapeDtypeStruct((NC, NP), jnp.float32))
        scratch.insert(4, pltpu.VMEM((SUB,), jnp.float32))
        scratch.insert(6, pltpu.VMEM_SHARED((NP,), jnp.float32))

    def body(*refs):
        if with_cnt:
            (p_hbm, src_hbm, dst_hbm,
             part_hbm, cntp_hbm,
             src_v, dst_v, rows_v, zero_v, ones_v, acc_sh, cnt_sh,
             sem_a, sem_b) = refs
        else:
            (p_hbm, src_hbm, dst_hbm,
             part_hbm,
             src_v, dst_v, rows_v, zero_v, acc_sh, sem_a, sem_b) = refs
        c = lax.axis_index("c")
        s = lax.axis_index("s")
        sems = (sem_a, sem_b)

        row0 = (c * NS + s) * RW
        pltpu.sync_copy(src_hbm.at[pl.ds(row0, RW)], src_v)
        pltpu.sync_copy(dst_hbm.at[pl.ds(row0, RW)], dst_v)

        zv = jnp.zeros((16,), jnp.float32)

        def zfill(r, carry):
            for k in range(D // 16):
                zero_v[r, pl.ds(k * 16, 16)] = zv
            return carry

        lax.fori_loop(0, ZR, zfill, 0)
        for t in range(STRIPE // ZR):
            pltpu.sync_copy(zero_v,
                            acc_sh.at[pl.ds(s * STRIPE + t * ZR, ZR)])
        if with_cnt:
            ov = jnp.ones((16,), jnp.float32)
            for o in (0, 16, 32, 48, 64, 80, 96, SUB - 16):
                ones_v[pl.ds(o, 16)] = ov
            for t in range(STRIPE // D):
                pltpu.sync_copy(zero_v.at[0],
                                cnt_sh.at[pl.ds(s * STRIPE + t * D, D)])
        plsc.subcore_barrier()

        def fire(ch, b):
            for j in range(J):
                pltpu.async_copy(p_hbm.at[src_v.at[ch * J + j]],
                                 rows_v.at[b, j], sems[b])

        def drain_scatter(ch, b):
            for j in range(J):
                pltpu.make_async_copy(p_hbm.at[src_v.at[ch * J + j]],
                                      rows_v.at[b, j], sems[b]).wait()
            for j in range(J):
                pltpu.sync_copy(rows_v.at[b, j],
                                acc_sh.at[dst_v.at[ch * J + j]], add=True)
            if with_cnt:
                for j in range(J):
                    pltpu.sync_copy(ones_v, cnt_sh.at[dst_v.at[ch * J + j]],
                                    add=True)

        fire(0, 0)

        def step(i, carry):
            fire(2 * i + 1, 1)
            drain_scatter(2 * i, 0)

            @pl.when(i < cpw // 2 - 1)
            def _():
                fire(2 * i + 2, 0)
            drain_scatter(2 * i + 1, 1)
            return carry

        lax.fori_loop(0, cpw // 2, step, 0)
        plsc.subcore_barrier()

        pltpu.sync_copy(acc_sh.at[pl.ds(s * STRIPE, STRIPE)],
                        part_hbm.at[c, pl.ds(s * STRIPE, STRIPE)])
        if with_cnt:
            @pl.when(s == 0)
            def _():
                pltpu.sync_copy(cnt_sh, cntp_hbm.at[c])

    return pl.kernel(
        body,
        out_type=tuple(out_type),
        mesh=mesh,
        scratch_types=tuple(scratch),
        compiler_params=pltpu.CompilerParams(use_tc_tiling_on_sc=False))


def _proj1_body(x_ref, wl_ref, wr_ref, b_ref, p_ref, r_ref):
    xv = x_ref[...]
    p_ref[...] = jnp.dot(xv, wl_ref[...], preferred_element_type=jnp.float32)
    r_ref[...] = (jnp.dot(xv, wr_ref[...], preferred_element_type=jnp.float32)
                  + b_ref[...])


def _mid_body(part_ref, cnt_ref, r1_ref, wl2_ref, wr2_ref, b2_ref,
              p2_ref, r2_ref, inv_ref):
    a = part_ref[0, :N] + part_ref[1, :N]
    cnt = cnt_ref[0, :N] + cnt_ref[1, :N]
    inv = (1.0 / jnp.maximum(cnt, 1.0))[:, None]
    h = jnp.maximum(a * inv + r1_ref[...], 0.0)
    p2 = jnp.dot(h, wl2_ref[...], preferred_element_type=jnp.float32)
    p2_ref[...] = jnp.concatenate(
        [p2, jnp.zeros((N, 16 - p2.shape[1]), jnp.float32)], axis=1)
    r2_ref[...] = (jnp.dot(h, wr2_ref[...], preferred_element_type=jnp.float32)
                   + b2_ref[...])
    inv_ref[...] = inv


def _out_body(part_ref, inv_ref, r2_ref, o_ref):
    q = part_ref[0, :N, :2] + part_ref[1, :N, :2]
    o_ref[...] = q * inv_ref[...] + r2_ref[...]


def kernel(x, edge_index, W_l1, W_r1, b1, W_l2, W_r2, b2):
    HID = W_l1.shape[1]
    OUT = W_l2.shape[1]
    D2 = 16

    J1, J2 = 4, 10
    src2 = edge_index[0].astype(jnp.int32).reshape(E // SUB, SUB)
    dst2 = edge_index[1].astype(jnp.int32).reshape(E // SUB, SUB)

    p1, r1 = pl.pallas_call(
        _proj1_body,
        out_shape=(jax.ShapeDtypeStruct((N, HID), jnp.float32),
                   jax.ShapeDtypeStruct((N, HID), jnp.float32)),
    )(x, W_l1, W_r1, b1)

    part1, cntp = _seg_sum_kernel(HID, J1, True)(p1, src2, dst2)

    p2, r2, inv = pl.pallas_call(
        _mid_body,
        out_shape=(jax.ShapeDtypeStruct((N, D2), jnp.float32),
                   jax.ShapeDtypeStruct((N, OUT), jnp.float32),
                   jax.ShapeDtypeStruct((N, 1), jnp.float32)),
    )(part1, cntp, r1, W_l2, W_r2, b2)

    (part2,) = _seg_sum_kernel(D2, J2, False)(p2, src2, dst2)

    return pl.pallas_call(
        _out_body,
        out_shape=jax.ShapeDtypeStruct((N, OUT), jnp.float32),
    )(part2, inv, r2)

# --- scband reference (transcript-rebuilt; emitter-appended) ---
"""Pipeline reference for scband-graph-sagemodel-1623497638641 (READ-ONLY COPY).

The authoritative reference and input builder live on the scoring server;
editing this copy changes nothing except your own understanding.
"""

import jax, jax.numpy as jnp
import numpy as np

N_NODES = 10000
N_EDGES = 320000
IN_CH = 128
HID_CH = 64
OUT_CH = 2


def setup_inputs(seed: int = 0) -> dict:
    key = jax.random.key(seed)
    k1, k2, k3, k4, k5, k6 = jax.random.split(key, 6)
    x = jax.random.normal(k1, (N_NODES, IN_CH), dtype=jnp.float32)
    edge_index = jax.random.randint(k2, (2, N_EDGES), 0, N_NODES, dtype=jnp.int64)
    # SAGEConv params (PyG: out = lin_l(mean_aggr(x_src -> dst)) + lin_r(x)); lin_l has bias
    s1 = 1.0 / np.sqrt(IN_CH)
    W_l1 = jax.random.uniform(k3, (IN_CH, HID_CH), minval=-s1, maxval=s1, dtype=jnp.float32)
    W_r1 = jax.random.uniform(k4, (IN_CH, HID_CH), minval=-s1, maxval=s1, dtype=jnp.float32)
    b1 = jnp.zeros((HID_CH,), dtype=jnp.float32)
    s2 = 1.0 / np.sqrt(HID_CH)
    W_l2 = jax.random.uniform(k5, (HID_CH, OUT_CH), minval=-s2, maxval=s2, dtype=jnp.float32)
    W_r2 = jax.random.uniform(k6, (HID_CH, OUT_CH), minval=-s2, maxval=s2, dtype=jnp.float32)
    b2 = jnp.zeros((OUT_CH,), dtype=jnp.float32)
    return {"x": x, "edge_index": edge_index, "W_l1": W_l1, "W_r1": W_r1, "b1": b1,
            "W_l2": W_l2, "W_r2": W_r2, "b2": b2}


def _sage_conv(x, edge_index, W_l, W_r, b):
    src = edge_index[0]
    dst = edge_index[1]
    msg = jnp.take(x, src, axis=0)                      # gather source features
    summed = jax.ops.segment_sum(msg, dst, num_segments=N_NODES)
    cnt = jax.ops.segment_sum(jnp.ones((src.shape[0],), dtype=x.dtype), dst,
                              num_segments=N_NODES)
    mean = summed / jnp.clip(cnt, 1.0, None)[:, None]   # mean aggregation
    return mean @ W_l + x @ W_r + b


def reference(x, edge_index, W_l1, W_r1, b1, W_l2, W_r2, b2):
    h = _sage_conv(x, edge_index, W_l1, W_r1, b1)
    h = jax.nn.relu(h)
    # dropout is identity in eval mode (training=False)
    out = _sage_conv(h, edge_index, W_l2, W_r2, b2)
    return out

if __name__ == "__main__":
    import jax
    _d = setup_inputs()
    print(jax.jit(kernel)(*tuple(_d.values())))

</pallas_src>

<mosaic_0001>
#map = affine_map<(d0, d1) -> (0, 0)>
#map1 = affine_map<(d0, d1) -> (0, 0, 0)>
module attributes {stable_mosaic.version = 14 : i64} {
  func.func @body(%arg0: i32, %arg1: i32, %arg2: memref<10000x64xf32, #tpu.memory_space<hbm>>, %arg3: memref<2560x125xi32, #tpu.memory_space<hbm>>, %arg4: memref<2560x125xi32, #tpu.memory_space<hbm>>, %arg5: memref<2x10240x64xf32, #tpu.memory_space<hbm>>, %arg6: memref<2x10240xf32, #tpu.memory_space<hbm>>, %arg7: memref<80x125xi32, #tpu.memory_space<vmem>>, %arg8: memref<80x125xi32, #tpu.memory_space<vmem>>, %arg9: memref<2x4x125x64xf32, #tpu.memory_space<vmem>>, %arg10: memref<64x64xf32, #tpu.memory_space<vmem>>, %arg11: memref<125xf32, #tpu.memory_space<vmem>>, %arg12: memref<10240x64xf32, #tpu.memory_space<vmem_shared>>, %arg13: memref<10240xf32, #tpu.memory_space<vmem_shared>>, %arg14: memref<!tpu.dma_semaphore, #tpu.memory_space<semaphore_mem>>, %arg15: memref<!tpu.dma_semaphore, #tpu.memory_space<semaphore_mem>>) attributes {dimension_semantics = [#tpu.dimension_semantics<core_parallel>, #tpu.dimension_semantics<subcore_parallel>], iteration_bounds = array<i64: 2, 16>, scalar_prefetch = 0 : i64, scratch_operands = 9 : i64, tpu.core_type = #tpu.core_type<sc_vector_subcore>, window_params = [{transform_indices = #map}, {transform_indices = #map}, {transform_indices = #map}, {transform_indices = #map1}, {transform_indices = #map}]} {
    %mul3A = arith.constant 16 : i32
    %mul3A_0 = arith.muli %arg0, %mul3A : i32
    %add3A = arith.addi %mul3A_0, %arg1 : i32
    %mul3A_1 = arith.constant 80 : i32
    %mul3A_2 = arith.muli %add3A, %mul3A_1 : i32
    "tpu.region"() ({
      %run_scoped3A_195 = tpu.sem_alloc : memref<!tpu.dma_semaphore, #tpu.memory_space<semaphore_mem>>
      %dma_start3A_196 = arith.constant 0 : i32
      %dma_start3A_197 = tpu.memref_slice %arg3[%mul3A_2, %dma_start3A_196] : memref<2560x125xi32, #tpu.memory_space<hbm>> -> memref<80x125xi32, #tpu.memory_space<hbm>>
      %dma_start3A_198 = arith.constant 0 : i32
      %dma_start3A_199 = tpu.memref_slice %arg3[%mul3A_2, %dma_start3A_198] : memref<2560x125xi32, #tpu.memory_space<hbm>> -> memref<80x125xi32, #tpu.memory_space<hbm>>
      tpu.enqueue_dma source(%dma_start3A_199 : memref<80x125xi32, #tpu.memory_space<hbm>>) target(%arg7 : memref<80x125xi32, #tpu.memory_space<vmem>>) target_semaphore(%run_scoped3A_195 : memref<!tpu.dma_semaphore, #tpu.memory_space<semaphore_mem>>)
      %dma_wait3A = arith.constant 0 : i32
      %dma_wait3A_200 = tpu.memref_slice %arg3[%mul3A_2, %dma_wait3A] : memref<2560x125xi32, #tpu.memory_space<hbm>> -> memref<80x125xi32, #tpu.memory_space<hbm>>
      %dma_wait3A_201 = arith.constant 0 : i32
      %dma_wait3A_202 = tpu.memref_slice %arg3[%mul3A_2, %dma_wait3A_201] : memref<2560x125xi32, #tpu.memory_space<hbm>> -> memref<80x125xi32, #tpu.memory_space<hbm>>
      tpu.wait_dma2 semaphore(%run_scoped3A_195 : memref<!tpu.dma_semaphore, #tpu.memory_space<semaphore_mem>>) src(%dma_wait3A_202 : memref<80x125xi32, #tpu.memory_space<hbm>>) dst(%arg7 : memref<80x125xi32, #tpu.memory_space<vmem>>)
      tpu.yield
    }) : () -> ()
    "tpu.region"() ({
      %run_scoped3A_195 = tpu.sem_alloc : memref<!tpu.dma_semaphore, #tpu.memory_space<semaphore_mem>>
      %dma_start3A_196 = arith.constant 0 : i32
      %dma_start3A_197 = tpu.memref_slice %arg4[%mul3A_2, %dma_start3A_196] : memref<2560x125xi32, #tpu.memory_space<hbm>> -> memref<80x125xi32, #tpu.memory_space<hbm>>
      %dma_start3A_198 = arith.constant 0 : i32
      %dma_start3A_199 = tpu.memref_slice %arg4[%mul3A_2, %dma_start3A_198] : memref<2560x125xi32, #tpu.memory_space<hbm>> -> memref<80x125xi32, #tpu.memory_space<hbm>>
      tpu.enqueue_dma source(%dma_start3A_199 : memref<80x125xi32, #tpu.memory_space<hbm>>) target(%arg8 : memref<80x125xi32, #tpu.memory_space<vmem>>) target_semaphore(%run_scoped3A_195 : memref<!tpu.dma_semaphore, #tpu.memory_space<semaphore_mem>>)
      %dma_wait3A = arith.constant 0 : i32
      %dma_wait3A_200 = tpu.memref_slice %arg4[%mul3A_2, %dma_wait3A] : memref<2560x125xi32, #tpu.memory_space<hbm>> -> memref<80x125xi32, #tpu.memory_space<hbm>>
      %dma_wait3A_201 = arith.constant 0 : i32
      %dma_wait3A_202 = tpu.memref_slice %arg4[%mul3A_2, %dma_wait3A_201] : memref<2560x125xi32, #tpu.memory_space<hbm>> -> memref<80x125xi32, #tpu.memory_space<hbm>>
      tpu.wait_dma2 semaphore(%run_scoped3A_195 : memref<!tpu.dma_semaphore, #tpu.memory_space<semaphore_mem>>) src(%dma_wait3A_202 : memref<80x125xi32, #tpu.memory_space<hbm>>) dst(%arg8 : memref<80x125xi32, #tpu.memory_space<vmem>>)
      tpu.yield
    }) : () -> ()
    %broadcast_in_dim3A = arith.constant 0.000000e+00 : f32
    %broadcast_in_dim3A_3 = vector.broadcast %broadcast_in_dim3A : f32 to vector<16xf32>
    %scan3A = arith.constant 0 : i32
    %scan3A_4 = arith.constant 0 : i32
    %scan3A_5 = arith.constant 64 : i32
    %scan3A_6 = arith.addi %scan3A_4, %scan3A_5 : i32
    %scan3A_7 = arith.constant 1 : i32
    scf.for %scan3A_195 = %scan3A_4 to %scan3A_6 step %scan3A_7  : i32 {
      %swap3A_196 = arith.index_cast %scan3A_195 : i32 to index
      %swap3A_197 = arith.constant 0 : index
      %swap3A_198 = tpu.vector_load %arg10[%swap3A_196, %swap3A_197] {strides = array<i32>} : memref<64x64xf32, #tpu.memory_space<vmem>>, vector<1x16xf32>,
      %swap3A_199 = vector.shape_cast %swap3A_198 : vector<1x16xf32> to vector<16xf32>
      %swap3A_200 = vector.shape_cast %broadcast_in_dim3A_3 : vector<16xf32> to vector<1x16xf32>
      tpu.vector_store %arg10[%swap3A_196, %swap3A_197], %swap3A_200 {strides = array<i32>} : memref<64x64xf32, #tpu.memory_space<vmem>>, vector<1x16xf32>,
      %swap3A_201 = arith.index_cast %scan3A_195 : i32 to index
      %swap3A_202 = arith.constant 16 : index
      %swap3A_203 = tpu.vector_load %arg10[%swap3A_201, %swap3A_202] {strides = array<i32>} : memref<64x64xf32, #tpu.memory_space<vmem>>, vector<1x16xf32>,
      %swap3A_204 = vector.shape_cast %swap3A_203 : vector<1x16xf32> to vector<16xf32>
      %swap3A_205 = vector.shape_cast %broadcast_in_dim3A_3 : vector<16xf32> to vector<1x16xf32>
      tpu.vector_store %arg10[%swap3A_201, %swap3A_202], %swap3A_205 {strides = array<i32>} : memref<64x64xf32, #tpu.memory_space<vmem>>, vector<1x16xf32>,
      %swap3A_206 = arith.index_cast %scan3A_195 : i32 to index
      %swap3A_207 = arith.constant 32 : index
      %swap3A_208 = tpu.vector_load %arg10[%swap3A_206, %swap3A_207] {strides = array<i32>} : memref<64x64xf32, #tpu.memory_space<vmem>>, vector<1x16xf32>,
      %swap3A_209 = vector.shape_cast %swap3A_208 : vector<1x16xf32> to vector<16xf32>
      %swap3A_210 = vector.shape_cast %broadcast_in_dim3A_3 : vector<16xf32> to vector<1x16xf32>
      tpu.vector_store %arg10[%swap3A_206, %swap3A_207], %swap3A_210 {strides = array<i32>} : memref<64x64xf32, #tpu.memory_space<vmem>>, vector<1x16xf32>,
      %swap3A_211 = arith.index_cast %scan3A_195 : i32 to index
      %swap3A_212 = arith.constant 48 : index
      %swap3A_213 = tpu.vector_load %arg10[%swap3A_211, %swap3A_212] {strides = array<i32>} : memref<64x64xf32, #tpu.memory_space<vmem>>, vector<1x16xf32>,
      %swap3A_214 = vector.shape_cast %swap3A_213 : vector<1x16xf32> to vector<16xf32>
      %swap3A_215 = vector.shape_cast %broadcast_in_dim3A_3 : vector<16xf32> to vector<1x16xf32>
      tpu.vector_store %arg10[%swap3A_211, %swap3A_212], %swap3A_215 {strides = array<i32>} : memref<64x64xf32, #tpu.memory_space<vmem>>, vector<1x16xf32>,
    }
    %scan3A_8 = arith.constant 64 : i32
    %mul3A_9 = arith.constant 640 : i32
    %mul3A_10 = arith.muli %arg1, %mul3A_9 : i32
    %add3A_11 = arith.constant 0 : i32
    %add3A_12 = arith.addi %mul3A_10, %add3A_11 : i32
    "tpu.region"() ({
      %run_scoped3A_195 = tpu.sem_alloc : memref<!tpu.dma_semaphore, #tpu.memory_space<semaphore_mem>>
      %dma_start3A_196 = arith.constant 0 : i32
      %dma_start3A_197 = tpu.memref_slice %arg12[%add3A_12, %dma_start3A_196] : memref<10240x64xf32, #tpu.memory_space<vmem_shared>> -> memref<64x64xf32, #tpu.memory_space<vmem_shared>>
      %dma_start3A_198 = arith.constant 0 : i32
      %dma_start3A_199 = tpu.memref_slice %arg12[%add3A_12, %dma_start3A_198] : memref<10240x64xf32, #tpu.memory_space<vmem_shared>> -> memref<64x64xf32, #tpu.memory_space<vmem_shared>>
      tpu.enqueue_dma source(%arg10 : memref<64x64xf32, #tpu.memory_space<vmem>>) target(%dma_start3A_199 : memref<64x64xf32, #tpu.memory_space<vmem_shared>>) target_semaphore(%run_scoped3A_195 : memref<!tpu.dma_semaphore, #tpu.memory_space<semaphore_mem>>)
      %dma_wait3A = arith.constant 0 : i32
      %dma_wait3A_200 = tpu.memref_slice %arg12[%add3A_12, %dma_wait3A] : memref<10240x64xf32, #tpu.memory_space<vmem_shared>> -> memref<64x64xf32, #tpu.memory_space<vmem_shared>>
      %dma_wait3A_201 = arith.constant 0 : i32
      %dma_wait3A_202 = tpu.memref_slice %arg12[%add3A_12, %dma_wait3A_201] : memref<10240x64xf32, #tpu.memory_space<vmem_shared>> -> memref<64x64xf32, #tpu.memory_space<vmem_shared>>
      tpu.wait_dma2 semaphore(%run_scoped3A_195 : memref<!tpu.dma_semaphore, #tpu.memory_space<semaphore_mem>>) src(%arg10 : memref<64x64xf32, #tpu.memory_space<vmem>>) dst(%dma_wait3A_202 : memref<64x64xf32, #tpu.memory_space<vmem_shared>>)
      tpu.yield
    }) : () -> ()
    %mul3A_13 = arith.constant 640 : i32
    %mul3A_14 = arith.muli %arg1, %mul3A_13 : i32
    %add3A_15 = arith.constant 64 : i32
    %add3A_16 = arith.addi %mul3A_14, %add3A_15 : i32
    "tpu.region"() ({
      %run_scoped3A_195 = tpu.sem_alloc : memref<!tpu.dma_semaphore, #tpu.memory_space<semaphore_mem>>
      %dma_start3A_196 = arith.constant 0 : i32
      %dma_start3A_197 = tpu.memref_slice %arg12[%add3A_16, %dma_start3A_196] : memref<10240x64xf32, #tpu.memory_space<vmem_shared>> -> memref<64x64xf32, #tpu.memory_space<vmem_shared>>
      %dma_start3A_198 = arith.constant 0 : i32
      %dma_start3A_199 = tpu.memref_slice %arg12[%add3A_16, %dma_start3A_198] : memref<10240x64xf32, #tpu.memory_space<vmem_shared>> -> memref<64x64xf32, #tpu.memory_space<vmem_shared>>
      tpu.enqueue_dma source(%arg10 : memref<64x64xf32, #tpu.memory_space<vmem>>) target(%dma_start3A_199 : memref<64x64xf32, #tpu.memory_space<vmem_shared>>) target_semaphore(%run_scoped3A_195 : memref<!tpu.dma_semaphore, #tpu.memory_space<semaphore_mem>>)
      %dma_wait3A = arith.constant 0 : i32
      %dma_wait3A_200 = tpu.memref_slice %arg12[%add3A_16, %dma_wait3A] : memref<10240x64xf32, #tpu.memory_space<vmem_shared>> -> memref<64x64xf32, #tpu.memory_space<vmem_shared>>
      %dma_wait3A_201 = arith.constant 0 : i32
      %dma_wait3A_202 = tpu.memref_slice %arg12[%add3A_16, %dma_wait3A_201] : memref<10240x64xf32, #tpu.memory_space<vmem_shared>> -> memref<64x64xf32, #tpu.memory_space<vmem_shared>>
      tpu.wait_dma2 semaphore(%run_scoped3A_195 : memref<!tpu.dma_semaphore, #tpu.memory_space<semaphore_mem>>) src(%arg10 : memref<64x64xf32, #tpu.memory_space<vmem>>) dst(%dma_wait3A_202 : memref<64x64xf32, #tpu.memory_space<vmem_shared>>)
      tpu.yield
    }) : () -> ()
    %mul3A_17 = arith.constant 640 : i32
    %mul3A_18 = arith.muli %arg1, %mul3A_17 : i32
    %add3A_19 = arith.constant 128 : i32
    %add3A_20 = arith.addi %mul3A_18, %add3A_19 : i32
    "tpu.region"() ({
      %run_scoped3A_195 = tpu.sem_alloc : memref<!tpu.dma_semaphore, #tpu.memory_space<semaphore_mem>>
      %dma_start3A_196 = arith.constant 0 : i32
      %dma_start3A_197 = tpu.memref_slice %arg12[%add3A_20, %dma_start3A_196] : memref<10240x64xf32, #tpu.memory_space<vmem_shared>> -> memref<64x64xf32, #tpu.memory_space<vmem_shared>>
      %dma_start3A_198 = arith.constant 0 : i32
      %dma_start3A_199 = tpu.memref_slice %arg12[%add3A_20, %dma_start3A_198] : memref<10240x64xf32, #tpu.memory_space<vmem_shared>> -> memref<64x64xf32, #tpu.memory_space<vmem_shared>>
      tpu.enqueue_dma source(%arg10 : memref<64x64xf32, #tpu.memory_space<vmem>>) target(%dma_start3A_199 : memref<64x64xf32, #tpu.memory_space<vmem_shared>>) target_semaphore(%run_scoped3A_195 : memref<!tpu.dma_semaphore, #tpu.memory_space<semaphore_mem>>)
      %dma_wait3A = arith.constant 0 : i32
      %dma_wait3A_200 = tpu.memref_slice %arg12[%add3A_20, %dma_wait3A] : memref<10240x64xf32, #tpu.memory_space<vmem_shared>> -> memref<64x64xf32, #tpu.memory_space<vmem_shared>>
      %dma_wait3A_201 = arith.constant 0 : i32
      %dma_wait3A_202 = tpu.memref_slice %arg12[%add3A_20, %dma_wait3A_201] : memref<10240x64xf32, #tpu.memory_space<vmem_shared>> -> memref<64x64xf32, #tpu.memory_space<vmem_shared>>
      tpu.wait_dma2 semaphore(%run_scoped3A_195 : memref<!tpu.dma_semaphore, #tpu.memory_space<semaphore_mem>>) src(%arg10 : memref<64x64xf32, #tpu.memory_space<vmem>>) dst(%dma_wait3A_202 : memref<64x64xf32, #tpu.memory_space<vmem_shared>>)
      tpu.yield
    }) : () -> ()
    %mul3A_21 = arith.constant 640 : i32
    %mul3A_22 = arith.muli %arg1, %mul3A_21 : i32
    %add3A_23 = arith.constant 192 : i32
    %add3A_24 = arith.addi %mul3A_22, %add3A_23 : i32
    "tpu.region"() ({
      %run_scoped3A_195 = tpu.sem_alloc : memref<!tpu.dma_semaphore, #tpu.memory_space<semaphore_mem>>
      %dma_start3A_196 = arith.constant 0 : i32
      %dma_start3A_197 = tpu.memref_slice %arg12[%add3A_24, %dma_start3A_196] : memref<10240x64xf32, #tpu.memory_space<vmem_shared>> -> memref<64x64xf32, #tpu.memory_space<vmem_shared>>
      %dma_start3A_198 = arith.constant 0 : i32
      %dma_start3A_199 = tpu.memref_slice %arg12[%add3A_24, %dma_start3A_198] : memref<10240x64xf32, #tpu.memory_space<vmem_shared>> -> memref<64x64xf32, #tpu.memory_space<vmem_shared>>
      tpu.enqueue_dma source(%arg10 : memref<64x64xf32, #tpu.memory_space<vmem>>) target(%dma_start3A_199 : memref<64x64xf32, #tpu.memory_space<vmem_shared>>) target_semaphore(%run_scoped3A_195 : memref<!tpu.dma_semaphore, #tpu.memory_space<semaphore_mem>>)
      %dma_wait3A = arith.constant 0 : i32
      %dma_wait3A_200 = tpu.memref_slice %arg12[%add3A_24, %dma_wait3A] : memref<10240x64xf32, #tpu.memory_space<vmem_shared>> -> memref<64x64xf32, #tpu.memory_space<vmem_shared>>
      %dma_wait3A_201 = arith.constant 0 : i32
      %dma_wait3A_202 = tpu.memref_slice %arg12[%add3A_24, %dma_wait3A_201] : memref<10240x64xf32, #tpu.memory_space<vmem_shared>> -> memref<64x64xf32, #tpu.memory_space<vmem_shared>>
      tpu.wait_dma2 semaphore(%run_scoped3A_195 : memref<!tpu.dma_semaphore, #tpu.memory_space<semaphore_mem>>) src(%arg10 : memref<64x64xf32, #tpu.memory_space<vmem>>) dst(%dma_wait3A_202 : memref<64x64xf32, #tpu.memory_space<vmem_shared>>)
      tpu.yield
    }) : () -> ()
    %mul3A_25 = arith.constant 640 : i32
    %mul3A_26 = arith.muli %arg1, %mul3A_25 : i32
    %add3A_27 = arith.constant 256 : i32
    %add3A_28 = arith.addi %mul3A_26, %add3A_27 : i32
    "tpu.region"() ({
      %run_scoped3A_195 = tpu.sem_alloc : memref<!tpu.dma_semaphore, #tpu.memory_space<semaphore_mem>>
      %dma_start3A_196 = arith.constant 0 : i32
      %dma_start3A_197 = tpu.memref_slice %arg12[%add3A_28, %dma_start3A_196] : memref<10240x64xf32, #tpu.memory_space<vmem_shared>> -> memref<64x64xf32, #tpu.memory_space<vmem_shared>>
      %dma_start3A_198 = arith.constant 0 : i32
      %dma_start3A_199 = tpu.memref_slice %arg12[%add3A_28, %dma_start3A_198] : memref<10240x64xf32, #tpu.memory_space<vmem_shared>> -> memref<64x64xf32, #tpu.memory_space<vmem_shared>>
      tpu.enqueue_dma source(%arg10 : memref<64x64xf32, #tpu.memory_space<vmem>>) target(%dma_start3A_199 : memref<64x64xf32, #tpu.memory_space<vmem_shared>>) target_semaphore(%run_scoped3A_195 : memref<!tpu.dma_semaphore, #tpu.memory_space<semaphore_mem>>)
      %dma_wait3A = arith.constant 0 : i32
      %dma_wait3A_200 = tpu.memref_slice %arg12[%add3A_28, %dma_wait3A] : memref<10240x64xf32, #tpu.memory_space<vmem_shared>> -> memref<64x64xf32, #tpu.memory_space<vmem_shared>>
      %dma_wait3A_201 = arith.constant 0 : i32
      %dma_wait3A_202 = tpu.memref_slice %arg12[%add3A_28, %dma_wait3A_201] : memref<10240x64xf32, #tpu.memory_space<vmem_shared>> -> memref<64x64xf32, #tpu.memory_space<vmem_shared>>
      tpu.wait_dma2 semaphore(%run_scoped3A_195 : memref<!tpu.dma_semaphore, #tpu.memory_space<semaphore_mem>>) src(%arg10 : memref<64x64xf32, #tpu.memory_space<vmem>>) dst(%dma_wait3A_202 : memref<64x64xf32, #tpu.memory_space<vmem_shared>>)
      tpu.yield
    }) : () -> ()
    %mul3A_29 = arith.constant 640 : i32
    %mul3A_30 = arith.muli %arg1, %mul3A_29 : i32
    %add3A_31 = arith.constant 320 : i32
    %add3A_32 = arith.addi %mul3A_30, %add3A_31 : i32
    "tpu.region"() ({
      %run_scoped3A_195 = tpu.sem_alloc : memref<!tpu.dma_semaphore, #tpu.memory_space<semaphore_mem>>
      %dma_start3A_196 = arith.constant 0 : i32
      %dma_start3A_197 = tpu.memref_slice %arg12[%add3A_32, %dma_start3A_196] : memref<10240x64xf32, #tpu.memory_space<vmem_shared>> -> memref<64x64xf32, #tpu.memory_space<vmem_shared>>
      %dma_start3A_198 = arith.constant 0 : i32
      %dma_start3A_199 = tpu.memref_slice %arg12[%add3A_32, %dma_start3A_198] : memref<10240x64xf32, #tpu.memory_space<vmem_shared>> -> memref<64x64xf32, #tpu.memory_space<vmem_shared>>
      tpu.enqueue_dma source(%arg10 : memref<64x64xf32, #tpu.memory_space<vmem>>) target(%dma_start3A_199 : memref<64x64xf32, #tpu.memory_space<vmem_shared>>) target_semaphore(%run_scoped3A_195 : memref<!tpu.dma_semaphore, #tpu.memory_space<semaphore_mem>>)
      %dma_wait3A = arith.constant 0 : i32
      %dma_wait3A_200 = tpu.memref_slice %arg12[%add3A_32, %dma_wait3A] : memref<10240x64xf32, #tpu.memory_space<vmem_shared>> -> memref<64x64xf32, #tpu.memory_space<vmem_shared>>
      %dma_wait3A_201 = arith.constant 0 : i32
      %dma_wait3A_202 = tpu.memref_slice %arg12[%add3A_32, %dma_wait3A_201] : memref<10240x64xf32, #tpu.memory_space<vmem_shared>> -> memref<64x64xf32, #tpu.memory_space<vmem_shared>>
      tpu.wait_dma2 semaphore(%run_scoped3A_195 : memref<!tpu.dma_semaphore, #tpu.memory_space<semaphore_mem>>) src(%arg10 : memref<64x64xf32, #tpu.memory_space<vmem>>) dst(%dma_wait3A_202 : memref<64x64xf32, #tpu.memory_space<vmem_shared>>)
      tpu.yield
    }) : () -> ()
    %mul3A_33 = arith.constant 640 : i32
    %mul3A_34 = arith.muli %arg1, %mul3A_33 : i32
    %add3A_35 = arith.constant 384 : i32
    %add3A_36 = arith.addi %mul3A_34, %add3A_35 : i32
    "tpu.region"() ({
      %run_scoped3A_195 = tpu.sem_alloc : memref<!tpu.dma_semaphore, #tpu.memory_space<semaphore_mem>>
      %dma_start3A_196 = arith.constant 0 : i32
      %dma_start3A_197 = tpu.memref_slice %arg12[%add3A_36, %dma_start3A_196] : memref<10240x64xf32, #tpu.memory_space<vmem_shared>> -> memref<64x64xf32, #tpu.memory_space<vmem_shared>>
      %dma_start3A_198 = arith.constant 0 : i32
      %dma_start3A_199 = tpu.memref_slice %arg12[%add3A_36, %dma_start3A_198] : memref<10240x64xf32, #tpu.memory_space<vmem_shared>> -> memref<64x64xf32, #tpu.memory_space<vmem_shared>>
      tpu.enqueue_dma source(%arg10 : memref<64x64xf32, #tpu.memory_space<vmem>>) target(%dma_start3A_199 : memref<64x64xf32, #tpu.memory_space<vmem_shared>>) target_semaphore(%run_scoped3A_195 : memref<!tpu.dma_semaphore, #tpu.memory_space<semaphore_mem>>)
      %dma_wait3A = arith.constant 0 : i32
      %dma_wait3A_200 = tpu.memref_slice %arg12[%add3A_36, %dma_wait3A] : memref<10240x64xf32, #tpu.memory_space<vmem_shared>> -> memref<64x64xf32, #tpu.memory_space<vmem_shared>>
      %dma_wait3A_201 = arith.constant 0 : i32
      %dma_wait3A_202 = tpu.memref_slice %arg12[%add3A_36, %dma_wait3A_201] : memref<10240x64xf32, #tpu.memory_space<vmem_shared>> -> memref<64x64xf32, #tpu.memory_space<vmem_shared>>
      tpu.wait_dma2 semaphore(%run_scoped3A_195 : memref<!tpu.dma_semaphore, #tpu.memory_space<semaphore_mem>>) src(%arg10 : memref<64x64xf32, #tpu.memory_space<vmem>>) dst(%dma_wait3A_202 : memref<64x64xf32, #tpu.memory_space<vmem_shared>>)
      tpu.yield
    }) : () -> ()
    %mul3A_37 = arith.constant 640 : i32
    %mul3A_38 = arith.muli %arg1, %mul3A_37 : i32
    %add3A_39 = arith.constant 448 : i32
    %add3A_40 = arith.addi %mul3A_38, %add3A_39 : i32
    "tpu.region"() ({
      %run_scoped3A_195 = tpu.sem_alloc : memref<!tpu.dma_semaphore, #tpu.memory_space<semaphore_mem>>
      %dma_start3A_196 = arith.constant 0 : i32
      %dma_start3A_197 = tpu.memref_slice %arg12[%add3A_40, %dma_start3A_196] : memref<10240x64xf32, #tpu.memory_space<vmem_shared>> -> memref<64x64xf32, #tpu.memory_space<vmem_shared>>
      %dma_start3A_198 = arith.constant 0 : i32
      %dma_start3A_199 = tpu.memref_slice %arg12[%add3A_40, %dma_start3A_198] : memref<10240x64xf32, #tpu.memory_space<vmem_shared>> -> memref<64x64xf32, #tpu.memory_space<vmem_shared>>
      tpu.enqueue_dma source(%arg10 : memref<64x64xf32, #tpu.memory_space<vmem>>) target(%dma_start3A_199 : memref<64x64xf32, #tpu.memory_space<vmem_shared>>) target_semaphore(%run_scoped3A_195 : memref<!tpu.dma_semaphore, #tpu.memory_space<semaphore_mem>>)
      %dma_wait3A = arith.constant 0 : i32
      %dma_wait3A_200 = tpu.memref_slice %arg12[%add3A_40, %dma_wait3A] : memref<10240x64xf32, #tpu.memory_space<vmem_shared>> -> memref<64x64xf32, #tpu.memory_space<vmem_shared>>
      %dma_wait3A_201 = arith.constant 0 : i32
      %dma_wait3A_202 = tpu.memref_slice %arg12[%add3A_40, %dma_wait3A_201] : memref<10240x64xf32, #tpu.memory_space<vmem_shared>> -> memref<64x64xf32, #tpu.memory_space<vmem_shared>>
      tpu.wait_dma2 semaphore(%run_scoped3A_195 : memref<!tpu.dma_semaphore, #tpu.memory_space<semaphore_mem>>) src(%arg10 : memref<64x64xf32, #tpu.memory_space<vmem>>) dst(%dma_wait3A_202 : memref<64x64xf32, #tpu.memory_space<vmem_shared>>)
      tpu.yield
    }) : () -> ()
    %mul3A_41 = arith.constant 640 : i32
    %mul3A_42 = arith.muli %arg1, %mul3A_41 : i32
    %add3A_43 = arith.constant 512 : i32
    %add3A_44 = arith.addi %mul3A_42, %add3A_43 : i32
    "tpu.region"() ({
      %run_scoped3A_195 = tpu.sem_alloc : memref<!tpu.dma_semaphore, #tpu.memory_space<semaphore_mem>>
      %dma_start3A_196 = arith.constant 0 : i32
      %dma_start3A_197 = tpu.memref_slice %arg12[%add3A_44, %dma_start3A_196] : memref<10240x64xf32, #tpu.memory_space<vmem_shared>> -> memref<64x64xf32, #tpu.memory_space<vmem_shared>>
      %dma_start3A_198 = arith.constant 0 : i32
      %dma_start3A_199 = tpu.memref_slice %arg12[%add3A_44, %dma_start3A_198] : memref<10240x64xf32, #tpu.memory_space<vmem_shared>> -> memref<64x64xf32, #tpu.memory_space<vmem_shared>>
      tpu.enqueue_dma source(%arg10 : memref<64x64xf32, #tpu.memory_space<vmem>>) target(%dma_start3A_199 : memref<64x64xf32, #tpu.memory_space<vmem_shared>>) target_semaphore(%run_scoped3A_195 : memref<!tpu.dma_semaphore, #tpu.memory_space<semaphore_mem>>)
      %dma_wait3A = arith.constant 0 : i32
      %dma_wait3A_200 = tpu.memref_slice %arg12[%add3A_44, %dma_wait3A] : memref<10240x64xf32, #tpu.memory_space<vmem_shared>> -> memref<64x64xf32, #tpu.memory_space<vmem_shared>>
      %dma_wait3A_201 = arith.constant 0 : i32
      %dma_wait3A_202 = tpu.memref_slice %arg12[%add3A_44, %dma_wait3A_201] : memref<10240x64xf32, #tpu.memory_space<vmem_shared>> -> memref<64x64xf32, #tpu.memory_space<vmem_shared>>
      tpu.wait_dma2 semaphore(%run_scoped3A_195 : memref<!tpu.dma_semaphore, #tpu.memory_space<semaphore_mem>>) src(%arg10 : memref<64x64xf32, #tpu.memory_space<vmem>>) dst(%dma_wait3A_202 : memref<64x64xf32, #tpu.memory_space<vmem_shared>>)
      tpu.yield
    }) : () -> ()
    %mul3A_45 = arith.constant 640 : i32
    %mul3A_46 = arith.muli %arg1, %mul3A_45 : i32
    %add3A_47 = arith.constant 576 : i32
    %add3A_48 = arith.addi %mul3A_46, %add3A_47 : i32
    "tpu.region"() ({
      %run_scoped3A_195 = tpu.sem_alloc : memref<!tpu.dma_semaphore, #tpu.memory_space<semaphore_mem>>
      %dma_start3A_196 = arith.constant 0 : i32
      %dma_start3A_197 = tpu.memref_slice %arg12[%add3A_48, %dma_start3A_196] : memref<10240x64xf32, #tpu.memory_space<vmem_shared>> -> memref<64x64xf32, #tpu.memory_space<vmem_shared>>
      %dma_start3A_198 = arith.constant 0 : i32
      %dma_start3A_199 = tpu.memref_slice %arg12[%add3A_48, %dma_start3A_198] : memref<10240x64xf32, #tpu.memory_space<vmem_shared>> -> memref<64x64xf32, #tpu.memory_space<vmem_shared>>
      tpu.enqueue_dma source(%arg10 : memref<64x64xf32, #tpu.memory_space<vmem>>) target(%dma_start3A_199 : memref<64x64xf32, #tpu.memory_space<vmem_shared>>) target_semaphore(%run_scoped3A_195 : memref<!tpu.dma_semaphore, #tpu.memory_space<semaphore_mem>>)
      %dma_wait3A = arith.constant 0 : i32
      %dma_wait3A_200 = tpu.memref_slice %arg12[%add3A_48, %dma_wait3A] : memref<10240x64xf32, #tpu.memory_space<vmem_shared>> -> memref<64x64xf32, #tpu.memory_space<vmem_shared>>
      %dma_wait3A_201 = arith.constant 0 : i32
      %dma_wait3A_202 = tpu.memref_slice %arg12[%add3A_48, %dma_wait3A_201] : memref<10240x64xf32, #tpu.memory_space<vmem_shared>> -> memref<64x64xf32, #tpu.memory_space<vmem_shared>>
      tpu.wait_dma2 semaphore(%run_scoped3A_195 : memref<!tpu.dma_semaphore, #tpu.memory_space<semaphore_mem>>) src(%arg10 : memref<64x64xf32, #tpu.memory_space<vmem>>) dst(%dma_wait3A_202 : memref<64x64xf32, #tpu.memory_space<vmem_shared>>)
      tpu.yield
    }) : () -> ()
    %broadcast_in_dim3A_49 = arith.constant 1.000000e+00 : f32
    %broadcast_in_dim3A_50 = vector.broadcast %broadcast_in_dim3A_49 : f32 to vector<16xf32>
    %swap3A = arith.constant 0 : index
    %swap3A_51 = tpu.vector_load %arg11[%swap3A] {strides = array<i32>} : memref<125xf32, #tpu.memory_space<vmem>>, vector<16xf32>,
    %swap3A_52 = vector.shape_cast %swap3A_51 : vector<16xf32> to vector<16xf32>
    %swap3A_53 = vector.shape_cast %broadcast_in_dim3A_50 : vector<16xf32> to vector<16xf32>
    tpu.vector_store %arg11[%swap3A], %swap3A_53 {strides = array<i32>} : memref<125xf32, #tpu.memory_space<vmem>>, vector<16xf32>,
    %swap3A_54 = arith.constant 16 : index
    %swap3A_55 = tpu.vector_load %arg11[%swap3A_54] {strides = array<i32>} : memref<125xf32, #tpu.memory_space<vmem>>, vector<16xf32>,
    %swap3A_56 = vector.shape_cast %swap3A_55 : vector<16xf32> to vector<16xf32>
    %swap3A_57 = vector.shape_cast %broadcast_in_dim3A_50 : vector<16xf32> to vector<16xf32>
    tpu.vector_store %arg11[%swap3A_54], %swap3A_57 {strides = array<i32>} : memref<125xf32, #tpu.memory_space<vmem>>, vector<16xf32>,
    %swap3A_58 = arith.constant 32 : index
    %swap3A_59 = tpu.vector_load %arg11[%swap3A_58] {strides = array<i32>} : memref<125xf32, #tpu.memory_space<vmem>>, vector<16xf32>,
    %swap3A_60 = vector.shape_cast %swap3A_59 : vector<16xf32> to vector<16xf32>
    %swap3A_61 = vector.shape_cast %broadcast_in_dim3A_50 : vector<16xf32> to vector<16xf32>
    tpu.vector_store %arg11[%swap3A_58], %swap3A_61 {strides = array<i32>} : memref<125xf32, #tpu.memory_space<vmem>>, vector<16xf32>,
    %swap3A_62 = arith.constant 48 : index
    %swap3A_63 = tpu.vector_load %arg11[%swap3A_62] {strides = array<i32>} : memref<125xf32, #tpu.memory_space<vmem>>, vector<16xf32>,
    %swap3A_64 = vector.shape_cast %swap3A_63 : vector<16xf32> to vector<16xf32>
    %swap3A_65 = vector.shape_cast %broadcast_in_dim3A_50 : vector<16xf32> to vector<16xf32>
    tpu.vector_store %arg11[%swap3A_62], %swap3A_65 {strides = array<i32>} : memref<125xf32, #tpu.memory_space<vmem>>, vector<16xf32>,
    %swap3A_66 = arith.constant 64 : index
    %swap3A_67 = tpu.vector_load %arg11[%swap3A_66] {strides = array<i32>} : memref<125xf32, #tpu.memory_space<vmem>>, vector<16xf32>,
    %swap3A_68 = vector.shape_cast %swap3A_67 : vector<16xf32> to vector<16xf32>
    %swap3A_69 = vector.shape_cast %broadcast_in_dim3A_50 : vector<16xf32> to vector<16xf32>
    tpu.vector_store %arg11[%swap3A_66], %swap3A_69 {strides = array<i32>} : memref<125xf32, #tpu.memory_space<vmem>>, vector<16xf32>,
    %swap3A_70 = arith.constant 80 : index
    %swap3A_71 = tpu.vector_load %arg11[%swap3A_70] {strides = array<i32>} : memref<125xf32, #tpu.memory_space<vmem>>, vector<16xf32>,
    %swap3A_72 = vector.shape_cast %swap3A_71 : vector<16xf32> to vector<16xf32>
    %swap3A_73 = vector.shape_cast %broadcast_in_dim3A_50 : vector<16xf32> to vector<16xf32>
    tpu.vector_store %arg11[%swap3A_70], %swap3A_73 {strides = array<i32>} : memref<125xf32, #tpu.memory_space<vmem>>, vector<16xf32>,
    %swap3A_74 = arith.constant 96 : index
    %swap3A_75 = tpu.vector_load %arg11[%swap3A_74] {strides = array<i32>} : memref<125xf32, #tpu.memory_space<vmem>>, vector<16xf32>,
    %swap3A_76 = vector.shape_cast %swap3A_75 : vector<16xf32> to vector<16xf32>
    %swap3A_77 = vector.shape_cast %broadcast_in_dim3A_50 : vector<16xf32> to vector<16xf32>
    tpu.vector_store %arg11[%swap3A_74], %swap3A_77 {strides = array<i32>} : memref<125xf32, #tpu.memory_space<vmem>>, vector<16xf32>,
    %swap3A_78 = arith.constant 109 : index
    %swap3A_79 = tpu.vector_load %arg11[%swap3A_78] {strides = array<i32>} : memref<125xf32, #tpu.memory_space<vmem>>, vector<16xf32>,
    %swap3A_80 = vector.shape_cast %swap3A_79 : vector<16xf32> to vector<16xf32>
    %swap3A_81 = vector.shape_cast %broadcast_in_dim3A_50 : vector<16xf32> to vector<16xf32>
    tpu.vector_store %arg11[%swap3A_78], %swap3A_81 {strides = array<i32>} : memref<125xf32, #tpu.memory_space<vmem>>, vector<16xf32>,
    %mul3A_82 = arith.constant 640 : i32
    %mul3A_83 = arith.muli %arg1, %mul3A_82 : i32
    %add3A_84 = arith.constant 0 : i32
    %add3A_85 = arith.addi %mul3A_83, %add3A_84 : i32
    %run_scoped3A = arith.constant 0 : i32
    "tpu.region"() ({
      %run_scoped3A_195 = tpu.sem_alloc : memref<!tpu.dma_semaphore, #tpu.memory_space<semaphore_mem>>
      %dma_start3A_196 = arith.constant 0 : i32
      %dma_start3A_197 = tpu.memref_slice %arg10[%run_scoped3A, %dma_start3A_196] : memref<64x64xf32, #tpu.memory_space<vmem>> -> memref<1x64xf32, #tpu.memory_space<vmem>>
      %dma_start3A_198 = tpu.memref_squeeze %dma_start3A_197 : memref<1x64xf32, #tpu.memory_space<vmem>> -> memref<64xf32, #tpu.memory_space<vmem>>
      %dma_start3A_199 = tpu.memref_slice %arg13[%add3A_85] : memref<10240xf32, #tpu.memory_space<vmem_shared>> -> memref<64xf32, #tpu.memory_space<vmem_shared>>
      %dma_start3A_200 = tpu.memref_slice %arg13[%add3A_85] : memref<10240xf32, #tpu.memory_space<vmem_shared>> -> memref<64xf32, #tpu.memory_space<vmem_shared>>
      %dma_start3A_201 = arith.constant 0 : i32
      %dma_start3A_202 = tpu.memref_slice %arg10[%run_scoped3A, %dma_start3A_201] : memref<64x64xf32, #tpu.memory_space<vmem>> -> memref<1x64xf32, #tpu.memory_space<vmem>>
      %dma_start3A_203 = tpu.memref_squeeze %dma_start3A_202 : memref<1x64xf32, #tpu.memory_space<vmem>> -> memref<64xf32, #tpu.memory_space<vmem>>
      tpu.enqueue_dma source(%dma_start3A_203 : memref<64xf32, #tpu.memory_space<vmem>>) target(%dma_start3A_200 : memref<64xf32, #tpu.memory_space<vmem_shared>>) target_semaphore(%run_scoped3A_195 : memref<!tpu.dma_semaphore, #tpu.memory_space<semaphore_mem>>)
      %dma_wait3A = arith.constant 0 : i32
      %dma_wait3A_204 = tpu.memref_slice %arg10[%run_scoped3A, %dma_wait3A] : memref<64x64xf32, #tpu.memory_space<vmem>> -> memref<1x64xf32, #tpu.memory_space<vmem>>
      %dma_wait3A_205 = tpu.memref_squeeze %dma_wait3A_204 : memref<1x64xf32, #tpu.memory_space<vmem>> -> memref<64xf32, #tpu.memory_space<vmem>>
      %dma_wait3A_206 = tpu.memref_slice %arg13[%add3A_85] : memref<10240xf32, #tpu.memory_space<vmem_shared>> -> memref<64xf32, #tpu.memory_space<vmem_shared>>
      %dma_wait3A_207 = tpu.memref_slice %arg13[%add3A_85] : memref<10240xf32, #tpu.memory_space<vmem_shared>> -> memref<64xf32, #tpu.memory_space<vmem_shared>>
      %dma_wait3A_208 = arith.constant 0 : i32
      %dma_wait3A_209 = tpu.memref_slice %arg10[%run_scoped3A, %dma_wait3A_208] : memref<64x64xf32, #tpu.memory_space<vmem>> -> memref<1x64xf32, #tpu.memory_space<vmem>>
      %dma_wait3A_210 = tpu.memref_squeeze %dma_wait3A_209 : memref<1x64xf32, #tpu.memory_space<vmem>> -> memref<64xf32, #tpu.memory_space<vmem>>
      tpu.wait_dma2 semaphore(%run_scoped3A_195 : memref<!tpu.dma_semaphore, #tpu.memory_space<semaphore_mem>>) src(%dma_wait3A_210 : memref<64xf32, #tpu.memory_space<vmem>>) dst(%dma_wait3A_207 : memref<64xf32, #tpu.memory_space<vmem_shared>>)
      tpu.yield
    }) : () -> ()
    %mul3A_86 = arith.constant 640 : i32
    %mul3A_87 = arith.muli %arg1, %mul3A_86 : i32
    %add3A_88 = arith.constant 64 : i32
    %add3A_89 = arith.addi %mul3A_87, %add3A_88 : i32
    %run_scoped3A_90 = arith.constant 0 : i32
    "tpu.region"() ({
      %run_scoped3A_195 = tpu.sem_alloc : memref<!tpu.dma_semaphore, #tpu.memory_space<semaphore_mem>>
      %dma_start3A_196 = arith.constant 0 : i32
      %dma_start3A_197 = tpu.memref_slice %arg10[%run_scoped3A_90, %dma_start3A_196] : memref<64x64xf32, #tpu.memory_space<vmem>> -> memref<1x64xf32, #tpu.memory_space<vmem>>
      %dma_start3A_198 = tpu.memref_squeeze %dma_start3A_197 : memref<1x64xf32, #tpu.memory_space<vmem>> -> memref<64xf32, #tpu.memory_space<vmem>>
      %dma_start3A_199 = tpu.memref_slice %arg13[%add3A_89] : memref<10240xf32, #tpu.memory_space<vmem_shared>> -> memref<64xf32, #tpu.memory_space<vmem_shared>>
      %dma_start3A_200 = tpu.memref_slice %arg13[%add3A_89] : memref<10240xf32, #tpu.memory_space<vmem_shared>> -> memref<64xf32, #tpu.memory_space<vmem_shared>>
      %dma_start3A_201 = arith.constant 0 : i32
      %dma_start3A_202 = tpu.memref_slice %arg10[%run_scoped3A_90, %dma_start3A_201] : memref<64x64xf32, #tpu.memory_space<vmem>> -> memref<1x64xf32, #tpu.memory_space<vmem>>
      %dma_start3A_203 = tpu.memref_squeeze %dma_start3A_202 : memref<1x64xf32, #tpu.memory_space<vmem>> -> memref<64xf32, #tpu.memory_space<vmem>>
      tpu.enqueue_dma source(%dma_start3A_203 : memref<64xf32, #tpu.memory_space<vmem>>) target(%dma_start3A_200 : memref<64xf32, #tpu.memory_space<vmem_shared>>) target_semaphore(%run_scoped3A_195 : memref<!tpu.dma_semaphore, #tpu.memory_space<semaphore_mem>>)
      %dma_wait3A = arith.constant 0 : i32
      %dma_wait3A_204 = tpu.memref_slice %arg10[%run_scoped3A_90, %dma_wait3A] : memref<64x64xf32, #tpu.memory_space<vmem>> -> memref<1x64xf32, #tpu.memory_space<vmem>>
      %dma_wait3A_205 = tpu.memref_squeeze %dma_wait3A_204 : memref<1x64xf32, #tpu.memory_space<vmem>> -> memref<64xf32, #tpu.memory_space<vmem>>
      %dma_wait3A_206 = tpu.memref_slice %arg13[%add3A_89] : memref<10240xf32, #tpu.memory_space<vmem_shared>> -> memref<64xf32, #tpu.memory_space<vmem_shared>>
      %dma_wait3A_207 = tpu.memref_slice %arg13[%add3A_89] : memref<10240xf32, #tpu.memory_space<vmem_shared>> -> memref<64xf32, #tpu.memory_space<vmem_shared>>
      %dma_wait3A_208 = arith.constant 0 : i32
      %dma_wait3A_209 = tpu.memref_slice %arg10[%run_scoped3A_90, %dma_wait3A_208] : memref<64x64xf32, #tpu.memory_space<vmem>> -> memref<1x64xf32, #tpu.memory_space<vmem>>
      %dma_wait3A_210 = tpu.memref_squeeze %dma_wait3A_209 : memref<1x64xf32, #tpu.memory_space<vmem>> -> memref<64xf32, #tpu.memory_space<vmem>>
      tpu.wait_dma2 semaphore(%run_scoped3A_195 : memref<!tpu.dma_semaphore, #tpu.memory_space<semaphore_mem>>) src(%dma_wait3A_210 : memref<64xf32, #tpu.memory_space<vmem>>) dst(%dma_wait3A_207 : memref<64xf32, #tpu.memory_space<vmem_shared>>)
      tpu.yield
    }) : () -> ()
    %mul3A_91 = arith.constant 640 : i32
    %mul3A_92 = arith.muli %arg1, %mul3A_91 : i32
    %add3A_93 = arith.constant 128 : i32
    %add3A_94 = arith.addi %mul3A_92, %add3A_93 : i32
    %run_scoped3A_95 = arith.constant 0 : i32
    "tpu.region"() ({
      %run_scoped3A_195 = tpu.sem_alloc : memref<!tpu.dma_semaphore, #tpu.memory_space<semaphore_mem>>
      %dma_start3A_196 = arith.constant 0 : i32
      %dma_start3A_197 = tpu.memref_slice %arg10[%run_scoped3A_95, %dma_start3A_196] : memref<64x64xf32, #tpu.memory_space<vmem>> -> memref<1x64xf32, #tpu.memory_space<vmem>>
      %dma_start3A_198 = tpu.memref_squeeze %dma_start3A_197 : memref<1x64xf32, #tpu.memory_space<vmem>> -> memref<64xf32, #tpu.memory_space<vmem>>
      %dma_start3A_199 = tpu.memref_slice %arg13[%add3A_94] : memref<10240xf32, #tpu.memory_space<vmem_shared>> -> memref<64xf32, #tpu.memory_space<vmem_shared>>
      %dma_start3A_200 = tpu.memref_slice %arg13[%add3A_94] : memref<10240xf32, #tpu.memory_space<vmem_shared>> -> memref<64xf32, #tpu.memory_space<vmem_shared>>
      %dma_start3A_201 = arith.constant 0 : i32
      %dma_start3A_202 = tpu.memref_slice %arg10[%run_scoped3A_95, %dma_start3A_201] : memref<64x64xf32, #tpu.memory_space<vmem>> -> memref<1x64xf32, #tpu.memory_space<vmem>>
      %dma_start3A_203 = tpu.memref_squeeze %dma_start3A_202 : memref<1x64xf32, #tpu.memory_space<vmem>> -> memref<64xf32, #tpu.memory_space<vmem>>
      tpu.enqueue_dma source(%dma_start3A_203 : memref<64xf32, #tpu.memory_space<vmem>>) target(%dma_start3A_200 : memref<64xf32, #tpu.memory_space<vmem_shared>>) target_semaphore(%run_scoped3A_195 : memref<!tpu.dma_semaphore, #tpu.memory_space<semaphore_mem>>)
      %dma_wait3A = arith.constant 0 : i32
      %dma_wait3A_204 = tpu.memref_slice %arg10[%run_scoped3A_95, %dma_wait3A] : memref<64x64xf32, #tpu.memory_space<vmem>> -> memref<1x64xf32, #tpu.memory_space<vmem>>
      %dma_wait3A_205 = tpu.memref_squeeze %dma_wait3A_204 : memref<1x64xf32, #tpu.memory_space<vmem>> -> memref<64xf32, #tpu.memory_space<vmem>>
      %dma_wait3A_206 = tpu.memref_slice %arg13[%add3A_94] : memref<10240xf32, #tpu.memory_space<vmem_shared>> -> memref<64xf32, #tpu.memory_space<vmem_shared>>
      %dma_wait3A_207 = tpu.memref_slice %arg13[%add3A_94] : memref<10240xf32, #tpu.memory_space<vmem_shared>> -> memref<64xf32, #tpu.memory_space<vmem_shared>>
      %dma_wait3A_208 = arith.constant 0 : i32
      %dma_wait3A_209 = tpu.memref_slice %arg10[%run_scoped3A_95, %dma_wait3A_208] : memref<64x64xf32, #tpu.memory_space<vmem>> -> memref<1x64xf32, #tpu.memory_space<vmem>>
      %dma_wait3A_210 = tpu.memref_squeeze %dma_wait3A_209 : memref<1x64xf32, #tpu.memory_space<vmem>> -> memref<64xf32, #tpu.memory_space<vmem>>
      tpu.wait_dma2 semaphore(%run_scoped3A_195 : memref<!tpu.dma_semaphore, #tpu.memory_space<semaphore_mem>>) src(%dma_wait3A_210 : memref<64xf32, #tpu.memory_space<vmem>>) dst(%dma_wait3A_207 : memref<64xf32, #tpu.memory_space<vmem_shared>>)
      tpu.yield
    }) : () -> ()
    %mul3A_96 = arith.constant 640 : i32
    %mul3A_97 = arith.muli %arg1, %mul3A_96 : i32
    %add3A_98 = arith.constant 192 : i32
    %add3A_99 = arith.addi %mul3A_97, %add3A_98 : i32
    %run_scoped3A_100 = arith.constant 0 : i32
    "tpu.region"() ({
      %run_scoped3A_195 = tpu.sem_alloc : memref<!tpu.dma_semaphore, #tpu.memory_space<semaphore_mem>>
      %dma_start3A_196 = arith.constant 0 : i32
      %dma_start3A_197 = tpu.memref_slice %arg10[%run_scoped3A_100, %dma_start3A_196] : memref<64x64xf32, #tpu.memory_space<vmem>> -> memref<1x64xf32, #tpu.memory_space<vmem>>
      %dma_start3A_198 = tpu.memref_squeeze %dma_start3A_197 : memref<1x64xf32, #tpu.memory_space<vmem>> -> memref<64xf32, #tpu.memory_space<vmem>>
      %dma_start3A_199 = tpu.memref_slice %arg13[%add3A_99] : memref<10240xf32, #tpu.memory_space<vmem_shared>> -> memref<64xf32, #tpu.memory_space<vmem_shared>>
      %dma_start3A_200 = tpu.memref_slice %arg13[%add3A_99] : memref<10240xf32, #tpu.memory_space<vmem_shared>> -> memref<64xf32, #tpu.memory_space<vmem_shared>>
      %dma_start3A_201 = arith.constant 0 : i32
      %dma_start3A_202 = tpu.memref_slice %arg10[%run_scoped3A_100, %dma_start3A_201] : memref<64x64xf32, #tpu.memory_space<vmem>> -> memref<1x64xf32, #tpu.memory_space<vmem>>
      %dma_start3A_203 = tpu.memref_squeeze %dma_start3A_202 : memref<1x64xf32, #tpu.memory_space<vmem>> -> memref<64xf32, #tpu.memory_space<vmem>>
      tpu.enqueue_dma source(%dma_start3A_203 : memref<64xf32, #tpu.memory_space<vmem>>) target(%dma_start3A_200 : memref<64xf32, #tpu.memory_space<vmem_shared>>) target_semaphore(%run_scoped3A_195 : memref<!tpu.dma_semaphore, #tpu.memory_space<semaphore_mem>>)
      %dma_wait3A = arith.constant 0 : i32
      %dma_wait3A_204 = tpu.memref_slice %arg10[%run_scoped3A_100, %dma_wait3A] : memref<64x64xf32, #tpu.memory_space<vmem>> -> memref<1x64xf32, #tpu.memory_space<vmem>>
      %dma_wait3A_205 = tpu.memref_squeeze %dma_wait3A_204 : memref<1x64xf32, #tpu.memory_space<vmem>> -> memref<64xf32, #tpu.memory_space<vmem>>
      %dma_wait3A_206 = tpu.memref_slice %arg13[%add3A_99] : memref<10240xf32, #tpu.memory_space<vmem_shared>> -> memref<64xf32, #tpu.memory_space<vmem_shared>>
      %dma_wait3A_207 = tpu.memref_slice %arg13[%add3A_99] : memref<10240xf32, #tpu.memory_space<vmem_shared>> -> memref<64xf32, #tpu.memory_space<vmem_shared>>
      %dma_wait3A_208 = arith.constant 0 : i32
      %dma_wait3A_209 = tpu.memref_slice %arg10[%run_scoped3A_100, %dma_wait3A_208] : memref<64x64xf32, #tpu.memory_space<vmem>> -> memref<1x64xf32, #tpu.memory_space<vmem>>
      %dma_wait3A_210 = tpu.memref_squeeze %dma_wait3A_209 : memref<1x64xf32, #tpu.memory_space<vmem>> -> memref<64xf32, #tpu.memory_space<vmem>>
      tpu.wait_dma2 semaphore(%run_scoped3A_195 : memref<!tpu.dma_semaphore, #tpu.memory_space<semaphore_mem>>) src(%dma_wait3A_210 : memref<64xf32, #tpu.memory_space<vmem>>) dst(%dma_wait3A_207 : memref<64xf32, #tpu.memory_space<vmem_shared>>)
      tpu.yield
    }) : () -> ()
    %mul3A_101 = arith.constant 640 : i32
    %mul3A_102 = arith.muli %arg1, %mul3A_101 : i32
    %add3A_103 = arith.constant 256 : i32
    %add3A_104 = arith.addi %mul3A_102, %add3A_103 : i32
    %run_scoped3A_105 = arith.constant 0 : i32
    "tpu.region"() ({
      %run_scoped3A_195 = tpu.sem_alloc : memref<!tpu.dma_semaphore, #tpu.memory_space<semaphore_mem>>
      %dma_start3A_196 = arith.constant 0 : i32
      %dma_start3A_197 = tpu.memref_slice %arg10[%run_scoped3A_105, %dma_start3A_196] : memref<64x64xf32, #tpu.memory_space<vmem>> -> memref<1x64xf32, #tpu.memory_space<vmem>>
      %dma_start3A_198 = tpu.memref_squeeze %dma_start3A_197 : memref<1x64xf32, #tpu.memory_space<vmem>> -> memref<64xf32, #tpu.memory_space<vmem>>
      %dma_start3A_199 = tpu.memref_slice %arg13[%add3A_104] : memref<10240xf32, #tpu.memory_space<vmem_shared>> -> memref<64xf32, #tpu.memory_space<vmem_shared>>
      %dma_start3A_200 = tpu.memref_slice %arg13[%add3A_104] : memref<10240xf32, #tpu.memory_space<vmem_shared>> -> memref<64xf32, #tpu.memory_space<vmem_shared>>
      %dma_start3A_201 = arith.constant 0 : i32
      %dma_start3A_202 = tpu.memref_slice %arg10[%run_scoped3A_105, %dma_start3A_201] : memref<64x64xf32, #tpu.memory_space<vmem>> -> memref<1x64xf32, #tpu.memory_space<vmem>>
      %dma_start3A_203 = tpu.memref_squeeze %dma_start3A_202 : memref<1x64xf32, #tpu.memory_space<vmem>> -> memref<64xf32, #tpu.memory_space<vmem>>
      tpu.enqueue_dma source(%dma_start3A_203 : memref<64xf32, #tpu.memory_space<vmem>>) target(%dma_start3A_200 : memref<64xf32, #tpu.memory_space<vmem_shared>>) target_semaphore(%run_scoped3A_195 : memref<!tpu.dma_semaphore, #tpu.memory_space<semaphore_mem>>)
      %dma_wait3A = arith.constant 0 : i32
      %dma_wait3A_204 = tpu.memref_slice %arg10[%run_scoped3A_105, %dma_wait3A] : memref<64x64xf32, #tpu.memory_space<vmem>> -> memref<1x64xf32, #tpu.memory_space<vmem>>
      %dma_wait3A_205 = tpu.memref_squeeze %dma_wait3A_204 : memref<1x64xf32, #tpu.memory_space<vmem>> -> memref<64xf32, #tpu.memory_space<vmem>>
      %dma_wait3A_206 = tpu.memref_slice %arg13[%add3A_104] : memref<10240xf32, #tpu.memory_space<vmem_shared>> -> memref<64xf32, #tpu.memory_space<vmem_shared>>
      %dma_wait3A_207 = tpu.memref_slice %arg13[%add3A_104] : memref<10240xf32, #tpu.memory_space<vmem_shared>> -> memref<64xf32, #tpu.memory_space<vmem_shared>>
      %dma_wait3A_208 = arith.constant 0 : i32
      %dma_wait3A_209 = tpu.memref_slice %arg10[%run_scoped3A_105, %dma_wait3A_208] : memref<64x64xf32, #tpu.memory_space<vmem>> -> memref<1x64xf32, #tpu.memory_space<vmem>>
      %dma_wait3A_210 = tpu.memref_squeeze %dma_wait3A_209 : memref<1x64xf32, #tpu.memory_space<vmem>> -> memref<64xf32, #tpu.memory_space<vmem>>
      tpu.wait_dma2 semaphore(%run_scoped3A_195 : memref<!tpu.dma_semaphore, #tpu.memory_space<semaphore_mem>>) src(%dma_wait3A_210 : memref<64xf32, #tpu.memory_space<vmem>>) dst(%dma_wait3A_207 : memref<64xf32, #tpu.memory_space<vmem_shared>>)
      tpu.yield
    }) : () -> ()
    %mul3A_106 = arith.constant 640 : i32
    %mul3A_107 = arith.muli %arg1, %mul3A_106 : i32
    %add3A_108 = arith.constant 320 : i32
    %add3A_109 = arith.addi %mul3A_107, %add3A_108 : i32
    %run_scoped3A_110 = arith.constant 0 : i32
    "tpu.region"() ({
      %run_scoped3A_195 = tpu.sem_alloc : memref<!tpu.dma_semaphore, #tpu.memory_space<semaphore_mem>>
      %dma_start3A_196 = arith.constant 0 : i32
      %dma_start3A_197 = tpu.memref_slice %arg10[%run_scoped3A_110, %dma_start3A_196] : memref<64x64xf32, #tpu.memory_space<vmem>> -> memref<1x64xf32, #tpu.memory_space<vmem>>
      %dma_start3A_198 = tpu.memref_squeeze %dma_start3A_197 : memref<1x64xf32, #tpu.memory_space<vmem>> -> memref<64xf32, #tpu.memory_space<vmem>>
      %dma_start3A_199 = tpu.memref_slice %arg13[%add3A_109] : memref<10240xf32, #tpu.memory_space<vmem_shared>> -> memref<64xf32, #tpu.memory_space<vmem_shared>>
      %dma_start3A_200 = tpu.memref_slice %arg13[%add3A_109] : memref<10240xf32, #tpu.memory_space<vmem_shared>> -> memref<64xf32, #tpu.memory_space<vmem_shared>>
      %dma_start3A_201 = arith.constant 0 : i32
      %dma_start3A_202 = tpu.memref_slice %arg10[%run_scoped3A_110, %dma_start3A_201] : memref<64x64xf32, #tpu.memory_space<vmem>> -> memref<1x64xf32, #tpu.memory_space<vmem>>
      %dma_start3A_203 = tpu.memref_squeeze %dma_start3A_202 : memref<1x64xf32, #tpu.memory_space<vmem>> -> memref<64xf32, #tpu.memory_space<vmem>>
      tpu.enqueue_dma source(%dma_start3A_203 : memref<64xf32, #tpu.memory_space<vmem>>) target(%dma_start3A_200 : memref<64xf32, #tpu.memory_space<vmem_shared>>) target_semaphore(%run_scoped3A_195 : memref<!tpu.dma_semaphore, #tpu.memory_space<semaphore_mem>>)
      %dma_wait3A = arith.constant 0 : i32
      %dma_wait3A_204 = tpu.memref_slice %arg10[%run_scoped3A_110, %dma_wait3A] : memref<64x64xf32, #tpu.memory_space<vmem>> -> memref<1x64xf32, #tpu.memory_space<vmem>>
      %dma_wait3A_205 = tpu.memref_squeeze %dma_wait3A_204 : memref<1x64xf32, #tpu.memory_space<vmem>> -> memref<64xf32, #tpu.memory_space<vmem>>
      %dma_wait3A_206 = tpu.memref_slice %arg13[%add3A_109] : memref<10240xf32, #tpu.memory_space<vmem_shared>> -> memref<64xf32, #tpu.memory_space<vmem_shared>>
      %dma_wait3A_207 = tpu.memref_slice %arg13[%add3A_109] : memref<10240xf32, #tpu.memory_space<vmem_shared>> -> memref<64xf32, #tpu.memory_space<vmem_shared>>
      %dma_wait3A_208 = arith.constant 0 : i32
      %dma_wait3A_209 = tpu.memref_slice %arg10[%run_scoped3A_110, %dma_wait3A_208] : memref<64x64xf32, #tpu.memory_space<vmem>> -> memref<1x64xf32, #tpu.memory_space<vmem>>
      %dma_wait3A_210 = tpu.memref_squeeze %dma_wait3A_209 : memref<1x64xf32, #tpu.memory_space<vmem>> -> memref<64xf32, #tpu.memory_space<vmem>>
      tpu.wait_dma2 semaphore(%run_scoped3A_195 : memref<!tpu.dma_semaphore, #tpu.memory_space<semaphore_mem>>) src(%dma_wait3A_210 : memref<64xf32, #tpu.memory_space<vmem>>) dst(%dma_wait3A_207 : memref<64xf32, #tpu.memory_space<vmem_shared>>)
      tpu.yield
    }) : () -> ()
    %mul3A_111 = arith.constant 640 : i32
    %mul3A_112 = arith.muli %arg1, %mul3A_111 : i32
    %add3A_113 = arith.constant 384 : i32
    %add3A_114 = arith.addi %mul3A_112, %add3A_113 : i32
    %run_scoped3A_115 = arith.constant 0 : i32
    "tpu.region"() ({
      %run_scoped3A_195 = tpu.sem_alloc : memref<!tpu.dma_semaphore, #tpu.memory_space<semaphore_mem>>
      %dma_start3A_196 = arith.constant 0 : i32
      %dma_start3A_197 = tpu.memref_slice %arg10[%run_scoped3A_115, %dma_start3A_196] : memref<64x64xf32, #tpu.memory_space<vmem>> -> memref<1x64xf32, #tpu.memory_space<vmem>>
      %dma_start3A_198 = tpu.memref_squeeze %dma_start3A_197 : memref<1x64xf32, #tpu.memory_space<vmem>> -> memref<64xf32, #tpu.memory_space<vmem>>
      %dma_start3A_199 = tpu.memref_slice %arg13[%add3A_114] : memref<10240xf32, #tpu.memory_space<vmem_shared>> -> memref<64xf32, #tpu.memory_space<vmem_shared>>
      %dma_start3A_200 = tpu.memref_slice %arg13[%add3A_114] : memref<10240xf32, #tpu.memory_space<vmem_shared>> -> memref<64xf32, #tpu.memory_space<vmem_shared>>
      %dma_start3A_201 = arith.constant 0 : i32
      %dma_start3A_202 = tpu.memref_slice %arg10[%run_scoped3A_115, %dma_start3A_201] : memref<64x64xf32, #tpu.memory_space<vmem>> -> memref<1x64xf32, #tpu.memory_space<vmem>>
      %dma_start3A_203 = tpu.memref_squeeze %dma_start3A_202 : memref<1x64xf32, #tpu.memory_space<vmem>> -> memref<64xf32, #tpu.memory_space<vmem>>
      tpu.enqueue_dma source(%dma_start3A_203 : memref<64xf32, #tpu.memory_space<vmem>>) target(%dma_start3A_200 : memref<64xf32, #tpu.memory_space<vmem_shared>>) target_semaphore(%run_scoped3A_195 : memref<!tpu.dma_semaphore, #tpu.memory_space<semaphore_mem>>)
      %dma_wait3A = arith.constant 0 : i32
      %dma_wait3A_204 = tpu.memref_slice %arg10[%run_scoped3A_115, %dma_wait3A] : memref<64x64xf32, #tpu.memory_space<vmem>> -> memref<1x64xf32, #tpu.memory_space<vmem>>
      %dma_wait3A_205 = tpu.memref_squeeze %dma_wait3A_204 : memref<1x64xf32, #tpu.memory_space<vmem>> -> memref<64xf32, #tpu.memory_space<vmem>>
      %dma_wait3A_206 = tpu.memref_slice %arg13[%add3A_114] : memref<10240xf32, #tpu.memory_space<vmem_shared>> -> memref<64xf32, #tpu.memory_space<vmem_shared>>
      %dma_wait3A_207 = tpu.memref_slice %arg13[%add3A_114] : memref<10240xf32, #tpu.memory_space<vmem_shared>> -> memref<64xf32, #tpu.memory_space<vmem_shared>>
      %dma_wait3A_208 = arith.constant 0 : i32
      %dma_wait3A_209 = tpu.memref_slice %arg10[%run_scoped3A_115, %dma_wait3A_208] : memref<64x64xf32, #tpu.memory_space<vmem>> -> memref<1x64xf32, #tpu.memory_space<vmem>>
      %dma_wait3A_210 = tpu.memref_squeeze %dma_wait3A_209 : memref<1x64xf32, #tpu.memory_space<vmem>> -> memref<64xf32, #tpu.memory_space<vmem>>
      tpu.wait_dma2 semaphore(%run_scoped3A_195 : memref<!tpu.dma_semaphore, #tpu.memory_space<semaphore_mem>>) src(%dma_wait3A_210 : memref<64xf32, #tpu.memory_space<vmem>>) dst(%dma_wait3A_207 : memref<64xf32, #tpu.memory_space<vmem_shared>>)
      tpu.yield
    }) : () -> ()
    %mul3A_116 = arith.constant 640 : i32
    %mul3A_117 = arith.muli %arg1, %mul3A_116 : i32
    %add3A_118 = arith.constant 448 : i32
    %add3A_119 = arith.addi %mul3A_117, %add3A_118 : i32
    %run_scoped3A_120 = arith.constant 0 : i32
    "tpu.region"() ({
      %run_scoped3A_195 = tpu.sem_alloc : memref<!tpu.dma_semaphore, #tpu.memory_space<semaphore_mem>>
      %dma_start3A_196 = arith.constant 0 : i32
      %dma_start3A_197 = tpu.memref_slice %arg10[%run_scoped3A_120, %dma_start3A_196] : memref<64x64xf32, #tpu.memory_space<vmem>> -> memref<1x64xf32, #tpu.memory_space<vmem>>
      %dma_start3A_198 = tpu.memref_squeeze %dma_start3A_197 : memref<1x64xf32, #tpu.memory_space<vmem>> -> memref<64xf32, #tpu.memory_space<vmem>>
      %dma_start3A_199 = tpu.memref_slice %arg13[%add3A_119] : memref<10240xf32, #tpu.memory_space<vmem_shared>> -> memref<64xf32, #tpu.memory_space<vmem_shared>>
      %dma_start3A_200 = tpu.memref_slice %arg13[%add3A_119] : memref<10240xf32, #tpu.memory_space<vmem_shared>> -> memref<64xf32, #tpu.memory_space<vmem_shared>>
      %dma_start3A_201 = arith.constant 0 : i32
      %dma_start3A_202 = tpu.memref_slice %arg10[%run_scoped3A_120, %dma_start3A_201] : memref<64x64xf32, #tpu.memory_space<vmem>> -> memref<1x64xf32, #tpu.memory_space<vmem>>
      %dma_start3A_203 = tpu.memref_squeeze %dma_start3A_202 : memref<1x64xf32, #tpu.memory_space<vmem>> -> memref<64xf32, #tpu.memory_space<vmem>>
      tpu.enqueue_dma source(%dma_start3A_203 : memref<64xf32, #tpu.memory_space<vmem>>) target(%dma_start3A_200 : memref<64xf32, #tpu.memory_space<vmem_shared>>) target_semaphore(%run_scoped3A_195 : memref<!tpu.dma_semaphore, #tpu.memory_space<semaphore_mem>>)
      %dma_wait3A = arith.constant 0 : i32
      %dma_wait3A_204 = tpu.memref_slice %arg10[%run_scoped3A_120, %dma_wait3A] : memref<64x64xf32, #tpu.memory_space<vmem>> -> memref<1x64xf32, #tpu.memory_space<vmem>>
      %dma_wait3A_205 = tpu.memref_squeeze %dma_wait3A_204 : memref<1x64xf32, #tpu.memory_space<vmem>> -> memref<64xf32, #tpu.memory_space<vmem>>
      %dma_wait3A_206 = tpu.memref_slice %arg13[%add3A_119] : memref<10240xf32, #tpu.memory_space<vmem_shared>> -> memref<64xf32, #tpu.memory_space<vmem_shared>>
      %dma_wait3A_207 = tpu.memref_slice %arg13[%add3A_119] : memref<10240xf32, #tpu.memory_space<vmem_shared>> -> memref<64xf32, #tpu.memory_space<vmem_shared>>
      %dma_wait3A_208 = arith.constant 0 : i32
      %dma_wait3A_209 = tpu.memref_slice %arg10[%run_scoped3A_120, %dma_wait3A_208] : memref<64x64xf32, #tpu.memory_space<vmem>> -> memref<1x64xf32, #tpu.memory_space<vmem>>
      %dma_wait3A_210 = tpu.memref_squeeze %dma_wait3A_209 : memref<1x64xf32, #tpu.memory_space<vmem>> -> memref<64xf32, #tpu.memory_space<vmem>>
      tpu.wait_dma2 semaphore(%run_scoped3A_195 : memref<!tpu.dma_semaphore, #tpu.memory_space<semaphore_mem>>) src(%dma_wait3A_210 : memref<64xf32, #tpu.memory_space<vmem>>) dst(%dma_wait3A_207 : memref<64xf32, #tpu.memory_space<vmem_shared>>)
      tpu.yield
    }) : () -> ()
    %mul3A_121 = arith.constant 640 : i32
    %mul3A_122 = arith.muli %arg1, %mul3A_121 : i32
    %add3A_123 = arith.constant 512 : i32
    %add3A_124 = arith.addi %mul3A_122, %add3A_123 : i32
    %run_scoped3A_125 = arith.constant 0 : i32
    "tpu.region"() ({
      %run_scoped3A_195 = tpu.sem_alloc : memref<!tpu.dma_semaphore, #tpu.memory_space<semaphore_mem>>
      %dma_start3A_196 = arith.constant 0 : i32
      %dma_start3A_197 = tpu.memref_slice %arg10[%run_scoped3A_125, %dma_start3A_196] : memref<64x64xf32, #tpu.memory_space<vmem>> -> memref<1x64xf32, #tpu.memory_space<vmem>>
      %dma_start3A_198 = tpu.memref_squeeze %dma_start3A_197 : memref<1x64xf32, #tpu.memory_space<vmem>> -> memref<64xf32, #tpu.memory_space<vmem>>
      %dma_start3A_199 = tpu.memref_slice %arg13[%add3A_124] : memref<10240xf32, #tpu.memory_space<vmem_shared>> -> memref<64xf32, #tpu.memory_space<vmem_shared>>
      %dma_start3A_200 = tpu.memref_slice %arg13[%add3A_124] : memref<10240xf32, #tpu.memory_space<vmem_shared>> -> memref<64xf32, #tpu.memory_space<vmem_shared>>
      %dma_start3A_201 = arith.constant 0 : i32
      %dma_start3A_202 = tpu.memref_slice %arg10[%run_scoped3A_125, %dma_start3A_201] : memref<64x64xf32, #tpu.memory_space<vmem>> -> memref<1x64xf32, #tpu.memory_space<vmem>>
      %dma_start3A_203 = tpu.memref_squeeze %dma_start3A_202 : memref<1x64xf32, #tpu.memory_space<vmem>> -> memref<64xf32, #tpu.memory_space<vmem>>
      tpu.enqueue_dma source(%dma_start3A_203 : memref<64xf32, #tpu.memory_space<vmem>>) target(%dma_start3A_200 : memref<64xf32, #tpu.memory_space<vmem_shared>>) target_semaphore(%run_scoped3A_195 : memref<!tpu.dma_semaphore, #tpu.memory_space<semaphore_mem>>)
      %dma_wait3A = arith.constant 0 : i32
      %dma_wait3A_204 = tpu.memref_slice %arg10[%run_scoped3A_125, %dma_wait3A] : memref<64x64xf32, #tpu.memory_space<vmem>> -> memref<1x64xf32, #tpu.memory_space<vmem>>
      %dma_wait3A_205 = tpu.memref_squeeze %dma_wait3A_204 : memref<1x64xf32, #tpu.memory_space<vmem>> -> memref<64xf32, #tpu.memory_space<vmem>>
      %dma_wait3A_206 = tpu.memref_slice %arg13[%add3A_124] : memref<10240xf32, #tpu.memory_space<vmem_shared>> -> memref<64xf32, #tpu.memory_space<vmem_shared>>
      %dma_wait3A_207 = tpu.memref_slice %arg13[%add3A_124] : memref<10240xf32, #tpu.memory_space<vmem_shared>> -> memref<64xf32, #tpu.memory_space<vmem_shared>>
      %dma_wait3A_208 = arith.constant 0 : i32
      %dma_wait3A_209 = tpu.memref_slice %arg10[%run_scoped3A_125, %dma_wait3A_208] : memref<64x64xf32, #tpu.memory_space<vmem>> -> memref<1x64xf32, #tpu.memory_space<vmem>>
      %dma_wait3A_210 = tpu.memref_squeeze %dma_wait3A_209 : memref<1x64xf32, #tpu.memory_space<vmem>> -> memref<64xf32, #tpu.memory_space<vmem>>
      tpu.wait_dma2 semaphore(%run_scoped3A_195 : memref<!tpu.dma_semaphore, #tpu.memory_space<semaphore_mem>>) src(%dma_wait3A_210 : memref<64xf32, #tpu.memory_space<vmem>>) dst(%dma_wait3A_207 : memref<64xf32, #tpu.memory_space<vmem_shared>>)
      tpu.yield
    }) : () -> ()
    %mul3A_126 = arith.constant 640 : i32
    %mul3A_127 = arith.muli %arg1, %mul3A_126 : i32
    %add3A_128 = arith.constant 576 : i32
    %add3A_129 = arith.addi %mul3A_127, %add3A_128 : i32
    %run_scoped3A_130 = arith.constant 0 : i32
    "tpu.region"() ({
      %run_scoped3A_195 = tpu.sem_alloc : memref<!tpu.dma_semaphore, #tpu.memory_space<semaphore_mem>>
      %dma_start3A_196 = arith.constant 0 : i32
      %dma_start3A_197 = tpu.memref_slice %arg10[%run_scoped3A_130, %dma_start3A_196] : memref<64x64xf32, #tpu.memory_space<vmem>> -> memref<1x64xf32, #tpu.memory_space<vmem>>
      %dma_start3A_198 = tpu.memref_squeeze %dma_start3A_197 : memref<1x64xf32, #tpu.memory_space<vmem>> -> memref<64xf32, #tpu.memory_space<vmem>>
      %dma_start3A_199 = tpu.memref_slice %arg13[%add3A_129] : memref<10240xf32, #tpu.memory_space<vmem_shared>> -> memref<64xf32, #tpu.memory_space<vmem_shared>>
      %dma_start3A_200 = tpu.memref_slice %arg13[%add3A_129] : memref<10240xf32, #tpu.memory_space<vmem_shared>> -> memref<64xf32, #tpu.memory_space<vmem_shared>>
      %dma_start3A_201 = arith.constant 0 : i32
      %dma_start3A_202 = tpu.memref_slice %arg10[%run_scoped3A_130, %dma_start3A_201] : memref<64x64xf32, #tpu.memory_space<vmem>> -> memref<1x64xf32, #tpu.memory_space<vmem>>
      %dma_start3A_203 = tpu.memref_squeeze %dma_start3A_202 : memref<1x64xf32, #tpu.memory_space<vmem>> -> memref<64xf32, #tpu.memory_space<vmem>>
      tpu.enqueue_dma source(%dma_start3A_203 : memref<64xf32, #tpu.memory_space<vmem>>) target(%dma_start3A_200 : memref<64xf32, #tpu.memory_space<vmem_shared>>) target_semaphore(%run_scoped3A_195 : memref<!tpu.dma_semaphore, #tpu.memory_space<semaphore_mem>>)
      %dma_wait3A = arith.constant 0 : i32
      %dma_wait3A_204 = tpu.memref_slice %arg10[%run_scoped3A_130, %dma_wait3A] : memref<64x64xf32, #tpu.memory_space<vmem>> -> memref<1x64xf32, #tpu.memory_space<vmem>>
      %dma_wait3A_205 = tpu.memref_squeeze %dma_wait3A_204 : memref<1x64xf32, #tpu.memory_space<vmem>> -> memref<64xf32, #tpu.memory_space<vmem>>
      %dma_wait3A_206 = tpu.memref_slice %arg13[%add3A_129] : memref<10240xf32, #tpu.memory_space<vmem_shared>> -> memref<64xf32, #tpu.memory_space<vmem_shared>>
      %dma_wait3A_207 = tpu.memref_slice %arg13[%add3A_129] : memref<10240xf32, #tpu.memory_space<vmem_shared>> -> memref<64xf32, #tpu.memory_space<vmem_shared>>
      %dma_wait3A_208 = arith.constant 0 : i32
      %dma_wait3A_209 = tpu.memref_slice %arg10[%run_scoped3A_130, %dma_wait3A_208] : memref<64x64xf32, #tpu.memory_space<vmem>> -> memref<1x64xf32, #tpu.memory_space<vmem>>
      %dma_wait3A_210 = tpu.memref_squeeze %dma_wait3A_209 : memref<1x64xf32, #tpu.memory_space<vmem>> -> memref<64xf32, #tpu.memory_space<vmem>>
      tpu.wait_dma2 semaphore(%run_scoped3A_195 : memref<!tpu.dma_semaphore, #tpu.memory_space<semaphore_mem>>) src(%dma_wait3A_210 : memref<64xf32, #tpu.memory_space<vmem>>) dst(%dma_wait3A_207 : memref<64xf32, #tpu.memory_space<vmem_shared>>)
      tpu.yield
    }) : () -> ()
    %barrier3A = arith.constant 0 : index
    tpu.barrier barrier_id(%barrier3A)
    %dma_start3A = arith.constant 0 : i32
    %dma_start3A_131 = arith.constant 0 : i32
    %dma_start3A_132 = arith.constant 0 : i32
    %dma_start3A_133 = arith.constant 0 : i32
    %dma_start3A_134 = arith.constant 0 : i32
    %dma_start3A_135 = tpu.memref_slice %arg9[%dma_start3A_131, %dma_start3A_132, %dma_start3A_133, %dma_start3A_134] : memref<2x4x125x64xf32, #tpu.memory_space<vmem>> -> memref<1x1x125x64xf32, #tpu.memory_space<vmem>>
    %dma_start3A_136 = tpu.memref_squeeze %dma_start3A_135 : memref<1x1x125x64xf32, #tpu.memory_space<vmem>> -> memref<125x64xf32, #tpu.memory_space<vmem>>
    %dma_start3A_137 = arith.constant 0 : i32
    %dma_start3A_138 = tpu.memref_slice %arg7[%dma_start3A, %dma_start3A_137] : memref<80x125xi32, #tpu.memory_space<vmem>> -> memref<1x125xi32, #tpu.memory_space<vmem>>
    %dma_start3A_139 = tpu.memref_squeeze %dma_start3A_138 : memref<1x125xi32, #tpu.memory_space<vmem>> -> memref<125xi32, #tpu.memory_space<vmem>>
    %dma_start3A_140 = arith.constant 0 : i32
    %dma_start3A_141 = arith.constant 0 : i32
    %dma_start3A_142 = tpu.memref_slice %arg2[%dma_start3A_140, %dma_start3A_141] : memref<10000x64xf32, #tpu.memory_space<hbm>> -> memref<10000x64xf32, #tpu.memory_space<hbm>>
    tpu.enqueue_indirect_dma source(%dma_start3A_142 : memref<10000x64xf32, #tpu.memory_space<hbm>>) target(%dma_start3A_136 : memref<125x64xf32, #tpu.memory_space<vmem>>) offsets(%dma_start3A_139 : memref<125xi32, #tpu.memory_space<vmem>>) semaphore(%arg14 : memref<!tpu.dma_semaphore, #tpu.memory_space<semaphore_mem>>)
    %dma_start3A_143 = arith.constant 1 : i32
    %dma_start3A_144 = arith.constant 0 : i32
    %dma_start3A_145 = arith.constant 1 : i32
    %dma_start3A_146 = arith.constant 0 : i32
    %dma_start3A_147 = arith.constant 0 : i32
    %dma_start3A_148 = tpu.memref_slice %arg9[%dma_start3A_144, %dma_start3A_145, %dma_start3A_146, %dma_start3A_147] : memref<2x4x125x64xf32, #tpu.memory_space<vmem>> -> memref<1x1x125x64xf32, #tpu.memory_space<vmem>>
    %dma_start3A_149 = tpu.memref_squeeze %dma_start3A_148 : memref<1x1x125x64xf32, #tpu.memory_space<vmem>> -> memref<125x64xf32, #tpu.memory_space<vmem>>
    %dma_start3A_150 = arith.constant 0 : i32
    %dma_start3A_151 = tpu.memref_slice %arg7[%dma_start3A_143, %dma_start3A_150] : memref<80x125xi32, #tpu.memory_space<vmem>> -> memref<1x125xi32, #tpu.memory_space<vmem>>
    %dma_start3A_152 = tpu.memref_squeeze %dma_start3A_151 : memref<1x125xi32, #tpu.memory_space<vmem>> -> memref<125xi32, #tpu.memory_space<vmem>>
    %dma_start3A_153 = arith.constant 0 : i32
    %dma_start3A_154 = arith.constant 0 : i32
    %dma_start3A_155 = tpu.memref_slice %arg2[%dma_start3A_153, %dma_start3A_154] : memref<10000x64xf32, #tpu.memory_space<hbm>> -> memref<10000x64xf32, #tpu.memory_space<hbm>>
    tpu.enqueue_indirect_dma source(%dma_start3A_155 : memref<10000x64xf32, #tpu.memory_space<hbm>>) target(%dma_start3A_149 : memref<125x64xf32, #tpu.memory_space<vmem>>) offsets(%dma_start3A_152 : memref<125xi32, #tpu.memory_space<vmem>>) semaphore(%arg14 : memref<!tpu.dma_semaphore, #tpu.memory_space<semaphore_mem>>)
    %dma_start3A_156 = arith.constant 2 : i32
    %dma_start3A_157 = arith.constant 0 : i32
    %dma_start3A_158 = arith.constant 2 : i32
    %dma_start3A_159 = arith.constant 0 : i32
    %dma_start3A_160 = arith.constant 0 : i32
    %dma_start3A_161 = tpu.memref_slice %arg9[%dma_start3A_157, %dma_start3A_158, %dma_start3A_159, %dma_start3A_160] : memref<2x4x125x64xf32, #tpu.memory_space<vmem>> -> memref<1x1x125x64xf32, #tpu.memory_space<vmem>>
    %dma_start3A_162 = tpu.memref_squeeze %dma_start3A_161 : memref<1x1x125x64xf32, #tpu.memory_space<vmem>> -> memref<125x64xf32, #tpu.memory_space<vmem>>
    %dma_start3A_163 = arith.constant 0 : i32
    %dma_start3A_164 = tpu.memref_slice %arg7[%dma_start3A_156, %dma_start3A_163] : memref<80x125xi32, #tpu.memory_space<vmem>> -> memref<1x125xi32, #tpu.memory_space<vmem>>
    %dma_start3A_165 = tpu.memref_squeeze %dma_start3A_164 : memref<1x125xi32, #tpu.memory_space<vmem>> -> memref<125xi32, #tpu.memory_space<vmem>>
    %dma_start3A_166 = arith.constant 0 : i32
    %dma_start3A_167 = arith.constant 0 : i32
    %dma_start3A_168 = tpu.memref_slice %arg2[%dma_start3A_166, %dma_start3A_167] : memref<10000x64xf32, #tpu.memory_space<hbm>> -> memref<10000x64xf32, #tpu.memory_space<hbm>>
    tpu.enqueue_indirect_dma source(%dma_start3A_168 : memref<10000x64xf32, #tpu.memory_space<hbm>>) target(%dma_start3A_162 : memref<125x64xf32, #tpu.memory_space<vmem>>) offsets(%dma_start3A_165 : memref<125xi32, #tpu.memory_space<vmem>>) semaphore(%arg14 : memref<!tpu.dma_semaphore, #tpu.memory_space<semaphore_mem>>)
    %dma_start3A_169 = arith.constant 3 : i32
    %dma_start3A_170 = arith.constant 0 : i32
    %dma_start3A_171 = arith.constant 3 : i32
    %dma_start3A_172 = arith.constant 0 : i32
    %dma_start3A_173 = arith.constant 0 : i32
    %dma_start3A_174 = tpu.memref_slice %arg9[%dma_start3A_170, %dma_start3A_171, %dma_start3A_172, %dma_start3A_173] : memref<2x4x125x64xf32, #tpu.memory_space<vmem>> -> memref<1x1x125x64xf32, #tpu.memory_space<vmem>>
    %dma_start3A_175 = tpu.memref_squeeze %dma_start3A_174 : memref<1x1x125x64xf32, #tpu.memory_space<vmem>> -> memref<125x64xf32, #tpu.memory_space<vmem>>
    %dma_start3A_176 = arith.constant 0 : i32
    %dma_start3A_177 = tpu.memref_slice %arg7[%dma_start3A_169, %dma_start3A_176] : memref<80x125xi32, #tpu.memory_space<vmem>> -> memref<1x125xi32, #tpu.memory_space<vmem>>
    %dma_start3A_178 = tpu.memref_squeeze %dma_start3A_177 : memref<1x125xi32, #tpu.memory_space<vmem>> -> memref<125xi32, #tpu.memory_space<vmem>>
    %dma_start3A_179 = arith.constant 0 : i32
    %dma_start3A_180 = arith.constant 0 : i32
    %dma_start3A_181 = tpu.memref_slice %arg2[%dma_start3A_179, %dma_start3A_180] : memref<10000x64xf32, #tpu.memory_space<hbm>> -> memref<10000x64xf32, #tpu.memory_space<hbm>>
    tpu.enqueue_indirect_dma source(%dma_start3A_181 : memref<10000x64xf32, #tpu.memory_space<hbm>>) target(%dma_start3A_175 : memref<125x64xf32, #tpu.memory_space<vmem>>) offsets(%dma_start3A_178 : memref<125xi32, #tpu.memory_space<vmem>>) semaphore(%arg14 : memref<!tpu.dma_semaphore, #tpu.memory_space<semaphore_mem>>)
    %scan3A_182 = arith.constant 0 : i32
    %scan3A_183 = arith.constant 0 : i32
    %scan3A_184 = arith.constant 10 : i32
    %scan3A_185 = arith.addi %scan3A_183, %scan3A_184 : i32
    %scan3A_186 = arith.constant 1 : i32
    scf.for %scan3A_195 = %scan3A_183 to %scan3A_185 step %scan3A_186  : i32 {
      %mul3A_196 = arith.constant 2 : i32
      %mul3A_197 = arith.muli %mul3A_196, %scan3A_195 : i32
      %add3A_198 = arith.constant 1 : i32
      %add3A_199 = arith.addi %mul3A_197, %add3A_198 : i32
      %mul3A_200 = arith.constant 4 : i32
      %mul3A_201 = arith.muli %add3A_199, %mul3A_200 : i32
      %add3A_202 = arith.constant 0 : i32
      %add3A_203 = arith.addi %mul3A_201, %add3A_202 : i32
      %dma_start3A_204 = arith.constant 1 : i32
      %dma_start3A_205 = arith.constant 0 : i32
      %dma_start3A_206 = arith.constant 0 : i32
      %dma_start3A_207 = arith.constant 0 : i32
      %dma_start3A_208 = tpu.memref_slice %arg9[%dma_start3A_204, %dma_start3A_205, %dma_start3A_206, %dma_start3A_207] : memref<2x4x125x64xf32, #tpu.memory_space<vmem>> -> memref<1x1x125x64xf32, #tpu.memory_space<vmem>>
      %dma_start3A_209 = tpu.memref_squeeze %dma_start3A_208 : memref<1x1x125x64xf32, #tpu.memory_space<vmem>> -> memref<125x64xf32, #tpu.memory_space<vmem>>
      %dma_start3A_210 = arith.constant 0 : i32
      %dma_start3A_211 = tpu.memref_slice %arg7[%add3A_203, %dma_start3A_210] : memref<80x125xi32, #tpu.memory_space<vmem>> -> memref<1x125xi32, #tpu.memory_space<vmem>>
      %dma_start3A_212 = tpu.memref_squeeze %dma_start3A_211 : memref<1x125xi32, #tpu.memory_space<vmem>> -> memref<125xi32, #tpu.memory_space<vmem>>
      %dma_start3A_213 = arith.constant 0 : i32
      %dma_start3A_214 = arith.constant 0 : i32
      %dma_start3A_215 = tpu.memref_slice %arg2[%dma_start3A_213, %dma_start3A_214] : memref<10000x64xf32, #tpu.memory_space<hbm>> -> memref<10000x64xf32, #tpu.memory_space<hbm>>
      tpu.enqueue_indirect_dma source(%dma_start3A_215 : memref<10000x64xf32, #tpu.memory_space<hbm>>) target(%dma_start3A_209 : memref<125x64xf32, #tpu.memory_space<vmem>>) offsets(%dma_start3A_212 : memref<125xi32, #tpu.memory_space<vmem>>) semaphore(%arg15 : memref<!tpu.dma_semaphore, #tpu.memory_space<semaphore_mem>>)
      %mul3A_216 = arith.constant 4 : i32
      %mul3A_217 = arith.muli %add3A_199, %mul3A_216 : i32
      %add3A_218 = arith.constant 1 : i32
      %add3A_219 = arith.addi %mul3A_217, %add3A_218 : i32
      %dma_start3A_220 = arith.constant 1 : i32
      %dma_start3A_221 = arith.constant 1 : i32
      %dma_start3A_222 = arith.constant 0 : i32
      %dma_start3A_223 = arith.constant 0 : i32
      %dma_start3A_224 = tpu.memref_slice %arg9[%dma_start3A_220, %dma_start3A_221, %dma_start3A_222, %dma_start3A_223] : memref<2x4x125x64xf32, #tpu.memory_space<vmem>> -> memref<1x1x125x64xf32, #tpu.memory_space<vmem>>
      %dma_start3A_225 = tpu.memref_squeeze %dma_start3A_224 : memref<1x1x125x64xf32, #tpu.memory_space<vmem>> -> memref<125x64xf32, #tpu.memory_space<vmem>>
      %dma_start3A_226 = arith.constant 0 : i32
      %dma_start3A_227 = tpu.memref_slice %arg7[%add3A_219, %dma_start3A_226] : memref<80x125xi32, #tpu.memory_space<vmem>> -> memref<1x125xi32, #tpu.memory_space<vmem>>
      %dma_start3A_228 = tpu.memref_squeeze %dma_start3A_227 : memref<1x125xi32, #tpu.memory_space<vmem>> -> memref<125xi32, #tpu.memory_space<vmem>>
      %dma_start3A_229 = arith.constant 0 : i32
      %dma_start3A_230 = arith.constant 0 : i32
      %dma_start3A_231 = tpu.memref_slice %arg2[%dma_start3A_229, %dma_start3A_230] : memref<10000x64xf32, #tpu.memory_space<hbm>> -> memref<10000x64xf32, #tpu.memory_space<hbm>>
      tpu.enqueue_indirect_dma source(%dma_start3A_231 : memref<10000x64xf32, #tpu.memory_space<hbm>>) target(%dma_start3A_225 : memref<125x64xf32, #tpu.memory_space<vmem>>) offsets(%dma_start3A_228 : memref<125xi32, #tpu.memory_space<vmem>>) semaphore(%arg15 : memref<!tpu.dma_semaphore, #tpu.memory_space<semaphore_mem>>)
      %mul3A_232 = arith.constant 4 : i32
      %mul3A_233 = arith.muli %add3A_199, %mul3A_232 : i32
      %add3A_234 = arith.constant 2 : i32
      %add3A_235 = arith.addi %mul3A_233, %add3A_234 : i32
      %dma_start3A_236 = arith.constant 1 : i32
      %dma_start3A_237 = arith.constant 2 : i32
      %dma_start3A_238 = arith.constant 0 : i32
      %dma_start3A_239 = arith.constant 0 : i32
      %dma_start3A_240 = tpu.memref_slice %arg9[%dma_start3A_236, %dma_start3A_237, %dma_start3A_238, %dma_start3A_239] : memref<2x4x125x64xf32, #tpu.memory_space<vmem>> -> memref<1x1x125x64xf32, #tpu.memory_space<vmem>>
      %dma_start3A_241 = tpu.memref_squeeze %dma_start3A_240 : memref<1x1x125x64xf32, #tpu.memory_space<vmem>> -> memref<125x64xf32, #tpu.memory_space<vmem>>
      %dma_start3A_242 = arith.constant 0 : i32
      %dma_start3A_243 = tpu.memref_slice %arg7[%add3A_235, %dma_start3A_242] : memref<80x125xi32, #tpu.memory_space<vmem>> -> memref<1x125xi32, #tpu.memory_space<vmem>>
      %dma_start3A_244 = tpu.memref_squeeze %dma_start3A_243 : memref<1x125xi32, #tpu.memory_space<vmem>> -> memref<125xi32, #tpu.memory_space<vmem>>
      %dma_start3A_245 = arith.constant 0 : i32
      %dma_start3A_246 = arith.constant 0 : i32
      %dma_start3A_247 = tpu.memref_slice %arg2[%dma_start3A_245, %dma_start3A_246] : memref<10000x64xf32, #tpu.memory_space<hbm>> -> memref<10000x64xf32, #tpu.memory_space<hbm>>
      tpu.enqueue_indirect_dma source(%dma_start3A_247 : memref<10000x64xf32, #tpu.memory_space<hbm>>) target(%dma_start3A_241 : memref<125x64xf32, #tpu.memory_space<vmem>>) offsets(%dma_start3A_244 : memref<125xi32, #tpu.memory_space<vmem>>) semaphore(%arg15 : memref<!tpu.dma_semaphore, #tpu.memory_space<semaphore_mem>>)
      %mul3A_248 = arith.constant 4 : i32
      %mul3A_249 = arith.muli %add3A_199, %mul3A_248 : i32
      %add3A_250 = arith.constant 3 : i32
      %add3A_251 = arith.addi %mul3A_249, %add3A_250 : i32
      %dma_start3A_252 = arith.constant 1 : i32
      %dma_start3A_253 = arith.constant 3 : i32
      %dma_start3A_254 = arith.constant 0 : i32
      %dma_start3A_255 = arith.constant 0 : i32
      %dma_start3A_256 = tpu.memref_slice %arg9[%dma_start3A_252, %dma_start3A_253, %dma_start3A_254, %dma_start3A_255] : memref<2x4x125x64xf32, #tpu.memory_space<vmem>> -> memref<1x1x125x64xf32, #tpu.memory_space<vmem>>
      %dma_start3A_257 = tpu.memref_squeeze %dma_start3A_256 : memref<1x1x125x64xf32, #tpu.memory_space<vmem>> -> memref<125x64xf32, #tpu.memory_space<vmem>>
      %dma_start3A_258 = arith.constant 0 : i32
      %dma_start3A_259 = tpu.memref_slice %arg7[%add3A_251, %dma_start3A_258] : memref<80x125xi32, #tpu.memory_space<vmem>> -> memref<1x125xi32, #tpu.memory_space<vmem>>
      %dma_start3A_260 = tpu.memref_squeeze %dma_start3A_259 : memref<1x125xi32, #tpu.memory_space<vmem>> -> memref<125xi32, #tpu.memory_space<vmem>>
      %dma_start3A_261 = arith.constant 0 : i32
      %dma_start3A_262 = arith.constant 0 : i32
      %dma_start3A_263 = tpu.memref_slice %arg2[%dma_start3A_261, %dma_start3A_262] : memref<10000x64xf32, #tpu.memory_space<hbm>> -> memref<10000x64xf32, #tpu.memory_space<hbm>>
      tpu.enqueue_indirect_dma source(%dma_start3A_263 : memref<10000x64xf32, #tpu.memory_space<hbm>>) target(%dma_start3A_257 : memref<125x64xf32, #tpu.memory_space<vmem>>) offsets(%dma_start3A_260 : memref<125xi32, #tpu.memory_space<vmem>>) semaphore(%arg15 : memref<!tpu.dma_semaphore, #tpu.memory_space<semaphore_mem>>)
      %mul3A_264 = arith.constant 2 : i32
      %mul3A_265 = arith.muli %mul3A_264, %scan3A_195 : i32
      %mul3A_266 = arith.constant 4 : i32
      %mul3A_267 = arith.muli %mul3A_265, %mul3A_266 : i32
      %add3A_268 = arith.constant 0 : i32
      %add3A_269 = arith.addi %mul3A_267, %add3A_268 : i32
      %dma_wait3A = arith.constant 0 : i32
      %dma_wait3A_270 = arith.constant 0 : i32
      %dma_wait3A_271 = arith.constant 0 : i32
      %dma_wait3A_272 = arith.constant 0 : i32
      %dma_wait3A_273 = tpu.memref_slice %arg9[%dma_wait3A, %dma_wait3A_270, %dma_wait3A_271, %dma_wait3A_272] : memref<2x4x125x64xf32, #tpu.memory_space<vmem>> -> memref<1x1x125x64xf32, #tpu.memory_space<vmem>>
      %dma_wait3A_274 = tpu.memref_squeeze %dma_wait3A_273 : memref<1x1x125x64xf32, #tpu.memory_space<vmem>> -> memref<125x64xf32, #tpu.memory_space<vmem>>
      %dma_wait3A_275 = arith.constant 0 : i32
      %dma_wait3A_276 = tpu.memref_slice %arg7[%add3A_269, %dma_wait3A_275] : memref<80x125xi32, #tpu.memory_space<vmem>> -> memref<1x125xi32, #tpu.memory_space<vmem>>
      %dma_wait3A_277 = tpu.memref_squeeze %dma_wait3A_276 : memref<1x125xi32, #tpu.memory_space<vmem>> -> memref<125xi32, #tpu.memory_space<vmem>>
      %dma_wait3A_278 = arith.constant 0 : i32
      %dma_wait3A_279 = arith.constant 0 : i32
      %dma_wait3A_280 = tpu.memref_slice %arg2[%dma_wait3A_278, %dma_wait3A_279] : memref<10000x64xf32, #tpu.memory_space<hbm>> -> memref<10000x64xf32, #tpu.memory_space<hbm>>
      tpu.wait_indirect_dma semaphore(%arg14 : memref<!tpu.dma_semaphore, #tpu.memory_space<semaphore_mem>>) src(%dma_wait3A_280 : memref<10000x64xf32, #tpu.memory_space<hbm>>) dst(%dma_wait3A_274 : memref<125x64xf32, #tpu.memory_space<vmem>>)
      %mul3A_281 = arith.constant 4 : i32
      %mul3A_282 = arith.muli %mul3A_265, %mul3A_281 : i32
      %add3A_283 = arith.constant 1 : i32
      %add3A_284 = arith.addi %mul3A_282, %add3A_283 : i32
      %dma_wait3A_285 = arith.constant 0 : i32
      %dma_wait3A_286 = arith.constant 1 : i32
      %dma_wait3A_287 = arith.constant 0 : i32
      %dma_wait3A_288 = arith.constant 0 : i32
      %dma_wait3A_289 = tpu.memref_slice %arg9[%dma_wait3A_285, %dma_wait3A_286, %dma_wait3A_287, %dma_wait3A_288] : memref<2x4x125x64xf32, #tpu.memory_space<vmem>> -> memref<1x1x125x64xf32, #tpu.memory_space<vmem>>
      %dma_wait3A_290 = tpu.memref_squeeze %dma_wait3A_289 : memref<1x1x125x64xf32, #tpu.memory_space<vmem>> -> memref<125x64xf32, #tpu.memory_space<vmem>>
      %dma_wait3A_291 = arith.constant 0 : i32
      %dma_wait3A_292 = tpu.memref_slice %arg7[%add3A_284, %dma_wait3A_291] : memref<80x125xi32, #tpu.memory_space<vmem>> -> memref<1x125xi32, #tpu.memory_space<vmem>>
      %dma_wait3A_293 = tpu.memref_squeeze %dma_wait3A_292 : memref<1x125xi32, #tpu.memory_space<vmem>> -> memref<125xi32, #tpu.memory_space<vmem>>
      %dma_wait3A_294 = arith.constant 0 : i32
      %dma_wait3A_295 = arith.constant 0 : i32
      %dma_wait3A_296 = tpu.memref_slice %arg2[%dma_wait3A_294, %dma_wait3A_295] : memref<10000x64xf32, #tpu.memory_space<hbm>> -> memref<10000x64xf32, #tpu.memory_space<hbm>>
      tpu.wait_indirect_dma semaphore(%arg14 : memref<!tpu.dma_semaphore, #tpu.memory_space<semaphore_mem>>) src(%dma_wait3A_296 : memref<10000x64xf32, #tpu.memory_space<hbm>>) dst(%dma_wait3A_290 : memref<125x64xf32, #tpu.memory_space<vmem>>)
      %mul3A_297 = arith.constant 4 : i32
      %mul3A_298 = arith.muli %mul3A_265, %mul3A_297 : i32
      %add3A_299 = arith.constant 2 : i32
      %add3A_300 = arith.addi %mul3A_298, %add3A_299 : i32
      %dma_wait3A_301 = arith.constant 0 : i32
      %dma_wait3A_302 = arith.constant 2 : i32
      %dma_wait3A_303 = arith.constant 0 : i32
      %dma_wait3A_304 = arith.constant 0 : i32
      %dma_wait3A_305 = tpu.memref_slice %arg9[%dma_wait3A_301, %dma_wait3A_302, %dma_wait3A_303, %dma_wait3A_304] : memref<2x4x125x64xf32, #tpu.memory_space<vmem>> -> memref<1x1x125x64xf32, #tpu.memory_space<vmem>>
      %dma_wait3A_306 = tpu.memref_squeeze %dma_wait3A_305 : memref<1x1x125x64xf32, #tpu.memory_space<vmem>> -> memref<125x64xf32, #tpu.memory_space<vmem>>
      %dma_wait3A_307 = arith.constant 0 : i32
      %dma_wait3A_308 = tpu.memref_slice %arg7[%add3A_300, %dma_wait3A_307] : memref<80x125xi32, #tpu.memory_space<vmem>> -> memref<1x125xi32, #tpu.memory_space<vmem>>
      %dma_wait3A_309 = tpu.memref_squeeze %dma_wait3A_308 : memref<1x125xi32, #tpu.memory_space<vmem>> -> memref<125xi32, #tpu.memory_space<vmem>>
      %dma_wait3A_310 = arith.constant 0 : i32
      %dma_wait3A_311 = arith.constant 0 : i32
      %dma_wait3A_312 = tpu.memref_slice %arg2[%dma_wait3A_310, %dma_wait3A_311] : memref<10000x64xf32, #tpu.memory_space<hbm>> -> memref<10000x64xf32, #tpu.memory_space<hbm>>
      tpu.wait_indirect_dma semaphore(%arg14 : memref<!tpu.dma_semaphore, #tpu.memory_space<semaphore_mem>>) src(%dma_wait3A_312 : memref<10000x64xf32, #tpu.memory_space<hbm>>) dst(%dma_wait3A_306 : memref<125x64xf32, #tpu.memory_space<vmem>>)
      %mul3A_313 = arith.constant 4 : i32
      %mul3A_314 = arith.muli %mul3A_265, %mul3A_313 : i32
      %add3A_315 = arith.constant 3 : i32
      %add3A_316 = arith.addi %mul3A_314, %add3A_315 : i32
      %dma_wait3A_317 = arith.constant 0 : i32
      %dma_wait3A_318 = arith.constant 3 : i32
      %dma_wait3A_319 = arith.constant 0 : i32
      %dma_wait3A_320 = arith.constant 0 : i32
      %dma_wait3A_321 = tpu.memref_slice %arg9[%dma_wait3A_317, %dma_wait3A_318, %dma_wait3A_319, %dma_wait3A_320] : memref<2x4x125x64xf32, #tpu.memory_space<vmem>> -> memref<1x1x125x64xf32, #tpu.memory_space<vmem>>
      %dma_wait3A_322 = tpu.memref_squeeze %dma_wait3A_321 : memref<1x1x125x64xf32, #tpu.memory_space<vmem>> -> memref<125x64xf32, #tpu.memory_space<vmem>>
      %dma_wait3A_323 = arith.constant 0 : i32
      %dma_wait3A_324 = tpu.memref_slice %arg7[%add3A_316, %dma_wait3A_323] : memref<80x125xi32, #tpu.memory_space<vmem>> -> memref<1x125xi32, #tpu.memory_space<vmem>>
      %dma_wait3A_325 = tpu.memref_squeeze %dma_wait3A_324 : memref<1x125xi32, #tpu.memory_space<vmem>> -> memref<125xi32, #tpu.memory_space<vmem>>
      %dma_wait3A_326 = arith.constant 0 : i32
      %dma_wait3A_327 = arith.constant 0 : i32
      %dma_wait3A_328 = tpu.memref_slice %arg2[%dma_wait3A_326, %dma_wait3A_327] : memref<10000x64xf32, #tpu.memory_space<hbm>> -> memref<10000x64xf32, #tpu.memory_space<hbm>>
      tpu.wait_indirect_dma semaphore(%arg14 : memref<!tpu.dma_semaphore, #tpu.memory_space<semaphore_mem>>) src(%dma_wait3A_328 : memref<10000x64xf32, #tpu.memory_space<hbm>>) dst(%dma_wait3A_322 : memref<125x64xf32, #tpu.memory_space<vmem>>)
      %mul3A_329 = arith.constant 4 : i32
      %mul3A_330 = arith.muli %mul3A_265, %mul3A_329 : i32
      %add3A_331 = arith.constant 0 : i32
      %add3A_332 = arith.addi %mul3A_330, %add3A_331 : i32
      %run_scoped3A_333 = arith.constant 0 : i32
      %run_scoped3A_334 = arith.constant 0 : i32
      "tpu.region"() ({
        %run_scoped3A_481 = tpu.sem_alloc : memref<!tpu.dma_semaphore, #tpu.memory_space<semaphore_mem>>
        %dma_start3A_482 = arith.constant 0 : i32
        %dma_start3A_483 = arith.constant 0 : i32
        %dma_start3A_484 = tpu.memref_slice %arg9[%run_scoped3A_333, %run_scoped3A_334, %dma_start3A_482, %dma_start3A_483] : memref<2x4x125x64xf32, #tpu.memory_space<vmem>> -> memref<1x1x125x64xf32, #tpu.memory_space<vmem>>
        %dma_start3A_485 = tpu.memref_squeeze %dma_start3A_484 : memref<1x1x125x64xf32, #tpu.memory_space<vmem>> -> memref<125x64xf32, #tpu.memory_space<vmem>>
        %dma_start3A_486 = arith.constant 0 : i32
        %dma_start3A_487 = tpu.memref_slice %arg8[%add3A_332, %dma_start3A_486] : memref<80x125xi32, #tpu.memory_space<vmem>> -> memref<1x125xi32, #tpu.memory_space<vmem>>
        %dma_start3A_488 = tpu.memref_squeeze %dma_start3A_487 : memref<1x125xi32, #tpu.memory_space<vmem>> -> memref<125xi32, #tpu.memory_space<vmem>>
        %dma_start3A_489 = arith.constant 0 : i32
        %dma_start3A_490 = arith.constant 0 : i32
        %dma_start3A_491 = tpu.memref_slice %arg12[%dma_start3A_489, %dma_start3A_490] : memref<10240x64xf32, #tpu.memory_space<vmem_shared>> -> memref<10240x64xf32, #tpu.memory_space<vmem_shared>>
        tpu.enqueue_indirect_dma source(%dma_start3A_485 : memref<125x64xf32, #tpu.memory_space<vmem>>) target(%dma_start3A_491 : memref<10240x64xf32, #tpu.memory_space<vmem_shared>>) offsets(%dma_start3A_488 : memref<125xi32, #tpu.memory_space<vmem>>) semaphore(%run_scoped3A_481 : memref<!tpu.dma_semaphore, #tpu.memory_space<semaphore_mem>>) {add = true}
        %dma_wait3A_492 = arith.constant 0 : i32
        %dma_wait3A_493 = arith.constant 0 : i32
        %dma_wait3A_494 = tpu.memref_slice %arg9[%run_scoped3A_333, %run_scoped3A_334, %dma_wait3A_492, %dma_wait3A_493] : memref<2x4x125x64xf32, #tpu.memory_space<vmem>> -> memref<1x1x125x64xf32, #tpu.memory_space<vmem>>
        %dma_wait3A_495 = tpu.memref_squeeze %dma_wait3A_494 : memref<1x1x125x64xf32, #tpu.memory_space<vmem>> -> memref<125x64xf32, #tpu.memory_space<vmem>>
        %dma_wait3A_496 = arith.constant 0 : i32
        %dma_wait3A_497 = tpu.memref_slice %arg8[%add3A_332, %dma_wait3A_496] : memref<80x125xi32, #tpu.memory_space<vmem>> -> memref<1x125xi32, #tpu.memory_space<vmem>>
        %dma_wait3A_498 = tpu.memref_squeeze %dma_wait3A_497 : memref<1x125xi32, #tpu.memory_space<vmem>> -> memref<125xi32, #tpu.memory_space<vmem>>
        %dma_wait3A_499 = arith.constant 0 : i32
        %dma_wait3A_500 = arith.constant 0 : i32
        %dma_wait3A_501 = tpu.memref_slice %arg12[%dma_wait3A_499, %dma_wait3A_500] : memref<10240x64xf32, #tpu.memory_space<vmem_shared>> -> memref<10240x64xf32, #tpu.memory_space<vmem_shared>>
        tpu.wait_indirect_dma semaphore(%run_scoped3A_481 : memref<!tpu.dma_semaphore, #tpu.memory_space<semaphore_mem>>) src(%dma_wait3A_495 : memref<125x64xf32, #tpu.memory_space<vmem>>) dst(%dma_wait3A_501 : memref<10240x64xf32, #tpu.memory_space<vmem_shared>>)
        tpu.yield
      }) : () -> ()
      %mul3A_335 = arith.constant 4 : i32
      %mul3A_336 = arith.muli %mul3A_265, %mul3A_335 : i32
      %add3A_337 = arith.constant 1 : i32
      %add3A_338 = arith.addi %mul3A_336, %add3A_337 : i32
      %run_scoped3A_339 = arith.constant 0 : i32
      %run_scoped3A_340 = arith.constant 1 : i32
      "tpu.region"() ({
        %run_scoped3A_481 = tpu.sem_alloc : memref<!tpu.dma_semaphore, #tpu.memory_space<semaphore_mem>>
        %dma_start3A_482 = arith.constant 0 : i32
        %dma_start3A_483 = arith.constant 0 : i32
        %dma_start3A_484 = tpu.memref_slice %arg9[%run_scoped3A_339, %run_scoped3A_340, %dma_start3A_482, %dma_start3A_483] : memref<2x4x125x64xf32, #tpu.memory_space<vmem>> -> memref<1x1x125x64xf32, #tpu.memory_space<vmem>>
        %dma_start3A_485 = tpu.memref_squeeze %dma_start3A_484 : memref<1x1x125x64xf32, #tpu.memory_space<vmem>> -> memref<125x64xf32, #tpu.memory_space<vmem>>
        %dma_start3A_486 = arith.constant 0 : i32
        %dma_start3A_487 = tpu.memref_slice %arg8[%add3A_338, %dma_start3A_486] : memref<80x125xi32, #tpu.memory_space<vmem>> -> memref<1x125xi32, #tpu.memory_space<vmem>>
        %dma_start3A_488 = tpu.memref_squeeze %dma_start3A_487 : memref<1x125xi32, #tpu.memory_space<vmem>> -> memref<125xi32, #tpu.memory_space<vmem>>
        %dma_start3A_489 = arith.constant 0 : i32
        %dma_start3A_490 = arith.constant 0 : i32
        %dma_start3A_491 = tpu.memref_slice %arg12[%dma_start3A_489, %dma_start3A_490] : memref<10240x64xf32, #tpu.memory_space<vmem_shared>> -> memref<10240x64xf32, #tpu.memory_space<vmem_shared>>
        tpu.enqueue_indirect_dma source(%dma_start3A_485 : memref<125x64xf32, #tpu.memory_space<vmem>>) target(%dma_start3A_491 : memref<10240x64xf32, #tpu.memory_space<vmem_shared>>) offsets(%dma_start3A_488 : memref<125xi32, #tpu.memory_space<vmem>>) semaphore(%run_scoped3A_481 : memref<!tpu.dma_semaphore, #tpu.memory_space<semaphore_mem>>) {add = true}
        %dma_wait3A_492 = arith.constant 0 : i32
        %dma_wait3A_493 = arith.constant 0 : i32
        %dma_wait3A_494 = tpu.memref_slice %arg9[%run_scoped3A_339, %run_scoped3A_340, %dma_wait3A_492, %dma_wait3A_493] : memref<2x4x125x64xf32, #tpu.memory_space<vmem>> -> memref<1x1x125x64xf32, #tpu.memory_space<vmem>>
        %dma_wait3A_495 = tpu.memref_squeeze %dma_wait3A_494 : memref<1x1x125x64xf32, #tpu.memory_space<vmem>> -> memref<125x64xf32, #tpu.memory_space<vmem>>
        %dma_wait3A_496 = arith.constant 0 : i32
        %dma_wait3A_497 = tpu.memref_slice %arg8[%add3A_338, %dma_wait3A_496] : memref<80x125xi32, #tpu.memory_space<vmem>> -> memref<1x125xi32, #tpu.memory_space<vmem>>
        %dma_wait3A_498 = tpu.memref_squeeze %dma_wait3A_497 : memref<1x125xi32, #tpu.memory_space<vmem>> -> memref<125xi32, #tpu.memory_space<vmem>>
        %dma_wait3A_499 = arith.constant 0 : i32
        %dma_wait3A_500 = arith.constant 0 : i32
        %dma_wait3A_501 = tpu.memref_slice %arg12[%dma_wait3A_499, %dma_wait3A_500] : memref<10240x64xf32, #tpu.memory_space<vmem_shared>> -> memref<10240x64xf32, #tpu.memory_space<vmem_shared>>
        tpu.wait_indirect_dma semaphore(%run_scoped3A_481 : memref<!tpu.dma_semaphore, #tpu.memory_space<semaphore_mem>>) src(%dma_wait3A_495 : memref<125x64xf32, #tpu.memory_space<vmem>>) dst(%dma_wait3A_501 : memref<10240x64xf32, #tpu.memory_space<vmem_shared>>)
        tpu.yield
      }) : () -> ()
      %mul3A_341 = arith.constant 4 : i32
      %mul3A_342 = arith.muli %mul3A_265, %mul3A_341 : i32
      %add3A_343 = arith.constant 2 : i32
      %add3A_344 = arith.addi %mul3A_342, %add3A_343 : i32
      %run_scoped3A_345 = arith.constant 0 : i32
      %run_scoped3A_346 = arith.constant 2 : i32
      "tpu.region"() ({
        %run_scoped3A_481 = tpu.sem_alloc : memref<!tpu.dma_semaphore, #tpu.memory_space<semaphore_mem>>
        %dma_start3A_482 = arith.constant 0 : i32
        %dma_start3A_483 = arith.constant 0 : i32
        %dma_start3A_484 = tpu.memref_slice %arg9[%run_scoped3A_345, %run_scoped3A_346, %dma_start3A_482, %dma_start3A_483] : memref<2x4x125x64xf32, #tpu.memory_space<vmem>> -> memref<1x1x125x64xf32, #tpu.memory_space<vmem>>
        %dma_start3A_485 = tpu.memref_squeeze %dma_start3A_484 : memref<1x1x125x64xf32, #tpu.memory_space<vmem>> -> memref<125x64xf32, #tpu.memory_space<vmem>>
        %dma_start3A_486 = arith.constant 0 : i32
        %dma_start3A_487 = tpu.memref_slice %arg8[%add3A_344, %dma_start3A_486] : memref<80x125xi32, #tpu.memory_space<vmem>> -> memref<1x125xi32, #tpu.memory_space<vmem>>
        %dma_start3A_488 = tpu.memref_squeeze %dma_start3A_487 : memref<1x125xi32, #tpu.memory_space<vmem>> -> memref<125xi32, #tpu.memory_space<vmem>>
        %dma_start3A_489 = arith.constant 0 : i32
        %dma_start3A_490 = arith.constant 0 : i32
        %dma_start3A_491 = tpu.memref_slice %arg12[%dma_start3A_489, %dma_start3A_490] : memref<10240x64xf32, #tpu.memory_space<vmem_shared>> -> memref<10240x64xf32, #tpu.memory_space<vmem_shared>>
        tpu.enqueue_indirect_dma source(%dma_start3A_485 : memref<125x64xf32, #tpu.memory_space<vmem>>) target(%dma_start3A_491 : memref<10240x64xf32, #tpu.memory_space<vmem_shared>>) offsets(%dma_start3A_488 : memref<125xi32, #tpu.memory_space<vmem>>) semaphore(%run_scoped3A_481 : memref<!tpu.dma_semaphore, #tpu.memory_space<semaphore_mem>>) {add = true}
        %dma_wait3A_492 = arith.constant 0 : i32
        %dma_wait3A_493 = arith.constant 0 : i32
        %dma_wait3A_494 = tpu.memref_slice %arg9[%run_scoped3A_345, %run_scoped3A_346, %dma_wait3A_492, %dma_wait3A_493] : memref<2x4x125x64xf32, #tpu.memory_space<vmem>> -> memref<1x1x125x64xf32, #tpu.memory_space<vmem>>
        %dma_wait3A_495 = tpu.memref_squeeze %dma_wait3A_494 : memref<1x1x125x64xf32, #tpu.memory_space<vmem>> -> memref<125x64xf32, #tpu.memory_space<vmem>>
        %dma_wait3A_496 = arith.constant 0 : i32
        %dma_wait3A_497 = tpu.memref_slice %arg8[%add3A_344, %dma_wait3A_496] : memref<80x125xi32, #tpu.memory_space<vmem>> -> memref<1x125xi32, #tpu.memory_space<vmem>>
        %dma_wait3A_498 = tpu.memref_squeeze %dma_wait3A_497 : memref<1x125xi32, #tpu.memory_space<vmem>> -> memref<125xi32, #tpu.memory_space<vmem>>
        %dma_wait3A_499 = arith.constant 0 : i32
        %dma_wait3A_500 = arith.constant 0 : i32
        %dma_wait3A_501 = tpu.memref_slice %arg12[%dma_wait3A_499, %dma_wait3A_500] : memref<10240x64xf32, #tpu.memory_space<vmem_shared>> -> memref<10240x64xf32, #tpu.memory_space<vmem_shared>>
        tpu.wait_indirect_dma semaphore(%run_scoped3A_481 : memref<!tpu.dma_semaphore, #tpu.memory_space<semaphore_mem>>) src(%dma_wait3A_495 : memref<125x64xf32, #tpu.memory_space<vmem>>) dst(%dma_wait3A_501 : memref<10240x64xf32, #tpu.memory_space<vmem_shared>>)
        tpu.yield
      }) : () -> ()
      %mul3A_347 = arith.constant 4 : i32
      %mul3A_348 = arith.muli %mul3A_265, %mul3A_347 : i32
      %add3A_349 = arith.constant 3 : i32
      %add3A_350 = arith.addi %mul3A_348, %add3A_349 : i32
      %run_scoped3A_351 = arith.constant 0 : i32
      %run_scoped3A_352 = arith.constant 3 : i32
      "tpu.region"() ({
        %run_scoped3A_481 = tpu.sem_alloc : memref<!tpu.dma_semaphore, #tpu.memory_space<semaphore_mem>>
        %dma_start3A_482 = arith.constant 0 : i32
        %dma_start3A_483 = arith.constant 0 : i32
        %dma_start3A_484 = tpu.memref_slice %arg9[%run_scoped3A_351, %run_scoped3A_352, %dma_start3A_482, %dma_start3A_483] : memref<2x4x125x64xf32, #tpu.memory_space<vmem>> -> memref<1x1x125x64xf32, #tpu.memory_space<vmem>>
        %dma_start3A_485 = tpu.memref_squeeze %dma_start3A_484 : memref<1x1x125x64xf32, #tpu.memory_space<vmem>> -> memref<125x64xf32, #tpu.memory_space<vmem>>
        %dma_start3A_486 = arith.constant 0 : i32
        %dma_start3A_487 = tpu.memref_slice %arg8[%add3A_350, %dma_start3A_486] : memref<80x125xi32, #tpu.memory_space<vmem>> -> memref<1x125xi32, #tpu.memory_space<vmem>>
        %dma_start3A_488 = tpu.memref_squeeze %dma_start3A_487 : memref<1x125xi32, #tpu.memory_space<vmem>> -> memref<125xi32, #tpu.memory_space<vmem>>
        %dma_start3A_489 = arith.constant 0 : i32
        %dma_start3A_490 = arith.constant 0 : i32
        %dma_start3A_491 = tpu.memref_slice %arg12[%dma_start3A_489, %dma_start3A_490] : memref<10240x64xf32, #tpu.memory_space<vmem_shared>> -> memref<10240x64xf32, #tpu.memory_space<vmem_shared>>
        tpu.enqueue_indirect_dma source(%dma_start3A_485 : memref<125x64xf32, #tpu.memory_space<vmem>>) target(%dma_start3A_491 : memref<10240x64xf32, #tpu.memory_space<vmem_shared>>) offsets(%dma_start3A_488 : memref<125xi32, #tpu.memory_space<vmem>>) semaphore(%run_scoped3A_481 : memref<!tpu.dma_semaphore, #tpu.memory_space<semaphore_mem>>) {add = true}
        %dma_wait3A_492 = arith.constant 0 : i32
        %dma_wait3A_493 = arith.constant 0 : i32
        %dma_wait3A_494 = tpu.memref_slice %arg9[%run_scoped3A_351, %run_scoped3A_352, %dma_wait3A_492, %dma_wait3A_493] : memref<2x4x125x64xf32, #tpu.memory_space<vmem>> -> memref<1x1x125x64xf32, #tpu.memory_space<vmem>>
        %dma_wait3A_495 = tpu.memref_squeeze %dma_wait3A_494 : memref<1x1x125x64xf32, #tpu.memory_space<vmem>> -> memref<125x64xf32, #tpu.memory_space<vmem>>
        %dma_wait3A_496 = arith.constant 0 : i32
        %dma_wait3A_497 = tpu.memref_slice %arg8[%add3A_350, %dma_wait3A_496] : memref<80x125xi32, #tpu.memory_space<vmem>> -> memref<1x125xi32, #tpu.memory_space<vmem>>
        %dma_wait3A_498 = tpu.memref_squeeze %dma_wait3A_497 : memref<1x125xi32, #tpu.memory_space<vmem>> -> memref<125xi32, #tpu.memory_space<vmem>>
        %dma_wait3A_499 = arith.constant 0 : i32
        %dma_wait3A_500 = arith.constant 0 : i32
        %dma_wait3A_501 = tpu.memref_slice %arg12[%dma_wait3A_499, %dma_wait3A_500] : memref<10240x64xf32, #tpu.memory_space<vmem_shared>> -> memref<10240x64xf32, #tpu.memory_space<vmem_shared>>
        tpu.wait_indirect_dma semaphore(%run_scoped3A_481 : memref<!tpu.dma_semaphore, #tpu.memory_space<semaphore_mem>>) src(%dma_wait3A_495 : memref<125x64xf32, #tpu.memory_space<vmem>>) dst(%dma_wait3A_501 : memref<10240x64xf32, #tpu.memory_space<vmem_shared>>)
        tpu.yield
      }) : () -> ()
      %mul3A_353 = arith.constant 4 : i32
      %mul3A_354 = arith.muli %mul3A_265, %mul3A_353 : i32
      %add3A_355 = arith.constant 0 : i32
      %add3A_356 = arith.addi %mul3A_354, %add3A_355 : i32
      "tpu.region"() ({
        %run_scoped3A_481 = tpu.sem_alloc : memref<!tpu.dma_semaphore, #tpu.memory_space<semaphore_mem>>
        %dma_start3A_482 = arith.constant 0 : i32
        %dma_start3A_483 = tpu.memref_slice %arg8[%add3A_356, %dma_start3A_482] : memref<80x125xi32, #tpu.memory_space<vmem>> -> memref<1x125xi32, #tpu.memory_space<vmem>>
        %dma_start3A_484 = tpu.memref_squeeze %dma_start3A_483 : memref<1x125xi32, #tpu.memory_space<vmem>> -> memref<125xi32, #tpu.memory_space<vmem>>
        %dma_start3A_485 = arith.constant 0 : i32
        %dma_start3A_486 = tpu.memref_slice %arg13[%dma_start3A_485] : memref<10240xf32, #tpu.memory_space<vmem_shared>> -> memref<10240xf32, #tpu.memory_space<vmem_shared>>
        tpu.enqueue_indirect_dma source(%arg11 : memref<125xf32, #tpu.memory_space<vmem>>) target(%dma_start3A_486 : memref<10240xf32, #tpu.memory_space<vmem_shared>>) offsets(%dma_start3A_484 : memref<125xi32, #tpu.memory_space<vmem>>) semaphore(%run_scoped3A_481 : memref<!tpu.dma_semaphore, #tpu.memory_space<semaphore_mem>>) {add = true}
        %dma_wait3A_487 = arith.constant 0 : i32
        %dma_wait3A_488 = tpu.memref_slice %arg8[%add3A_356, %dma_wait3A_487] : memref<80x125xi32, #tpu.memory_space<vmem>> -> memref<1x125xi32, #tpu.memory_space<vmem>>
        %dma_wait3A_489 = tpu.memref_squeeze %dma_wait3A_488 : memref<1x125xi32, #tpu.memory_space<vmem>> -> memref<125xi32, #tpu.memory_space<vmem>>
        %dma_wait3A_490 = arith.constant 0 : i32
        %dma_wait3A_491 = tpu.memref_slice %arg13[%dma_wait3A_490] : memref<10240xf32, #tpu.memory_space<vmem_shared>> -> memref<10240xf32, #tpu.memory_space<vmem_shared>>
        tpu.wait_indirect_dma semaphore(%run_scoped3A_481 : memref<!tpu.dma_semaphore, #tpu.memory_space<semaphore_mem>>) src(%arg11 : memref<125xf32, #tpu.memory_space<vmem>>) dst(%dma_wait3A_491 : memref<10240xf32, #tpu.memory_space<vmem_shared>>)
        tpu.yield
      }) : () -> ()
      %mul3A_357 = arith.constant 4 : i32
      %mul3A_358 = arith.muli %mul3A_265, %mul3A_357 : i32
      %add3A_359 = arith.constant 1 : i32
      %add3A_360 = arith.addi %mul3A_358, %add3A_359 : i32
      "tpu.region"() ({
        %run_scoped3A_481 = tpu.sem_alloc : memref<!tpu.dma_semaphore, #tpu.memory_space<semaphore_mem>>
        %dma_start3A_482 = arith.constant 0 : i32
        %dma_start3A_483 = tpu.memref_slice %arg8[%add3A_360, %dma_start3A_482] : memref<80x125xi32, #tpu.memory_space<vmem>> -> memref<1x125xi32, #tpu.memory_space<vmem>>
        %dma_start3A_484 = tpu.memref_squeeze %dma_start3A_483 : memref<1x125xi32, #tpu.memory_space<vmem>> -> memref<125xi32, #tpu.memory_space<vmem>>
        %dma_start3A_485 = arith.constant 0 : i32
        %dma_start3A_486 = tpu.memref_slice %arg13[%dma_start3A_485] : memref<10240xf32, #tpu.memory_space<vmem_shared>> -> memref<10240xf32, #tpu.memory_space<vmem_shared>>
        tpu.enqueue_indirect_dma source(%arg11 : memref<125xf32, #tpu.memory_space<vmem>>) target(%dma_start3A_486 : memref<10240xf32, #tpu.memory_space<vmem_shared>>) offsets(%dma_start3A_484 : memref<125xi32, #tpu.memory_space<vmem>>) semaphore(%run_scoped3A_481 : memref<!tpu.dma_semaphore, #tpu.memory_space<semaphore_mem>>) {add = true}
        %dma_wait3A_487 = arith.constant 0 : i32
        %dma_wait3A_488 = tpu.memref_slice %arg8[%add3A_360, %dma_wait3A_487] : memref<80x125xi32, #tpu.memory_space<vmem>> -> memref<1x125xi32, #tpu.memory_space<vmem>>
        %dma_wait3A_489 = tpu.memref_squeeze %dma_wait3A_488 : memref<1x125xi32, #tpu.memory_space<vmem>> -> memref<125xi32, #tpu.memory_space<vmem>>
        %dma_wait3A_490 = arith.constant 0 : i32
        %dma_wait3A_491 = tpu.memref_slice %arg13[%dma_wait3A_490] : memref<10240xf32, #tpu.memory_space<vmem_shared>> -> memref<10240xf32, #tpu.memory_space<vmem_shared>>
        tpu.wait_indirect_dma semaphore(%run_scoped3A_481 : memref<!tpu.dma_semaphore, #tpu.memory_space<semaphore_mem>>) src(%arg11 : memref<125xf32, #tpu.memory_space<vmem>>) dst(%dma_wait3A_491 : memref<10240xf32, #tpu.memory_space<vmem_shared>>)
        tpu.yield
      }) : () -> ()
      %mul3A_361 = arith.constant 4 : i32
      %mul3A_362 = arith.muli %mul3A_265, %mul3A_361 : i32
      %add3A_363 = arith.constant 2 : i32
      %add3A_364 = arith.addi %mul3A_362, %add3A_363 : i32
      "tpu.region"() ({
        %run_scoped3A_481 = tpu.sem_alloc : memref<!tpu.dma_semaphore, #tpu.memory_space<semaphore_mem>>
        %dma_start3A_482 = arith.constant 0 : i32
        %dma_start3A_483 = tpu.memref_slice %arg8[%add3A_364, %dma_start3A_482] : memref<80x125xi32, #tpu.memory_space<vmem>> -> memref<1x125xi32, #tpu.memory_space<vmem>>
        %dma_start3A_484 = tpu.memref_squeeze %dma_start3A_483 : memref<1x125xi32, #tpu.memory_space<vmem>> -> memref<125xi32, #tpu.memory_space<vmem>>
        %dma_start3A_485 = arith.constant 0 : i32
        %dma_start3A_486 = tpu.memref_slice %arg13[%dma_start3A_485] : memref<10240xf32, #tpu.memory_space<vmem_shared>> -> memref<10240xf32, #tpu.memory_space<vmem_shared>>
        tpu.enqueue_indirect_dma source(%arg11 : memref<125xf32, #tpu.memory_space<vmem>>) target(%dma_start3A_486 : memref<10240xf32, #tpu.memory_space<vmem_shared>>) offsets(%dma_start3A_484 : memref<125xi32, #tpu.memory_space<vmem>>) semaphore(%run_scoped3A_481 : memref<!tpu.dma_semaphore, #tpu.memory_space<semaphore_mem>>) {add = true}
        %dma_wait3A_487 = arith.constant 0 : i32
        %dma_wait3A_488 = tpu.memref_slice %arg8[%add3A_364, %dma_wait3A_487] : memref<80x125xi32, #tpu.memory_space<vmem>> -> memref<1x125xi32, #tpu.memory_space<vmem>>
        %dma_wait3A_489 = tpu.memref_squeeze %dma_wait3A_488 : memref<1x125xi32, #tpu.memory_space<vmem>> -> memref<125xi32, #tpu.memory_space<vmem>>
        %dma_wait3A_490 = arith.constant 0 : i32
        %dma_wait3A_491 = tpu.memref_slice %arg13[%dma_wait3A_490] : memref<10240xf32, #tpu.memory_space<vmem_shared>> -> memref<10240xf32, #tpu.memory_space<vmem_shared>>
        tpu.wait_indirect_dma semaphore(%run_scoped3A_481 : memref<!tpu.dma_semaphore, #tpu.memory_space<semaphore_mem>>) src(%arg11 : memref<125xf32, #tpu.memory_space<vmem>>) dst(%dma_wait3A_491 : memref<10240xf32, #tpu.memory_space<vmem_shared>>)
        tpu.yield
      }) : () -> ()
      %mul3A_365 = arith.constant 4 : i32
      %mul3A_366 = arith.muli %mul3A_265, %mul3A_365 : i32
      %add3A_367 = arith.constant 3 : i32
      %add3A_368 = arith.addi %mul3A_366, %add3A_367 : i32
      "tpu.region"() ({
        %run_scoped3A_481 = tpu.sem_alloc : memref<!tpu.dma_semaphore, #tpu.memory_space<semaphore_mem>>
        %dma_start3A_482 = arith.constant 0 : i32
        %dma_start3A_483 = tpu.memref_slice %arg8[%add3A_368, %dma_start3A_482] : memref<80x125xi32, #tpu.memory_space<vmem>> -> memref<1x125xi32, #tpu.memory_space<vmem>>
        %dma_start3A_484 = tpu.memref_squeeze %dma_start3A_483 : memref<1x125xi32, #tpu.memory_space<vmem>> -> memref<125xi32, #tpu.memory_space<vmem>>
        %dma_start3A_485 = arith.constant 0 : i32
        %dma_start3A_486 = tpu.memref_slice %arg13[%dma_start3A_485] : memref<10240xf32, #tpu.memory_space<vmem_shared>> -> memref<10240xf32, #tpu.memory_space<vmem_shared>>
        tpu.enqueue_indirect_dma source(%arg11 : memref<125xf32, #tpu.memory_space<vmem>>) target(%dma_start3A_486 : memref<10240xf32, #tpu.memory_space<vmem_shared>>) offsets(%dma_start3A_484 : memref<125xi32, #tpu.memory_space<vmem>>) semaphore(%run_scoped3A_481 : memref<!tpu.dma_semaphore, #tpu.memory_space<semaphore_mem>>) {add = true}
        %dma_wait3A_487 = arith.constant 0 : i32
        %dma_wait3A_488 = tpu.memref_slice %arg8[%add3A_368, %dma_wait3A_487] : memref<80x125xi32, #tpu.memory_space<vmem>> -> memref<1x125xi32, #tpu.memory_space<vmem>>
        %dma_wait3A_489 = tpu.memref_squeeze %dma_wait3A_488 : memref<1x125xi32, #tpu.memory_space<vmem>> -> memref<125xi32, #tpu.memory_space<vmem>>
        %dma_wait3A_490 = arith.constant 0 : i32
        %dma_wait3A_491 = tpu.memref_slice %arg13[%dma_wait3A_490] : memref<10240xf32, #tpu.memory_space<vmem_shared>> -> memref<10240xf32, #tpu.memory_space<vmem_shared>>
        tpu.wait_indirect_dma semaphore(%run_scoped3A_481 : memref<!tpu.dma_semaphore, #tpu.memory_space<semaphore_mem>>) src(%arg11 : memref<125xf32, #tpu.memory_space<vmem>>) dst(%dma_wait3A_491 : memref<10240xf32, #tpu.memory_space<vmem_shared>>)
        tpu.yield
      }) : () -> ()
      %lt3A = arith.constant 9 : i32
      %lt3A_369 = arith.cmpi slt, %scan3A_195, %lt3A : i32
      %convert_element_type3A_370 = arith.extui %lt3A_369 : i1 to i32
      %cond3A_371 = arith.constant 0 : i32
      %cond3A_372 = arith.cmpi ne, %convert_element_type3A_370, %cond3A_371 : i32
      scf.if %cond3A_372 {
        %mul3A_481 = arith.constant 2 : i32
        %mul3A_482 = arith.muli %mul3A_481, %scan3A_195 : i32
        %add3A_483 = arith.constant 2 : i32
        %add3A_484 = arith.addi %mul3A_482, %add3A_483 : i32
        %mul3A_485 = arith.constant 4 : i32
        %mul3A_486 = arith.muli %add3A_484, %mul3A_485 : i32
        %add3A_487 = arith.constant 0 : i32
        %add3A_488 = arith.addi %mul3A_486, %add3A_487 : i32
        %dma_start3A_489 = arith.constant 0 : i32
        %dma_start3A_490 = arith.constant 0 : i32
        %dma_start3A_491 = arith.constant 0 : i32
        %dma_start3A_492 = arith.constant 0 : i32
        %dma_start3A_493 = tpu.memref_slice %arg9[%dma_start3A_489, %dma_start3A_490, %dma_start3A_491, %dma_start3A_492] : memref<2x4x125x64xf32, #tpu.memory_space<vmem>> -> memref<1x1x125x64xf32, #tpu.memory_space<vmem>>
        %dma_start3A_494 = tpu.memref_squeeze %dma_start3A_493 : memref<1x1x125x64xf32, #tpu.memory_space<vmem>> -> memref<125x64xf32, #tpu.memory_space<vmem>>
        %dma_start3A_495 = arith.constant 0 : i32
        %dma_start3A_496 = tpu.memref_slice %arg7[%add3A_488, %dma_start3A_495] : memref<80x125xi32, #tpu.memory_space<vmem>> -> memref<1x125xi32, #tpu.memory_space<vmem>>
        %dma_start3A_497 = tpu.memref_squeeze %dma_start3A_496 : memref<1x125xi32, #tpu.memory_space<vmem>> -> memref<125xi32, #tpu.memory_space<vmem>>
        %dma_start3A_498 = arith.constant 0 : i32
        %dma_start3A_499 = arith.constant 0 : i32
        %dma_start3A_500 = tpu.memref_slice %arg2[%dma_start3A_498, %dma_start3A_499] : memref<10000x64xf32, #tpu.memory_space<hbm>> -> memref<10000x64xf32, #tpu.memory_space<hbm>>
        tpu.enqueue_indirect_dma source(%dma_start3A_500 : memref<10000x64xf32, #tpu.memory_space<hbm>>) target(%dma_start3A_494 : memref<125x64xf32, #tpu.memory_space<vmem>>) offsets(%dma_start3A_497 : memref<125xi32, #tpu.memory_space<vmem>>) semaphore(%arg14 : memref<!tpu.dma_semaphore, #tpu.memory_space<semaphore_mem>>)
        %mul3A_501 = arith.constant 4 : i32
        %mul3A_502 = arith.muli %add3A_484, %mul3A_501 : i32
        %add3A_503 = arith.constant 1 : i32
        %add3A_504 = arith.addi %mul3A_502, %add3A_503 : i32
        %dma_start3A_505 = arith.constant 0 : i32
        %dma_start3A_506 = arith.constant 1 : i32
        %dma_start3A_507 = arith.constant 0 : i32
        %dma_start3A_508 = arith.constant 0 : i32
        %dma_start3A_509 = tpu.memref_slice %arg9[%dma_start3A_505, %dma_start3A_506, %dma_start3A_507, %dma_start3A_508] : memref<2x4x125x64xf32, #tpu.memory_space<vmem>> -> memref<1x1x125x64xf32, #tpu.memory_space<vmem>>
        %dma_start3A_510 = tpu.memref_squeeze %dma_start3A_509 : memref<1x1x125x64xf32, #tpu.memory_space<vmem>> -> memref<125x64xf32, #tpu.memory_space<vmem>>
        %dma_start3A_511 = arith.constant 0 : i32
        %dma_start3A_512 = tpu.memref_slice %arg7[%add3A_504, %dma_start3A_511] : memref<80x125xi32, #tpu.memory_space<vmem>> -> memref<1x125xi32, #tpu.memory_space<vmem>>
        %dma_start3A_513 = tpu.memref_squeeze %dma_start3A_512 : memref<1x125xi32, #tpu.memory_space<vmem>> -> memref<125xi32, #tpu.memory_space<vmem>>
        %dma_start3A_514 = arith.constant 0 : i32
        %dma_start3A_515 = arith.constant 0 : i32
        %dma_start3A_516 = tpu.memref_slice %arg2[%dma_start3A_514, %dma_start3A_515] : memref<10000x64xf32, #tpu.memory_space<hbm>> -> memref<10000x64xf32, #tpu.memory_space<hbm>>
        tpu.enqueue_indirect_dma source(%dma_start3A_516 : memref<10000x64xf32, #tpu.memory_space<hbm>>) target(%dma_start3A_510 : memref<125x64xf32, #tpu.memory_space<vmem>>) offsets(%dma_start3A_513 : memref<125xi32, #tpu.memory_space<vmem>>) semaphore(%arg14 : memref<!tpu.dma_semaphore, #tpu.memory_space<semaphore_mem>>)
        %mul3A_517 = arith.constant 4 : i32
        %mul3A_518 = arith.muli %add3A_484, %mul3A_517 : i32
        %add3A_519 = arith.constant 2 : i32
        %add3A_520 = arith.addi %mul3A_518, %add3A_519 : i32
        %dma_start3A_521 = arith.constant 0 : i32
        %dma_start3A_522 = arith.constant 2 : i32
        %dma_start3A_523 = arith.constant 0 : i32
        %dma_start3A_524 = arith.constant 0 : i32
        %dma_start3A_525 = tpu.memref_slice %arg9[%dma_start3A_521, %dma_start3A_522, %dma_start3A_523, %dma_start3A_524] : memref<2x4x125x64xf32, #tpu.memory_space<vmem>> -> memref<1x1x125x64xf32, #tpu.memory_space<vmem>>
        %dma_start3A_526 = tpu.memref_squeeze %dma_start3A_525 : memref<1x1x125x64xf32, #tpu.memory_space<vmem>> -> memref<125x64xf32, #tpu.memory_space<vmem>>
        %dma_start3A_527 = arith.constant 0 : i32
        %dma_start3A_528 = tpu.memref_slice %arg7[%add3A_520, %dma_start3A_527] : memref<80x125xi32, #tpu.memory_space<vmem>> -> memref<1x125xi32, #tpu.memory_space<vmem>>
        %dma_start3A_529 = tpu.memref_squeeze %dma_start3A_528 : memref<1x125xi32, #tpu.memory_space<vmem>> -> memref<125xi32, #tpu.memory_space<vmem>>
        %dma_start3A_530 = arith.constant 0 : i32
        %dma_start3A_531 = arith.constant 0 : i32
        %dma_start3A_532 = tpu.memref_slice %arg2[%dma_start3A_530, %dma_start3A_531] : memref<10000x64xf32, #tpu.memory_space<hbm>> -> memref<10000x64xf32, #tpu.memory_space<hbm>>
        tpu.enqueue_indirect_dma source(%dma_start3A_532 : memref<10000x64xf32, #tpu.memory_space<hbm>>) target(%dma_start3A_526 : memref<125x64xf32, #tpu.memory_space<vmem>>) offsets(%dma_start3A_529 : memref<125xi32, #tpu.memory_space<vmem>>) semaphore(%arg14 : memref<!tpu.dma_semaphore, #tpu.memory_space<semaphore_mem>>)
        %mul3A_533 = arith.constant 4 : i32
        %mul3A_534 = arith.muli %add3A_484, %mul3A_533 : i32
        %add3A_535 = arith.constant 3 : i32
        %add3A_536 = arith.addi %mul3A_534, %add3A_535 : i32
        %dma_start3A_537 = arith.constant 0 : i32
        %dma_start3A_538 = arith.constant 3 : i32
        %dma_start3A_539 = arith.constant 0 : i32
        %dma_start3A_540 = arith.constant 0 : i32
        %dma_start3A_541 = tpu.memref_slice %arg9[%dma_start3A_537, %dma_start3A_538, %dma_start3A_539, %dma_start3A_540] : memref<2x4x125x64xf32, #tpu.memory_space<vmem>> -> memref<1x1x125x64xf32, #tpu.memory_space<vmem>>
        %dma_start3A_542 = tpu.memref_squeeze %dma_start3A_541 : memref<1x1x125x64xf32, #tpu.memory_space<vmem>> -> memref<125x64xf32, #tpu.memory_space<vmem>>
        %dma_start3A_543 = arith.constant 0 : i32
        %dma_start3A_544 = tpu.memref_slice %arg7[%add3A_536, %dma_start3A_543] : memref<80x125xi32, #tpu.memory_space<vmem>> -> memref<1x125xi32, #tpu.memory_space<vmem>>
        %dma_start3A_545 = tpu.memref_squeeze %dma_start3A_544 : memref<1x125xi32, #tpu.memory_space<vmem>> -> memref<125xi32, #tpu.memory_space<vmem>>
        %dma_start3A_546 = arith.constant 0 : i32
        %dma_start3A_547 = arith.constant 0 : i32
        %dma_start3A_548 = tpu.memref_slice %arg2[%dma_start3A_546, %dma_start3A_547] : memref<10000x64xf32, #tpu.memory_space<hbm>> -> memref<10000x64xf32, #tpu.memory_space<hbm>>
        tpu.enqueue_indirect_dma source(%dma_start3A_548 : memref<10000x64xf32, #tpu.memory_space<hbm>>) target(%dma_start3A_542 : memref<125x64xf32, #tpu.memory_space<vmem>>) offsets(%dma_start3A_545 : memref<125xi32, #tpu.memory_space<vmem>>) semaphore(%arg14 : memref<!tpu.dma_semaphore, #tpu.memory_space<semaphore_mem>>)
      } else {
      }
      %mul3A_373 = arith.constant 2 : i32
      %mul3A_374 = arith.muli %mul3A_373, %scan3A_195 : i32
      %add3A_375 = arith.constant 1 : i32
      %add3A_376 = arith.addi %mul3A_374, %add3A_375 : i32
      %mul3A_377 = arith.constant 4 : i32
      %mul3A_378 = arith.muli %add3A_376, %mul3A_377 : i32
      %add3A_379 = arith.constant 0 : i32
      %add3A_380 = arith.addi %mul3A_378, %add3A_379 : i32
      %dma_wait3A_381 = arith.constant 1 : i32
      %dma_wait3A_382 = arith.constant 0 : i32
      %dma_wait3A_383 = arith.constant 0 : i32
      %dma_wait3A_384 = arith.constant 0 : i32
      %dma_wait3A_385 = tpu.memref_slice %arg9[%dma_wait3A_381, %dma_wait3A_382, %dma_wait3A_383, %dma_wait3A_384] : memref<2x4x125x64xf32, #tpu.memory_space<vmem>> -> memref<1x1x125x64xf32, #tpu.memory_space<vmem>>
      %dma_wait3A_386 = tpu.memref_squeeze %dma_wait3A_385 : memref<1x1x125x64xf32, #tpu.memory_space<vmem>> -> memref<125x64xf32, #tpu.memory_space<vmem>>
      %dma_wait3A_387 = arith.constant 0 : i32
      %dma_wait3A_388 = tpu.memref_slice %arg7[%add3A_380, %dma_wait3A_387] : memref<80x125xi32, #tpu.memory_space<vmem>> -> memref<1x125xi32, #tpu.memory_space<vmem>>
      %dma_wait3A_389 = tpu.memref_squeeze %dma_wait3A_388 : memref<1x125xi32, #tpu.memory_space<vmem>> -> memref<125xi32, #tpu.memory_space<vmem>>
      %dma_wait3A_390 = arith.constant 0 : i32
      %dma_wait3A_391 = arith.constant 0 : i32
      %dma_wait3A_392 = tpu.memref_slice %arg2[%dma_wait3A_390, %dma_wait3A_391] : memref<10000x64xf32, #tpu.memory_space<hbm>> -> memref<10000x64xf32, #tpu.memory_space<hbm>>
      tpu.wait_indirect_dma semaphore(%arg15 : memref<!tpu.dma_semaphore, #tpu.memory_space<semaphore_mem>>) src(%dma_wait3A_392 : memref<10000x64xf32, #tpu.memory_space<hbm>>) dst(%dma_wait3A_386 : memref<125x64xf32, #tpu.memory_space<vmem>>)
      %mul3A_393 = arith.constant 4 : i32
      %mul3A_394 = arith.muli %add3A_376, %mul3A_393 : i32
      %add3A_395 = arith.constant 1 : i32
      %add3A_396 = arith.addi %mul3A_394, %add3A_395 : i32
      %dma_wait3A_397 = arith.constant 1 : i32
      %dma_wait3A_398 = arith.constant 1 : i32
      %dma_wait3A_399 = arith.constant 0 : i32
      %dma_wait3A_400 = arith.constant 0 : i32
      %dma_wait3A_401 = tpu.memref_slice %arg9[%dma_wait3A_397, %dma_wait3A_398, %dma_wait3A_399, %dma_wait3A_400] : memref<2x4x125x64xf32, #tpu.memory_space<vmem>> -> memref<1x1x125x64xf32, #tpu.memory_space<vmem>>
      %dma_wait3A_402 = tpu.memref_squeeze %dma_wait3A_401 : memref<1x1x125x64xf32, #tpu.memory_space<vmem>> -> memref<125x64xf32, #tpu.memory_space<vmem>>
      %dma_wait3A_403 = arith.constant 0 : i32
      %dma_wait3A_404 = tpu.memref_slice %arg7[%add3A_396, %dma_wait3A_403] : memref<80x125xi32, #tpu.memory_space<vmem>> -> memref<1x125xi32, #tpu.memory_space<vmem>>
      %dma_wait3A_405 = tpu.memref_squeeze %dma_wait3A_404 : memref<1x125xi32, #tpu.memory_space<vmem>> -> memref<125xi32, #tpu.memory_space<vmem>>
      %dma_wait3A_406 = arith.constant 0 : i32
      %dma_wait3A_407 = arith.constant 0 : i32
      %dma_wait3A_408 = tpu.memref_slice %arg2[%dma_wait3A_406, %dma_wait3A_407] : memref<10000x64xf32, #tpu.memory_space<hbm>> -> memref<10000x64xf32, #tpu.memory_space<hbm>>
      tpu.wait_indirect_dma semaphore(%arg15 : memref<!tpu.dma_semaphore, #tpu.memory_space<semaphore_mem>>) src(%dma_wait3A_408 : memref<10000x64xf32, #tpu.memory_space<hbm>>) dst(%dma_wait3A_402 : memref<125x64xf32, #tpu.memory_space<vmem>>)
      %mul3A_409 = arith.constant 4 : i32
      %mul3A_410 = arith.muli %add3A_376, %mul3A_409 : i32
      %add3A_411 = arith.constant 2 : i32
      %add3A_412 = arith.addi %mul3A_410, %add3A_411 : i32
      %dma_wait3A_413 = arith.constant 1 : i32
      %dma_wait3A_414 = arith.constant 2 : i32
      %dma_wait3A_415 = arith.constant 0 : i32
      %dma_wait3A_416 = arith.constant 0 : i32
      %dma_wait3A_417 = tpu.memref_slice %arg9[%dma_wait3A_413, %dma_wait3A_414, %dma_wait3A_415, %dma_wait3A_416] : memref<2x4x125x64xf32, #tpu.memory_space<vmem>> -> memref<1x1x125x64xf32, #tpu.memory_space<vmem>>
      %dma_wait3A_418 = tpu.memref_squeeze %dma_wait3A_417 : memref<1x1x125x64xf32, #tpu.memory_space<vmem>> -> memref<125x64xf32, #tpu.memory_space<vmem>>
      %dma_wait3A_419 = arith.constant 0 : i32
      %dma_wait3A_420 = tpu.memref_slice %arg7[%add3A_412, %dma_wait3A_419] : memref<80x125xi32, #tpu.memory_space<vmem>> -> memref<1x125xi32, #tpu.memory_space<vmem>>
      %dma_wait3A_421 = tpu.memref_squeeze %dma_wait3A_420 : memref<1x125xi32, #tpu.memory_space<vmem>> -> memref<125xi32, #tpu.memory_space<vmem>>
      %dma_wait3A_422 = arith.constant 0 : i32
      %dma_wait3A_423 = arith.constant 0 : i32
      %dma_wait3A_424 = tpu.memref_slice %arg2[%dma_wait3A_422, %dma_wait3A_423] : memref<10000x64xf32, #tpu.memory_space<hbm>> -> memref<10000x64xf32, #tpu.memory_space<hbm>>
      tpu.wait_indirect_dma semaphore(%arg15 : memref<!tpu.dma_semaphore, #tpu.memory_space<semaphore_mem>>) src(%dma_wait3A_424 : memref<10000x64xf32, #tpu.memory_space<hbm>>) dst(%dma_wait3A_418 : memref<125x64xf32, #tpu.memory_space<vmem>>)
      %mul3A_425 = arith.constant 4 : i32
      %mul3A_426 = arith.muli %add3A_376, %mul3A_425 : i32
      %add3A_427 = arith.constant 3 : i32
      %add3A_428 = arith.addi %mul3A_426, %add3A_427 : i32
      %dma_wait3A_429 = arith.constant 1 : i32
      %dma_wait3A_430 = arith.constant 3 : i32
      %dma_wait3A_431 = arith.constant 0 : i32
      %dma_wait3A_432 = arith.constant 0 : i32
      %dma_wait3A_433 = tpu.memref_slice %arg9[%dma_wait3A_429, %dma_wait3A_430, %dma_wait3A_431, %dma_wait3A_432] : memref<2x4x125x64xf32, #tpu.memory_space<vmem>> -> memref<1x1x125x64xf32, #tpu.memory_space<vmem>>
      %dma_wait3A_434 = tpu.memref_squeeze %dma_wait3A_433 : memref<1x1x125x64xf32, #tpu.memory_space<vmem>> -> memref<125x64xf32, #tpu.memory_space<vmem>>
      %dma_wait3A_435 = arith.constant 0 : i32
      %dma_wait3A_436 = tpu.memref_slice %arg7[%add3A_428, %dma_wait3A_435] : memref<80x125xi32, #tpu.memory_space<vmem>> -> memref<1x125xi32, #tpu.memory_space<vmem>>
      %dma_wait3A_437 = tpu.memref_squeeze %dma_wait3A_436 : memref<1x125xi32, #tpu.memory_space<vmem>> -> memref<125xi32, #tpu.memory_space<vmem>>
      %dma_wait3A_438 = arith.constant 0 : i32
      %dma_wait3A_439 = arith.constant 0 : i32
      %dma_wait3A_440 = tpu.memref_slice %arg2[%dma_wait3A_438, %dma_wait3A_439] : memref<10000x64xf32, #tpu.memory_space<hbm>> -> memref<10000x64xf32, #tpu.memory_space<hbm>>
      tpu.wait_indirect_dma semaphore(%arg15 : memref<!tpu.dma_semaphore, #tpu.memory_space<semaphore_mem>>) src(%dma_wait3A_440 : memref<10000x64xf32, #tpu.memory_space<hbm>>) dst(%dma_wait3A_434 : memref<125x64xf32, #tpu.memory_space<vmem>>)
      %mul3A_441 = arith.constant 4 : i32
      %mul3A_442 = arith.muli %add3A_376, %mul3A_441 : i32
      %add3A_443 = arith.constant 0 : i32
      %add3A_444 = arith.addi %mul3A_442, %add3A_443 : i32
      %run_scoped3A_445 = arith.constant 1 : i32
      %run_scoped3A_446 = arith.constant 0 : i32
      "tpu.region"() ({
        %run_scoped3A_481 = tpu.sem_alloc : memref<!tpu.dma_semaphore, #tpu.memory_space<semaphore_mem>>
        %dma_start3A_482 = arith.constant 0 : i32
        %dma_start3A_483 = arith.constant 0 : i32
        %dma_start3A_484 = tpu.memref_slice %arg9[%run_scoped3A_445, %run_scoped3A_446, %dma_start3A_482, %dma_start3A_483] : memref<2x4x125x64xf32, #tpu.memory_space<vmem>> -> memref<1x1x125x64xf32, #tpu.memory_space<vmem>>
        %dma_start3A_485 = tpu.memref_squeeze %dma_start3A_484 : memref<1x1x125x64xf32, #tpu.memory_space<vmem>> -> memref<125x64xf32, #tpu.memory_space<vmem>>
        %dma_start3A_486 = arith.constant 0 : i32
        %dma_start3A_487 = tpu.memref_slice %arg8[%add3A_444, %dma_start3A_486] : memref<80x125xi32, #tpu.memory_space<vmem>> -> memref<1x125xi32, #tpu.memory_space<vmem>>
        %dma_start3A_488 = tpu.memref_squeeze %dma_start3A_487 : memref<1x125xi32, #tpu.memory_space<vmem>> -> memref<125xi32, #tpu.memory_space<vmem>>
        %dma_start3A_489 = arith.constant 0 : i32
        %dma_start3A_490 = arith.constant 0 : i32
        %dma_start3A_491 = tpu.memref_slice %arg12[%dma_start3A_489, %dma_start3A_490] : memref<10240x64xf32, #tpu.memory_space<vmem_shared>> -> memref<10240x64xf32, #tpu.memory_space<vmem_shared>>
        tpu.enqueue_indirect_dma source(%dma_start3A_485 : memref<125x64xf32, #tpu.memory_space<vmem>>) target(%dma_start3A_491 : memref<10240x64xf32, #tpu.memory_space<vmem_shared>>) offsets(%dma_start3A_488 : memref<125xi32, #tpu.memory_space<vmem>>) semaphore(%run_scoped3A_481 : memref<!tpu.dma_semaphore, #tpu.memory_space<semaphore_mem>>) {add = true}
        %dma_wait3A_492 = arith.constant 0 : i32
        %dma_wait3A_493 = arith.constant 0 : i32
        %dma_wait3A_494 = tpu.memref_slice %arg9[%run_scoped3A_445, %run_scoped3A_446, %dma_wait3A_492, %dma_wait3A_493] : memref<2x4x125x64xf32, #tpu.memory_space<vmem>> -> memref<1x1x125x64xf32, #tpu.memory_space<vmem>>
        %dma_wait3A_495 = tpu.memref_squeeze %dma_wait3A_494 : memref<1x1x125x64xf32, #tpu.memory_space<vmem>> -> memref<125x64xf32, #tpu.memory_space<vmem>>
        %dma_wait3A_496 = arith.constant 0 : i32
        %dma_wait3A_497 = tpu.memref_slice %arg8[%add3A_444, %dma_wait3A_496] : memref<80x125xi32, #tpu.memory_space<vmem>> -> memref<1x125xi32, #tpu.memory_space<vmem>>
        %dma_wait3A_498 = tpu.memref_squeeze %dma_wait3A_497 : memref<1x125xi32, #tpu.memory_space<vmem>> -> memref<125xi32, #tpu.memory_space<vmem>>
        %dma_wait3A_499 = arith.constant 0 : i32
        %dma_wait3A_500 = arith.constant 0 : i32
        %dma_wait3A_501 = tpu.memref_slice %arg12[%dma_wait3A_499, %dma_wait3A_500] : memref<10240x64xf32, #tpu.memory_space<vmem_shared>> -> memref<10240x64xf32, #tpu.memory_space<vmem_shared>>
        tpu.wait_indirect_dma semaphore(%run_scoped3A_481 : memref<!tpu.dma_semaphore, #tpu.memory_space<semaphore_mem>>) src(%dma_wait3A_495 : memref<125x64xf32, #tpu.memory_space<vmem>>) dst(%dma_wait3A_501 : memref<10240x64xf32, #tpu.memory_space<vmem_shared>>)
        tpu.yield
      }) : () -> ()
      %mul3A_447 = arith.constant 4 : i32
      %mul3A_448 = arith.muli %add3A_376, %mul3A_447 : i32
      %add3A_449 = arith.constant 1 : i32
      %add3A_450 = arith.addi %mul3A_448, %add3A_449 : i32
      %run_scoped3A_451 = arith.constant 1 : i32
      %run_scoped3A_452 = arith.constant 1 : i32
      "tpu.region"() ({
        %run_scoped3A_481 = tpu.sem_alloc : memref<!tpu.dma_semaphore, #tpu.memory_space<semaphore_mem>>
        %dma_start3A_482 = arith.constant 0 : i32
        %dma_start3A_483 = arith.constant 0 : i32
        %dma_start3A_484 = tpu.memref_slice %arg9[%run_scoped3A_451, %run_scoped3A_452, %dma_start3A_482, %dma_start3A_483] : memref<2x4x125x64xf32, #tpu.memory_space<vmem>> -> memref<1x1x125x64xf32, #tpu.memory_space<vmem>>
        %dma_start3A_485 = tpu.memref_squeeze %dma_start3A_484 : memref<1x1x125x64xf32, #tpu.memory_space<vmem>> -> memref<125x64xf32, #tpu.memory_space<vmem>>
        %dma_start3A_486 = arith.constant 0 : i32
        %dma_start3A_487 = tpu.memref_slice %arg8[%add3A_450, %dma_start3A_486] : memref<80x125xi32, #tpu.memory_space<vmem>> -> memref<1x125xi32, #tpu.memory_space<vmem>>
        %dma_start3A_488 = tpu.memref_squeeze %dma_start3A_487 : memref<1x125xi32, #tpu.memory_space<vmem>> -> memref<125xi32, #tpu.memory_space<vmem>>
        %dma_start3A_489 = arith.constant 0 : i32
        %dma_start3A_490 = arith.constant 0 : i32
        %dma_start3A_491 = tpu.memref_slice %arg12[%dma_start3A_489, %dma_start3A_490] : memref<10240x64xf32, #tpu.memory_space<vmem_shared>> -> memref<10240x64xf32, #tpu.memory_space<vmem_shared>>
        tpu.enqueue_indirect_dma source(%dma_start3A_485 : memref<125x64xf32, #tpu.memory_space<vmem>>) target(%dma_start3A_491 : memref<10240x64xf32, #tpu.memory_space<vmem_shared>>) offsets(%dma_start3A_488 : memref<125xi32, #tpu.memory_space<vmem>>) semaphore(%run_scoped3A_481 : memref<!tpu.dma_semaphore, #tpu.memory_space<semaphore_mem>>) {add = true}
        %dma_wait3A_492 = arith.constant 0 : i32
        %dma_wait3A_493 = arith.constant 0 : i32
        %dma_wait3A_494 = tpu.memref_slice %arg9[%run_scoped3A_451, %run_scoped3A_452, %dma_wait3A_492, %dma_wait3A_493] : memref<2x4x125x64xf32, #tpu.memory_space<vmem>> -> memref<1x1x125x64xf32, #tpu.memory_space<vmem>>
        %dma_wait3A_495 = tpu.memref_squeeze %dma_wait3A_494 : memref<1x1x125x64xf32, #tpu.memory_space<vmem>> -> memref<125x64xf32, #tpu.memory_space<vmem>>
        %dma_wait3A_496 = arith.constant 0 : i32
        %dma_wait3A_497 = tpu.memref_slice %arg8[%add3A_450, %dma_wait3A_496] : memref<80x125xi32, #tpu.memory_space<vmem>> -> memref<1x125xi32, #tpu.memory_space<vmem>>
        %dma_wait3A_498 = tpu.memref_squeeze %dma_wait3A_497 : memref<1x125xi32, #tpu.memory_space<vmem>> -> memref<125xi32, #tpu.memory_space<vmem>>
        %dma_wait3A_499 = arith.constant 0 : i32
        %dma_wait3A_500 = arith.constant 0 : i32
        %dma_wait3A_501 = tpu.memref_slice %arg12[%dma_wait3A_499, %dma_wait3A_500] : memref<10240x64xf32, #tpu.memory_space<vmem_shared>> -> memref<10240x64xf32, #tpu.memory_space<vmem_shared>>
        tpu.wait_indirect_dma semaphore(%run_scoped3A_481 : memref<!tpu.dma_semaphore, #tpu.memory_space<semaphore_mem>>) src(%dma_wait3A_495 : memref<125x64xf32, #tpu.memory_space<vmem>>) dst(%dma_wait3A_501 : memref<10240x64xf32, #tpu.memory_space<vmem_shared>>)
        tpu.yield
      }) : () -> ()
      %mul3A_453 = arith.constant 4 : i32
      %mul3A_454 = arith.muli %add3A_376, %mul3A_453 : i32
      %add3A_455 = arith.constant 2 : i32
      %add3A_456 = arith.addi %mul3A_454, %add3A_455 : i32
      %run_scoped3A_457 = arith.constant 1 : i32
      %run_scoped3A_458 = arith.constant 2 : i32
      "tpu.region"() ({
        %run_scoped3A_481 = tpu.sem_alloc : memref<!tpu.dma_semaphore, #tpu.memory_space<semaphore_mem>>
        %dma_start3A_482 = arith.constant 0 : i32
        %dma_start3A_483 = arith.constant 0 : i32
        %dma_start3A_484 = tpu.memref_slice %arg9[%run_scoped3A_457, %run_scoped3A_458, %dma_start3A_482, %dma_start3A_483] : memref<2x4x125x64xf32, #tpu.memory_space<vmem>> -> memref<1x1x125x64xf32, #tpu.memory_space<vmem>>
        %dma_start3A_485 = tpu.memref_squeeze %dma_start3A_484 : memref<1x1x125x64xf32, #tpu.memory_space<vmem>> -> memref<125x64xf32, #tpu.memory_space<vmem>>
        %dma_start3A_486 = arith.constant 0 : i32
        %dma_start3A_487 = tpu.memref_slice %arg8[%add3A_456, %dma_start3A_486] : memref<80x125xi32, #tpu.memory_space<vmem>> -> memref<1x125xi32, #tpu.memory_space<vmem>>
        %dma_start3A_488 = tpu.memref_squeeze %dma_start3A_487 : memref<1x125xi32, #tpu.memory_space<vmem>> -> memref<125xi32, #tpu.memory_space<vmem>>
        %dma_start3A_489 = arith.constant 0 : i32
        %dma_start3A_490 = arith.constant 0 : i32
        %dma_start3A_491 = tpu.memref_slice %arg12[%dma_start3A_489, %dma_start3A_490] : memref<10240x64xf32, #tpu.memory_space<vmem_shared>> -> memref<10240x64xf32, #tpu.memory_space<vmem_shared>>
        tpu.enqueue_indirect_dma source(%dma_start3A_485 : memref<125x64xf32, #tpu.memory_space<vmem>>) target(%dma_start3A_491 : memref<10240x64xf32, #tpu.memory_space<vmem_shared>>) offsets(%dma_start3A_488 : memref<125xi32, #tpu.memory_space<vmem>>) semaphore(%run_scoped3A_481 : memref<!tpu.dma_semaphore, #tpu.memory_space<semaphore_mem>>) {add = true}
        %dma_wait3A_492 = arith.constant 0 : i32
        %dma_wait3A_493 = arith.constant 0 : i32
        %dma_wait3A_494 = tpu.memref_slice %arg9[%run_scoped3A_457, %run_scoped3A_458, %dma_wait3A_492, %dma_wait3A_493] : memref<2x4x125x64xf32, #tpu.memory_space<vmem>> -> memref<1x1x125x64xf32, #tpu.memory_space<vmem>>
        %dma_wait3A_495 = tpu.memref_squeeze %dma_wait3A_494 : memref<1x1x125x64xf32, #tpu.memory_space<vmem>> -> memref<125x64xf32, #tpu.memory_space<vmem>>
        %dma_wait3A_496 = arith.constant 0 : i32
        %dma_wait3A_497 = tpu.memref_slice %arg8[%add3A_456, %dma_wait3A_496] : memref<80x125xi32, #tpu.memory_space<vmem>> -> memref<1x125xi32, #tpu.memory_space<vmem>>
        %dma_wait3A_498 = tpu.memref_squeeze %dma_wait3A_497 : memref<1x125xi32, #tpu.memory_space<vmem>> -> memref<125xi32, #tpu.memory_space<vmem>>
        %dma_wait3A_499 = arith.constant 0 : i32
        %dma_wait3A_500 = arith.constant 0 : i32
        %dma_wait3A_501 = tpu.memref_slice %arg12[%dma_wait3A_499, %dma_wait3A_500] : memref<10240x64xf32, #tpu.memory_space<vmem_shared>> -> memref<10240x64xf32, #tpu.memory_space<vmem_shared>>
        tpu.wait_indirect_dma semaphore(%run_scoped3A_481 : memref<!tpu.dma_semaphore, #tpu.memory_space<semaphore_mem>>) src(%dma_wait3A_495 : memref<125x64xf32, #tpu.memory_space<vmem>>) dst(%dma_wait3A_501 : memref<10240x64xf32, #tpu.memory_space<vmem_shared>>)
        tpu.yield
      }) : () -> ()
      %mul3A_459 = arith.constant 4 : i32
      %mul3A_460 = arith.muli %add3A_376, %mul3A_459 : i32
      %add3A_461 = arith.constant 3 : i32
      %add3A_462 = arith.addi %mul3A_460, %add3A_461 : i32
      %run_scoped3A_463 = arith.constant 1 : i32
      %run_scoped3A_464 = arith.constant 3 : i32
      "tpu.region"() ({
        %run_scoped3A_481 = tpu.sem_alloc : memref<!tpu.dma_semaphore, #tpu.memory_space<semaphore_mem>>
        %dma_start3A_482 = arith.constant 0 : i32
        %dma_start3A_483 = arith.constant 0 : i32
        %dma_start3A_484 = tpu.memref_slice %arg9[%run_scoped3A_463, %run_scoped3A_464, %dma_start3A_482, %dma_start3A_483] : memref<2x4x125x64xf32, #tpu.memory_space<vmem>> -> memref<1x1x125x64xf32, #tpu.memory_space<vmem>>
        %dma_start3A_485 = tpu.memref_squeeze %dma_start3A_484 : memref<1x1x125x64xf32, #tpu.memory_space<vmem>> -> memref<125x64xf32, #tpu.memory_space<vmem>>
        %dma_start3A_486 = arith.constant 0 : i32
        %dma_start3A_487 = tpu.memref_slice %arg8[%add3A_462, %dma_start3A_486] : memref<80x125xi32, #tpu.memory_space<vmem>> -> memref<1x125xi32, #tpu.memory_space<vmem>>
        %dma_start3A_488 = tpu.memref_squeeze %dma_start3A_487 : memref<1x125xi32, #tpu.memory_space<vmem>> -> memref<125xi32, #tpu.memory_space<vmem>>
        %dma_start3A_489 = arith.constant 0 : i32
        %dma_start3A_490 = arith.constant 0 : i32
        %dma_start3A_491 = tpu.memref_slice %arg12[%dma_start3A_489, %dma_start3A_490] : memref<10240x64xf32, #tpu.memory_space<vmem_shared>> -> memref<10240x64xf32, #tpu.memory_space<vmem_shared>>
        tpu.enqueue_indirect_dma source(%dma_start3A_485 : memref<125x64xf32, #tpu.memory_space<vmem>>) target(%dma_start3A_491 : memref<10240x64xf32, #tpu.memory_space<vmem_shared>>) offsets(%dma_start3A_488 : memref<125xi32, #tpu.memory_space<vmem>>) semaphore(%run_scoped3A_481 : memref<!tpu.dma_semaphore, #tpu.memory_space<semaphore_mem>>) {add = true}
        %dma_wait3A_492 = arith.constant 0 : i32
        %dma_wait3A_493 = arith.constant 0 : i32
        %dma_wait3A_494 = tpu.memref_slice %arg9[%run_scoped3A_463, %run_scoped3A_464, %dma_wait3A_492, %dma_wait3A_493] : memref<2x4x125x64xf32, #tpu.memory_space<vmem>> -> memref<1x1x125x64xf32, #tpu.memory_space<vmem>>
        %dma_wait3A_495 = tpu.memref_squeeze %dma_wait3A_494 : memref<1x1x125x64xf32, #tpu.memory_space<vmem>> -> memref<125x64xf32, #tpu.memory_space<vmem>>
        %dma_wait3A_496 = arith.constant 0 : i32
        %dma_wait3A_497 = tpu.memref_slice %arg8[%add3A_462, %dma_wait3A_496] : memref<80x125xi32, #tpu.memory_space<vmem>> -> memref<1x125xi32, #tpu.memory_space<vmem>>
        %dma_wait3A_498 = tpu.memref_squeeze %dma_wait3A_497 : memref<1x125xi32, #tpu.memory_space<vmem>> -> memref<125xi32, #tpu.memory_space<vmem>>
        %dma_wait3A_499 = arith.constant 0 : i32
        %dma_wait3A_500 = arith.constant 0 : i32
        %dma_wait3A_501 = tpu.memref_slice %arg12[%dma_wait3A_499, %dma_wait3A_500] : memref<10240x64xf32, #tpu.memory_space<vmem_shared>> -> memref<10240x64xf32, #tpu.memory_space<vmem_shared>>
        tpu.wait_indirect_dma semaphore(%run_scoped3A_481 : memref<!tpu.dma_semaphore, #tpu.memory_space<semaphore_mem>>) src(%dma_wait3A_495 : memref<125x64xf32, #tpu.memory_space<vmem>>) dst(%dma_wait3A_501 : memref<10240x64xf32, #tpu.memory_space<vmem_shared>>)
        tpu.yield
      }) : () -> ()
      %mul3A_465 = arith.constant 4 : i32
      %mul3A_466 = arith.muli %add3A_376, %mul3A_465 : i32
      %add3A_467 = arith.constant 0 : i32
      %add3A_468 = arith.addi %mul3A_466, %add3A_467 : i32
      "tpu.region"() ({
        %run_scoped3A_481 = tpu.sem_alloc : memref<!tpu.dma_semaphore, #tpu.memory_space<semaphore_mem>>
        %dma_start3A_482 = arith.constant 0 : i32
        %dma_start3A_483 = tpu.memref_slice %arg8[%add3A_468, %dma_start3A_482] : memref<80x125xi32, #tpu.memory_space<vmem>> -> memref<1x125xi32, #tpu.memory_space<vmem>>
        %dma_start3A_484 = tpu.memref_squeeze %dma_start3A_483 : memref<1x125xi32, #tpu.memory_space<vmem>> -> memref<125xi32, #tpu.memory_space<vmem>>
        %dma_start3A_485 = arith.constant 0 : i32
        %dma_start3A_486 = tpu.memref_slice %arg13[%dma_start3A_485] : memref<10240xf32, #tpu.memory_space<vmem_shared>> -> memref<10240xf32, #tpu.memory_space<vmem_shared>>
        tpu.enqueue_indirect_dma source(%arg11 : memref<125xf32, #tpu.memory_space<vmem>>) target(%dma_start3A_486 : memref<10240xf32, #tpu.memory_space<vmem_shared>>) offsets(%dma_start3A_484 : memref<125xi32, #tpu.memory_space<vmem>>) semaphore(%run_scoped3A_481 : memref<!tpu.dma_semaphore, #tpu.memory_space<semaphore_mem>>) {add = true}
        %dma_wait3A_487 = arith.constant 0 : i32
        %dma_wait3A_488 = tpu.memref_slice %arg8[%add3A_468, %dma_wait3A_487] : memref<80x125xi32, #tpu.memory_space<vmem>> -> memref<1x125xi32, #tpu.memory_space<vmem>>
        %dma_wait3A_489 = tpu.memref_squeeze %dma_wait3A_488 : memref<1x125xi32, #tpu.memory_space<vmem>> -> memref<125xi32, #tpu.memory_space<vmem>>
        %dma_wait3A_490 = arith.constant 0 : i32
        %dma_wait3A_491 = tpu.memref_slice %arg13[%dma_wait3A_490] : memref<10240xf32, #tpu.memory_space<vmem_shared>> -> memref<10240xf32, #tpu.memory_space<vmem_shared>>
        tpu.wait_indirect_dma semaphore(%run_scoped3A_481 : memref<!tpu.dma_semaphore, #tpu.memory_space<semaphore_mem>>) src(%arg11 : memref<125xf32, #tpu.memory_space<vmem>>) dst(%dma_wait3A_491 : memref<10240xf32, #tpu.memory_space<vmem_shared>>)
        tpu.yield
      }) : () -> ()
      %mul3A_469 = arith.constant 4 : i32
      %mul3A_470 = arith.muli %add3A_376, %mul3A_469 : i32
      %add3A_471 = arith.constant 1 : i32
      %add3A_472 = arith.addi %mul3A_470, %add3A_471 : i32
      "tpu.region"() ({
        %run_scoped3A_481 = tpu.sem_alloc : memref<!tpu.dma_semaphore, #tpu.memory_space<semaphore_mem>>
        %dma_start3A_482 = arith.constant 0 : i32
        %dma_start3A_483 = tpu.memref_slice %arg8[%add3A_472, %dma_start3A_482] : memref<80x125xi32, #tpu.memory_space<vmem>> -> memref<1x125xi32, #tpu.memory_space<vmem>>
        %dma_start3A_484 = tpu.memref_squeeze %dma_start3A_483 : memref<1x125xi32, #tpu.memory_space<vmem>> -> memref<125xi32, #tpu.memory_space<vmem>>
        %dma_start3A_485 = arith.constant 0 : i32
        %dma_start3A_486 = tpu.memref_slice %arg13[%dma_start3A_485] : memref<10240xf32, #tpu.memory_space<vmem_shared>> -> memref<10240xf32, #tpu.memory_space<vmem_shared>>
        tpu.enqueue_indirect_dma source(%arg11 : memref<125xf32, #tpu.memory_space<vmem>>) target(%dma_start3A_486 : memref<10240xf32, #tpu.memory_space<vmem_shared>>) offsets(%dma_start3A_484 : memref<125xi32, #tpu.memory_space<vmem>>) semaphore(%run_scoped3A_481 : memref<!tpu.dma_semaphore, #tpu.memory_space<semaphore_mem>>) {add = true}
        %dma_wait3A_487 = arith.constant 0 : i32
        %dma_wait3A_488 = tpu.memref_slice %arg8[%add3A_472, %dma_wait3A_487] : memref<80x125xi32, #tpu.memory_space<vmem>> -> memref<1x125xi32, #tpu.memory_space<vmem>>
        %dma_wait3A_489 = tpu.memref_squeeze %dma_wait3A_488 : memref<1x125xi32, #tpu.memory_space<vmem>> -> memref<125xi32, #tpu.memory_space<vmem>>
        %dma_wait3A_490 = arith.constant 0 : i32
        %dma_wait3A_491 = tpu.memref_slice %arg13[%dma_wait3A_490] : memref<10240xf32, #tpu.memory_space<vmem_shared>> -> memref<10240xf32, #tpu.memory_space<vmem_shared>>
        tpu.wait_indirect_dma semaphore(%run_scoped3A_481 : memref<!tpu.dma_semaphore, #tpu.memory_space<semaphore_mem>>) src(%arg11 : memref<125xf32, #tpu.memory_space<vmem>>) dst(%dma_wait3A_491 : memref<10240xf32, #tpu.memory_space<vmem_shared>>)
        tpu.yield
      }) : () -> ()
      %mul3A_473 = arith.constant 4 : i32
      %mul3A_474 = arith.muli %add3A_376, %mul3A_473 : i32
      %add3A_475 = arith.constant 2 : i32
      %add3A_476 = arith.addi %mul3A_474, %add3A_475 : i32
      "tpu.region"() ({
        %run_scoped3A_481 = tpu.sem_alloc : memref<!tpu.dma_semaphore, #tpu.memory_space<semaphore_mem>>
        %dma_start3A_482 = arith.constant 0 : i32
        %dma_start3A_483 = tpu.memref_slice %arg8[%add3A_476, %dma_start3A_482] : memref<80x125xi32, #tpu.memory_space<vmem>> -> memref<1x125xi32, #tpu.memory_space<vmem>>
        %dma_start3A_484 = tpu.memref_squeeze %dma_start3A_483 : memref<1x125xi32, #tpu.memory_space<vmem>> -> memref<125xi32, #tpu.memory_space<vmem>>
        %dma_start3A_485 = arith.constant 0 : i32
        %dma_start3A_486 = tpu.memref_slice %arg13[%dma_start3A_485] : memref<10240xf32, #tpu.memory_space<vmem_shared>> -> memref<10240xf32, #tpu.memory_space<vmem_shared>>
        tpu.enqueue_indirect_dma source(%arg11 : memref<125xf32, #tpu.memory_space<vmem>>) target(%dma_start3A_486 : memref<10240xf32, #tpu.memory_space<vmem_shared>>) offsets(%dma_start3A_484 : memref<125xi32, #tpu.memory_space<vmem>>) semaphore(%run_scoped3A_481 : memref<!tpu.dma_semaphore, #tpu.memory_space<semaphore_mem>>) {add = true}
        %dma_wait3A_487 = arith.constant 0 : i32
        %dma_wait3A_488 = tpu.memref_slice %arg8[%add3A_476, %dma_wait3A_487] : memref<80x125xi32, #tpu.memory_space<vmem>> -> memref<1x125xi32, #tpu.memory_space<vmem>>
        %dma_wait3A_489 = tpu.memref_squeeze %dma_wait3A_488 : memref<1x125xi32, #tpu.memory_space<vmem>> -> memref<125xi32, #tpu.memory_space<vmem>>
        %dma_wait3A_490 = arith.constant 0 : i32
        %dma_wait3A_491 = tpu.memref_slice %arg13[%dma_wait3A_490] : memref<10240xf32, #tpu.memory_space<vmem_shared>> -> memref<10240xf32, #tpu.memory_space<vmem_shared>>
        tpu.wait_indirect_dma semaphore(%run_scoped3A_481 : memref<!tpu.dma_semaphore, #tpu.memory_space<semaphore_mem>>) src(%arg11 : memref<125xf32, #tpu.memory_space<vmem>>) dst(%dma_wait3A_491 : memref<10240xf32, #tpu.memory_space<vmem_shared>>)
        tpu.yield
      }) : () -> ()
      %mul3A_477 = arith.constant 4 : i32
      %mul3A_478 = arith.muli %add3A_376, %mul3A_477 : i32
      %add3A_479 = arith.constant 3 : i32
      %add3A_480 = arith.addi %mul3A_478, %add3A_479 : i32
      "tpu.region"() ({
        %run_scoped3A_481 = tpu.sem_alloc : memref<!tpu.dma_semaphore, #tpu.memory_space<semaphore_mem>>
        %dma_start3A_482 = arith.constant 0 : i32
        %dma_start3A_483 = tpu.memref_slice %arg8[%add3A_480, %dma_start3A_482] : memref<80x125xi32, #tpu.memory_space<vmem>> -> memref<1x125xi32, #tpu.memory_space<vmem>>
        %dma_start3A_484 = tpu.memref_squeeze %dma_start3A_483 : memref<1x125xi32, #tpu.memory_space<vmem>> -> memref<125xi32, #tpu.memory_space<vmem>>
        %dma_start3A_485 = arith.constant 0 : i32
        %dma_start3A_486 = tpu.memref_slice %arg13[%dma_start3A_485] : memref<10240xf32, #tpu.memory_space<vmem_shared>> -> memref<10240xf32, #tpu.memory_space<vmem_shared>>
        tpu.enqueue_indirect_dma source(%arg11 : memref<125xf32, #tpu.memory_space<vmem>>) target(%dma_start3A_486 : memref<10240xf32, #tpu.memory_space<vmem_shared>>) offsets(%dma_start3A_484 : memref<125xi32, #tpu.memory_space<vmem>>) semaphore(%run_scoped3A_481 : memref<!tpu.dma_semaphore, #tpu.memory_space<semaphore_mem>>) {add = true}
        %dma_wait3A_487 = arith.constant 0 : i32
        %dma_wait3A_488 = tpu.memref_slice %arg8[%add3A_480, %dma_wait3A_487] : memref<80x125xi32, #tpu.memory_space<vmem>> -> memref<1x125xi32, #tpu.memory_space<vmem>>
        %dma_wait3A_489 = tpu.memref_squeeze %dma_wait3A_488 : memref<1x125xi32, #tpu.memory_space<vmem>> -> memref<125xi32, #tpu.memory_space<vmem>>
        %dma_wait3A_490 = arith.constant 0 : i32
        %dma_wait3A_491 = tpu.memref_slice %arg13[%dma_wait3A_490] : memref<10240xf32, #tpu.memory_space<vmem_shared>> -> memref<10240xf32, #tpu.memory_space<vmem_shared>>
        tpu.wait_indirect_dma semaphore(%run_scoped3A_481 : memref<!tpu.dma_semaphore, #tpu.memory_space<semaphore_mem>>) src(%arg11 : memref<125xf32, #tpu.memory_space<vmem>>) dst(%dma_wait3A_491 : memref<10240xf32, #tpu.memory_space<vmem_shared>>)
        tpu.yield
      }) : () -> ()
    }
    %scan3A_187 = arith.constant 10 : i32
    %barrier3A_188 = arith.constant 0 : index
    tpu.barrier barrier_id(%barrier3A_188)
    %mul3A_189 = arith.constant 640 : i32
    %mul3A_190 = arith.muli %arg1, %mul3A_189 : i32
    %mul3A_191 = arith.constant 640 : i32
    %mul3A_192 = arith.muli %arg1, %mul3A_191 : i32
    "tpu.region"() ({
      %run_scoped3A_195 = tpu.sem_alloc : memref<!tpu.dma_semaphore, #tpu.memory_space<semaphore_mem>>
      %dma_start3A_196 = arith.constant 0 : i32
      %dma_start3A_197 = tpu.memref_slice %arg5[%arg0, %mul3A_192, %dma_start3A_196] : memref<2x10240x64xf32, #tpu.memory_space<hbm>> -> memref<1x640x64xf32, #tpu.memory_space<hbm>>
      %dma_start3A_198 = tpu.memref_squeeze %dma_start3A_197 : memref<1x640x64xf32, #tpu.memory_space<hbm>> -> memref<640x64xf32, #tpu.memory_space<hbm>>
      %dma_start3A_199 = arith.constant 0 : i32
      %dma_start3A_200 = tpu.memref_slice %arg12[%mul3A_190, %dma_start3A_199] : memref<10240x64xf32, #tpu.memory_space<vmem_shared>> -> memref<640x64xf32, #tpu.memory_space<vmem_shared>>
      tpu.enqueue_dma source(%dma_start3A_200 : memref<640x64xf32, #tpu.memory_space<vmem_shared>>) target(%dma_start3A_198 : memref<640x64xf32, #tpu.memory_space<hbm>>) target_semaphore(%run_scoped3A_195 : memref<!tpu.dma_semaphore, #tpu.memory_space<semaphore_mem>>)
      %dma_wait3A = arith.constant 0 : i32
      %dma_wait3A_201 = tpu.memref_slice %arg5[%arg0, %mul3A_192, %dma_wait3A] : memref<2x10240x64xf32, #tpu.memory_space<hbm>> -> memref<1x640x64xf32, #tpu.memory_space<hbm>>
      %dma_wait3A_202 = tpu.memref_squeeze %dma_wait3A_201 : memref<1x640x64xf32, #tpu.memory_space<hbm>> -> memref<640x64xf32, #tpu.memory_space<hbm>>
      %dma_wait3A_203 = arith.constant 0 : i32
      %dma_wait3A_204 = tpu.memref_slice %arg12[%mul3A_190, %dma_wait3A_203] : memref<10240x64xf32, #tpu.memory_space<vmem_shared>> -> memref<640x64xf32, #tpu.memory_space<vmem_shared>>
      tpu.wait_dma2 semaphore(%run_scoped3A_195 : memref<!tpu.dma_semaphore, #tpu.memory_space<semaphore_mem>>) src(%dma_wait3A_204 : memref<640x64xf32, #tpu.memory_space<vmem_shared>>) dst(%dma_wait3A_202 : memref<640x64xf32, #tpu.memory_space<hbm>>)
      tpu.yield
    }) : () -> ()
    %eq3A = arith.constant 0 : i32
    %eq3A_193 = arith.cmpi eq, %arg1, %eq3A : i32
    %convert_element_type3A = arith.extui %eq3A_193 : i1 to i32
    %cond3A = arith.constant 0 : i32
    %cond3A_194 = arith.cmpi ne, %convert_element_type3A, %cond3A : i32
    scf.if %cond3A_194 {
      "tpu.region"() ({
        %run_scoped3A_195 = tpu.sem_alloc : memref<!tpu.dma_semaphore, #tpu.memory_space<semaphore_mem>>
        %dma_start3A_196 = arith.constant 0 : i32
        %dma_start3A_197 = tpu.memref_slice %arg6[%arg0, %dma_start3A_196] : memref<2x10240xf32, #tpu.memory_space<hbm>> -> memref<1x10240xf32, #tpu.memory_space<hbm>>
        %dma_start3A_198 = tpu.memref_squeeze %dma_start3A_197 : memref<1x10240xf32, #tpu.memory_space<hbm>> -> memref<10240xf32, #tpu.memory_space<hbm>>
        tpu.enqueue_dma source(%arg13 : memref<10240xf32, #tpu.memory_space<vmem_shared>>) target(%dma_start3A_198 : memref<10240xf32, #tpu.memory_space<hbm>>) target_semaphore(%run_scoped3A_195 : memref<!tpu.dma_semaphore, #tpu.memory_space<semaphore_mem>>)
        %dma_wait3A = arith.constant 0 : i32
        %dma_wait3A_199 = tpu.memref_slice %arg6[%arg0, %dma_wait3A] : memref<2x10240xf32, #tpu.memory_space<hbm>> -> memref<1x10240xf32, #tpu.memory_space<hbm>>
        %dma_wait3A_200 = tpu.memref_squeeze %dma_wait3A_199 : memref<1x10240xf32, #tpu.memory_space<hbm>> -> memref<10240xf32, #tpu.memory_space<hbm>>
        tpu.wait_dma2 semaphore(%run_scoped3A_195 : memref<!tpu.dma_semaphore, #tpu.memory_space<semaphore_mem>>) src(%arg13 : memref<10240xf32, #tpu.memory_space<vmem_shared>>) dst(%dma_wait3A_200 : memref<10240xf32, #tpu.memory_space<hbm>>)
        tpu.yield
      }) : () -> ()
    } else {
    }
    return
  }
}

#map = affine_map<(d0, d1) -> (0, 0)>
#map1 = affine_map<(d0, d1) -> (0, 0, 0)>
module attributes {stable_mosaic.version = 14 : i64} {
  func.func @body(%arg0: i32, %arg1: i32, %arg2: memref<10000x16xf32, #tpu.memory_space<hbm>>, %arg3: memref<2560x125xi32, #tpu.memory_space<hbm>>, %arg4: memref<2560x125xi32, #tpu.memory_space<hbm>>, %arg5: memref<2x10240x16xf32, #tpu.memory_space<hbm>>, %arg6: memref<80x125xi32, #tpu.memory_space<vmem>>, %arg7: memref<80x125xi32, #tpu.memory_space<vmem>>, %arg8: memref<2x10x125x16xf32, #tpu.memory_space<vmem>>, %arg9: memref<64x16xf32, #tpu.memory_space<vmem>>, %arg10: memref<10240x16xf32, #tpu.memory_space<vmem_shared>>, %arg11: memref<!tpu.dma_semaphore, #tpu.memory_space<semaphore_mem>>, %arg12: memref<!tpu.dma_semaphore, #tpu.memory_space<semaphore_mem>>) attributes {dimension_semantics = [#tpu.dimension_semantics<core_parallel>, #tpu.dimension_semantics<subcore_parallel>], iteration_bounds = array<i64: 2, 16>, scalar_prefetch = 0 : i64, scratch_operands = 7 : i64, tpu.core_type = #tpu.core_type<sc_vector_subcore>, window_params = [{transform_indices = #map}, {transform_indices = #map}, {transform_indices = #map}, {transform_indices = #map1}]} {
    %mul3A = arith.constant 16 : i32
    %mul3A_0 = arith.muli %arg0, %mul3A : i32
    %add3A = arith.addi %mul3A_0, %arg1 : i32
    %mul3A_1 = arith.constant 80 : i32
    %mul3A_2 = arith.muli %add3A, %mul3A_1 : i32
    "tpu.region"() ({
      %run_scoped3A = tpu.sem_alloc : memref<!tpu.dma_semaphore, #tpu.memory_space<semaphore_mem>>
      %dma_start3A_189 = arith.constant 0 : i32
      %dma_start3A_190 = tpu.memref_slice %arg3[%mul3A_2, %dma_start3A_189] : memref<2560x125xi32, #tpu.memory_space<hbm>> -> memref<80x125xi32, #tpu.memory_space<hbm>>
      %dma_start3A_191 = arith.constant 0 : i32
      %dma_start3A_192 = tpu.memref_slice %arg3[%mul3A_2, %dma_start3A_191] : memref<2560x125xi32, #tpu.memory_space<hbm>> -> memref<80x125xi32, #tpu.memory_space<hbm>>
      tpu.enqueue_dma source(%dma_start3A_192 : memref<80x125xi32, #tpu.memory_space<hbm>>) target(%arg6 : memref<80x125xi32, #tpu.memory_space<vmem>>) target_semaphore(%run_scoped3A : memref<!tpu.dma_semaphore, #tpu.memory_space<semaphore_mem>>)
      %dma_wait3A = arith.constant 0 : i32
      %dma_wait3A_193 = tpu.memref_slice %arg3[%mul3A_2, %dma_wait3A] : memref<2560x125xi32, #tpu.memory_space<hbm>> -> memref<80x125xi32, #tpu.memory_space<hbm>>
      %dma_wait3A_194 = arith.constant 0 : i32
      %dma_wait3A_195 = tpu.memref_slice %arg3[%mul3A_2, %dma_wait3A_194] : memref<2560x125xi32, #tpu.memory_space<hbm>> -> memref<80x125xi32, #tpu.memory_space<hbm>>
      tpu.wait_dma2 semaphore(%run_scoped3A : memref<!tpu.dma_semaphore, #tpu.memory_space<semaphore_mem>>) src(%dma_wait3A_195 : memref<80x125xi32, #tpu.memory_space<hbm>>) dst(%arg6 : memref<80x125xi32, #tpu.memory_space<vmem>>)
      tpu.yield
    }) : () -> ()
    "tpu.region"() ({
      %run_scoped3A = tpu.sem_alloc : memref<!tpu.dma_semaphore, #tpu.memory_space<semaphore_mem>>
      %dma_start3A_189 = arith.constant 0 : i32
      %dma_start3A_190 = tpu.memref_slice %arg4[%mul3A_2, %dma_start3A_189] : memref<2560x125xi32, #tpu.memory_space<hbm>> -> memref<80x125xi32, #tpu.memory_space<hbm>>
      %dma_start3A_191 = arith.constant 0 : i32
      %dma_start3A_192 = tpu.memref_slice %arg4[%mul3A_2, %dma_start3A_191] : memref<2560x125xi32, #tpu.memory_space<hbm>> -> memref<80x125xi32, #tpu.memory_space<hbm>>
      tpu.enqueue_dma source(%dma_start3A_192 : memref<80x125xi32, #tpu.memory_space<hbm>>) target(%arg7 : memref<80x125xi32, #tpu.memory_space<vmem>>) target_semaphore(%run_scoped3A : memref<!tpu.dma_semaphore, #tpu.memory_space<semaphore_mem>>)
      %dma_wait3A = arith.constant 0 : i32
      %dma_wait3A_193 = tpu.memref_slice %arg4[%mul3A_2, %dma_wait3A] : memref<2560x125xi32, #tpu.memory_space<hbm>> -> memref<80x125xi32, #tpu.memory_space<hbm>>
      %dma_wait3A_194 = arith.constant 0 : i32
      %dma_wait3A_195 = tpu.memref_slice %arg4[%mul3A_2, %dma_wait3A_194] : memref<2560x125xi32, #tpu.memory_space<hbm>> -> memref<80x125xi32, #tpu.memory_space<hbm>>
      tpu.wait_dma2 semaphore(%run_scoped3A : memref<!tpu.dma_semaphore, #tpu.memory_space<semaphore_mem>>) src(%dma_wait3A_195 : memref<80x125xi32, #tpu.memory_space<hbm>>) dst(%arg7 : memref<80x125xi32, #tpu.memory_space<vmem>>)
      tpu.yield
    }) : () -> ()
    %broadcast_in_dim3A = arith.constant 0.000000e+00 : f32
    %broadcast_in_dim3A_3 = vector.broadcast %broadcast_in_dim3A : f32 to vector<16xf32>
    %scan3A = arith.constant 0 : i32
    %scan3A_4 = arith.constant 0 : i32
    %scan3A_5 = arith.constant 64 : i32
    %scan3A_6 = arith.addi %scan3A_4, %scan3A_5 : i32
    %scan3A_7 = arith.constant 1 : i32
    scf.for %scan3A_189 = %scan3A_4 to %scan3A_6 step %scan3A_7  : i32 {
      %swap3A = arith.index_cast %scan3A_189 : i32 to index
      %swap3A_190 = arith.constant 0 : index
      %swap3A_191 = tpu.vector_load %arg9[%swap3A, %swap3A_190] {strides = array<i32>} : memref<64x16xf32, #tpu.memory_space<vmem>>, vector<1x16xf32>,
      %swap3A_192 = vector.shape_cast %swap3A_191 : vector<1x16xf32> to vector<16xf32>
      %swap3A_193 = vector.shape_cast %broadcast_in_dim3A_3 : vector<16xf32> to vector<1x16xf32>
      tpu.vector_store %arg9[%swap3A, %swap3A_190], %swap3A_193 {strides = array<i32>} : memref<64x16xf32, #tpu.memory_space<vmem>>, vector<1x16xf32>,
    }
    %scan3A_8 = arith.constant 64 : i32
    %mul3A_9 = arith.constant 640 : i32
    %mul3A_10 = arith.muli %arg1, %mul3A_9 : i32
    %add3A_11 = arith.constant 0 : i32
    %add3A_12 = arith.addi %mul3A_10, %add3A_11 : i32
    "tpu.region"() ({
      %run_scoped3A = tpu.sem_alloc : memref<!tpu.dma_semaphore, #tpu.memory_space<semaphore_mem>>
      %dma_start3A_189 = arith.constant 0 : i32
      %dma_start3A_190 = tpu.memref_slice %arg10[%add3A_12, %dma_start3A_189] : memref<10240x16xf32, #tpu.memory_space<vmem_shared>> -> memref<64x16xf32, #tpu.memory_space<vmem_shared>>
      %dma_start3A_191 = arith.constant 0 : i32
      %dma_start3A_192 = tpu.memref_slice %arg10[%add3A_12, %dma_start3A_191] : memref<10240x16xf32, #tpu.memory_space<vmem_shared>> -> memref<64x16xf32, #tpu.memory_space<vmem_shared>>
      tpu.enqueue_dma source(%arg9 : memref<64x16xf32, #tpu.memory_space<vmem>>) target(%dma_start3A_192 : memref<64x16xf32, #tpu.memory_space<vmem_shared>>) target_semaphore(%run_scoped3A : memref<!tpu.dma_semaphore, #tpu.memory_space<semaphore_mem>>)
      %dma_wait3A = arith.constant 0 : i32
      %dma_wait3A_193 = tpu.memref_slice %arg10[%add3A_12, %dma_wait3A] : memref<10240x16xf32, #tpu.memory_space<vmem_shared>> -> memref<64x16xf32, #tpu.memory_space<vmem_shared>>
      %dma_wait3A_194 = arith.constant 0 : i32
      %dma_wait3A_195 = tpu.memref_slice %arg10[%add3A_12, %dma_wait3A_194] : memref<10240x16xf32, #tpu.memory_space<vmem_shared>> -> memref<64x16xf32, #tpu.memory_space<vmem_shared>>
      tpu.wait_dma2 semaphore(%run_scoped3A : memref<!tpu.dma_semaphore, #tpu.memory_space<semaphore_mem>>) src(%arg9 : memref<64x16xf32, #tpu.memory_space<vmem>>) dst(%dma_wait3A_195 : memref<64x16xf32, #tpu.memory_space<vmem_shared>>)
      tpu.yield
    }) : () -> ()
    %mul3A_13 = arith.constant 640 : i32
    %mul3A_14 = arith.muli %arg1, %mul3A_13 : i32
    %add3A_15 = arith.constant 64 : i32
    %add3A_16 = arith.addi %mul3A_14, %add3A_15 : i32
    "tpu.region"() ({
      %run_scoped3A = tpu.sem_alloc : memref<!tpu.dma_semaphore, #tpu.memory_space<semaphore_mem>>
      %dma_start3A_189 = arith.constant 0 : i32
      %dma_start3A_190 = tpu.memref_slice %arg10[%add3A_16, %dma_start3A_189] : memref<10240x16xf32, #tpu.memory_space<vmem_shared>> -> memref<64x16xf32, #tpu.memory_space<vmem_shared>>
      %dma_start3A_191 = arith.constant 0 : i32
      %dma_start3A_192 = tpu.memref_slice %arg10[%add3A_16, %dma_start3A_191] : memref<10240x16xf32, #tpu.memory_space<vmem_shared>> -> memref<64x16xf32, #tpu.memory_space<vmem_shared>>
      tpu.enqueue_dma source(%arg9 : memref<64x16xf32, #tpu.memory_space<vmem>>) target(%dma_start3A_192 : memref<64x16xf32, #tpu.memory_space<vmem_shared>>) target_semaphore(%run_scoped3A : memref<!tpu.dma_semaphore, #tpu.memory_space<semaphore_mem>>)
      %dma_wait3A = arith.constant 0 : i32
      %dma_wait3A_193 = tpu.memref_slice %arg10[%add3A_16, %dma_wait3A] : memref<10240x16xf32, #tpu.memory_space<vmem_shared>> -> memref<64x16xf32, #tpu.memory_space<vmem_shared>>
      %dma_wait3A_194 = arith.constant 0 : i32
      %dma_wait3A_195 = tpu.memref_slice %arg10[%add3A_16, %dma_wait3A_194] : memref<10240x16xf32, #tpu.memory_space<vmem_shared>> -> memref<64x16xf32, #tpu.memory_space<vmem_shared>>
      tpu.wait_dma2 semaphore(%run_scoped3A : memref<!tpu.dma_semaphore, #tpu.memory_space<semaphore_mem>>) src(%arg9 : memref<64x16xf32, #tpu.memory_space<vmem>>) dst(%dma_wait3A_195 : memref<64x16xf32, #tpu.memory_space<vmem_shared>>)
      tpu.yield
    }) : () -> ()
    %mul3A_17 = arith.constant 640 : i32
    %mul3A_18 = arith.muli %arg1, %mul3A_17 : i32
    %add3A_19 = arith.constant 128 : i32
    %add3A_20 = arith.addi %mul3A_18, %add3A_19 : i32
    "tpu.region"() ({
      %run_scoped3A = tpu.sem_alloc : memref<!tpu.dma_semaphore, #tpu.memory_space<semaphore_mem>>
      %dma_start3A_189 = arith.constant 0 : i32
      %dma_start3A_190 = tpu.memref_slice %arg10[%add3A_20, %dma_start3A_189] : memref<10240x16xf32, #tpu.memory_space<vmem_shared>> -> memref<64x16xf32, #tpu.memory_space<vmem_shared>>
      %dma_start3A_191 = arith.constant 0 : i32
      %dma_start3A_192 = tpu.memref_slice %arg10[%add3A_20, %dma_start3A_191] : memref<10240x16xf32, #tpu.memory_space<vmem_shared>> -> memref<64x16xf32, #tpu.memory_space<vmem_shared>>
      tpu.enqueue_dma source(%arg9 : memref<64x16xf32, #tpu.memory_space<vmem>>) target(%dma_start3A_192 : memref<64x16xf32, #tpu.memory_space<vmem_shared>>) target_semaphore(%run_scoped3A : memref<!tpu.dma_semaphore, #tpu.memory_space<semaphore_mem>>)
      %dma_wait3A = arith.constant 0 : i32
      %dma_wait3A_193 = tpu.memref_slice %arg10[%add3A_20, %dma_wait3A] : memref<10240x16xf32, #tpu.memory_space<vmem_shared>> -> memref<64x16xf32, #tpu.memory_space<vmem_shared>>
      %dma_wait3A_194 = arith.constant 0 : i32
      %dma_wait3A_195 = tpu.memref_slice %arg10[%add3A_20, %dma_wait3A_194] : memref<10240x16xf32, #tpu.memory_space<vmem_shared>> -> memref<64x16xf32, #tpu.memory_space<vmem_shared>>
      tpu.wait_dma2 semaphore(%run_scoped3A : memref<!tpu.dma_semaphore, #tpu.memory_space<semaphore_mem>>) src(%arg9 : memref<64x16xf32, #tpu.memory_space<vmem>>) dst(%dma_wait3A_195 : memref<64x16xf32, #tpu.memory_space<vmem_shared>>)
      tpu.yield
    }) : () -> ()
    %mul3A_21 = arith.constant 640 : i32
    %mul3A_22 = arith.muli %arg1, %mul3A_21 : i32
    %add3A_23 = arith.constant 192 : i32
    %add3A_24 = arith.addi %mul3A_22, %add3A_23 : i32
    "tpu.region"() ({
      %run_scoped3A = tpu.sem_alloc : memref<!tpu.dma_semaphore, #tpu.memory_space<semaphore_mem>>
      %dma_start3A_189 = arith.constant 0 : i32
      %dma_start3A_190 = tpu.memref_slice %arg10[%add3A_24, %dma_start3A_189] : memref<10240x16xf32, #tpu.memory_space<vmem_shared>> -> memref<64x16xf32, #tpu.memory_space<vmem_shared>>
      %dma_start3A_191 = arith.constant 0 : i32
      %dma_start3A_192 = tpu.memref_slice %arg10[%add3A_24, %dma_start3A_191] : memref<10240x16xf32, #tpu.memory_space<vmem_shared>> -> memref<64x16xf32, #tpu.memory_space<vmem_shared>>
      tpu.enqueue_dma source(%arg9 : memref<64x16xf32, #tpu.memory_space<vmem>>) target(%dma_start3A_192 : memref<64x16xf32, #tpu.memory_space<vmem_shared>>) target_semaphore(%run_scoped3A : memref<!tpu.dma_semaphore, #tpu.memory_space<semaphore_mem>>)
      %dma_wait3A = arith.constant 0 : i32
      %dma_wait3A_193 = tpu.memref_slice %arg10[%add3A_24, %dma_wait3A] : memref<10240x16xf32, #tpu.memory_space<vmem_shared>> -> memref<64x16xf32, #tpu.memory_space<vmem_shared>>
      %dma_wait3A_194 = arith.constant 0 : i32
      %dma_wait3A_195 = tpu.memref_slice %arg10[%add3A_24, %dma_wait3A_194] : memref<10240x16xf32, #tpu.memory_space<vmem_shared>> -> memref<64x16xf32, #tpu.memory_space<vmem_shared>>
      tpu.wait_dma2 semaphore(%run_scoped3A : memref<!tpu.dma_semaphore, #tpu.memory_space<semaphore_mem>>) src(%arg9 : memref<64x16xf32, #tpu.memory_space<vmem>>) dst(%dma_wait3A_195 : memref<64x16xf32, #tpu.memory_space<vmem_shared>>)
      tpu.yield
    }) : () -> ()
    %mul3A_25 = arith.constant 640 : i32
    %mul3A_26 = arith.muli %arg1, %mul3A_25 : i32
    %add3A_27 = arith.constant 256 : i32
    %add3A_28 = arith.addi %mul3A_26, %add3A_27 : i32
    "tpu.region"() ({
      %run_scoped3A = tpu.sem_alloc : memref<!tpu.dma_semaphore, #tpu.memory_space<semaphore_mem>>
      %dma_start3A_189 = arith.constant 0 : i32
      %dma_start3A_190 = tpu.memref_slice %arg10[%add3A_28, %dma_start3A_189] : memref<10240x16xf32, #tpu.memory_space<vmem_shared>> -> memref<64x16xf32, #tpu.memory_space<vmem_shared>>
      %dma_start3A_191 = arith.constant 0 : i32
      %dma_start3A_192 = tpu.memref_slice %arg10[%add3A_28, %dma_start3A_191] : memref<10240x16xf32, #tpu.memory_space<vmem_shared>> -> memref<64x16xf32, #tpu.memory_space<vmem_shared>>
      tpu.enqueue_dma source(%arg9 : memref<64x16xf32, #tpu.memory_space<vmem>>) target(%dma_start3A_192 : memref<64x16xf32, #tpu.memory_space<vmem_shared>>) target_semaphore(%run_scoped3A : memref<!tpu.dma_semaphore, #tpu.memory_space<semaphore_mem>>)
      %dma_wait3A = arith.constant 0 : i32
      %dma_wait3A_193 = tpu.memref_slice %arg10[%add3A_28, %dma_wait3A] : memref<10240x16xf32, #tpu.memory_space<vmem_shared>> -> memref<64x16xf32, #tpu.memory_space<vmem_shared>>
      %dma_wait3A_194 = arith.constant 0 : i32
      %dma_wait3A_195 = tpu.memref_slice %arg10[%add3A_28, %dma_wait3A_194] : memref<10240x16xf32, #tpu.memory_space<vmem_shared>> -> memref<64x16xf32, #tpu.memory_space<vmem_shared>>
      tpu.wait_dma2 semaphore(%run_scoped3A : memref<!tpu.dma_semaphore, #tpu.memory_space<semaphore_mem>>) src(%arg9 : memref<64x16xf32, #tpu.memory_space<vmem>>) dst(%dma_wait3A_195 : memref<64x16xf32, #tpu.memory_space<vmem_shared>>)
      tpu.yield
    }) : () -> ()
    %mul3A_29 = arith.constant 640 : i32
    %mul3A_30 = arith.muli %arg1, %mul3A_29 : i32
    %add3A_31 = arith.constant 320 : i32
    %add3A_32 = arith.addi %mul3A_30, %add3A_31 : i32
    "tpu.region"() ({
      %run_scoped3A = tpu.sem_alloc : memref<!tpu.dma_semaphore, #tpu.memory_space<semaphore_mem>>
      %dma_start3A_189 = arith.constant 0 : i32
      %dma_start3A_190 = tpu.memref_slice %arg10[%add3A_32, %dma_start3A_189] : memref<10240x16xf32, #tpu.memory_space<vmem_shared>> -> memref<64x16xf32, #tpu.memory_space<vmem_shared>>
      %dma_start3A_191 = arith.constant 0 : i32
      %dma_start3A_192 = tpu.memref_slice %arg10[%add3A_32, %dma_start3A_191] : memref<10240x16xf32, #tpu.memory_space<vmem_shared>> -> memref<64x16xf32, #tpu.memory_space<vmem_shared>>
      tpu.enqueue_dma source(%arg9 : memref<64x16xf32, #tpu.memory_space<vmem>>) target(%dma_start3A_192 : memref<64x16xf32, #tpu.memory_space<vmem_shared>>) target_semaphore(%run_scoped3A : memref<!tpu.dma_semaphore, #tpu.memory_space<semaphore_mem>>)
      %dma_wait3A = arith.constant 0 : i32
      %dma_wait3A_193 = tpu.memref_slice %arg10[%add3A_32, %dma_wait3A] : memref<10240x16xf32, #tpu.memory_space<vmem_shared>> -> memref<64x16xf32, #tpu.memory_space<vmem_shared>>
      %dma_wait3A_194 = arith.constant 0 : i32
      %dma_wait3A_195 = tpu.memref_slice %arg10[%add3A_32, %dma_wait3A_194] : memref<10240x16xf32, #tpu.memory_space<vmem_shared>> -> memref<64x16xf32, #tpu.memory_space<vmem_shared>>
      tpu.wait_dma2 semaphore(%run_scoped3A : memref<!tpu.dma_semaphore, #tpu.memory_space<semaphore_mem>>) src(%arg9 : memref<64x16xf32, #tpu.memory_space<vmem>>) dst(%dma_wait3A_195 : memref<64x16xf32, #tpu.memory_space<vmem_shared>>)
      tpu.yield
    }) : () -> ()
    %mul3A_33 = arith.constant 640 : i32
    %mul3A_34 = arith.muli %arg1, %mul3A_33 : i32
    %add3A_35 = arith.constant 384 : i32
    %add3A_36 = arith.addi %mul3A_34, %add3A_35 : i32
    "tpu.region"() ({
      %run_scoped3A = tpu.sem_alloc : memref<!tpu.dma_semaphore, #tpu.memory_space<semaphore_mem>>
      %dma_start3A_189 = arith.constant 0 : i32
      %dma_start3A_190 = tpu.memref_slice %arg10[%add3A_36, %dma_start3A_189] : memref<10240x16xf32, #tpu.memory_space<vmem_shared>> -> memref<64x16xf32, #tpu.memory_space<vmem_shared>>
      %dma_start3A_191 = arith.constant 0 : i32
      %dma_start3A_192 = tpu.memref_slice %arg10[%add3A_36, %dma_start3A_191] : memref<10240x16xf32, #tpu.memory_space<vmem_shared>> -> memref<64x16xf32, #tpu.memory_space<vmem_shared>>
      tpu.enqueue_dma source(%arg9 : memref<64x16xf32, #tpu.memory_space<vmem>>) target(%dma_start3A_192 : memref<64x16xf32, #tpu.memory_space<vmem_shared>>) target_semaphore(%run_scoped3A : memref<!tpu.dma_semaphore, #tpu.memory_space<semaphore_mem>>)
      %dma_wait3A = arith.constant 0 : i32
      %dma_wait3A_193 = tpu.memref_slice %arg10[%add3A_36, %dma_wait3A] : memref<10240x16xf32, #tpu.memory_space<vmem_shared>> -> memref<64x16xf32, #tpu.memory_space<vmem_shared>>
      %dma_wait3A_194 = arith.constant 0 : i32
      %dma_wait3A_195 = tpu.memref_slice %arg10[%add3A_36, %dma_wait3A_194] : memref<10240x16xf32, #tpu.memory_space<vmem_shared>> -> memref<64x16xf32, #tpu.memory_space<vmem_shared>>
      tpu.wait_dma2 semaphore(%run_scoped3A : memref<!tpu.dma_semaphore, #tpu.memory_space<semaphore_mem>>) src(%arg9 : memref<64x16xf32, #tpu.memory_space<vmem>>) dst(%dma_wait3A_195 : memref<64x16xf32, #tpu.memory_space<vmem_shared>>)
      tpu.yield
    }) : () -> ()
    %mul3A_37 = arith.constant 640 : i32
    %mul3A_38 = arith.muli %arg1, %mul3A_37 : i32
    %add3A_39 = arith.constant 448 : i32
    %add3A_40 = arith.addi %mul3A_38, %add3A_39 : i32
    "tpu.region"() ({
      %run_scoped3A = tpu.sem_alloc : memref<!tpu.dma_semaphore, #tpu.memory_space<semaphore_mem>>
      %dma_start3A_189 = arith.constant 0 : i32
      %dma_start3A_190 = tpu.memref_slice %arg10[%add3A_40, %dma_start3A_189] : memref<10240x16xf32, #tpu.memory_space<vmem_shared>> -> memref<64x16xf32, #tpu.memory_space<vmem_shared>>
      %dma_start3A_191 = arith.constant 0 : i32
      %dma_start3A_192 = tpu.memref_slice %arg10[%add3A_40, %dma_start3A_191] : memref<10240x16xf32, #tpu.memory_space<vmem_shared>> -> memref<64x16xf32, #tpu.memory_space<vmem_shared>>
      tpu.enqueue_dma source(%arg9 : memref<64x16xf32, #tpu.memory_space<vmem>>) target(%dma_start3A_192 : memref<64x16xf32, #tpu.memory_space<vmem_shared>>) target_semaphore(%run_scoped3A : memref<!tpu.dma_semaphore, #tpu.memory_space<semaphore_mem>>)
      %dma_wait3A = arith.constant 0 : i32
      %dma_wait3A_193 = tpu.memref_slice %arg10[%add3A_40, %dma_wait3A] : memref<10240x16xf32, #tpu.memory_space<vmem_shared>> -> memref<64x16xf32, #tpu.memory_space<vmem_shared>>
      %dma_wait3A_194 = arith.constant 0 : i32
      %dma_wait3A_195 = tpu.memref_slice %arg10[%add3A_40, %dma_wait3A_194] : memref<10240x16xf32, #tpu.memory_space<vmem_shared>> -> memref<64x16xf32, #tpu.memory_space<vmem_shared>>
      tpu.wait_dma2 semaphore(%run_scoped3A : memref<!tpu.dma_semaphore, #tpu.memory_space<semaphore_mem>>) src(%arg9 : memref<64x16xf32, #tpu.memory_space<vmem>>) dst(%dma_wait3A_195 : memref<64x16xf32, #tpu.memory_space<vmem_shared>>)
      tpu.yield
    }) : () -> ()
    %mul3A_41 = arith.constant 640 : i32
    %mul3A_42 = arith.muli %arg1, %mul3A_41 : i32
    %add3A_43 = arith.constant 512 : i32
    %add3A_44 = arith.addi %mul3A_42, %add3A_43 : i32
    "tpu.region"() ({
      %run_scoped3A = tpu.sem_alloc : memref<!tpu.dma_semaphore, #tpu.memory_space<semaphore_mem>>
      %dma_start3A_189 = arith.constant 0 : i32
      %dma_start3A_190 = tpu.memref_slice %arg10[%add3A_44, %dma_start3A_189] : memref<10240x16xf32, #tpu.memory_space<vmem_shared>> -> memref<64x16xf32, #tpu.memory_space<vmem_shared>>
      %dma_start3A_191 = arith.constant 0 : i32
      %dma_start3A_192 = tpu.memref_slice %arg10[%add3A_44, %dma_start3A_191] : memref<10240x16xf32, #tpu.memory_space<vmem_shared>> -> memref<64x16xf32, #tpu.memory_space<vmem_shared>>
      tpu.enqueue_dma source(%arg9 : memref<64x16xf32, #tpu.memory_space<vmem>>) target(%dma_start3A_192 : memref<64x16xf32, #tpu.memory_space<vmem_shared>>) target_semaphore(%run_scoped3A : memref<!tpu.dma_semaphore, #tpu.memory_space<semaphore_mem>>)
      %dma_wait3A = arith.constant 0 : i32
      %dma_wait3A_193 = tpu.memref_slice %arg10[%add3A_44, %dma_wait3A] : memref<10240x16xf32, #tpu.memory_space<vmem_shared>> -> memref<64x16xf32, #tpu.memory_space<vmem_shared>>
      %dma_wait3A_194 = arith.constant 0 : i32
      %dma_wait3A_195 = tpu.memref_slice %arg10[%add3A_44, %dma_wait3A_194] : memref<10240x16xf32, #tpu.memory_space<vmem_shared>> -> memref<64x16xf32, #tpu.memory_space<vmem_shared>>
      tpu.wait_dma2 semaphore(%run_scoped3A : memref<!tpu.dma_semaphore, #tpu.memory_space<semaphore_mem>>) src(%arg9 : memref<64x16xf32, #tpu.memory_space<vmem>>) dst(%dma_wait3A_195 : memref<64x16xf32, #tpu.memory_space<vmem_shared>>)
      tpu.yield
    }) : () -> ()
    %mul3A_45 = arith.constant 640 : i32
    %mul3A_46 = arith.muli %arg1, %mul3A_45 : i32
    %add3A_47 = arith.constant 576 : i32
    %add3A_48 = arith.addi %mul3A_46, %add3A_47 : i32
    "tpu.region"() ({
      %run_scoped3A = tpu.sem_alloc : memref<!tpu.dma_semaphore, #tpu.memory_space<semaphore_mem>>
      %dma_start3A_189 = arith.constant 0 : i32
      %dma_start3A_190 = tpu.memref_slice %arg10[%add3A_48, %dma_start3A_189] : memref<10240x16xf32, #tpu.memory_space<vmem_shared>> -> memref<64x16xf32, #tpu.memory_space<vmem_shared>>
      %dma_start3A_191 = arith.constant 0 : i32
      %dma_start3A_192 = tpu.memref_slice %arg10[%add3A_48, %dma_start3A_191] : memref<10240x16xf32, #tpu.memory_space<vmem_shared>> -> memref<64x16xf32, #tpu.memory_space<vmem_shared>>
      tpu.enqueue_dma source(%arg9 : memref<64x16xf32, #tpu.memory_space<vmem>>) target(%dma_start3A_192 : memref<64x16xf32, #tpu.memory_space<vmem_shared>>) target_semaphore(%run_scoped3A : memref<!tpu.dma_semaphore, #tpu.memory_space<semaphore_mem>>)
      %dma_wait3A = arith.constant 0 : i32
      %dma_wait3A_193 = tpu.memref_slice %arg10[%add3A_48, %dma_wait3A] : memref<10240x16xf32, #tpu.memory_space<vmem_shared>> -> memref<64x16xf32, #tpu.memory_space<vmem_shared>>
      %dma_wait3A_194 = arith.constant 0 : i32
      %dma_wait3A_195 = tpu.memref_slice %arg10[%add3A_48, %dma_wait3A_194] : memref<10240x16xf32, #tpu.memory_space<vmem_shared>> -> memref<64x16xf32, #tpu.memory_space<vmem_shared>>
      tpu.wait_dma2 semaphore(%run_scoped3A : memref<!tpu.dma_semaphore, #tpu.memory_space<semaphore_mem>>) src(%arg9 : memref<64x16xf32, #tpu.memory_space<vmem>>) dst(%dma_wait3A_195 : memref<64x16xf32, #tpu.memory_space<vmem_shared>>)
      tpu.yield
    }) : () -> ()
    %barrier3A = arith.constant 0 : index
    tpu.barrier barrier_id(%barrier3A)
    %dma_start3A = arith.constant 0 : i32
    %dma_start3A_49 = arith.constant 0 : i32
    %dma_start3A_50 = arith.constant 0 : i32
    %dma_start3A_51 = arith.constant 0 : i32
    %dma_start3A_52 = arith.constant 0 : i32
    %dma_start3A_53 = tpu.memref_slice %arg8[%dma_start3A_49, %dma_start3A_50, %dma_start3A_51, %dma_start3A_52] : memref<2x10x125x16xf32, #tpu.memory_space<vmem>> -> memref<1x1x125x16xf32, #tpu.memory_space<vmem>>
    %dma_start3A_54 = tpu.memref_squeeze %dma_start3A_53 : memref<1x1x125x16xf32, #tpu.memory_space<vmem>> -> memref<125x16xf32, #tpu.memory_space<vmem>>
    %dma_start3A_55 = arith.constant 0 : i32
    %dma_start3A_56 = tpu.memref_slice %arg6[%dma_start3A, %dma_start3A_55] : memref<80x125xi32, #tpu.memory_space<vmem>> -> memref<1x125xi32, #tpu.memory_space<vmem>>
    %dma_start3A_57 = tpu.memref_squeeze %dma_start3A_56 : memref<1x125xi32, #tpu.memory_space<vmem>> -> memref<125xi32, #tpu.memory_space<vmem>>
    %dma_start3A_58 = arith.constant 0 : i32
    %dma_start3A_59 = arith.constant 0 : i32
    %dma_start3A_60 = tpu.memref_slice %arg2[%dma_start3A_58, %dma_start3A_59] : memref<10000x16xf32, #tpu.memory_space<hbm>> -> memref<10000x16xf32, #tpu.memory_space<hbm>>
    tpu.enqueue_indirect_dma source(%dma_start3A_60 : memref<10000x16xf32, #tpu.memory_space<hbm>>) target(%dma_start3A_54 : memref<125x16xf32, #tpu.memory_space<vmem>>) offsets(%dma_start3A_57 : memref<125xi32, #tpu.memory_space<vmem>>) semaphore(%arg11 : memref<!tpu.dma_semaphore, #tpu.memory_space<semaphore_mem>>)
    %dma_start3A_61 = arith.constant 1 : i32
    %dma_start3A_62 = arith.constant 0 : i32
    %dma_start3A_63 = arith.constant 1 : i32
    %dma_start3A_64 = arith.constant 0 : i32
    %dma_start3A_65 = arith.constant 0 : i32
    %dma_start3A_66 = tpu.memref_slice %arg8[%dma_start3A_62, %dma_start3A_63, %dma_start3A_64, %dma_start3A_65] : memref<2x10x125x16xf32, #tpu.memory_space<vmem>> -> memref<1x1x125x16xf32, #tpu.memory_space<vmem>>
    %dma_start3A_67 = tpu.memref_squeeze %dma_start3A_66 : memref<1x1x125x16xf32, #tpu.memory_space<vmem>> -> memref<125x16xf32, #tpu.memory_space<vmem>>
    %dma_start3A_68 = arith.constant 0 : i32
    %dma_start3A_69 = tpu.memref_slice %arg6[%dma_start3A_61, %dma_start3A_68] : memref<80x125xi32, #tpu.memory_space<vmem>> -> memref<1x125xi32, #tpu.memory_space<vmem>>
    %dma_start3A_70 = tpu.memref_squeeze %dma_start3A_69 : memref<1x125xi32, #tpu.memory_space<vmem>> -> memref<125xi32, #tpu.memory_space<vmem>>
    %dma_start3A_71 = arith.constant 0 : i32
    %dma_start3A_72 = arith.constant 0 : i32
    %dma_start3A_73 = tpu.memref_slice %arg2[%dma_start3A_71, %dma_start3A_72] : memref<10000x16xf32, #tpu.memory_space<hbm>> -> memref<10000x16xf32, #tpu.memory_space<hbm>>
    tpu.enqueue_indirect_dma source(%dma_start3A_73 : memref<10000x16xf32, #tpu.memory_space<hbm>>) target(%dma_start3A_67 : memref<125x16xf32, #tpu.memory_space<vmem>>) offsets(%dma_start3A_70 : memref<125xi32, #tpu.memory_space<vmem>>) semaphore(%arg11 : memref<!tpu.dma_semaphore, #tpu.memory_space<semaphore_mem>>)
    %dma_start3A_74 = arith.constant 2 : i32
    %dma_start3A_75 = arith.constant 0 : i32
    %dma_start3A_76 = arith.constant 2 : i32
    %dma_start3A_77 = arith.constant 0 : i32
    %dma_start3A_78 = arith.constant 0 : i32
    %dma_start3A_79 = tpu.memref_slice %arg8[%dma_start3A_75, %dma_start3A_76, %dma_start3A_77, %dma_start3A_78] : memref<2x10x125x16xf32, #tpu.memory_space<vmem>> -> memref<1x1x125x16xf32, #tpu.memory_space<vmem>>
    %dma_start3A_80 = tpu.memref_squeeze %dma_start3A_79 : memref<1x1x125x16xf32, #tpu.memory_space<vmem>> -> memref<125x16xf32, #tpu.memory_space<vmem>>
    %dma_start3A_81 = arith.constant 0 : i32
    %dma_start3A_82 = tpu.memref_slice %arg6[%dma_start3A_74, %dma_start3A_81] : memref<80x125xi32, #tpu.memory_space<vmem>> -> memref<1x125xi32, #tpu.memory_space<vmem>>
    %dma_start3A_83 = tpu.memref_squeeze %dma_start3A_82 : memref<1x125xi32, #tpu.memory_space<vmem>> -> memref<125xi32, #tpu.memory_space<vmem>>
    %dma_start3A_84 = arith.constant 0 : i32
    %dma_start3A_85 = arith.constant 0 : i32
    %dma_start3A_86 = tpu.memref_slice %arg2[%dma_start3A_84, %dma_start3A_85] : memref<10000x16xf32, #tpu.memory_space<hbm>> -> memref<10000x16xf32, #tpu.memory_space<hbm>>
    tpu.enqueue_indirect_dma source(%dma_start3A_86 : memref<10000x16xf32, #tpu.memory_space<hbm>>) target(%dma_start3A_80 : memref<125x16xf32, #tpu.memory_space<vmem>>) offsets(%dma_start3A_83 : memref<125xi32, #tpu.memory_space<vmem>>) semaphore(%arg11 : memref<!tpu.dma_semaphore, #tpu.memory_space<semaphore_mem>>)
    %dma_start3A_87 = arith.constant 3 : i32
    %dma_start3A_88 = arith.constant 0 : i32
    %dma_start3A_89 = arith.constant 3 : i32
    %dma_start3A_90 = arith.constant 0 : i32
    %dma_start3A_91 = arith.constant 0 : i32
    %dma_start3A_92 = tpu.memref_slice %arg8[%dma_start3A_88, %dma_start3A_89, %dma_start3A_90, %dma_start3A_91] : memref<2x10x125x16xf32, #tpu.memory_space<vmem>> -> memref<1x1x125x16xf32, #tpu.memory_space<vmem>>
    %dma_start3A_93 = tpu.memref_squeeze %dma_start3A_92 : memref<1x1x125x16xf32, #tpu.memory_space<vmem>> -> memref<125x16xf32, #tpu.memory_space<vmem>>
    %dma_start3A_94 = arith.constant 0 : i32
    %dma_start3A_95 = tpu.memref_slice %arg6[%dma_start3A_87, %dma_start3A_94] : memref<80x125xi32, #tpu.memory_space<vmem>> -> memref<1x125xi32, #tpu.memory_space<vmem>>
    %dma_start3A_96 = tpu.memref_squeeze %dma_start3A_95 : memref<1x125xi32, #tpu.memory_space<vmem>> -> memref<125xi32, #tpu.memory_space<vmem>>
    %dma_start3A_97 = arith.constant 0 : i32
    %dma_start3A_98 = arith.constant 0 : i32
    %dma_start3A_99 = tpu.memref_slice %arg2[%dma_start3A_97, %dma_start3A_98] : memref<10000x16xf32, #tpu.memory_space<hbm>> -> memref<10000x16xf32, #tpu.memory_space<hbm>>
    tpu.enqueue_indirect_dma source(%dma_start3A_99 : memref<10000x16xf32, #tpu.memory_space<hbm>>) target(%dma_start3A_93 : memref<125x16xf32, #tpu.memory_space<vmem>>) offsets(%dma_start3A_96 : memref<125xi32, #tpu.memory_space<vmem>>) semaphore(%arg11 : memref<!tpu.dma_semaphore, #tpu.memory_space<semaphore_mem>>)
    %dma_start3A_100 = arith.constant 4 : i32
    %dma_start3A_101 = arith.constant 0 : i32
    %dma_start3A_102 = arith.constant 4 : i32
    %dma_start3A_103 = arith.constant 0 : i32
    %dma_start3A_104 = arith.constant 0 : i32
    %dma_start3A_105 = tpu.memref_slice %arg8[%dma_start3A_101, %dma_start3A_102, %dma_start3A_103, %dma_start3A_104] : memref<2x10x125x16xf32, #tpu.memory_space<vmem>> -> memref<1x1x125x16xf32, #tpu.memory_space<vmem>>
    %dma_start3A_106 = tpu.memref_squeeze %dma_start3A_105 : memref<1x1x125x16xf32, #tpu.memory_space<vmem>> -> memref<125x16xf32, #tpu.memory_space<vmem>>
    %dma_start3A_107 = arith.constant 0 : i32
    %dma_start3A_108 = tpu.memref_slice %arg6[%dma_start3A_100, %dma_start3A_107] : memref<80x125xi32, #tpu.memory_space<vmem>> -> memref<1x125xi32, #tpu.memory_space<vmem>>
    %dma_start3A_109 = tpu.memref_squeeze %dma_start3A_108 : memref<1x125xi32, #tpu.memory_space<vmem>> -> memref<125xi32, #tpu.memory_space<vmem>>
    %dma_start3A_110 = arith.constant 0 : i32
    %dma_start3A_111 = arith.constant 0 : i32
    %dma_start3A_112 = tpu.memref_slice %arg2[%dma_start3A_110, %dma_start3A_111] : memref<10000x16xf32, #tpu.memory_space<hbm>> -> memref<10000x16xf32, #tpu.memory_space<hbm>>
    tpu.enqueue_indirect_dma source(%dma_start3A_112 : memref<10000x16xf32, #tpu.memory_space<hbm>>) target(%dma_start3A_106 : memref<125x16xf32, #tpu.memory_space<vmem>>) offsets(%dma_start3A_109 : memref<125xi32, #tpu.memory_space<vmem>>) semaphore(%arg11 : memref<!tpu.dma_semaphore, #tpu.memory_space<semaphore_mem>>)
    %dma_start3A_113 = arith.constant 5 : i32
    %dma_start3A_114 = arith.constant 0 : i32
    %dma_start3A_115 = arith.constant 5 : i32
    %dma_start3A_116 = arith.constant 0 : i32
    %dma_start3A_117 = arith.constant 0 : i32
    %dma_start3A_118 = tpu.memref_slice %arg8[%dma_start3A_114, %dma_start3A_115, %dma_start3A_116, %dma_start3A_117] : memref<2x10x125x16xf32, #tpu.memory_space<vmem>> -> memref<1x1x125x16xf32, #tpu.memory_space<vmem>>
    %dma_start3A_119 = tpu.memref_squeeze %dma_start3A_118 : memref<1x1x125x16xf32, #tpu.memory_space<vmem>> -> memref<125x16xf32, #tpu.memory_space<vmem>>
    %dma_start3A_120 = arith.constant 0 : i32
    %dma_start3A_121 = tpu.memref_slice %arg6[%dma_start3A_113, %dma_start3A_120] : memref<80x125xi32, #tpu.memory_space<vmem>> -> memref<1x125xi32, #tpu.memory_space<vmem>>
    %dma_start3A_122 = tpu.memref_squeeze %dma_start3A_121 : memref<1x125xi32, #tpu.memory_space<vmem>> -> memref<125xi32, #tpu.memory_space<vmem>>
    %dma_start3A_123 = arith.constant 0 : i32
    %dma_start3A_124 = arith.constant 0 : i32
    %dma_start3A_125 = tpu.memref_slice %arg2[%dma_start3A_123, %dma_start3A_124] : memref<10000x16xf32, #tpu.memory_space<hbm>> -> memref<10000x16xf32, #tpu.memory_space<hbm>>
    tpu.enqueue_indirect_dma source(%dma_start3A_125 : memref<10000x16xf32, #tpu.memory_space<hbm>>) target(%dma_start3A_119 : memref<125x16xf32, #tpu.memory_space<vmem>>) offsets(%dma_start3A_122 : memref<125xi32, #tpu.memory_space<vmem>>) semaphore(%arg11 : memref<!tpu.dma_semaphore, #tpu.memory_space<semaphore_mem>>)
    %dma_start3A_126 = arith.constant 6 : i32
    %dma_start3A_127 = arith.constant 0 : i32
    %dma_start3A_128 = arith.constant 6 : i32
    %dma_start3A_129 = arith.constant 0 : i32
    %dma_start3A_130 = arith.constant 0 : i32
    %dma_start3A_131 = tpu.memref_slice %arg8[%dma_start3A_127, %dma_start3A_128, %dma_start3A_129, %dma_start3A_130] : memref<2x10x125x16xf32, #tpu.memory_space<vmem>> -> memref<1x1x125x16xf32, #tpu.memory_space<vmem>>
    %dma_start3A_132 = tpu.memref_squeeze %dma_start3A_131 : memref<1x1x125x16xf32, #tpu.memory_space<vmem>> -> memref<125x16xf32, #tpu.memory_space<vmem>>
    %dma_start3A_133 = arith.constant 0 : i32
    %dma_start3A_134 = tpu.memref_slice %arg6[%dma_start3A_126, %dma_start3A_133] : memref<80x125xi32, #tpu.memory_space<vmem>> -> memref<1x125xi32, #tpu.memory_space<vmem>>
    %dma_start3A_135 = tpu.memref_squeeze %dma_start3A_134 : memref<1x125xi32, #tpu.memory_space<vmem>> -> memref<125xi32, #tpu.memory_space<vmem>>
    %dma_start3A_136 = arith.constant 0 : i32
    %dma_start3A_137 = arith.constant 0 : i32
    %dma_start3A_138 = tpu.memref_slice %arg2[%dma_start3A_136, %dma_start3A_137] : memref<10000x16xf32, #tpu.memory_space<hbm>> -> memref<10000x16xf32, #tpu.memory_space<hbm>>
    tpu.enqueue_indirect_dma source(%dma_start3A_138 : memref<10000x16xf32, #tpu.memory_space<hbm>>) target(%dma_start3A_132 : memref<125x16xf32, #tpu.memory_space<vmem>>) offsets(%dma_start3A_135 : memref<125xi32, #tpu.memory_space<vmem>>) semaphore(%arg11 : memref<!tpu.dma_semaphore, #tpu.memory_space<semaphore_mem>>)
    %dma_start3A_139 = arith.constant 7 : i32
    %dma_start3A_140 = arith.constant 0 : i32
    %dma_start3A_141 = arith.constant 7 : i32
    %dma_start3A_142 = arith.constant 0 : i32
    %dma_start3A_143 = arith.constant 0 : i32
    %dma_start3A_144 = tpu.memref_slice %arg8[%dma_start3A_140, %dma_start3A_141, %dma_start3A_142, %dma_start3A_143] : memref<2x10x125x16xf32, #tpu.memory_space<vmem>> -> memref<1x1x125x16xf32, #tpu.memory_space<vmem>>
    %dma_start3A_145 = tpu.memref_squeeze %dma_start3A_144 : memref<1x1x125x16xf32, #tpu.memory_space<vmem>> -> memref<125x16xf32, #tpu.memory_space<vmem>>
    %dma_start3A_146 = arith.constant 0 : i32
    %dma_start3A_147 = tpu.memref_slice %arg6[%dma_start3A_139, %dma_start3A_146] : memref<80x125xi32, #tpu.memory_space<vmem>> -> memref<1x125xi32, #tpu.memory_space<vmem>>
    %dma_start3A_148 = tpu.memref_squeeze %dma_start3A_147 : memref<1x125xi32, #tpu.memory_space<vmem>> -> memref<125xi32, #tpu.memory_space<vmem>>
    %dma_start3A_149 = arith.constant 0 : i32
    %dma_start3A_150 = arith.constant 0 : i32
    %dma_start3A_151 = tpu.memref_slice %arg2[%dma_start3A_149, %dma_start3A_150] : memref<10000x16xf32, #tpu.memory_space<hbm>> -> memref<10000x16xf32, #tpu.memory_space<hbm>>
    tpu.enqueue_indirect_dma source(%dma_start3A_151 : memref<10000x16xf32, #tpu.memory_space<hbm>>) target(%dma_start3A_145 : memref<125x16xf32, #tpu.memory_space<vmem>>) offsets(%dma_start3A_148 : memref<125xi32, #tpu.memory_space<vmem>>) semaphore(%arg11 : memref<!tpu.dma_semaphore, #tpu.memory_space<semaphore_mem>>)
    %dma_start3A_152 = arith.constant 8 : i32
    %dma_start3A_153 = arith.constant 0 : i32
    %dma_start3A_154 = arith.constant 8 : i32
    %dma_start3A_155 = arith.constant 0 : i32
    %dma_start3A_156 = arith.constant 0 : i32
    %dma_start3A_157 = tpu.memref_slice %arg8[%dma_start3A_153, %dma_start3A_154, %dma_start3A_155, %dma_start3A_156] : memref<2x10x125x16xf32, #tpu.memory_space<vmem>> -> memref<1x1x125x16xf32, #tpu.memory_space<vmem>>
    %dma_start3A_158 = tpu.memref_squeeze %dma_start3A_157 : memref<1x1x125x16xf32, #tpu.memory_space<vmem>> -> memref<125x16xf32, #tpu.memory_space<vmem>>
    %dma_start3A_159 = arith.constant 0 : i32
    %dma_start3A_160 = tpu.memref_slice %arg6[%dma_start3A_152, %dma_start3A_159] : memref<80x125xi32, #tpu.memory_space<vmem>> -> memref<1x125xi32, #tpu.memory_space<vmem>>
    %dma_start3A_161 = tpu.memref_squeeze %dma_start3A_160 : memref<1x125xi32, #tpu.memory_space<vmem>> -> memref<125xi32, #tpu.memory_space<vmem>>
    %dma_start3A_162 = arith.constant 0 : i32
    %dma_start3A_163 = arith.constant 0 : i32
    %dma_start3A_164 = tpu.memref_slice %arg2[%dma_start3A_162, %dma_start3A_163] : memref<10000x16xf32, #tpu.memory_space<hbm>> -> memref<10000x16xf32, #tpu.memory_space<hbm>>
    tpu.enqueue_indirect_dma source(%dma_start3A_164 : memref<10000x16xf32, #tpu.memory_space<hbm>>) target(%dma_start3A_158 : memref<125x16xf32, #tpu.memory_space<vmem>>) offsets(%dma_start3A_161 : memref<125xi32, #tpu.memory_space<vmem>>) semaphore(%arg11 : memref<!tpu.dma_semaphore, #tpu.memory_space<semaphore_mem>>)
    %dma_start3A_165 = arith.constant 9 : i32
    %dma_start3A_166 = arith.constant 0 : i32
    %dma_start3A_167 = arith.constant 9 : i32
    %dma_start3A_168 = arith.constant 0 : i32
    %dma_start3A_169 = arith.constant 0 : i32
    %dma_start3A_170 = tpu.memref_slice %arg8[%dma_start3A_166, %dma_start3A_167, %dma_start3A_168, %dma_start3A_169] : memref<2x10x125x16xf32, #tpu.memory_space<vmem>> -> memref<1x1x125x16xf32, #tpu.memory_space<vmem>>
    %dma_start3A_171 = tpu.memref_squeeze %dma_start3A_170 : memref<1x1x125x16xf32, #tpu.memory_space<vmem>> -> memref<125x16xf32, #tpu.memory_space<vmem>>
    %dma_start3A_172 = arith.constant 0 : i32
    %dma_start3A_173 = tpu.memref_slice %arg6[%dma_start3A_165, %dma_start3A_172] : memref<80x125xi32, #tpu.memory_space<vmem>> -> memref<1x125xi32, #tpu.memory_space<vmem>>
    %dma_start3A_174 = tpu.memref_squeeze %dma_start3A_173 : memref<1x125xi32, #tpu.memory_space<vmem>> -> memref<125xi32, #tpu.memory_space<vmem>>
    %dma_start3A_175 = arith.constant 0 : i32
    %dma_start3A_176 = arith.constant 0 : i32
    %dma_start3A_177 = tpu.memref_slice %arg2[%dma_start3A_175, %dma_start3A_176] : memref<10000x16xf32, #tpu.memory_space<hbm>> -> memref<10000x16xf32, #tpu.memory_space<hbm>>
    tpu.enqueue_indirect_dma source(%dma_start3A_177 : memref<10000x16xf32, #tpu.memory_space<hbm>>) target(%dma_start3A_171 : memref<125x16xf32, #tpu.memory_space<vmem>>) offsets(%dma_start3A_174 : memref<125xi32, #tpu.memory_space<vmem>>) semaphore(%arg11 : memref<!tpu.dma_semaphore, #tpu.memory_space<semaphore_mem>>)
    %scan3A_178 = arith.constant 0 : i32
    %scan3A_179 = arith.constant 0 : i32
    %scan3A_180 = arith.constant 4 : i32
    %scan3A_181 = arith.addi %scan3A_179, %scan3A_180 : i32
    %scan3A_182 = arith.constant 1 : i32
    scf.for %scan3A_189 = %scan3A_179 to %scan3A_181 step %scan3A_182  : i32 {
      %mul3A_190 = arith.constant 2 : i32
      %mul3A_191 = arith.muli %mul3A_190, %scan3A_189 : i32
      %add3A_192 = arith.constant 1 : i32
      %add3A_193 = arith.addi %mul3A_191, %add3A_192 : i32
      %mul3A_194 = arith.constant 10 : i32
      %mul3A_195 = arith.muli %add3A_193, %mul3A_194 : i32
      %add3A_196 = arith.constant 0 : i32
      %add3A_197 = arith.addi %mul3A_195, %add3A_196 : i32
      %dma_start3A_198 = arith.constant 1 : i32
      %dma_start3A_199 = arith.constant 0 : i32
      %dma_start3A_200 = arith.constant 0 : i32
      %dma_start3A_201 = arith.constant 0 : i32
      %dma_start3A_202 = tpu.memref_slice %arg8[%dma_start3A_198, %dma_start3A_199, %dma_start3A_200, %dma_start3A_201] : memref<2x10x125x16xf32, #tpu.memory_space<vmem>> -> memref<1x1x125x16xf32, #tpu.memory_space<vmem>>
      %dma_start3A_203 = tpu.memref_squeeze %dma_start3A_202 : memref<1x1x125x16xf32, #tpu.memory_space<vmem>> -> memref<125x16xf32, #tpu.memory_space<vmem>>
      %dma_start3A_204 = arith.constant 0 : i32
      %dma_start3A_205 = tpu.memref_slice %arg6[%add3A_197, %dma_start3A_204] : memref<80x125xi32, #tpu.memory_space<vmem>> -> memref<1x125xi32, #tpu.memory_space<vmem>>
      %dma_start3A_206 = tpu.memref_squeeze %dma_start3A_205 : memref<1x125xi32, #tpu.memory_space<vmem>> -> memref<125xi32, #tpu.memory_space<vmem>>
      %dma_start3A_207 = arith.constant 0 : i32
      %dma_start3A_208 = arith.constant 0 : i32
      %dma_start3A_209 = tpu.memref_slice %arg2[%dma_start3A_207, %dma_start3A_208] : memref<10000x16xf32, #tpu.memory_space<hbm>> -> memref<10000x16xf32, #tpu.memory_space<hbm>>
      tpu.enqueue_indirect_dma source(%dma_start3A_209 : memref<10000x16xf32, #tpu.memory_space<hbm>>) target(%dma_start3A_203 : memref<125x16xf32, #tpu.memory_space<vmem>>) offsets(%dma_start3A_206 : memref<125xi32, #tpu.memory_space<vmem>>) semaphore(%arg12 : memref<!tpu.dma_semaphore, #tpu.memory_space<semaphore_mem>>)
      %mul3A_210 = arith.constant 10 : i32
      %mul3A_211 = arith.muli %add3A_193, %mul3A_210 : i32
      %add3A_212 = arith.constant 1 : i32
      %add3A_213 = arith.addi %mul3A_211, %add3A_212 : i32
      %dma_start3A_214 = arith.constant 1 : i32
      %dma_start3A_215 = arith.constant 1 : i32
      %dma_start3A_216 = arith.constant 0 : i32
      %dma_start3A_217 = arith.constant 0 : i32
      %dma_start3A_218 = tpu.memref_slice %arg8[%dma_start3A_214, %dma_start3A_215, %dma_start3A_216, %dma_start3A_217] : memref<2x10x125x16xf32, #tpu.memory_space<vmem>> -> memref<1x1x125x16xf32, #tpu.memory_space<vmem>>
      %dma_start3A_219 = tpu.memref_squeeze %dma_start3A_218 : memref<1x1x125x16xf32, #tpu.memory_space<vmem>> -> memref<125x16xf32, #tpu.memory_space<vmem>>
      %dma_start3A_220 = arith.constant 0 : i32
      %dma_start3A_221 = tpu.memref_slice %arg6[%add3A_213, %dma_start3A_220] : memref<80x125xi32, #tpu.memory_space<vmem>> -> memref<1x125xi32, #tpu.memory_space<vmem>>
      %dma_start3A_222 = tpu.memref_squeeze %dma_start3A_221 : memref<1x125xi32, #tpu.memory_space<vmem>> -> memref<125xi32, #tpu.memory_space<vmem>>
      %dma_start3A_223 = arith.constant 0 : i32
      %dma_start3A_224 = arith.constant 0 : i32
      %dma_start3A_225 = tpu.memref_slice %arg2[%dma_start3A_223, %dma_start3A_224] : memref<10000x16xf32, #tpu.memory_space<hbm>> -> memref<10000x16xf32, #tpu.memory_space<hbm>>
      tpu.enqueue_indirect_dma source(%dma_start3A_225 : memref<10000x16xf32, #tpu.memory_space<hbm>>) target(%dma_start3A_219 : memref<125x16xf32, #tpu.memory_space<vmem>>) offsets(%dma_start3A_222 : memref<125xi32, #tpu.memory_space<vmem>>) semaphore(%arg12 : memref<!tpu.dma_semaphore, #tpu.memory_space<semaphore_mem>>)
      %mul3A_226 = arith.constant 10 : i32
      %mul3A_227 = arith.muli %add3A_193, %mul3A_226 : i32
      %add3A_228 = arith.constant 2 : i32
      %add3A_229 = arith.addi %mul3A_227, %add3A_228 : i32
      %dma_start3A_230 = arith.constant 1 : i32
      %dma_start3A_231 = arith.constant 2 : i32
      %dma_start3A_232 = arith.constant 0 : i32
      %dma_start3A_233 = arith.constant 0 : i32
      %dma_start3A_234 = tpu.memref_slice %arg8[%dma_start3A_230, %dma_start3A_231, %dma_start3A_232, %dma_start3A_233] : memref<2x10x125x16xf32, #tpu.memory_space<vmem>> -> memref<1x1x125x16xf32, #tpu.memory_space<vmem>>
      %dma_start3A_235 = tpu.memref_squeeze %dma_start3A_234 : memref<1x1x125x16xf32, #tpu.memory_space<vmem>> -> memref<125x16xf32, #tpu.memory_space<vmem>>
      %dma_start3A_236 = arith.constant 0 : i32
      %dma_start3A_237 = tpu.memref_slice %arg6[%add3A_229, %dma_start3A_236] : memref<80x125xi32, #tpu.memory_space<vmem>> -> memref<1x125xi32, #tpu.memory_space<vmem>>
      %dma_start3A_238 = tpu.memref_squeeze %dma_start3A_237 : memref<1x125xi32, #tpu.memory_space<vmem>> -> memref<125xi32, #tpu.memory_space<vmem>>
      %dma_start3A_239 = arith.constant 0 : i32
      %dma_start3A_240 = arith.constant 0 : i32
      %dma_start3A_241 = tpu.memref_slice %arg2[%dma_start3A_239, %dma_start3A_240] : memref<10000x16xf32, #tpu.memory_space<hbm>> -> memref<10000x16xf32, #tpu.memory_space<hbm>>
      tpu.enqueue_indirect_dma source(%dma_start3A_241 : memref<10000x16xf32, #tpu.memory_space<hbm>>) target(%dma_start3A_235 : memref<125x16xf32, #tpu.memory_space<vmem>>) offsets(%dma_start3A_238 : memref<125xi32, #tpu.memory_space<vmem>>) semaphore(%arg12 : memref<!tpu.dma_semaphore, #tpu.memory_space<semaphore_mem>>)
      %mul3A_242 = arith.constant 10 : i32
      %mul3A_243 = arith.muli %add3A_193, %mul3A_242 : i32
      %add3A_244 = arith.constant 3 : i32
      %add3A_245 = arith.addi %mul3A_243, %add3A_244 : i32
      %dma_start3A_246 = arith.constant 1 : i32
      %dma_start3A_247 = arith.constant 3 : i32
      %dma_start3A_248 = arith.constant 0 : i32
      %dma_start3A_249 = arith.constant 0 : i32
      %dma_start3A_250 = tpu.memref_slice %arg8[%dma_start3A_246, %dma_start3A_247, %dma_start3A_248, %dma_start3A_249] : memref<2x10x125x16xf32, #tpu.memory_space<vmem>> -> memref<1x1x125x16xf32, #tpu.memory_space<vmem>>
      %dma_start3A_251 = tpu.memref_squeeze %dma_start3A_250 : memref<1x1x125x16xf32, #tpu.memory_space<vmem>> -> memref<125x16xf32, #tpu.memory_space<vmem>>
      %dma_start3A_252 = arith.constant 0 : i32
      %dma_start3A_253 = tpu.memref_slice %arg6[%add3A_245, %dma_start3A_252] : memref<80x125xi32, #tpu.memory_space<vmem>> -> memref<1x125xi32, #tpu.memory_space<vmem>>
      %dma_start3A_254 = tpu.memref_squeeze %dma_start3A_253 : memref<1x125xi32, #tpu.memory_space<vmem>> -> memref<125xi32, #tpu.memory_space<vmem>>
      %dma_start3A_255 = arith.constant 0 : i32
      %dma_start3A_256 = arith.constant 0 : i32
      %dma_start3A_257 = tpu.memref_slice %arg2[%dma_start3A_255, %dma_start3A_256] : memref<10000x16xf32, #tpu.memory_space<hbm>> -> memref<10000x16xf32, #tpu.memory_space<hbm>>
      tpu.enqueue_indirect_dma source(%dma_start3A_257 : memref<10000x16xf32, #tpu.memory_space<hbm>>) target(%dma_start3A_251 : memref<125x16xf32, #tpu.memory_space<vmem>>) offsets(%dma_start3A_254 : memref<125xi32, #tpu.memory_space<vmem>>) semaphore(%arg12 : memref<!tpu.dma_semaphore, #tpu.memory_space<semaphore_mem>>)
      %mul3A_258 = arith.constant 10 : i32
      %mul3A_259 = arith.muli %add3A_193, %mul3A_258 : i32
      %add3A_260 = arith.constant 4 : i32
      %add3A_261 = arith.addi %mul3A_259, %add3A_260 : i32
      %dma_start3A_262 = arith.constant 1 : i32
      %dma_start3A_263 = arith.constant 4 : i32
      %dma_start3A_264 = arith.constant 0 : i32
      %dma_start3A_265 = arith.constant 0 : i32
      %dma_start3A_266 = tpu.memref_slice %arg8[%dma_start3A_262, %dma_start3A_263, %dma_start3A_264, %dma_start3A_265] : memref<2x10x125x16xf32, #tpu.memory_space<vmem>> -> memref<1x1x125x16xf32, #tpu.memory_space<vmem>>
      %dma_start3A_267 = tpu.memref_squeeze %dma_start3A_266 : memref<1x1x125x16xf32, #tpu.memory_space<vmem>> -> memref<125x16xf32, #tpu.memory_space<vmem>>
      %dma_start3A_268 = arith.constant 0 : i32
      %dma_start3A_269 = tpu.memref_slice %arg6[%add3A_261, %dma_start3A_268] : memref<80x125xi32, #tpu.memory_space<vmem>> -> memref<1x125xi32, #tpu.memory_space<vmem>>
      %dma_start3A_270 = tpu.memref_squeeze %dma_start3A_269 : memref<1x125xi32, #tpu.memory_space<vmem>> -> memref<125xi32, #tpu.memory_space<vmem>>
      %dma_start3A_271 = arith.constant 0 : i32
      %dma_start3A_272 = arith.constant 0 : i32
      %dma_start3A_273 = tpu.memref_slice %arg2[%dma_start3A_271, %dma_start3A_272] : memref<10000x16xf32, #tpu.memory_space<hbm>> -> memref<10000x16xf32, #tpu.memory_space<hbm>>
      tpu.enqueue_indirect_dma source(%dma_start3A_273 : memref<10000x16xf32, #tpu.memory_space<hbm>>) target(%dma_start3A_267 : memref<125x16xf32, #tpu.memory_space<vmem>>) offsets(%dma_start3A_270 : memref<125xi32, #tpu.memory_space<vmem>>) semaphore(%arg12 : memref<!tpu.dma_semaphore, #tpu.memory_space<semaphore_mem>>)
      %mul3A_274 = arith.constant 10 : i32
      %mul3A_275 = arith.muli %add3A_193, %mul3A_274 : i32
      %add3A_276 = arith.constant 5 : i32
      %add3A_277 = arith.addi %mul3A_275, %add3A_276 : i32
      %dma_start3A_278 = arith.constant 1 : i32
      %dma_start3A_279 = arith.constant 5 : i32
      %dma_start3A_280 = arith.constant 0 : i32
      %dma_start3A_281 = arith.constant 0 : i32
      %dma_start3A_282 = tpu.memref_slice %arg8[%dma_start3A_278, %dma_start3A_279, %dma_start3A_280, %dma_start3A_281] : memref<2x10x125x16xf32, #tpu.memory_space<vmem>> -> memref<1x1x125x16xf32, #tpu.memory_space<vmem>>
      %dma_start3A_283 = tpu.memref_squeeze %dma_start3A_282 : memref<1x1x125x16xf32, #tpu.memory_space<vmem>> -> memref<125x16xf32, #tpu.memory_space<vmem>>
      %dma_start3A_284 = arith.constant 0 : i32
      %dma_start3A_285 = tpu.memref_slice %arg6[%add3A_277, %dma_start3A_284] : memref<80x125xi32, #tpu.memory_space<vmem>> -> memref<1x125xi32, #tpu.memory_space<vmem>>
      %dma_start3A_286 = tpu.memref_squeeze %dma_start3A_285 : memref<1x125xi32, #tpu.memory_space<vmem>> -> memref<125xi32, #tpu.memory_space<vmem>>
      %dma_start3A_287 = arith.constant 0 : i32
      %dma_start3A_288 = arith.constant 0 : i32
      %dma_start3A_289 = tpu.memref_slice %arg2[%dma_start3A_287, %dma_start3A_288] : memref<10000x16xf32, #tpu.memory_space<hbm>> -> memref<10000x16xf32, #tpu.memory_space<hbm>>
      tpu.enqueue_indirect_dma source(%dma_start3A_289 : memref<10000x16xf32, #tpu.memory_space<hbm>>) target(%dma_start3A_283 : memref<125x16xf32, #tpu.memory_space<vmem>>) offsets(%dma_start3A_286 : memref<125xi32, #tpu.memory_space<vmem>>) semaphore(%arg12 : memref<!tpu.dma_semaphore, #tpu.memory_space<semaphore_mem>>)
      %mul3A_290 = arith.constant 10 : i32
      %mul3A_291 = arith.muli %add3A_193, %mul3A_290 : i32
      %add3A_292 = arith.constant 6 : i32
      %add3A_293 = arith.addi %mul3A_291, %add3A_292 : i32
      %dma_start3A_294 = arith.constant 1 : i32
      %dma_start3A_295 = arith.constant 6 : i32
      %dma_start3A_296 = arith.constant 0 : i32
      %dma_start3A_297 = arith.constant 0 : i32
      %dma_start3A_298 = tpu.memref_slice %arg8[%dma_start3A_294, %dma_start3A_295, %dma_start3A_296, %dma_start3A_297] : memref<2x10x125x16xf32, #tpu.memory_space<vmem>> -> memref<1x1x125x16xf32, #tpu.memory_space<vmem>>
      %dma_start3A_299 = tpu.memref_squeeze %dma_start3A_298 : memref<1x1x125x16xf32, #tpu.memory_space<vmem>> -> memref<125x16xf32, #tpu.memory_space<vmem>>
      %dma_start3A_300 = arith.constant 0 : i32
      %dma_start3A_301 = tpu.memref_slice %arg6[%add3A_293, %dma_start3A_300] : memref<80x125xi32, #tpu.memory_space<vmem>> -> memref<1x125xi32, #tpu.memory_space<vmem>>
      %dma_start3A_302 = tpu.memref_squeeze %dma_start3A_301 : memref<1x125xi32, #tpu.memory_space<vmem>> -> memref<125xi32, #tpu.memory_space<vmem>>
      %dma_start3A_303 = arith.constant 0 : i32
      %dma_start3A_304 = arith.constant 0 : i32
      %dma_start3A_305 = tpu.memref_slice %arg2[%dma_start3A_303, %dma_start3A_304] : memref<10000x16xf32, #tpu.memory_space<hbm>> -> memref<10000x16xf32, #tpu.memory_space<hbm>>
      tpu.enqueue_indirect_dma source(%dma_start3A_305 : memref<10000x16xf32, #tpu.memory_space<hbm>>) target(%dma_start3A_299 : memref<125x16xf32, #tpu.memory_space<vmem>>) offsets(%dma_start3A_302 : memref<125xi32, #tpu.memory_space<vmem>>) semaphore(%arg12 : memref<!tpu.dma_semaphore, #tpu.memory_space<semaphore_mem>>)
      %mul3A_306 = arith.constant 10 : i32
      %mul3A_307 = arith.muli %add3A_193, %mul3A_306 : i32
      %add3A_308 = arith.constant 7 : i32
      %add3A_309 = arith.addi %mul3A_307, %add3A_308 : i32
      %dma_start3A_310 = arith.constant 1 : i32
      %dma_start3A_311 = arith.constant 7 : i32
      %dma_start3A_312 = arith.constant 0 : i32
      %dma_start3A_313 = arith.constant 0 : i32
      %dma_start3A_314 = tpu.memref_slice %arg8[%dma_start3A_310, %dma_start3A_311, %dma_start3A_312, %dma_start3A_313] : memref<2x10x125x16xf32, #tpu.memory_space<vmem>> -> memref<1x1x125x16xf32, #tpu.memory_space<vmem>>
      %dma_start3A_315 = tpu.memref_squeeze %dma_start3A_314 : memref<1x1x125x16xf32, #tpu.memory_space<vmem>> -> memref<125x16xf32, #tpu.memory_space<vmem>>
      %dma_start3A_316 = arith.constant 0 : i32
      %dma_start3A_317 = tpu.memref_slice %arg6[%add3A_309, %dma_start3A_316] : memref<80x125xi32, #tpu.memory_space<vmem>> -> memref<1x125xi32, #tpu.memory_space<vmem>>
      %dma_start3A_318 = tpu.memref_squeeze %dma_start3A_317 : memref<1x125xi32, #tpu.memory_space<vmem>> -> memref<125xi32, #tpu.memory_space<vmem>>
      %dma_start3A_319 = arith.constant 0 : i32
      %dma_start3A_320 = arith.constant 0 : i32
      %dma_start3A_321 = tpu.memref_slice %arg2[%dma_start3A_319, %dma_start3A_320] : memref<10000x16xf32, #tpu.memory_space<hbm>> -> memref<10000x16xf32, #tpu.memory_space<hbm>>
      tpu.enqueue_indirect_dma source(%dma_start3A_321 : memref<10000x16xf32, #tpu.memory_space<hbm>>) target(%dma_start3A_315 : memref<125x16xf32, #tpu.memory_space<vmem>>) offsets(%dma_start3A_318 : memref<125xi32, #tpu.memory_space<vmem>>) semaphore(%arg12 : memref<!tpu.dma_semaphore, #tpu.memory_space<semaphore_mem>>)
      %mul3A_322 = arith.constant 10 : i32
      %mul3A_323 = arith.muli %add3A_193, %mul3A_322 : i32
      %add3A_324 = arith.constant 8 : i32
      %add3A_325 = arith.addi %mul3A_323, %add3A_324 : i32
      %dma_start3A_326 = arith.constant 1 : i32
      %dma_start3A_327 = arith.constant 8 : i32
      %dma_start3A_328 = arith.constant 0 : i32
      %dma_start3A_329 = arith.constant 0 : i32
      %dma_start3A_330 = tpu.memref_slice %arg8[%dma_start3A_326, %dma_start3A_327, %dma_start3A_328, %dma_start3A_329] : memref<2x10x125x16xf32, #tpu.memory_space<vmem>> -> memref<1x1x125x16xf32, #tpu.memory_space<vmem>>
      %dma_start3A_331 = tpu.memref_squeeze %dma_start3A_330 : memref<1x1x125x16xf32, #tpu.memory_space<vmem>> -> memref<125x16xf32, #tpu.memory_space<vmem>>
      %dma_start3A_332 = arith.constant 0 : i32
      %dma_start3A_333 = tpu.memref_slice %arg6[%add3A_325, %dma_start3A_332] : memref<80x125xi32, #tpu.memory_space<vmem>> -> memref<1x125xi32, #tpu.memory_space<vmem>>
      %dma_start3A_334 = tpu.memref_squeeze %dma_start3A_333 : memref<1x125xi32, #tpu.memory_space<vmem>> -> memref<125xi32, #tpu.memory_space<vmem>>
      %dma_start3A_335 = arith.constant 0 : i32
      %dma_start3A_336 = arith.constant 0 : i32
      %dma_start3A_337 = tpu.memref_slice %arg2[%dma_start3A_335, %dma_start3A_336] : memref<10000x16xf32, #tpu.memory_space<hbm>> -> memref<10000x16xf32, #tpu.memory_space<hbm>>
      tpu.enqueue_indirect_dma source(%dma_start3A_337 : memref<10000x16xf32, #tpu.memory_space<hbm>>) target(%dma_start3A_331 : memref<125x16xf32, #tpu.memory_space<vmem>>) offsets(%dma_start3A_334 : memref<125xi32, #tpu.memory_space<vmem>>) semaphore(%arg12 : memref<!tpu.dma_semaphore, #tpu.memory_space<semaphore_mem>>)
      %mul3A_338 = arith.constant 10 : i32
      %mul3A_339 = arith.muli %add3A_193, %mul3A_338 : i32
      %add3A_340 = arith.constant 9 : i32
      %add3A_341 = arith.addi %mul3A_339, %add3A_340 : i32
      %dma_start3A_342 = arith.constant 1 : i32
      %dma_start3A_343 = arith.constant 9 : i32
      %dma_start3A_344 = arith.constant 0 : i32
      %dma_start3A_345 = arith.constant 0 : i32
      %dma_start3A_346 = tpu.memref_slice %arg8[%dma_start3A_342, %dma_start3A_343, %dma_start3A_344, %dma_start3A_345] : memref<2x10x125x16xf32, #tpu.memory_space<vmem>> -> memref<1x1x125x16xf32, #tpu.memory_space<vmem>>
      %dma_start3A_347 = tpu.memref_squeeze %dma_start3A_346 : memref<1x1x125x16xf32, #tpu.memory_space<vmem>> -> memref<125x16xf32, #tpu.memory_space<vmem>>
      %dma_start3A_348 = arith.constant 0 : i32
      %dma_start3A_349 = tpu.memref_slice %arg6[%add3A_341, %dma_start3A_348] : memref<80x125xi32, #tpu.memory_space<vmem>> -> memref<1x125xi32, #tpu.memory_space<vmem>>
      %dma_start3A_350 = tpu.memref_squeeze %dma_start3A_349 : memref<1x125xi32, #tpu.memory_space<vmem>> -> memref<125xi32, #tpu.memory_space<vmem>>
      %dma_start3A_351 = arith.constant 0 : i32
      %dma_start3A_352 = arith.constant 0 : i32
      %dma_start3A_353 = tpu.memref_slice %arg2[%dma_start3A_351, %dma_start3A_352] : memref<10000x16xf32, #tpu.memory_space<hbm>> -> memref<10000x16xf32, #tpu.memory_space<hbm>>
      tpu.enqueue_indirect_dma source(%dma_start3A_353 : memref<10000x16xf32, #tpu.memory_space<hbm>>) target(%dma_start3A_347 : memref<125x16xf32, #tpu.memory_space<vmem>>) offsets(%dma_start3A_350 : memref<125xi32, #tpu.memory_space<vmem>>) semaphore(%arg12 : memref<!tpu.dma_semaphore, #tpu.memory_space<semaphore_mem>>)
      %mul3A_354 = arith.constant 2 : i32
      %mul3A_355 = arith.muli %mul3A_354, %scan3A_189 : i32
      %mul3A_356 = arith.constant 10 : i32
      %mul3A_357 = arith.muli %mul3A_355, %mul3A_356 : i32
      %add3A_358 = arith.constant 0 : i32
      %add3A_359 = arith.addi %mul3A_357, %add3A_358 : i32
      %dma_wait3A = arith.constant 0 : i32
      %dma_wait3A_360 = arith.constant 0 : i32
      %dma_wait3A_361 = arith.constant 0 : i32
      %dma_wait3A_362 = arith.constant 0 : i32
      %dma_wait3A_363 = tpu.memref_slice %arg8[%dma_wait3A, %dma_wait3A_360, %dma_wait3A_361, %dma_wait3A_362] : memref<2x10x125x16xf32, #tpu.memory_space<vmem>> -> memref<1x1x125x16xf32, #tpu.memory_space<vmem>>
      %dma_wait3A_364 = tpu.memref_squeeze %dma_wait3A_363 : memref<1x1x125x16xf32, #tpu.memory_space<vmem>> -> memref<125x16xf32, #tpu.memory_space<vmem>>
      %dma_wait3A_365 = arith.constant 0 : i32
      %dma_wait3A_366 = tpu.memref_slice %arg6[%add3A_359, %dma_wait3A_365] : memref<80x125xi32, #tpu.memory_space<vmem>> -> memref<1x125xi32, #tpu.memory_space<vmem>>
      %dma_wait3A_367 = tpu.memref_squeeze %dma_wait3A_366 : memref<1x125xi32, #tpu.memory_space<vmem>> -> memref<125xi32, #tpu.memory_space<vmem>>
      %dma_wait3A_368 = arith.constant 0 : i32
      %dma_wait3A_369 = arith.constant 0 : i32
      %dma_wait3A_370 = tpu.memref_slice %arg2[%dma_wait3A_368, %dma_wait3A_369] : memref<10000x16xf32, #tpu.memory_space<hbm>> -> memref<10000x16xf32, #tpu.memory_space<hbm>>
      tpu.wait_indirect_dma semaphore(%arg11 : memref<!tpu.dma_semaphore, #tpu.memory_space<semaphore_mem>>) src(%dma_wait3A_370 : memref<10000x16xf32, #tpu.memory_space<hbm>>) dst(%dma_wait3A_364 : memref<125x16xf32, #tpu.memory_space<vmem>>)
      %mul3A_371 = arith.constant 10 : i32
      %mul3A_372 = arith.muli %mul3A_355, %mul3A_371 : i32
      %add3A_373 = arith.constant 1 : i32
      %add3A_374 = arith.addi %mul3A_372, %add3A_373 : i32
      %dma_wait3A_375 = arith.constant 0 : i32
      %dma_wait3A_376 = arith.constant 1 : i32
      %dma_wait3A_377 = arith.constant 0 : i32
      %dma_wait3A_378 = arith.constant 0 : i32
      %dma_wait3A_379 = tpu.memref_slice %arg8[%dma_wait3A_375, %dma_wait3A_376, %dma_wait3A_377, %dma_wait3A_378] : memref<2x10x125x16xf32, #tpu.memory_space<vmem>> -> memref<1x1x125x16xf32, #tpu.memory_space<vmem>>
      %dma_wait3A_380 = tpu.memref_squeeze %dma_wait3A_379 : memref<1x1x125x16xf32, #tpu.memory_space<vmem>> -> memref<125x16xf32, #tpu.memory_space<vmem>>
      %dma_wait3A_381 = arith.constant 0 : i32
      %dma_wait3A_382 = tpu.memref_slice %arg6[%add3A_374, %dma_wait3A_381] : memref<80x125xi32, #tpu.memory_space<vmem>> -> memref<1x125xi32, #tpu.memory_space<vmem>>
      %dma_wait3A_383 = tpu.memref_squeeze %dma_wait3A_382 : memref<1x125xi32, #tpu.memory_space<vmem>> -> memref<125xi32, #tpu.memory_space<vmem>>
      %dma_wait3A_384 = arith.constant 0 : i32
      %dma_wait3A_385 = arith.constant 0 : i32
      %dma_wait3A_386 = tpu.memref_slice %arg2[%dma_wait3A_384, %dma_wait3A_385] : memref<10000x16xf32, #tpu.memory_space<hbm>> -> memref<10000x16xf32, #tpu.memory_space<hbm>>
      tpu.wait_indirect_dma semaphore(%arg11 : memref<!tpu.dma_semaphore, #tpu.memory_space<semaphore_mem>>) src(%dma_wait3A_386 : memref<10000x16xf32, #tpu.memory_space<hbm>>) dst(%dma_wait3A_380 : memref<125x16xf32, #tpu.memory_space<vmem>>)
      %mul3A_387 = arith.constant 10 : i32
      %mul3A_388 = arith.muli %mul3A_355, %mul3A_387 : i32
      %add3A_389 = arith.constant 2 : i32
      %add3A_390 = arith.addi %mul3A_388, %add3A_389 : i32
      %dma_wait3A_391 = arith.constant 0 : i32
      %dma_wait3A_392 = arith.constant 2 : i32
      %dma_wait3A_393 = arith.constant 0 : i32
      %dma_wait3A_394 = arith.constant 0 : i32
      %dma_wait3A_395 = tpu.memref_slice %arg8[%dma_wait3A_391, %dma_wait3A_392, %dma_wait3A_393, %dma_wait3A_394] : memref<2x10x125x16xf32, #tpu.memory_space<vmem>> -> memref<1x1x125x16xf32, #tpu.memory_space<vmem>>
      %dma_wait3A_396 = tpu.memref_squeeze %dma_wait3A_395 : memref<1x1x125x16xf32, #tpu.memory_space<vmem>> -> memref<125x16xf32, #tpu.memory_space<vmem>>
      %dma_wait3A_397 = arith.constant 0 : i32
      %dma_wait3A_398 = tpu.memref_slice %arg6[%add3A_390, %dma_wait3A_397] : memref<80x125xi32, #tpu.memory_space<vmem>> -> memref<1x125xi32, #tpu.memory_space<vmem>>
      %dma_wait3A_399 = tpu.memref_squeeze %dma_wait3A_398 : memref<1x125xi32, #tpu.memory_space<vmem>> -> memref<125xi32, #tpu.memory_space<vmem>>
      %dma_wait3A_400 = arith.constant 0 : i32
      %dma_wait3A_401 = arith.constant 0 : i32
      %dma_wait3A_402 = tpu.memref_slice %arg2[%dma_wait3A_400, %dma_wait3A_401] : memref<10000x16xf32, #tpu.memory_space<hbm>> -> memref<10000x16xf32, #tpu.memory_space<hbm>>
      tpu.wait_indirect_dma semaphore(%arg11 : memref<!tpu.dma_semaphore, #tpu.memory_space<semaphore_mem>>) src(%dma_wait3A_402 : memref<10000x16xf32, #tpu.memory_space<hbm>>) dst(%dma_wait3A_396 : memref<125x16xf32, #tpu.memory_space<vmem>>)
      %mul3A_403 = arith.constant 10 : i32
      %mul3A_404 = arith.muli %mul3A_355, %mul3A_403 : i32
      %add3A_405 = arith.constant 3 : i32
      %add3A_406 = arith.addi %mul3A_404, %add3A_405 : i32
      %dma_wait3A_407 = arith.constant 0 : i32
      %dma_wait3A_408 = arith.constant 3 : i32
      %dma_wait3A_409 = arith.constant 0 : i32
      %dma_wait3A_410 = arith.constant 0 : i32
      %dma_wait3A_411 = tpu.memref_slice %arg8[%dma_wait3A_407, %dma_wait3A_408, %dma_wait3A_409, %dma_wait3A_410] : memref<2x10x125x16xf32, #tpu.memory_space<vmem>> -> memref<1x1x125x16xf32, #tpu.memory_space<vmem>>
      %dma_wait3A_412 = tpu.memref_squeeze %dma_wait3A_411 : memref<1x1x125x16xf32, #tpu.memory_space<vmem>> -> memref<125x16xf32, #tpu.memory_space<vmem>>
      %dma_wait3A_413 = arith.constant 0 : i32
      %dma_wait3A_414 = tpu.memref_slice %arg6[%add3A_406, %dma_wait3A_413] : memref<80x125xi32, #tpu.memory_space<vmem>> -> memref<1x125xi32, #tpu.memory_space<vmem>>
      %dma_wait3A_415 = tpu.memref_squeeze %dma_wait3A_414 : memref<1x125xi32, #tpu.memory_space<vmem>> -> memref<125xi32, #tpu.memory_space<vmem>>
      %dma_wait3A_416 = arith.constant 0 : i32
      %dma_wait3A_417 = arith.constant 0 : i32
      %dma_wait3A_418 = tpu.memref_slice %arg2[%dma_wait3A_416, %dma_wait3A_417] : memref<10000x16xf32, #tpu.memory_space<hbm>> -> memref<10000x16xf32, #tpu.memory_space<hbm>>
      tpu.wait_indirect_dma semaphore(%arg11 : memref<!tpu.dma_semaphore, #tpu.memory_space<semaphore_mem>>) src(%dma_wait3A_418 : memref<10000x16xf32, #tpu.memory_space<hbm>>) dst(%dma_wait3A_412 : memref<125x16xf32, #tpu.memory_space<vmem>>)
      %mul3A_419 = arith.constant 10 : i32
      %mul3A_420 = arith.muli %mul3A_355, %mul3A_419 : i32
      %add3A_421 = arith.constant 4 : i32
      %add3A_422 = arith.addi %mul3A_420, %add3A_421 : i32
      %dma_wait3A_423 = arith.constant 0 : i32
      %dma_wait3A_424 = arith.constant 4 : i32
      %dma_wait3A_425 = arith.constant 0 : i32
      %dma_wait3A_426 = arith.constant 0 : i32
      %dma_wait3A_427 = tpu.memref_slice %arg8[%dma_wait3A_423, %dma_wait3A_424, %dma_wait3A_425, %dma_wait3A_426] : memref<2x10x125x16xf32, #tpu.memory_space<vmem>> -> memref<1x1x125x16xf32, #tpu.memory_space<vmem>>
      %dma_wait3A_428 = tpu.memref_squeeze %dma_wait3A_427 : memref<1x1x125x16xf32, #tpu.memory_space<vmem>> -> memref<125x16xf32, #tpu.memory_space<vmem>>
      %dma_wait3A_429 = arith.constant 0 : i32
      %dma_wait3A_430 = tpu.memref_slice %arg6[%add3A_422, %dma_wait3A_429] : memref<80x125xi32, #tpu.memory_space<vmem>> -> memref<1x125xi32, #tpu.memory_space<vmem>>
      %dma_wait3A_431 = tpu.memref_squeeze %dma_wait3A_430 : memref<1x125xi32, #tpu.memory_space<vmem>> -> memref<125xi32, #tpu.memory_space<vmem>>
      %dma_wait3A_432 = arith.constant 0 : i32
      %dma_wait3A_433 = arith.constant 0 : i32
      %dma_wait3A_434 = tpu.memref_slice %arg2[%dma_wait3A_432, %dma_wait3A_433] : memref<10000x16xf32, #tpu.memory_space<hbm>> -> memref<10000x16xf32, #tpu.memory_space<hbm>>
      tpu.wait_indirect_dma semaphore(%arg11 : memref<!tpu.dma_semaphore, #tpu.memory_space<semaphore_mem>>) src(%dma_wait3A_434 : memref<10000x16xf32, #tpu.memory_space<hbm>>) dst(%dma_wait3A_428 : memref<125x16xf32, #tpu.memory_space<vmem>>)
      %mul3A_435 = arith.constant 10 : i32
      %mul3A_436 = arith.muli %mul3A_355, %mul3A_435 : i32
      %add3A_437 = arith.constant 5 : i32
      %add3A_438 = arith.addi %mul3A_436, %add3A_437 : i32
      %dma_wait3A_439 = arith.constant 0 : i32
      %dma_wait3A_440 = arith.constant 5 : i32
      %dma_wait3A_441 = arith.constant 0 : i32
      %dma_wait3A_442 = arith.constant 0 : i32
      %dma_wait3A_443 = tpu.memref_slice %arg8[%dma_wait3A_439, %dma_wait3A_440, %dma_wait3A_441, %dma_wait3A_442] : memref<2x10x125x16xf32, #tpu.memory_space<vmem>> -> memref<1x1x125x16xf32, #tpu.memory_space<vmem>>
      %dma_wait3A_444 = tpu.memref_squeeze %dma_wait3A_443 : memref<1x1x125x16xf32, #tpu.memory_space<vmem>> -> memref<125x16xf32, #tpu.memory_space<vmem>>
      %dma_wait3A_445 = arith.constant 0 : i32
      %dma_wait3A_446 = tpu.memref_slice %arg6[%add3A_438, %dma_wait3A_445] : memref<80x125xi32, #tpu.memory_space<vmem>> -> memref<1x125xi32, #tpu.memory_space<vmem>>
      %dma_wait3A_447 = tpu.memref_squeeze %dma_wait3A_446 : memref<1x125xi32, #tpu.memory_space<vmem>> -> memref<125xi32, #tpu.memory_space<vmem>>
      %dma_wait3A_448 = arith.constant 0 : i32
      %dma_wait3A_449 = arith.constant 0 : i32
      %dma_wait3A_450 = tpu.memref_slice %arg2[%dma_wait3A_448, %dma_wait3A_449] : memref<10000x16xf32, #tpu.memory_space<hbm>> -> memref<10000x16xf32, #tpu.memory_space<hbm>>
      tpu.wait_indirect_dma semaphore(%arg11 : memref<!tpu.dma_semaphore, #tpu.memory_space<semaphore_mem>>) src(%dma_wait3A_450 : memref<10000x16xf32, #tpu.memory_space<hbm>>) dst(%dma_wait3A_444 : memref<125x16xf32, #tpu.memory_space<vmem>>)
      %mul3A_451 = arith.constant 10 : i32
      %mul3A_452 = arith.muli %mul3A_355, %mul3A_451 : i32
      %add3A_453 = arith.constant 6 : i32
      %add3A_454 = arith.addi %mul3A_452, %add3A_453 : i32
      %dma_wait3A_455 = arith.constant 0 : i32
      %dma_wait3A_456 = arith.constant 6 : i32
      %dma_wait3A_457 = arith.constant 0 : i32
      %dma_wait3A_458 = arith.constant 0 : i32
      %dma_wait3A_459 = tpu.memref_slice %arg8[%dma_wait3A_455, %dma_wait3A_456, %dma_wait3A_457, %dma_wait3A_458] : memref<2x10x125x16xf32, #tpu.memory_space<vmem>> -> memref<1x1x125x16xf32, #tpu.memory_space<vmem>>
      %dma_wait3A_460 = tpu.memref_squeeze %dma_wait3A_459 : memref<1x1x125x16xf32, #tpu.memory_space<vmem>> -> memref<125x16xf32, #tpu.memory_space<vmem>>
      %dma_wait3A_461 = arith.constant 0 : i32
      %dma_wait3A_462 = tpu.memref_slice %arg6[%add3A_454, %dma_wait3A_461] : memref<80x125xi32, #tpu.memory_space<vmem>> -> memref<1x125xi32, #tpu.memory_space<vmem>>
      %dma_wait3A_463 = tpu.memref_squeeze %dma_wait3A_462 : memref<1x125xi32, #tpu.memory_space<vmem>> -> memref<125xi32, #tpu.memory_space<vmem>>
      %dma_wait3A_464 = arith.constant 0 : i32
      %dma_wait3A_465 = arith.constant 0 : i32
      %dma_wait3A_466 = tpu.memref_slice %arg2[%dma_wait3A_464, %dma_wait3A_465] : memref<10000x16xf32, #tpu.memory_space<hbm>> -> memref<10000x16xf32, #tpu.memory_space<hbm>>
      tpu.wait_indirect_dma semaphore(%arg11 : memref<!tpu.dma_semaphore, #tpu.memory_space<semaphore_mem>>) src(%dma_wait3A_466 : memref<10000x16xf32, #tpu.memory_space<hbm>>) dst(%dma_wait3A_460 : memref<125x16xf32, #tpu.memory_space<vmem>>)
      %mul3A_467 = arith.constant 10 : i32
      %mul3A_468 = arith.muli %mul3A_355, %mul3A_467 : i32
      %add3A_469 = arith.constant 7 : i32
      %add3A_470 = arith.addi %mul3A_468, %add3A_469 : i32
      %dma_wait3A_471 = arith.constant 0 : i32
      %dma_wait3A_472 = arith.constant 7 : i32
      %dma_wait3A_473 = arith.constant 0 : i32
      %dma_wait3A_474 = arith.constant 0 : i32
      %dma_wait3A_475 = tpu.memref_slice %arg8[%dma_wait3A_471, %dma_wait3A_472, %dma_wait3A_473, %dma_wait3A_474] : memref<2x10x125x16xf32, #tpu.memory_space<vmem>> -> memref<1x1x125x16xf32, #tpu.memory_space<vmem>>
      %dma_wait3A_476 = tpu.memref_squeeze %dma_wait3A_475 : memref<1x1x125x16xf32, #tpu.memory_space<vmem>> -> memref<125x16xf32, #tpu.memory_space<vmem>>
      %dma_wait3A_477 = arith.constant 0 : i32
      %dma_wait3A_478 = tpu.memref_slice %arg6[%add3A_470, %dma_wait3A_477] : memref<80x125xi32, #tpu.memory_space<vmem>> -> memref<1x125xi32, #tpu.memory_space<vmem>>
      %dma_wait3A_479 = tpu.memref_squeeze %dma_wait3A_478 : memref<1x125xi32, #tpu.memory_space<vmem>> -> memref<125xi32, #tpu.memory_space<vmem>>
      %dma_wait3A_480 = arith.constant 0 : i32
      %dma_wait3A_481 = arith.constant 0 : i32
      %dma_wait3A_482 = tpu.memref_slice %arg2[%dma_wait3A_480, %dma_wait3A_481] : memref<10000x16xf32, #tpu.memory_space<hbm>> -> memref<10000x16xf32, #tpu.memory_space<hbm>>
      tpu.wait_indirect_dma semaphore(%arg11 : memref<!tpu.dma_semaphore, #tpu.memory_space<semaphore_mem>>) src(%dma_wait3A_482 : memref<10000x16xf32, #tpu.memory_space<hbm>>) dst(%dma_wait3A_476 : memref<125x16xf32, #tpu.memory_space<vmem>>)
      %mul3A_483 = arith.constant 10 : i32
      %mul3A_484 = arith.muli %mul3A_355, %mul3A_483 : i32
      %add3A_485 = arith.constant 8 : i32
      %add3A_486 = arith.addi %mul3A_484, %add3A_485 : i32
      %dma_wait3A_487 = arith.constant 0 : i32
      %dma_wait3A_488 = arith.constant 8 : i32
      %dma_wait3A_489 = arith.constant 0 : i32
      %dma_wait3A_490 = arith.constant 0 : i32
      %dma_wait3A_491 = tpu.memref_slice %arg8[%dma_wait3A_487, %dma_wait3A_488, %dma_wait3A_489, %dma_wait3A_490] : memref<2x10x125x16xf32, #tpu.memory_space<vmem>> -> memref<1x1x125x16xf32, #tpu.memory_space<vmem>>
      %dma_wait3A_492 = tpu.memref_squeeze %dma_wait3A_491 : memref<1x1x125x16xf32, #tpu.memory_space<vmem>> -> memref<125x16xf32, #tpu.memory_space<vmem>>
      %dma_wait3A_493 = arith.constant 0 : i32
      %dma_wait3A_494 = tpu.memref_slice %arg6[%add3A_486, %dma_wait3A_493] : memref<80x125xi32, #tpu.memory_space<vmem>> -> memref<1x125xi32, #tpu.memory_space<vmem>>
      %dma_wait3A_495 = tpu.memref_squeeze %dma_wait3A_494 : memref<1x125xi32, #tpu.memory_space<vmem>> -> memref<125xi32, #tpu.memory_space<vmem>>
      %dma_wait3A_496 = arith.constant 0 : i32
      %dma_wait3A_497 = arith.constant 0 : i32
      %dma_wait3A_498 = tpu.memref_slice %arg2[%dma_wait3A_496, %dma_wait3A_497] : memref<10000x16xf32, #tpu.memory_space<hbm>> -> memref<10000x16xf32, #tpu.memory_space<hbm>>
      tpu.wait_indirect_dma semaphore(%arg11 : memref<!tpu.dma_semaphore, #tpu.memory_space<semaphore_mem>>) src(%dma_wait3A_498 : memref<10000x16xf32, #tpu.memory_space<hbm>>) dst(%dma_wait3A_492 : memref<125x16xf32, #tpu.memory_space<vmem>>)
      %mul3A_499 = arith.constant 10 : i32
      %mul3A_500 = arith.muli %mul3A_355, %mul3A_499 : i32
      %add3A_501 = arith.constant 9 : i32
      %add3A_502 = arith.addi %mul3A_500, %add3A_501 : i32
      %dma_wait3A_503 = arith.constant 0 : i32
      %dma_wait3A_504 = arith.constant 9 : i32
      %dma_wait3A_505 = arith.constant 0 : i32
      %dma_wait3A_506 = arith.constant 0 : i32
      %dma_wait3A_507 = tpu.memref_slice %arg8[%dma_wait3A_503, %dma_wait3A_504, %dma_wait3A_505, %dma_wait3A_506] : memref<2x10x125x16xf32, #tpu.memory_space<vmem>> -> memref<1x1x125x16xf32, #tpu.memory_space<vmem>>
      %dma_wait3A_508 = tpu.memref_squeeze %dma_wait3A_507 : memref<1x1x125x16xf32, #tpu.memory_space<vmem>> -> memref<125x16xf32, #tpu.memory_space<vmem>>
      %dma_wait3A_509 = arith.constant 0 : i32
      %dma_wait3A_510 = tpu.memref_slice %arg6[%add3A_502, %dma_wait3A_509] : memref<80x125xi32, #tpu.memory_space<vmem>> -> memref<1x125xi32, #tpu.memory_space<vmem>>
      %dma_wait3A_511 = tpu.memref_squeeze %dma_wait3A_510 : memref<1x125xi32, #tpu.memory_space<vmem>> -> memref<125xi32, #tpu.memory_space<vmem>>
      %dma_wait3A_512 = arith.constant 0 : i32
      %dma_wait3A_513 = arith.constant 0 : i32
      %dma_wait3A_514 = tpu.memref_slice %arg2[%dma_wait3A_512, %dma_wait3A_513] : memref<10000x16xf32, #tpu.memory_space<hbm>> -> memref<10000x16xf32, #tpu.memory_space<hbm>>
      tpu.wait_indirect_dma semaphore(%arg11 : memref<!tpu.dma_semaphore, #tpu.memory_space<semaphore_mem>>) src(%dma_wait3A_514 : memref<10000x16xf32, #tpu.memory_space<hbm>>) dst(%dma_wait3A_508 : memref<125x16xf32, #tpu.memory_space<vmem>>)
      %mul3A_515 = arith.constant 10 : i32
      %mul3A_516 = arith.muli %mul3A_355, %mul3A_515 : i32
      %add3A_517 = arith.constant 0 : i32
      %add3A_518 = arith.addi %mul3A_516, %add3A_517 : i32
      %run_scoped3A = arith.constant 0 : i32
      %run_scoped3A_519 = arith.constant 0 : i32
      "tpu.region"() ({
        %run_scoped3A_800 = tpu.sem_alloc : memref<!tpu.dma_semaphore, #tpu.memory_space<semaphore_mem>>
        %dma_start3A_801 = arith.constant 0 : i32
        %dma_start3A_802 = arith.constant 0 : i32
        %dma_start3A_803 = tpu.memref_slice %arg8[%run_scoped3A, %run_scoped3A_519, %dma_start3A_801, %dma_start3A_802] : memref<2x10x125x16xf32, #tpu.memory_space<vmem>> -> memref<1x1x125x16xf32, #tpu.memory_space<vmem>>
        %dma_start3A_804 = tpu.memref_squeeze %dma_start3A_803 : memref<1x1x125x16xf32, #tpu.memory_space<vmem>> -> memref<125x16xf32, #tpu.memory_space<vmem>>
        %dma_start3A_805 = arith.constant 0 : i32
        %dma_start3A_806 = tpu.memref_slice %arg7[%add3A_518, %dma_start3A_805] : memref<80x125xi32, #tpu.memory_space<vmem>> -> memref<1x125xi32, #tpu.memory_space<vmem>>
        %dma_start3A_807 = tpu.memref_squeeze %dma_start3A_806 : memref<1x125xi32, #tpu.memory_space<vmem>> -> memref<125xi32, #tpu.memory_space<vmem>>
        %dma_start3A_808 = arith.constant 0 : i32
        %dma_start3A_809 = arith.constant 0 : i32
        %dma_start3A_810 = tpu.memref_slice %arg10[%dma_start3A_808, %dma_start3A_809] : memref<10240x16xf32, #tpu.memory_space<vmem_shared>> -> memref<10240x16xf32, #tpu.memory_space<vmem_shared>>
        tpu.enqueue_indirect_dma source(%dma_start3A_804 : memref<125x16xf32, #tpu.memory_space<vmem>>) target(%dma_start3A_810 : memref<10240x16xf32, #tpu.memory_space<vmem_shared>>) offsets(%dma_start3A_807 : memref<125xi32, #tpu.memory_space<vmem>>) semaphore(%run_scoped3A_800 : memref<!tpu.dma_semaphore, #tpu.memory_space<semaphore_mem>>) {add = true}
        %dma_wait3A_811 = arith.constant 0 : i32
        %dma_wait3A_812 = arith.constant 0 : i32
        %dma_wait3A_813 = tpu.memref_slice %arg8[%run_scoped3A, %run_scoped3A_519, %dma_wait3A_811, %dma_wait3A_812] : memref<2x10x125x16xf32, #tpu.memory_space<vmem>> -> memref<1x1x125x16xf32, #tpu.memory_space<vmem>>
        %dma_wait3A_814 = tpu.memref_squeeze %dma_wait3A_813 : memref<1x1x125x16xf32, #tpu.memory_space<vmem>> -> memref<125x16xf32, #tpu.memory_space<vmem>>
        %dma_wait3A_815 = arith.constant 0 : i32
        %dma_wait3A_816 = tpu.memref_slice %arg7[%add3A_518, %dma_wait3A_815] : memref<80x125xi32, #tpu.memory_space<vmem>> -> memref<1x125xi32, #tpu.memory_space<vmem>>
        %dma_wait3A_817 = tpu.memref_squeeze %dma_wait3A_816 : memref<1x125xi32, #tpu.memory_space<vmem>> -> memref<125xi32, #tpu.memory_space<vmem>>
        %dma_wait3A_818 = arith.constant 0 : i32
        %dma_wait3A_819 = arith.constant 0 : i32
        %dma_wait3A_820 = tpu.memref_slice %arg10[%dma_wait3A_818, %dma_wait3A_819] : memref<10240x16xf32, #tpu.memory_space<vmem_shared>> -> memref<10240x16xf32, #tpu.memory_space<vmem_shared>>
        tpu.wait_indirect_dma semaphore(%run_scoped3A_800 : memref<!tpu.dma_semaphore, #tpu.memory_space<semaphore_mem>>) src(%dma_wait3A_814 : memref<125x16xf32, #tpu.memory_space<vmem>>) dst(%dma_wait3A_820 : memref<10240x16xf32, #tpu.memory_space<vmem_shared>>)
        tpu.yield
      }) : () -> ()
      %mul3A_520 = arith.constant 10 : i32
      %mul3A_521 = arith.muli %mul3A_355, %mul3A_520 : i32
      %add3A_522 = arith.constant 1 : i32
      %add3A_523 = arith.addi %mul3A_521, %add3A_522 : i32
      %run_scoped3A_524 = arith.constant 0 : i32
      %run_scoped3A_525 = arith.constant 1 : i32
      "tpu.region"() ({
        %run_scoped3A_800 = tpu.sem_alloc : memref<!tpu.dma_semaphore, #tpu.memory_space<semaphore_mem>>
        %dma_start3A_801 = arith.constant 0 : i32
        %dma_start3A_802 = arith.constant 0 : i32
        %dma_start3A_803 = tpu.memref_slice %arg8[%run_scoped3A_524, %run_scoped3A_525, %dma_start3A_801, %dma_start3A_802] : memref<2x10x125x16xf32, #tpu.memory_space<vmem>> -> memref<1x1x125x16xf32, #tpu.memory_space<vmem>>
        %dma_start3A_804 = tpu.memref_squeeze %dma_start3A_803 : memref<1x1x125x16xf32, #tpu.memory_space<vmem>> -> memref<125x16xf32, #tpu.memory_space<vmem>>
        %dma_start3A_805 = arith.constant 0 : i32
        %dma_start3A_806 = tpu.memref_slice %arg7[%add3A_523, %dma_start3A_805] : memref<80x125xi32, #tpu.memory_space<vmem>> -> memref<1x125xi32, #tpu.memory_space<vmem>>
        %dma_start3A_807 = tpu.memref_squeeze %dma_start3A_806 : memref<1x125xi32, #tpu.memory_space<vmem>> -> memref<125xi32, #tpu.memory_space<vmem>>
        %dma_start3A_808 = arith.constant 0 : i32
        %dma_start3A_809 = arith.constant 0 : i32
        %dma_start3A_810 = tpu.memref_slice %arg10[%dma_start3A_808, %dma_start3A_809] : memref<10240x16xf32, #tpu.memory_space<vmem_shared>> -> memref<10240x16xf32, #tpu.memory_space<vmem_shared>>
        tpu.enqueue_indirect_dma source(%dma_start3A_804 : memref<125x16xf32, #tpu.memory_space<vmem>>) target(%dma_start3A_810 : memref<10240x16xf32, #tpu.memory_space<vmem_shared>>) offsets(%dma_start3A_807 : memref<125xi32, #tpu.memory_space<vmem>>) semaphore(%run_scoped3A_800 : memref<!tpu.dma_semaphore, #tpu.memory_space<semaphore_mem>>) {add = true}
        %dma_wait3A_811 = arith.constant 0 : i32
        %dma_wait3A_812 = arith.constant 0 : i32
        %dma_wait3A_813 = tpu.memref_slice %arg8[%run_scoped3A_524, %run_scoped3A_525, %dma_wait3A_811, %dma_wait3A_812] : memref<2x10x125x16xf32, #tpu.memory_space<vmem>> -> memref<1x1x125x16xf32, #tpu.memory_space<vmem>>
        %dma_wait3A_814 = tpu.memref_squeeze %dma_wait3A_813 : memref<1x1x125x16xf32, #tpu.memory_space<vmem>> -> memref<125x16xf32, #tpu.memory_space<vmem>>
        %dma_wait3A_815 = arith.constant 0 : i32
        %dma_wait3A_816 = tpu.memref_slice %arg7[%add3A_523, %dma_wait3A_815] : memref<80x125xi32, #tpu.memory_space<vmem>> -> memref<1x125xi32, #tpu.memory_space<vmem>>
        %dma_wait3A_817 = tpu.memref_squeeze %dma_wait3A_816 : memref<1x125xi32, #tpu.memory_space<vmem>> -> memref<125xi32, #tpu.memory_space<vmem>>
        %dma_wait3A_818 = arith.constant 0 : i32
        %dma_wait3A_819 = arith.constant 0 : i32
        %dma_wait3A_820 = tpu.memref_slice %arg10[%dma_wait3A_818, %dma_wait3A_819] : memref<10240x16xf32, #tpu.memory_space<vmem_shared>> -> memref<10240x16xf32, #tpu.memory_space<vmem_shared>>
        tpu.wait_indirect_dma semaphore(%run_scoped3A_800 : memref<!tpu.dma_semaphore, #tpu.memory_space<semaphore_mem>>) src(%dma_wait3A_814 : memref<125x16xf32, #tpu.memory_space<vmem>>) dst(%dma_wait3A_820 : memref<10240x16xf32, #tpu.memory_space<vmem_shared>>)
        tpu.yield
      }) : () -> ()
      %mul3A_526 = arith.constant 10 : i32
      %mul3A_527 = arith.muli %mul3A_355, %mul3A_526 : i32
      %add3A_528 = arith.constant 2 : i32
      %add3A_529 = arith.addi %mul3A_527, %add3A_528 : i32
      %run_scoped3A_530 = arith.constant 0 : i32
      %run_scoped3A_531 = arith.constant 2 : i32
      "tpu.region"() ({
        %run_scoped3A_800 = tpu.sem_alloc : memref<!tpu.dma_semaphore, #tpu.memory_space<semaphore_mem>>
        %dma_start3A_801 = arith.constant 0 : i32
        %dma_start3A_802 = arith.constant 0 : i32
        %dma_start3A_803 = tpu.memref_slice %arg8[%run_scoped3A_530, %run_scoped3A_531, %dma_start3A_801, %dma_start3A_802] : memref<2x10x125x16xf32, #tpu.memory_space<vmem>> -> memref<1x1x125x16xf32, #tpu.memory_space<vmem>>
        %dma_start3A_804 = tpu.memref_squeeze %dma_start3A_803 : memref<1x1x125x16xf32, #tpu.memory_space<vmem>> -> memref<125x16xf32, #tpu.memory_space<vmem>>
        %dma_start3A_805 = arith.constant 0 : i32
        %dma_start3A_806 = tpu.memref_slice %arg7[%add3A_529, %dma_start3A_805] : memref<80x125xi32, #tpu.memory_space<vmem>> -> memref<1x125xi32, #tpu.memory_space<vmem>>
        %dma_start3A_807 = tpu.memref_squeeze %dma_start3A_806 : memref<1x125xi32, #tpu.memory_space<vmem>> -> memref<125xi32, #tpu.memory_space<vmem>>
        %dma_start3A_808 = arith.constant 0 : i32
        %dma_start3A_809 = arith.constant 0 : i32
        %dma_start3A_810 = tpu.memref_slice %arg10[%dma_start3A_808, %dma_start3A_809] : memref<10240x16xf32, #tpu.memory_space<vmem_shared>> -> memref<10240x16xf32, #tpu.memory_space<vmem_shared>>
        tpu.enqueue_indirect_dma source(%dma_start3A_804 : memref<125x16xf32, #tpu.memory_space<vmem>>) target(%dma_start3A_810 : memref<10240x16xf32, #tpu.memory_space<vmem_shared>>) offsets(%dma_start3A_807 : memref<125xi32, #tpu.memory_space<vmem>>) semaphore(%run_scoped3A_800 : memref<!tpu.dma_semaphore, #tpu.memory_space<semaphore_mem>>) {add = true}
        %dma_wait3A_811 = arith.constant 0 : i32
        %dma_wait3A_812 = arith.constant 0 : i32
        %dma_wait3A_813 = tpu.memref_slice %arg8[%run_scoped3A_530, %run_scoped3A_531, %dma_wait3A_811, %dma_wait3A_812] : memref<2x10x125x16xf32, #tpu.memory_space<vmem>> -> memref<1x1x125x16xf32, #tpu.memory_space<vmem>>
        %dma_wait3A_814 = tpu.memref_squeeze %dma_wait3A_813 : memref<1x1x125x16xf32, #tpu.memory_space<vmem>> -> memref<125x16xf32, #tpu.memory_space<vmem>>
        %dma_wait3A_815 = arith.constant 0 : i32
        %dma_wait3A_816 = tpu.memref_slice %arg7[%add3A_529, %dma_wait3A_815] : memref<80x125xi32, #tpu.memory_space<vmem>> -> memref<1x125xi32, #tpu.memory_space<vmem>>
        %dma_wait3A_817 = tpu.memref_squeeze %dma_wait3A_816 : memref<1x125xi32, #tpu.memory_space<vmem>> -> memref<125xi32, #tpu.memory_space<vmem>>
        %dma_wait3A_818 = arith.constant 0 : i32
        %dma_wait3A_819 = arith.constant 0 : i32
        %dma_wait3A_820 = tpu.memref_slice %arg10[%dma_wait3A_818, %dma_wait3A_819] : memref<10240x16xf32, #tpu.memory_space<vmem_shared>> -> memref<10240x16xf32, #tpu.memory_space<vmem_shared>>
        tpu.wait_indirect_dma semaphore(%run_scoped3A_800 : memref<!tpu.dma_semaphore, #tpu.memory_space<semaphore_mem>>) src(%dma_wait3A_814 : memref<125x16xf32, #tpu.memory_space<vmem>>) dst(%dma_wait3A_820 : memref<10240x16xf32, #tpu.memory_space<vmem_shared>>)
        tpu.yield
      }) : () -> ()
      %mul3A_532 = arith.constant 10 : i32
      %mul3A_533 = arith.muli %mul3A_355, %mul3A_532 : i32
      %add3A_534 = arith.constant 3 : i32
      %add3A_535 = arith.addi %mul3A_533, %add3A_534 : i32
      %run_scoped3A_536 = arith.constant 0 : i32
      %run_scoped3A_537 = arith.constant 3 : i32
      "tpu.region"() ({
        %run_scoped3A_800 = tpu.sem_alloc : memref<!tpu.dma_semaphore, #tpu.memory_space<semaphore_mem>>
        %dma_start3A_801 = arith.constant 0 : i32
        %dma_start3A_802 = arith.constant 0 : i32
        %dma_start3A_803 = tpu.memref_slice %arg8[%run_scoped3A_536, %run_scoped3A_537, %dma_start3A_801, %dma_start3A_802] : memref<2x10x125x16xf32, #tpu.memory_space<vmem>> -> memref<1x1x125x16xf32, #tpu.memory_space<vmem>>
        %dma_start3A_804 = tpu.memref_squeeze %dma_start3A_803 : memref<1x1x125x16xf32, #tpu.memory_space<vmem>> -> memref<125x16xf32, #tpu.memory_space<vmem>>
        %dma_start3A_805 = arith.constant 0 : i32
        %dma_start3A_806 = tpu.memref_slice %arg7[%add3A_535, %dma_start3A_805] : memref<80x125xi32, #tpu.memory_space<vmem>> -> memref<1x125xi32, #tpu.memory_space<vmem>>
        %dma_start3A_807 = tpu.memref_squeeze %dma_start3A_806 : memref<1x125xi32, #tpu.memory_space<vmem>> -> memref<125xi32, #tpu.memory_space<vmem>>
        %dma_start3A_808 = arith.constant 0 : i32
        %dma_start3A_809 = arith.constant 0 : i32
        %dma_start3A_810 = tpu.memref_slice %arg10[%dma_start3A_808, %dma_start3A_809] : memref<10240x16xf32, #tpu.memory_space<vmem_shared>> -> memref<10240x16xf32, #tpu.memory_space<vmem_shared>>
        tpu.enqueue_indirect_dma source(%dma_start3A_804 : memref<125x16xf32, #tpu.memory_space<vmem>>) target(%dma_start3A_810 : memref<10240x16xf32, #tpu.memory_space<vmem_shared>>) offsets(%dma_start3A_807 : memref<125xi32, #tpu.memory_space<vmem>>) semaphore(%run_scoped3A_800 : memref<!tpu.dma_semaphore, #tpu.memory_space<semaphore_mem>>) {add = true}
        %dma_wait3A_811 = arith.constant 0 : i32
        %dma_wait3A_812 = arith.constant 0 : i32
        %dma_wait3A_813 = tpu.memref_slice %arg8[%run_scoped3A_536, %run_scoped3A_537, %dma_wait3A_811, %dma_wait3A_812] : memref<2x10x125x16xf32, #tpu.memory_space<vmem>> -> memref<1x1x125x16xf32, #tpu.memory_space<vmem>>
        %dma_wait3A_814 = tpu.memref_squeeze %dma_wait3A_813 : memref<1x1x125x16xf32, #tpu.memory_space<vmem>> -> memref<125x16xf32, #tpu.memory_space<vmem>>
        %dma_wait3A_815 = arith.constant 0 : i32
        %dma_wait3A_816 = tpu.memref_slice %arg7[%add3A_535, %dma_wait3A_815] : memref<80x125xi32, #tpu.memory_space<vmem>> -> memref<1x125xi32, #tpu.memory_space<vmem>>
        %dma_wait3A_817 = tpu.memref_squeeze %dma_wait3A_816 : memref<1x125xi32, #tpu.memory_space<vmem>> -> memref<125xi32, #tpu.memory_space<vmem>>
        %dma_wait3A_818 = arith.constant 0 : i32
        %dma_wait3A_819 = arith.constant 0 : i32
        %dma_wait3A_820 = tpu.memref_slice %arg10[%dma_wait3A_818, %dma_wait3A_819] : memref<10240x16xf32, #tpu.memory_space<vmem_shared>> -> memref<10240x16xf32, #tpu.memory_space<vmem_shared>>
        tpu.wait_indirect_dma semaphore(%run_scoped3A_800 : memref<!tpu.dma_semaphore, #tpu.memory_space<semaphore_mem>>) src(%dma_wait3A_814 : memref<125x16xf32, #tpu.memory_space<vmem>>) dst(%dma_wait3A_820 : memref<10240x16xf32, #tpu.memory_space<vmem_shared>>)
        tpu.yield
      }) : () -> ()
      %mul3A_538 = arith.constant 10 : i32
      %mul3A_539 = arith.muli %mul3A_355, %mul3A_538 : i32
      %add3A_540 = arith.constant 4 : i32
      %add3A_541 = arith.addi %mul3A_539, %add3A_540 : i32
      %run_scoped3A_542 = arith.constant 0 : i32
      %run_scoped3A_543 = arith.constant 4 : i32
      "tpu.region"() ({
        %run_scoped3A_800 = tpu.sem_alloc : memref<!tpu.dma_semaphore, #tpu.memory_space<semaphore_mem>>
        %dma_start3A_801 = arith.constant 0 : i32
        %dma_start3A_802 = arith.constant 0 : i32
        %dma_start3A_803 = tpu.memref_slice %arg8[%run_scoped3A_542, %run_scoped3A_543, %dma_start3A_801, %dma_start3A_802] : memref<2x10x125x16xf32, #tpu.memory_space<vmem>> -> memref<1x1x125x16xf32, #tpu.memory_space<vmem>>
        %dma_start3A_804 = tpu.memref_squeeze %dma_start3A_803 : memref<1x1x125x16xf32, #tpu.memory_space<vmem>> -> memref<125x16xf32, #tpu.memory_space<vmem>>
        %dma_start3A_805 = arith.constant 0 : i32
        %dma_start3A_806 = tpu.memref_slice %arg7[%add3A_541, %dma_start3A_805] : memref<80x125xi32, #tpu.memory_space<vmem>> -> memref<1x125xi32, #tpu.memory_space<vmem>>
        %dma_start3A_807 = tpu.memref_squeeze %dma_start3A_806 : memref<1x125xi32, #tpu.memory_space<vmem>> -> memref<125xi32, #tpu.memory_space<vmem>>
        %dma_start3A_808 = arith.constant 0 : i32
        %dma_start3A_809 = arith.constant 0 : i32
        %dma_start3A_810 = tpu.memref_slice %arg10[%dma_start3A_808, %dma_start3A_809] : memref<10240x16xf32, #tpu.memory_space<vmem_shared>> -> memref<10240x16xf32, #tpu.memory_space<vmem_shared>>
        tpu.enqueue_indirect_dma source(%dma_start3A_804 : memref<125x16xf32, #tpu.memory_space<vmem>>) target(%dma_start3A_810 : memref<10240x16xf32, #tpu.memory_space<vmem_shared>>) offsets(%dma_start3A_807 : memref<125xi32, #tpu.memory_space<vmem>>) semaphore(%run_scoped3A_800 : memref<!tpu.dma_semaphore, #tpu.memory_space<semaphore_mem>>) {add = true}
        %dma_wait3A_811 = arith.constant 0 : i32
        %dma_wait3A_812 = arith.constant 0 : i32
        %dma_wait3A_813 = tpu.memref_slice %arg8[%run_scoped3A_542, %run_scoped3A_543, %dma_wait3A_811, %dma_wait3A_812] : memref<2x10x125x16xf32, #tpu.memory_space<vmem>> -> memref<1x1x125x16xf32, #tpu.memory_space<vmem>>
        %dma_wait3A_814 = tpu.memref_squeeze %dma_wait3A_813 : memref<1x1x125x16xf32, #tpu.memory_space<vmem>> -> memref<125x16xf32, #tpu.memory_space<vmem>>
        %dma_wait3A_815 = arith.constant 0 : i32
        %dma_wait3A_816 = tpu.memref_slice %arg7[%add3A_541, %dma_wait3A_815] : memref<80x125xi32, #tpu.memory_space<vmem>> -> memref<1x125xi32, #tpu.memory_space<vmem>>
        %dma_wait3A_817 = tpu.memref_squeeze %dma_wait3A_816 : memref<1x125xi32, #tpu.memory_space<vmem>> -> memref<125xi32, #tpu.memory_space<vmem>>
        %dma_wait3A_818 = arith.constant 0 : i32
        %dma_wait3A_819 = arith.constant 0 : i32
        %dma_wait3A_820 = tpu.memref_slice %arg10[%dma_wait3A_818, %dma_wait3A_819] : memref<10240x16xf32, #tpu.memory_space<vmem_shared>> -> memref<10240x16xf32, #tpu.memory_space<vmem_shared>>
        tpu.wait_indirect_dma semaphore(%run_scoped3A_800 : memref<!tpu.dma_semaphore, #tpu.memory_space<semaphore_mem>>) src(%dma_wait3A_814 : memref<125x16xf32, #tpu.memory_space<vmem>>) dst(%dma_wait3A_820 : memref<10240x16xf32, #tpu.memory_space<vmem_shared>>)
        tpu.yield
      }) : () -> ()
      %mul3A_544 = arith.constant 10 : i32
      %mul3A_545 = arith.muli %mul3A_355, %mul3A_544 : i32
      %add3A_546 = arith.constant 5 : i32
      %add3A_547 = arith.addi %mul3A_545, %add3A_546 : i32
      %run_scoped3A_548 = arith.constant 0 : i32
      %run_scoped3A_549 = arith.constant 5 : i32
      "tpu.region"() ({
        %run_scoped3A_800 = tpu.sem_alloc : memref<!tpu.dma_semaphore, #tpu.memory_space<semaphore_mem>>
        %dma_start3A_801 = arith.constant 0 : i32
        %dma_start3A_802 = arith.constant 0 : i32
        %dma_start3A_803 = tpu.memref_slice %arg8[%run_scoped3A_548, %run_scoped3A_549, %dma_start3A_801, %dma_start3A_802] : memref<2x10x125x16xf32, #tpu.memory_space<vmem>> -> memref<1x1x125x16xf32, #tpu.memory_space<vmem>>
        %dma_start3A_804 = tpu.memref_squeeze %dma_start3A_803 : memref<1x1x125x16xf32, #tpu.memory_space<vmem>> -> memref<125x16xf32, #tpu.memory_space<vmem>>
        %dma_start3A_805 = arith.constant 0 : i32
        %dma_start3A_806 = tpu.memref_slice %arg7[%add3A_547, %dma_start3A_805] : memref<80x125xi32, #tpu.memory_space<vmem>> -> memref<1x125xi32, #tpu.memory_space<vmem>>
        %dma_start3A_807 = tpu.memref_squeeze %dma_start3A_806 : memref<1x125xi32, #tpu.memory_space<vmem>> -> memref<125xi32, #tpu.memory_space<vmem>>
        %dma_start3A_808 = arith.constant 0 : i32
        %dma_start3A_809 = arith.constant 0 : i32
        %dma_start3A_810 = tpu.memref_slice %arg10[%dma_start3A_808, %dma_start3A_809] : memref<10240x16xf32, #tpu.memory_space<vmem_shared>> -> memref<10240x16xf32, #tpu.memory_space<vmem_shared>>
        tpu.enqueue_indirect_dma source(%dma_start3A_804 : memref<125x16xf32, #tpu.memory_space<vmem>>) target(%dma_start3A_810 : memref<10240x16xf32, #tpu.memory_space<vmem_shared>>) offsets(%dma_start3A_807 : memref<125xi32, #tpu.memory_space<vmem>>) semaphore(%run_scoped3A_800 : memref<!tpu.dma_semaphore, #tpu.memory_space<semaphore_mem>>) {add = true}
        %dma_wait3A_811 = arith.constant 0 : i32
        %dma_wait3A_812 = arith.constant 0 : i32
        %dma_wait3A_813 = tpu.memref_slice %arg8[%run_scoped3A_548, %run_scoped3A_549, %dma_wait3A_811, %dma_wait3A_812] : memref<2x10x125x16xf32, #tpu.memory_space<vmem>> -> memref<1x1x125x16xf32, #tpu.memory_space<vmem>>
        %dma_wait3A_814 = tpu.memref_squeeze %dma_wait3A_813 : memref<1x1x125x16xf32, #tpu.memory_space<vmem>> -> memref<125x16xf32, #tpu.memory_space<vmem>>
        %dma_wait3A_815 = arith.constant 0 : i32
        %dma_wait3A_816 = tpu.memref_slice %arg7[%add3A_547, %dma_wait3A_815] : memref<80x125xi32, #tpu.memory_space<vmem>> -> memref<1x125xi32, #tpu.memory_space<vmem>>
        %dma_wait3A_817 = tpu.memref_squeeze %dma_wait3A_816 : memref<1x125xi32, #tpu.memory_space<vmem>> -> memref<125xi32, #tpu.memory_space<vmem>>
        %dma_wait3A_818 = arith.constant 0 : i32
        %dma_wait3A_819 = arith.constant 0 : i32
        %dma_wait3A_820 = tpu.memref_slice %arg10[%dma_wait3A_818, %dma_wait3A_819] : memref<10240x16xf32, #tpu.memory_space<vmem_shared>> -> memref<10240x16xf32, #tpu.memory_space<vmem_shared>>
        tpu.wait_indirect_dma semaphore(%run_scoped3A_800 : memref<!tpu.dma_semaphore, #tpu.memory_space<semaphore_mem>>) src(%dma_wait3A_814 : memref<125x16xf32, #tpu.memory_space<vmem>>) dst(%dma_wait3A_820 : memref<10240x16xf32, #tpu.memory_space<vmem_shared>>)
        tpu.yield
      }) : () -> ()
      %mul3A_550 = arith.constant 10 : i32
      %mul3A_551 = arith.muli %mul3A_355, %mul3A_550 : i32
      %add3A_552 = arith.constant 6 : i32
      %add3A_553 = arith.addi %mul3A_551, %add3A_552 : i32
      %run_scoped3A_554 = arith.constant 0 : i32
      %run_scoped3A_555 = arith.constant 6 : i32
      "tpu.region"() ({
        %run_scoped3A_800 = tpu.sem_alloc : memref<!tpu.dma_semaphore, #tpu.memory_space<semaphore_mem>>
        %dma_start3A_801 = arith.constant 0 : i32
        %dma_start3A_802 = arith.constant 0 : i32
        %dma_start3A_803 = tpu.memref_slice %arg8[%run_scoped3A_554, %run_scoped3A_555, %dma_start3A_801, %dma_start3A_802] : memref<2x10x125x16xf32, #tpu.memory_space<vmem>> -> memref<1x1x125x16xf32, #tpu.memory_space<vmem>>
        %dma_start3A_804 = tpu.memref_squeeze %dma_start3A_803 : memref<1x1x125x16xf32, #tpu.memory_space<vmem>> -> memref<125x16xf32, #tpu.memory_space<vmem>>
        %dma_start3A_805 = arith.constant 0 : i32
        %dma_start3A_806 = tpu.memref_slice %arg7[%add3A_553, %dma_start3A_805] : memref<80x125xi32, #tpu.memory_space<vmem>> -> memref<1x125xi32, #tpu.memory_space<vmem>>
        %dma_start3A_807 = tpu.memref_squeeze %dma_start3A_806 : memref<1x125xi32, #tpu.memory_space<vmem>> -> memref<125xi32, #tpu.memory_space<vmem>>
        %dma_start3A_808 = arith.constant 0 : i32
        %dma_start3A_809 = arith.constant 0 : i32
        %dma_start3A_810 = tpu.memref_slice %arg10[%dma_start3A_808, %dma_start3A_809] : memref<10240x16xf32, #tpu.memory_space<vmem_shared>> -> memref<10240x16xf32, #tpu.memory_space<vmem_shared>>
        tpu.enqueue_indirect_dma source(%dma_start3A_804 : memref<125x16xf32, #tpu.memory_space<vmem>>) target(%dma_start3A_810 : memref<10240x16xf32, #tpu.memory_space<vmem_shared>>) offsets(%dma_start3A_807 : memref<125xi32, #tpu.memory_space<vmem>>) semaphore(%run_scoped3A_800 : memref<!tpu.dma_semaphore, #tpu.memory_space<semaphore_mem>>) {add = true}
        %dma_wait3A_811 = arith.constant 0 : i32
        %dma_wait3A_812 = arith.constant 0 : i32
        %dma_wait3A_813 = tpu.memref_slice %arg8[%run_scoped3A_554, %run_scoped3A_555, %dma_wait3A_811, %dma_wait3A_812] : memref<2x10x125x16xf32, #tpu.memory_space<vmem>> -> memref<1x1x125x16xf32, #tpu.memory_space<vmem>>
        %dma_wait3A_814 = tpu.memref_squeeze %dma_wait3A_813 : memref<1x1x125x16xf32, #tpu.memory_space<vmem>> -> memref<125x16xf32, #tpu.memory_space<vmem>>
        %dma_wait3A_815 = arith.constant 0 : i32
        %dma_wait3A_816 = tpu.memref_slice %arg7[%add3A_553, %dma_wait3A_815] : memref<80x125xi32, #tpu.memory_space<vmem>> -> memref<1x125xi32, #tpu.memory_space<vmem>>
        %dma_wait3A_817 = tpu.memref_squeeze %dma_wait3A_816 : memref<1x125xi32, #tpu.memory_space<vmem>> -> memref<125xi32, #tpu.memory_space<vmem>>
        %dma_wait3A_818 = arith.constant 0 : i32
        %dma_wait3A_819 = arith.constant 0 : i32
        %dma_wait3A_820 = tpu.memref_slice %arg10[%dma_wait3A_818, %dma_wait3A_819] : memref<10240x16xf32, #tpu.memory_space<vmem_shared>> -> memref<10240x16xf32, #tpu.memory_space<vmem_shared>>
        tpu.wait_indirect_dma semaphore(%run_scoped3A_800 : memref<!tpu.dma_semaphore, #tpu.memory_space<semaphore_mem>>) src(%dma_wait3A_814 : memref<125x16xf32, #tpu.memory_space<vmem>>) dst(%dma_wait3A_820 : memref<10240x16xf32, #tpu.memory_space<vmem_shared>>)
        tpu.yield
      }) : () -> ()
      %mul3A_556 = arith.constant 10 : i32
      %mul3A_557 = arith.muli %mul3A_355, %mul3A_556 : i32
      %add3A_558 = arith.constant 7 : i32
      %add3A_559 = arith.addi %mul3A_557, %add3A_558 : i32
      %run_scoped3A_560 = arith.constant 0 : i32
      %run_scoped3A_561 = arith.constant 7 : i32
      "tpu.region"() ({
        %run_scoped3A_800 = tpu.sem_alloc : memref<!tpu.dma_semaphore, #tpu.memory_space<semaphore_mem>>
        %dma_start3A_801 = arith.constant 0 : i32
        %dma_start3A_802 = arith.constant 0 : i32
        %dma_start3A_803 = tpu.memref_slice %arg8[%run_scoped3A_560, %run_scoped3A_561, %dma_start3A_801, %dma_start3A_802] : memref<2x10x125x16xf32, #tpu.memory_space<vmem>> -> memref<1x1x125x16xf32, #tpu.memory_space<vmem>>
        %dma_start3A_804 = tpu.memref_squeeze %dma_start3A_803 : memref<1x1x125x16xf32, #tpu.memory_space<vmem>> -> memref<125x16xf32, #tpu.memory_space<vmem>>
        %dma_start3A_805 = arith.constant 0 : i32
        %dma_start3A_806 = tpu.memref_slice %arg7[%add3A_559, %dma_start3A_805] : memref<80x125xi32, #tpu.memory_space<vmem>> -> memref<1x125xi32, #tpu.memory_space<vmem>>
        %dma_start3A_807 = tpu.memref_squeeze %dma_start3A_806 : memref<1x125xi32, #tpu.memory_space<vmem>> -> memref<125xi32, #tpu.memory_space<vmem>>
        %dma_start3A_808 = arith.constant 0 : i32
        %dma_start3A_809 = arith.constant 0 : i32
        %dma_start3A_810 = tpu.memref_slice %arg10[%dma_start3A_808, %dma_start3A_809] : memref<10240x16xf32, #tpu.memory_space<vmem_shared>> -> memref<10240x16xf32, #tpu.memory_space<vmem_shared>>
        tpu.enqueue_indirect_dma source(%dma_start3A_804 : memref<125x16xf32, #tpu.memory_space<vmem>>) target(%dma_start3A_810 : memref<10240x16xf32, #tpu.memory_space<vmem_shared>>) offsets(%dma_start3A_807 : memref<125xi32, #tpu.memory_space<vmem>>) semaphore(%run_scoped3A_800 : memref<!tpu.dma_semaphore, #tpu.memory_space<semaphore_mem>>) {add = true}
        %dma_wait3A_811 = arith.constant 0 : i32
        %dma_wait3A_812 = arith.constant 0 : i32
        %dma_wait3A_813 = tpu.memref_slice %arg8[%run_scoped3A_560, %run_scoped3A_561, %dma_wait3A_811, %dma_wait3A_812] : memref<2x10x125x16xf32, #tpu.memory_space<vmem>> -> memref<1x1x125x16xf32, #tpu.memory_space<vmem>>
        %dma_wait3A_814 = tpu.memref_squeeze %dma_wait3A_813 : memref<1x1x125x16xf32, #tpu.memory_space<vmem>> -> memref<125x16xf32, #tpu.memory_space<vmem>>
        %dma_wait3A_815 = arith.constant 0 : i32
        %dma_wait3A_816 = tpu.memref_slice %arg7[%add3A_559, %dma_wait3A_815] : memref<80x125xi32, #tpu.memory_space<vmem>> -> memref<1x125xi32, #tpu.memory_space<vmem>>
        %dma_wait3A_817 = tpu.memref_squeeze %dma_wait3A_816 : memref<1x125xi32, #tpu.memory_space<vmem>> -> memref<125xi32, #tpu.memory_space<vmem>>
        %dma_wait3A_818 = arith.constant 0 : i32
        %dma_wait3A_819 = arith.constant 0 : i32
        %dma_wait3A_820 = tpu.memref_slice %arg10[%dma_wait3A_818, %dma_wait3A_819] : memref<10240x16xf32, #tpu.memory_space<vmem_shared>> -> memref<10240x16xf32, #tpu.memory_space<vmem_shared>>
        tpu.wait_indirect_dma semaphore(%run_scoped3A_800 : memref<!tpu.dma_semaphore, #tpu.memory_space<semaphore_mem>>) src(%dma_wait3A_814 : memref<125x16xf32, #tpu.memory_space<vmem>>) dst(%dma_wait3A_820 : memref<10240x16xf32, #tpu.memory_space<vmem_shared>>)
        tpu.yield
      }) : () -> ()
      %mul3A_562 = arith.constant 10 : i32
      %mul3A_563 = arith.muli %mul3A_355, %mul3A_562 : i32
      %add3A_564 = arith.constant 8 : i32
      %add3A_565 = arith.addi %mul3A_563, %add3A_564 : i32
      %run_scoped3A_566 = arith.constant 0 : i32
      %run_scoped3A_567 = arith.constant 8 : i32
      "tpu.region"() ({
        %run_scoped3A_800 = tpu.sem_alloc : memref<!tpu.dma_semaphore, #tpu.memory_space<semaphore_mem>>
        %dma_start3A_801 = arith.constant 0 : i32
        %dma_start3A_802 = arith.constant 0 : i32
        %dma_start3A_803 = tpu.memref_slice %arg8[%run_scoped3A_566, %run_scoped3A_567, %dma_start3A_801, %dma_start3A_802] : memref<2x10x125x16xf32, #tpu.memory_space<vmem>> -> memref<1x1x125x16xf32, #tpu.memory_space<vmem>>
        %dma_start3A_804 = tpu.memref_squeeze %dma_start3A_803 : memref<1x1x125x16xf32, #tpu.memory_space<vmem>> -> memref<125x16xf32, #tpu.memory_space<vmem>>
        %dma_start3A_805 = arith.constant 0 : i32
        %dma_start3A_806 = tpu.memref_slice %arg7[%add3A_565, %dma_start3A_805] : memref<80x125xi32, #tpu.memory_space<vmem>> -> memref<1x125xi32, #tpu.memory_space<vmem>>
        %dma_start3A_807 = tpu.memref_squeeze %dma_start3A_806 : memref<1x125xi32, #tpu.memory_space<vmem>> -> memref<125xi32, #tpu.memory_space<vmem>>
        %dma_start3A_808 = arith.constant 0 : i32
        %dma_start3A_809 = arith.constant 0 : i32
        %dma_start3A_810 = tpu.memref_slice %arg10[%dma_start3A_808, %dma_start3A_809] : memref<10240x16xf32, #tpu.memory_space<vmem_shared>> -> memref<10240x16xf32, #tpu.memory_space<vmem_shared>>
        tpu.enqueue_indirect_dma source(%dma_start3A_804 : memref<125x16xf32, #tpu.memory_space<vmem>>) target(%dma_start3A_810 : memref<10240x16xf32, #tpu.memory_space<vmem_shared>>) offsets(%dma_start3A_807 : memref<125xi32, #tpu.memory_space<vmem>>) semaphore(%run_scoped3A_800 : memref<!tpu.dma_semaphore, #tpu.memory_space<semaphore_mem>>) {add = true}
        %dma_wait3A_811 = arith.constant 0 : i32
        %dma_wait3A_812 = arith.constant 0 : i32
        %dma_wait3A_813 = tpu.memref_slice %arg8[%run_scoped3A_566, %run_scoped3A_567, %dma_wait3A_811, %dma_wait3A_812] : memref<2x10x125x16xf32, #tpu.memory_space<vmem>> -> memref<1x1x125x16xf32, #tpu.memory_space<vmem>>
        %dma_wait3A_814 = tpu.memref_squeeze %dma_wait3A_813 : memref<1x1x125x16xf32, #tpu.memory_space<vmem>> -> memref<125x16xf32, #tpu.memory_space<vmem>>
        %dma_wait3A_815 = arith.constant 0 : i32
        %dma_wait3A_816 = tpu.memref_slice %arg7[%add3A_565, %dma_wait3A_815] : memref<80x125xi32, #tpu.memory_space<vmem>> -> memref<1x125xi32, #tpu.memory_space<vmem>>
        %dma_wait3A_817 = tpu.memref_squeeze %dma_wait3A_816 : memref<1x125xi32, #tpu.memory_space<vmem>> -> memref<125xi32, #tpu.memory_space<vmem>>
        %dma_wait3A_818 = arith.constant 0 : i32
        %dma_wait3A_819 = arith.constant 0 : i32
        %dma_wait3A_820 = tpu.memref_slice %arg10[%dma_wait3A_818, %dma_wait3A_819] : memref<10240x16xf32, #tpu.memory_space<vmem_shared>> -> memref<10240x16xf32, #tpu.memory_space<vmem_shared>>
        tpu.wait_indirect_dma semaphore(%run_scoped3A_800 : memref<!tpu.dma_semaphore, #tpu.memory_space<semaphore_mem>>) src(%dma_wait3A_814 : memref<125x16xf32, #tpu.memory_space<vmem>>) dst(%dma_wait3A_820 : memref<10240x16xf32, #tpu.memory_space<vmem_shared>>)
        tpu.yield
      }) : () -> ()
      %mul3A_568 = arith.constant 10 : i32
      %mul3A_569 = arith.muli %mul3A_355, %mul3A_568 : i32
      %add3A_570 = arith.constant 9 : i32
      %add3A_571 = arith.addi %mul3A_569, %add3A_570 : i32
      %run_scoped3A_572 = arith.constant 0 : i32
      %run_scoped3A_573 = arith.constant 9 : i32
      "tpu.region"() ({
        %run_scoped3A_800 = tpu.sem_alloc : memref<!tpu.dma_semaphore, #tpu.memory_space<semaphore_mem>>
        %dma_start3A_801 = arith.constant 0 : i32
        %dma_start3A_802 = arith.constant 0 : i32
        %dma_start3A_803 = tpu.memref_slice %arg8[%run_scoped3A_572, %run_scoped3A_573, %dma_start3A_801, %dma_start3A_802] : memref<2x10x125x16xf32, #tpu.memory_space<vmem>> -> memref<1x1x125x16xf32, #tpu.memory_space<vmem>>
        %dma_start3A_804 = tpu.memref_squeeze %dma_start3A_803 : memref<1x1x125x16xf32, #tpu.memory_space<vmem>> -> memref<125x16xf32, #tpu.memory_space<vmem>>
        %dma_start3A_805 = arith.constant 0 : i32
        %dma_start3A_806 = tpu.memref_slice %arg7[%add3A_571, %dma_start3A_805] : memref<80x125xi32, #tpu.memory_space<vmem>> -> memref<1x125xi32, #tpu.memory_space<vmem>>
        %dma_start3A_807 = tpu.memref_squeeze %dma_start3A_806 : memref<1x125xi32, #tpu.memory_space<vmem>> -> memref<125xi32, #tpu.memory_space<vmem>>
        %dma_start3A_808 = arith.constant 0 : i32
        %dma_start3A_809 = arith.constant 0 : i32
        %dma_start3A_810 = tpu.memref_slice %arg10[%dma_start3A_808, %dma_start3A_809] : memref<10240x16xf32, #tpu.memory_space<vmem_shared>> -> memref<10240x16xf32, #tpu.memory_space<vmem_shared>>
        tpu.enqueue_indirect_dma source(%dma_start3A_804 : memref<125x16xf32, #tpu.memory_space<vmem>>) target(%dma_start3A_810 : memref<10240x16xf32, #tpu.memory_space<vmem_shared>>) offsets(%dma_start3A_807 : memref<125xi32, #tpu.memory_space<vmem>>) semaphore(%run_scoped3A_800 : memref<!tpu.dma_semaphore, #tpu.memory_space<semaphore_mem>>) {add = true}
        %dma_wait3A_811 = arith.constant 0 : i32
        %dma_wait3A_812 = arith.constant 0 : i32
        %dma_wait3A_813 = tpu.memref_slice %arg8[%run_scoped3A_572, %run_scoped3A_573, %dma_wait3A_811, %dma_wait3A_812] : memref<2x10x125x16xf32, #tpu.memory_space<vmem>> -> memref<1x1x125x16xf32, #tpu.memory_space<vmem>>
        %dma_wait3A_814 = tpu.memref_squeeze %dma_wait3A_813 : memref<1x1x125x16xf32, #tpu.memory_space<vmem>> -> memref<125x16xf32, #tpu.memory_space<vmem>>
        %dma_wait3A_815 = arith.constant 0 : i32
        %dma_wait3A_816 = tpu.memref_slice %arg7[%add3A_571, %dma_wait3A_815] : memref<80x125xi32, #tpu.memory_space<vmem>> -> memref<1x125xi32, #tpu.memory_space<vmem>>
        %dma_wait3A_817 = tpu.memref_squeeze %dma_wait3A_816 : memref<1x125xi32, #tpu.memory_space<vmem>> -> memref<125xi32, #tpu.memory_space<vmem>>
        %dma_wait3A_818 = arith.constant 0 : i32
        %dma_wait3A_819 = arith.constant 0 : i32
        %dma_wait3A_820 = tpu.memref_slice %arg10[%dma_wait3A_818, %dma_wait3A_819] : memref<10240x16xf32, #tpu.memory_space<vmem_shared>> -> memref<10240x16xf32, #tpu.memory_space<vmem_shared>>
        tpu.wait_indirect_dma semaphore(%run_scoped3A_800 : memref<!tpu.dma_semaphore, #tpu.memory_space<semaphore_mem>>) src(%dma_wait3A_814 : memref<125x16xf32, #tpu.memory_space<vmem>>) dst(%dma_wait3A_820 : memref<10240x16xf32, #tpu.memory_space<vmem_shared>>)
        tpu.yield
      }) : () -> ()
      %lt3A = arith.constant 3 : i32
      %lt3A_574 = arith.cmpi slt, %scan3A_189, %lt3A : i32
      %convert_element_type3A = arith.extui %lt3A_574 : i1 to i32
      %cond3A = arith.constant 0 : i32
      %cond3A_575 = arith.cmpi ne, %convert_element_type3A, %cond3A : i32
      scf.if %cond3A_575 {
        %mul3A_800 = arith.constant 2 : i32
        %mul3A_801 = arith.muli %mul3A_800, %scan3A_189 : i32
        %add3A_802 = arith.constant 2 : i32
        %add3A_803 = arith.addi %mul3A_801, %add3A_802 : i32
        %mul3A_804 = arith.constant 10 : i32
        %mul3A_805 = arith.muli %add3A_803, %mul3A_804 : i32
        %add3A_806 = arith.constant 0 : i32
        %add3A_807 = arith.addi %mul3A_805, %add3A_806 : i32
        %dma_start3A_808 = arith.constant 0 : i32
        %dma_start3A_809 = arith.constant 0 : i32
        %dma_start3A_810 = arith.constant 0 : i32
        %dma_start3A_811 = arith.constant 0 : i32
        %dma_start3A_812 = tpu.memref_slice %arg8[%dma_start3A_808, %dma_start3A_809, %dma_start3A_810, %dma_start3A_811] : memref<2x10x125x16xf32, #tpu.memory_space<vmem>> -> memref<1x1x125x16xf32, #tpu.memory_space<vmem>>
        %dma_start3A_813 = tpu.memref_squeeze %dma_start3A_812 : memref<1x1x125x16xf32, #tpu.memory_space<vmem>> -> memref<125x16xf32, #tpu.memory_space<vmem>>
        %dma_start3A_814 = arith.constant 0 : i32
        %dma_start3A_815 = tpu.memref_slice %arg6[%add3A_807, %dma_start3A_814] : memref<80x125xi32, #tpu.memory_space<vmem>> -> memref<1x125xi32, #tpu.memory_space<vmem>>
        %dma_start3A_816 = tpu.memref_squeeze %dma_start3A_815 : memref<1x125xi32, #tpu.memory_space<vmem>> -> memref<125xi32, #tpu.memory_space<vmem>>
        %dma_start3A_817 = arith.constant 0 : i32
        %dma_start3A_818 = arith.constant 0 : i32
        %dma_start3A_819 = tpu.memref_slice %arg2[%dma_start3A_817, %dma_start3A_818] : memref<10000x16xf32, #tpu.memory_space<hbm>> -> memref<10000x16xf32, #tpu.memory_space<hbm>>
        tpu.enqueue_indirect_dma source(%dma_start3A_819 : memref<10000x16xf32, #tpu.memory_space<hbm>>) target(%dma_start3A_813 : memref<125x16xf32, #tpu.memory_space<vmem>>) offsets(%dma_start3A_816 : memref<125xi32, #tpu.memory_space<vmem>>) semaphore(%arg11 : memref<!tpu.dma_semaphore, #tpu.memory_space<semaphore_mem>>)
        %mul3A_820 = arith.constant 10 : i32
        %mul3A_821 = arith.muli %add3A_803, %mul3A_820 : i32
        %add3A_822 = arith.constant 1 : i32
        %add3A_823 = arith.addi %mul3A_821, %add3A_822 : i32
        %dma_start3A_824 = arith.constant 0 : i32
        %dma_start3A_825 = arith.constant 1 : i32
        %dma_start3A_826 = arith.constant 0 : i32
        %dma_start3A_827 = arith.constant 0 : i32
        %dma_start3A_828 = tpu.memref_slice %arg8[%dma_start3A_824, %dma_start3A_825, %dma_start3A_826, %dma_start3A_827] : memref<2x10x125x16xf32, #tpu.memory_space<vmem>> -> memref<1x1x125x16xf32, #tpu.memory_space<vmem>>
        %dma_start3A_829 = tpu.memref_squeeze %dma_start3A_828 : memref<1x1x125x16xf32, #tpu.memory_space<vmem>> -> memref<125x16xf32, #tpu.memory_space<vmem>>
        %dma_start3A_830 = arith.constant 0 : i32
        %dma_start3A_831 = tpu.memref_slice %arg6[%add3A_823, %dma_start3A_830] : memref<80x125xi32, #tpu.memory_space<vmem>> -> memref<1x125xi32, #tpu.memory_space<vmem>>
        %dma_start3A_832 = tpu.memref_squeeze %dma_start3A_831 : memref<1x125xi32, #tpu.memory_space<vmem>> -> memref<125xi32, #tpu.memory_space<vmem>>
        %dma_start3A_833 = arith.constant 0 : i32
        %dma_start3A_834 = arith.constant 0 : i32
        %dma_start3A_835 = tpu.memref_slice %arg2[%dma_start3A_833, %dma_start3A_834] : memref<10000x16xf32, #tpu.memory_space<hbm>> -> memref<10000x16xf32, #tpu.memory_space<hbm>>
        tpu.enqueue_indirect_dma source(%dma_start3A_835 : memref<10000x16xf32, #tpu.memory_space<hbm>>) target(%dma_start3A_829 : memref<125x16xf32, #tpu.memory_space<vmem>>) offsets(%dma_start3A_832 : memref<125xi32, #tpu.memory_space<vmem>>) semaphore(%arg11 : memref<!tpu.dma_semaphore, #tpu.memory_space<semaphore_mem>>)
        %mul3A_836 = arith.constant 10 : i32
        %mul3A_837 = arith.muli %add3A_803, %mul3A_836 : i32
        %add3A_838 = arith.constant 2 : i32
        %add3A_839 = arith.addi %mul3A_837, %add3A_838 : i32
        %dma_start3A_840 = arith.constant 0 : i32
        %dma_start3A_841 = arith.constant 2 : i32
        %dma_start3A_842 = arith.constant 0 : i32
        %dma_start3A_843 = arith.constant 0 : i32
        %dma_start3A_844 = tpu.memref_slice %arg8[%dma_start3A_840, %dma_start3A_841, %dma_start3A_842, %dma_start3A_843] : memref<2x10x125x16xf32, #tpu.memory_space<vmem>> -> memref<1x1x125x16xf32, #tpu.memory_space<vmem>>
        %dma_start3A_845 = tpu.memref_squeeze %dma_start3A_844 : memref<1x1x125x16xf32, #tpu.memory_space<vmem>> -> memref<125x16xf32, #tpu.memory_space<vmem>>
        %dma_start3A_846 = arith.constant 0 : i32
        %dma_start3A_847 = tpu.memref_slice %arg6[%add3A_839, %dma_start3A_846] : memref<80x125xi32, #tpu.memory_space<vmem>> -> memref<1x125xi32, #tpu.memory_space<vmem>>
        %dma_start3A_848 = tpu.memref_squeeze %dma_start3A_847 : memref<1x125xi32, #tpu.memory_space<vmem>> -> memref<125xi32, #tpu.memory_space<vmem>>
        %dma_start3A_849 = arith.constant 0 : i32
        %dma_start3A_850 = arith.constant 0 : i32
        %dma_start3A_851 = tpu.memref_slice %arg2[%dma_start3A_849, %dma_start3A_850] : memref<10000x16xf32, #tpu.memory_space<hbm>> -> memref<10000x16xf32, #tpu.memory_space<hbm>>
        tpu.enqueue_indirect_dma source(%dma_start3A_851 : memref<10000x16xf32, #tpu.memory_space<hbm>>) target(%dma_start3A_845 : memref<125x16xf32, #tpu.memory_space<vmem>>) offsets(%dma_start3A_848 : memref<125xi32, #tpu.memory_space<vmem>>) semaphore(%arg11 : memref<!tpu.dma_semaphore, #tpu.memory_space<semaphore_mem>>)
        %mul3A_852 = arith.constant 10 : i32
        %mul3A_853 = arith.muli %add3A_803, %mul3A_852 : i32
        %add3A_854 = arith.constant 3 : i32
        %add3A_855 = arith.addi %mul3A_853, %add3A_854 : i32
        %dma_start3A_856 = arith.constant 0 : i32
        %dma_start3A_857 = arith.constant 3 : i32
        %dma_start3A_858 = arith.constant 0 : i32
        %dma_start3A_859 = arith.constant 0 : i32
        %dma_start3A_860 = tpu.memref_slice %arg8[%dma_start3A_856, %dma_start3A_857, %dma_start3A_858, %dma_start3A_859] : memref<2x10x125x16xf32, #tpu.memory_space<vmem>> -> memref<1x1x125x16xf32, #tpu.memory_space<vmem>>
        %dma_start3A_861 = tpu.memref_squeeze %dma_start3A_860 : memref<1x1x125x16xf32, #tpu.memory_space<vmem>> -> memref<125x16xf32, #tpu.memory_space<vmem>>
        %dma_start3A_862 = arith.constant 0 : i32
        %dma_start3A_863 = tpu.memref_slice %arg6[%add3A_855, %dma_start3A_862] : memref<80x125xi32, #tpu.memory_space<vmem>> -> memref<1x125xi32, #tpu.memory_space<vmem>>
        %dma_start3A_864 = tpu.memref_squeeze %dma_start3A_863 : memref<1x125xi32, #tpu.memory_space<vmem>> -> memref<125xi32, #tpu.memory_space<vmem>>
        %dma_start3A_865 = arith.constant 0 : i32
        %dma_start3A_866 = arith.constant 0 : i32
        %dma_start3A_867 = tpu.memref_slice %arg2[%dma_start3A_865, %dma_start3A_866] : memref<10000x16xf32, #tpu.memory_space<hbm>> -> memref<10000x16xf32, #tpu.memory_space<hbm>>
        tpu.enqueue_indirect_dma source(%dma_start3A_867 : memref<10000x16xf32, #tpu.memory_space<hbm>>) target(%dma_start3A_861 : memref<125x16xf32, #tpu.memory_space<vmem>>) offsets(%dma_start3A_864 : memref<125xi32, #tpu.memory_space<vmem>>) semaphore(%arg11 : memref<!tpu.dma_semaphore, #tpu.memory_space<semaphore_mem>>)
        %mul3A_868 = arith.constant 10 : i32
        %mul3A_869 = arith.muli %add3A_803, %mul3A_868 : i32
        %add3A_870 = arith.constant 4 : i32
        %add3A_871 = arith.addi %mul3A_869, %add3A_870 : i32
        %dma_start3A_872 = arith.constant 0 : i32
        %dma_start3A_873 = arith.constant 4 : i32
        %dma_start3A_874 = arith.constant 0 : i32
        %dma_start3A_875 = arith.constant 0 : i32
        %dma_start3A_876 = tpu.memref_slice %arg8[%dma_start3A_872, %dma_start3A_873, %dma_start3A_874, %dma_start3A_875] : memref<2x10x125x16xf32, #tpu.memory_space<vmem>> -> memref<1x1x125x16xf32, #tpu.memory_space<vmem>>
        %dma_start3A_877 = tpu.memref_squeeze %dma_start3A_876 : memref<1x1x125x16xf32, #tpu.memory_space<vmem>> -> memref<125x16xf32, #tpu.memory_space<vmem>>
        %dma_start3A_878 = arith.constant 0 : i32
        %dma_start3A_879 = tpu.memref_slice %arg6[%add3A_871, %dma_start3A_878] : memref<80x125xi32, #tpu.memory_space<vmem>> -> memref<1x125xi32, #tpu.memory_space<vmem>>
        %dma_start3A_880 = tpu.memref_squeeze %dma_start3A_879 : memref<1x125xi32, #tpu.memory_space<vmem>> -> memref<125xi32, #tpu.memory_space<vmem>>
        %dma_start3A_881 = arith.constant 0 : i32
        %dma_start3A_882 = arith.constant 0 : i32
        %dma_start3A_883 = tpu.memref_slice %arg2[%dma_start3A_881, %dma_start3A_882] : memref<10000x16xf32, #tpu.memory_space<hbm>> -> memref<10000x16xf32, #tpu.memory_space<hbm>>
        tpu.enqueue_indirect_dma source(%dma_start3A_883 : memref<10000x16xf32, #tpu.memory_space<hbm>>) target(%dma_start3A_877 : memref<125x16xf32, #tpu.memory_space<vmem>>) offsets(%dma_start3A_880 : memref<125xi32, #tpu.memory_space<vmem>>) semaphore(%arg11 : memref<!tpu.dma_semaphore, #tpu.memory_space<semaphore_mem>>)
        %mul3A_884 = arith.constant 10 : i32
        %mul3A_885 = arith.muli %add3A_803, %mul3A_884 : i32
        %add3A_886 = arith.constant 5 : i32
        %add3A_887 = arith.addi %mul3A_885, %add3A_886 : i32
        %dma_start3A_888 = arith.constant 0 : i32
        %dma_start3A_889 = arith.constant 5 : i32
        %dma_start3A_890 = arith.constant 0 : i32
        %dma_start3A_891 = arith.constant 0 : i32
        %dma_start3A_892 = tpu.memref_slice %arg8[%dma_start3A_888, %dma_start3A_889, %dma_start3A_890, %dma_start3A_891] : memref<2x10x125x16xf32, #tpu.memory_space<vmem>> -> memref<1x1x125x16xf32, #tpu.memory_space<vmem>>
        %dma_start3A_893 = tpu.memref_squeeze %dma_start3A_892 : memref<1x1x125x16xf32, #tpu.memory_space<vmem>> -> memref<125x16xf32, #tpu.memory_space<vmem>>
        %dma_start3A_894 = arith.constant 0 : i32
        %dma_start3A_895 = tpu.memref_slice %arg6[%add3A_887, %dma_start3A_894] : memref<80x125xi32, #tpu.memory_space<vmem>> -> memref<1x125xi32, #tpu.memory_space<vmem>>
        %dma_start3A_896 = tpu.memref_squeeze %dma_start3A_895 : memref<1x125xi32, #tpu.memory_space<vmem>> -> memref<125xi32, #tpu.memory_space<vmem>>
        %dma_start3A_897 = arith.constant 0 : i32
        %dma_start3A_898 = arith.constant 0 : i32
        %dma_start3A_899 = tpu.memref_slice %arg2[%dma_start3A_897, %dma_start3A_898] : memref<10000x16xf32, #tpu.memory_space<hbm>> -> memref<10000x16xf32, #tpu.memory_space<hbm>>
        tpu.enqueue_indirect_dma source(%dma_start3A_899 : memref<10000x16xf32, #tpu.memory_space<hbm>>) target(%dma_start3A_893 : memref<125x16xf32, #tpu.memory_space<vmem>>) offsets(%dma_start3A_896 : memref<125xi32, #tpu.memory_space<vmem>>) semaphore(%arg11 : memref<!tpu.dma_semaphore, #tpu.memory_space<semaphore_mem>>)
        %mul3A_900 = arith.constant 10 : i32
        %mul3A_901 = arith.muli %add3A_803, %mul3A_900 : i32
        %add3A_902 = arith.constant 6 : i32
        %add3A_903 = arith.addi %mul3A_901, %add3A_902 : i32
        %dma_start3A_904 = arith.constant 0 : i32
        %dma_start3A_905 = arith.constant 6 : i32
        %dma_start3A_906 = arith.constant 0 : i32
        %dma_start3A_907 = arith.constant 0 : i32
        %dma_start3A_908 = tpu.memref_slice %arg8[%dma_start3A_904, %dma_start3A_905, %dma_start3A_906, %dma_start3A_907] : memref<2x10x125x16xf32, #tpu.memory_space<vmem>> -> memref<1x1x125x16xf32, #tpu.memory_space<vmem>>
        %dma_start3A_909 = tpu.memref_squeeze %dma_start3A_908 : memref<1x1x125x16xf32, #tpu.memory_space<vmem>> -> memref<125x16xf32, #tpu.memory_space<vmem>>
        %dma_start3A_910 = arith.constant 0 : i32
        %dma_start3A_911 = tpu.memref_slice %arg6[%add3A_903, %dma_start3A_910] : memref<80x125xi32, #tpu.memory_space<vmem>> -> memref<1x125xi32, #tpu.memory_space<vmem>>
        %dma_start3A_912 = tpu.memref_squeeze %dma_start3A_911 : memref<1x125xi32, #tpu.memory_space<vmem>> -> memref<125xi32, #tpu.memory_space<vmem>>
        %dma_start3A_913 = arith.constant 0 : i32
        %dma_start3A_914 = arith.constant 0 : i32
        %dma_start3A_915 = tpu.memref_slice %arg2[%dma_start3A_913, %dma_start3A_914] : memref<10000x16xf32, #tpu.memory_space<hbm>> -> memref<10000x16xf32, #tpu.memory_space<hbm>>
        tpu.enqueue_indirect_dma source(%dma_start3A_915 : memref<10000x16xf32, #tpu.memory_space<hbm>>) target(%dma_start3A_909 : memref<125x16xf32, #tpu.memory_space<vmem>>) offsets(%dma_start3A_912 : memref<125xi32, #tpu.memory_space<vmem>>) semaphore(%arg11 : memref<!tpu.dma_semaphore, #tpu.memory_space<semaphore_mem>>)
        %mul3A_916 = arith.constant 10 : i32
        %mul3A_917 = arith.muli %add3A_803, %mul3A_916 : i32
        %add3A_918 = arith.constant 7 : i32
        %add3A_919 = arith.addi %mul3A_917, %add3A_918 : i32
        %dma_start3A_920 = arith.constant 0 : i32
        %dma_start3A_921 = arith.constant 7 : i32
        %dma_start3A_922 = arith.constant 0 : i32
        %dma_start3A_923 = arith.constant 0 : i32
        %dma_start3A_924 = tpu.memref_slice %arg8[%dma_start3A_920, %dma_start3A_921, %dma_start3A_922, %dma_start3A_923] : memref<2x10x125x16xf32, #tpu.memory_space<vmem>> -> memref<1x1x125x16xf32, #tpu.memory_space<vmem>>
        %dma_start3A_925 = tpu.memref_squeeze %dma_start3A_924 : memref<1x1x125x16xf32, #tpu.memory_space<vmem>> -> memref<125x16xf32, #tpu.memory_space<vmem>>
        %dma_start3A_926 = arith.constant 0 : i32
        %dma_start3A_927 = tpu.memref_slice %arg6[%add3A_919, %dma_start3A_926] : memref<80x125xi32, #tpu.memory_space<vmem>> -> memref<1x125xi32, #tpu.memory_space<vmem>>
        %dma_start3A_928 = tpu.memref_squeeze %dma_start3A_927 : memref<1x125xi32, #tpu.memory_space<vmem>> -> memref<125xi32, #tpu.memory_space<vmem>>
        %dma_start3A_929 = arith.constant 0 : i32
        %dma_start3A_930 = arith.constant 0 : i32
        %dma_start3A_931 = tpu.memref_slice %arg2[%dma_start3A_929, %dma_start3A_930] : memref<10000x16xf32, #tpu.memory_space<hbm>> -> memref<10000x16xf32, #tpu.memory_space<hbm>>
        tpu.enqueue_indirect_dma source(%dma_start3A_931 : memref<10000x16xf32, #tpu.memory_space<hbm>>) target(%dma_start3A_925 : memref<125x16xf32, #tpu.memory_space<vmem>>) offsets(%dma_start3A_928 : memref<125xi32, #tpu.memory_space<vmem>>) semaphore(%arg11 : memref<!tpu.dma_semaphore, #tpu.memory_space<semaphore_mem>>)
        %mul3A_932 = arith.constant 10 : i32
        %mul3A_933 = arith.muli %add3A_803, %mul3A_932 : i32
        %add3A_934 = arith.constant 8 : i32
        %add3A_935 = arith.addi %mul3A_933, %add3A_934 : i32
        %dma_start3A_936 = arith.constant 0 : i32
        %dma_start3A_937 = arith.constant 8 : i32
        %dma_start3A_938 = arith.constant 0 : i32
        %dma_start3A_939 = arith.constant 0 : i32
        %dma_start3A_940 = tpu.memref_slice %arg8[%dma_start3A_936, %dma_start3A_937, %dma_start3A_938, %dma_start3A_939] : memref<2x10x125x16xf32, #tpu.memory_space<vmem>> -> memref<1x1x125x16xf32, #tpu.memory_space<vmem>>
        %dma_start3A_941 = tpu.memref_squeeze %dma_start3A_940 : memref<1x1x125x16xf32, #tpu.memory_space<vmem>> -> memref<125x16xf32, #tpu.memory_space<vmem>>
        %dma_start3A_942 = arith.constant 0 : i32
        %dma_start3A_943 = tpu.memref_slice %arg6[%add3A_935, %dma_start3A_942] : memref<80x125xi32, #tpu.memory_space<vmem>> -> memref<1x125xi32, #tpu.memory_space<vmem>>
        %dma_start3A_944 = tpu.memref_squeeze %dma_start3A_943 : memref<1x125xi32, #tpu.memory_space<vmem>> -> memref<125xi32, #tpu.memory_space<vmem>>
        %dma_start3A_945 = arith.constant 0 : i32
        %dma_start3A_946 = arith.constant 0 : i32
        %dma_start3A_947 = tpu.memref_slice %arg2[%dma_start3A_945, %dma_start3A_946] : memref<10000x16xf32, #tpu.memory_space<hbm>> -> memref<10000x16xf32, #tpu.memory_space<hbm>>
        tpu.enqueue_indirect_dma source(%dma_start3A_947 : memref<10000x16xf32, #tpu.memory_space<hbm>>) target(%dma_start3A_941 : memref<125x16xf32, #tpu.memory_space<vmem>>) offsets(%dma_start3A_944 : memref<125xi32, #tpu.memory_space<vmem>>) semaphore(%arg11 : memref<!tpu.dma_semaphore, #tpu.memory_space<semaphore_mem>>)
        %mul3A_948 = arith.constant 10 : i32
        %mul3A_949 = arith.muli %add3A_803, %mul3A_948 : i32
        %add3A_950 = arith.constant 9 : i32
        %add3A_951 = arith.addi %mul3A_949, %add3A_950 : i32
        %dma_start3A_952 = arith.constant 0 : i32
        %dma_start3A_953 = arith.constant 9 : i32
        %dma_start3A_954 = arith.constant 0 : i32
        %dma_start3A_955 = arith.constant 0 : i32
        %dma_start3A_956 = tpu.memref_slice %arg8[%dma_start3A_952, %dma_start3A_953, %dma_start3A_954, %dma_start3A_955] : memref<2x10x125x16xf32, #tpu.memory_space<vmem>> -> memref<1x1x125x16xf32, #tpu.memory_space<vmem>>
        %dma_start3A_957 = tpu.memref_squeeze %dma_start3A_956 : memref<1x1x125x16xf32, #tpu.memory_space<vmem>> -> memref<125x16xf32, #tpu.memory_space<vmem>>
        %dma_start3A_958 = arith.constant 0 : i32
        %dma_start3A_959 = tpu.memref_slice %arg6[%add3A_951, %dma_start3A_958] : memref<80x125xi32, #tpu.memory_space<vmem>> -> memref<1x125xi32, #tpu.memory_space<vmem>>
        %dma_start3A_960 = tpu.memref_squeeze %dma_start3A_959 : memref<1x125xi32, #tpu.memory_space<vmem>> -> memref<125xi32, #tpu.memory_space<vmem>>
        %dma_start3A_961 = arith.constant 0 : i32
        %dma_start3A_962 = arith.constant 0 : i32
        %dma_start3A_963 = tpu.memref_slice %arg2[%dma_start3A_961, %dma_start3A_962] : memref<10000x16xf32, #tpu.memory_space<hbm>> -> memref<10000x16xf32, #tpu.memory_space<hbm>>
        tpu.enqueue_indirect_dma source(%dma_start3A_963 : memref<10000x16xf32, #tpu.memory_space<hbm>>) target(%dma_start3A_957 : memref<125x16xf32, #tpu.memory_space<vmem>>) offsets(%dma_start3A_960 : memref<125xi32, #tpu.memory_space<vmem>>) semaphore(%arg11 : memref<!tpu.dma_semaphore, #tpu.memory_space<semaphore_mem>>)
      } else {
      }
      %mul3A_576 = arith.constant 2 : i32
      %mul3A_577 = arith.muli %mul3A_576, %scan3A_189 : i32
      %add3A_578 = arith.constant 1 : i32
      %add3A_579 = arith.addi %mul3A_577, %add3A_578 : i32
      %mul3A_580 = arith.constant 10 : i32
      %mul3A_581 = arith.muli %add3A_579, %mul3A_580 : i32
      %add3A_582 = arith.constant 0 : i32
      %add3A_583 = arith.addi %mul3A_581, %add3A_582 : i32
      %dma_wait3A_584 = arith.constant 1 : i32
      %dma_wait3A_585 = arith.constant 0 : i32
      %dma_wait3A_586 = arith.constant 0 : i32
      %dma_wait3A_587 = arith.constant 0 : i32
      %dma_wait3A_588 = tpu.memref_slice %arg8[%dma_wait3A_584, %dma_wait3A_585, %dma_wait3A_586, %dma_wait3A_587] : memref<2x10x125x16xf32, #tpu.memory_space<vmem>> -> memref<1x1x125x16xf32, #tpu.memory_space<vmem>>
      %dma_wait3A_589 = tpu.memref_squeeze %dma_wait3A_588 : memref<1x1x125x16xf32, #tpu.memory_space<vmem>> -> memref<125x16xf32, #tpu.memory_space<vmem>>
      %dma_wait3A_590 = arith.constant 0 : i32
      %dma_wait3A_591 = tpu.memref_slice %arg6[%add3A_583, %dma_wait3A_590] : memref<80x125xi32, #tpu.memory_space<vmem>> -> memref<1x125xi32, #tpu.memory_space<vmem>>
      %dma_wait3A_592 = tpu.memref_squeeze %dma_wait3A_591 : memref<1x125xi32, #tpu.memory_space<vmem>> -> memref<125xi32, #tpu.memory_space<vmem>>
      %dma_wait3A_593 = arith.constant 0 : i32
      %dma_wait3A_594 = arith.constant 0 : i32
      %dma_wait3A_595 = tpu.memref_slice %arg2[%dma_wait3A_593, %dma_wait3A_594] : memref<10000x16xf32, #tpu.memory_space<hbm>> -> memref<10000x16xf32, #tpu.memory_space<hbm>>
      tpu.wait_indirect_dma semaphore(%arg12 : memref<!tpu.dma_semaphore, #tpu.memory_space<semaphore_mem>>) src(%dma_wait3A_595 : memref<10000x16xf32, #tpu.memory_space<hbm>>) dst(%dma_wait3A_589 : memref<125x16xf32, #tpu.memory_space<vmem>>)
      %mul3A_596 = arith.constant 10 : i32
      %mul3A_597 = arith.muli %add3A_579, %mul3A_596 : i32
      %add3A_598 = arith.constant 1 : i32
      %add3A_599 = arith.addi %mul3A_597, %add3A_598 : i32
      %dma_wait3A_600 = arith.constant 1 : i32
      %dma_wait3A_601 = arith.constant 1 : i32
      %dma_wait3A_602 = arith.constant 0 : i32
      %dma_wait3A_603 = arith.constant 0 : i32
      %dma_wait3A_604 = tpu.memref_slice %arg8[%dma_wait3A_600, %dma_wait3A_601, %dma_wait3A_602, %dma_wait3A_603] : memref<2x10x125x16xf32, #tpu.memory_space<vmem>> -> memref<1x1x125x16xf32, #tpu.memory_space<vmem>>
      %dma_wait3A_605 = tpu.memref_squeeze %dma_wait3A_604 : memref<1x1x125x16xf32, #tpu.memory_space<vmem>> -> memref<125x16xf32, #tpu.memory_space<vmem>>
      %dma_wait3A_606 = arith.constant 0 : i32
      %dma_wait3A_607 = tpu.memref_slice %arg6[%add3A_599, %dma_wait3A_606] : memref<80x125xi32, #tpu.memory_space<vmem>> -> memref<1x125xi32, #tpu.memory_space<vmem>>
      %dma_wait3A_608 = tpu.memref_squeeze %dma_wait3A_607 : memref<1x125xi32, #tpu.memory_space<vmem>> -> memref<125xi32, #tpu.memory_space<vmem>>
      %dma_wait3A_609 = arith.constant 0 : i32
      %dma_wait3A_610 = arith.constant 0 : i32
      %dma_wait3A_611 = tpu.memref_slice %arg2[%dma_wait3A_609, %dma_wait3A_610] : memref<10000x16xf32, #tpu.memory_space<hbm>> -> memref<10000x16xf32, #tpu.memory_space<hbm>>
      tpu.wait_indirect_dma semaphore(%arg12 : memref<!tpu.dma_semaphore, #tpu.memory_space<semaphore_mem>>) src(%dma_wait3A_611 : memref<10000x16xf32, #tpu.memory_space<hbm>>) dst(%dma_wait3A_605 : memref<125x16xf32, #tpu.memory_space<vmem>>)
      %mul3A_612 = arith.constant 10 : i32
      %mul3A_613 = arith.muli %add3A_579, %mul3A_612 : i32
      %add3A_614 = arith.constant 2 : i32
      %add3A_615 = arith.addi %mul3A_613, %add3A_614 : i32
      %dma_wait3A_616 = arith.constant 1 : i32
      %dma_wait3A_617 = arith.constant 2 : i32
      %dma_wait3A_618 = arith.constant 0 : i32
      %dma_wait3A_619 = arith.constant 0 : i32
      %dma_wait3A_620 = tpu.memref_slice %arg8[%dma_wait3A_616, %dma_wait3A_617, %dma_wait3A_618, %dma_wait3A_619] : memref<2x10x125x16xf32, #tpu.memory_space<vmem>> -> memref<1x1x125x16xf32, #tpu.memory_space<vmem>>
      %dma_wait3A_621 = tpu.memref_squeeze %dma_wait3A_620 : memref<1x1x125x16xf32, #tpu.memory_space<vmem>> -> memref<125x16xf32, #tpu.memory_space<vmem>>
      %dma_wait3A_622 = arith.constant 0 : i32
      %dma_wait3A_623 = tpu.memref_slice %arg6[%add3A_615, %dma_wait3A_622] : memref<80x125xi32, #tpu.memory_space<vmem>> -> memref<1x125xi32, #tpu.memory_space<vmem>>
      %dma_wait3A_624 = tpu.memref_squeeze %dma_wait3A_623 : memref<1x125xi32, #tpu.memory_space<vmem>> -> memref<125xi32, #tpu.memory_space<vmem>>
      %dma_wait3A_625 = arith.constant 0 : i32
      %dma_wait3A_626 = arith.constant 0 : i32
      %dma_wait3A_627 = tpu.memref_slice %arg2[%dma_wait3A_625, %dma_wait3A_626] : memref<10000x16xf32, #tpu.memory_space<hbm>> -> memref<10000x16xf32, #tpu.memory_space<hbm>>
      tpu.wait_indirect_dma semaphore(%arg12 : memref<!tpu.dma_semaphore, #tpu.memory_space<semaphore_mem>>) src(%dma_wait3A_627 : memref<10000x16xf32, #tpu.memory_space<hbm>>) dst(%dma_wait3A_621 : memref<125x16xf32, #tpu.memory_space<vmem>>)
      %mul3A_628 = arith.constant 10 : i32
      %mul3A_629 = arith.muli %add3A_579, %mul3A_628 : i32
      %add3A_630 = arith.constant 3 : i32
      %add3A_631 = arith.addi %mul3A_629, %add3A_630 : i32
      %dma_wait3A_632 = arith.constant 1 : i32
      %dma_wait3A_633 = arith.constant 3 : i32
      %dma_wait3A_634 = arith.constant 0 : i32
      %dma_wait3A_635 = arith.constant 0 : i32
      %dma_wait3A_636 = tpu.memref_slice %arg8[%dma_wait3A_632, %dma_wait3A_633, %dma_wait3A_634, %dma_wait3A_635] : memref<2x10x125x16xf32, #tpu.memory_space<vmem>> -> memref<1x1x125x16xf32, #tpu.memory_space<vmem>>
      %dma_wait3A_637 = tpu.memref_squeeze %dma_wait3A_636 : memref<1x1x125x16xf32, #tpu.memory_space<vmem>> -> memref<125x16xf32, #tpu.memory_space<vmem>>
      %dma_wait3A_638 = arith.constant 0 : i32
      %dma_wait3A_639 = tpu.memref_slice %arg6[%add3A_631, %dma_wait3A_638] : memref<80x125xi32, #tpu.memory_space<vmem>> -> memref<1x125xi32, #tpu.memory_space<vmem>>
      %dma_wait3A_640 = tpu.memref_squeeze %dma_wait3A_639 : memref<1x125xi32, #tpu.memory_space<vmem>> -> memref<125xi32, #tpu.memory_space<vmem>>
      %dma_wait3A_641 = arith.constant 0 : i32
      %dma_wait3A_642 = arith.constant 0 : i32
      %dma_wait3A_643 = tpu.memref_slice %arg2[%dma_wait3A_641, %dma_wait3A_642] : memref<10000x16xf32, #tpu.memory_space<hbm>> -> memref<10000x16xf32, #tpu.memory_space<hbm>>
      tpu.wait_indirect_dma semaphore(%arg12 : memref<!tpu.dma_semaphore, #tpu.memory_space<semaphore_mem>>) src(%dma_wait3A_643 : memref<10000x16xf32, #tpu.memory_space<hbm>>) dst(%dma_wait3A_637 : memref<125x16xf32, #tpu.memory_space<vmem>>)
      %mul3A_644 = arith.constant 10 : i32
      %mul3A_645 = arith.muli %add3A_579, %mul3A_644 : i32
      %add3A_646 = arith.constant 4 : i32
      %add3A_647 = arith.addi %mul3A_645, %add3A_646 : i32
      %dma_wait3A_648 = arith.constant 1 : i32
      %dma_wait3A_649 = arith.constant 4 : i32
      %dma_wait3A_650 = arith.constant 0 : i32
      %dma_wait3A_651 = arith.constant 0 : i32
      %dma_wait3A_652 = tpu.memref_slice %arg8[%dma_wait3A_648, %dma_wait3A_649, %dma_wait3A_650, %dma_wait3A_651] : memref<2x10x125x16xf32, #tpu.memory_space<vmem>> -> memref<1x1x125x16xf32, #tpu.memory_space<vmem>>
      %dma_wait3A_653 = tpu.memref_squeeze %dma_wait3A_652 : memref<1x1x125x16xf32, #tpu.memory_space<vmem>> -> memref<125x16xf32, #tpu.memory_space<vmem>>
      %dma_wait3A_654 = arith.constant 0 : i32
      %dma_wait3A_655 = tpu.memref_slice %arg6[%add3A_647, %dma_wait3A_654] : memref<80x125xi32, #tpu.memory_space<vmem>> -> memref<1x125xi32, #tpu.memory_space<vmem>>
      %dma_wait3A_656 = tpu.memref_squeeze %dma_wait3A_655 : memref<1x125xi32, #tpu.memory_space<vmem>> -> memref<125xi32, #tpu.memory_space<vmem>>
      %dma_wait3A_657 = arith.constant 0 : i32
      %dma_wait3A_658 = arith.constant 0 : i32
      %dma_wait3A_659 = tpu.memref_slice %arg2[%dma_wait3A_657, %dma_wait3A_658] : memref<10000x16xf32, #tpu.memory_space<hbm>> -> memref<10000x16xf32, #tpu.memory_space<hbm>>
      tpu.wait_indirect_dma semaphore(%arg12 : memref<!tpu.dma_semaphore, #tpu.memory_space<semaphore_mem>>) src(%dma_wait3A_659 : memref<10000x16xf32, #tpu.memory_space<hbm>>) dst(%dma_wait3A_653 : memref<125x16xf32, #tpu.memory_space<vmem>>)
      %mul3A_660 = arith.constant 10 : i32
      %mul3A_661 = arith.muli %add3A_579, %mul3A_660 : i32
      %add3A_662 = arith.constant 5 : i32
      %add3A_663 = arith.addi %mul3A_661, %add3A_662 : i32
      %dma_wait3A_664 = arith.constant 1 : i32
      %dma_wait3A_665 = arith.constant 5 : i32
      %dma_wait3A_666 = arith.constant 0 : i32
      %dma_wait3A_667 = arith.constant 0 : i32
      %dma_wait3A_668 = tpu.memref_slice %arg8[%dma_wait3A_664, %dma_wait3A_665, %dma_wait3A_666, %dma_wait3A_667] : memref<2x10x125x16xf32, #tpu.memory_space<vmem>> -> memref<1x1x125x16xf32, #tpu.memory_space<vmem>>
      %dma_wait3A_669 = tpu.memref_squeeze %dma_wait3A_668 : memref<1x1x125x16xf32, #tpu.memory_space<vmem>> -> memref<125x16xf32, #tpu.memory_space<vmem>>
      %dma_wait3A_670 = arith.constant 0 : i32
      %dma_wait3A_671 = tpu.memref_slice %arg6[%add3A_663, %dma_wait3A_670] : memref<80x125xi32, #tpu.memory_space<vmem>> -> memref<1x125xi32, #tpu.memory_space<vmem>>
      %dma_wait3A_672 = tpu.memref_squeeze %dma_wait3A_671 : memref<1x125xi32, #tpu.memory_space<vmem>> -> memref<125xi32, #tpu.memory_space<vmem>>
      %dma_wait3A_673 = arith.constant 0 : i32
      %dma_wait3A_674 = arith.constant 0 : i32
      %dma_wait3A_675 = tpu.memref_slice %arg2[%dma_wait3A_673, %dma_wait3A_674] : memref<10000x16xf32, #tpu.memory_space<hbm>> -> memref<10000x16xf32, #tpu.memory_space<hbm>>
      tpu.wait_indirect_dma semaphore(%arg12 : memref<!tpu.dma_semaphore, #tpu.memory_space<semaphore_mem>>) src(%dma_wait3A_675 : memref<10000x16xf32, #tpu.memory_space<hbm>>) dst(%dma_wait3A_669 : memref<125x16xf32, #tpu.memory_space<vmem>>)
      %mul3A_676 = arith.constant 10 : i32
      %mul3A_677 = arith.muli %add3A_579, %mul3A_676 : i32
      %add3A_678 = arith.constant 6 : i32
      %add3A_679 = arith.addi %mul3A_677, %add3A_678 : i32
      %dma_wait3A_680 = arith.constant 1 : i32
      %dma_wait3A_681 = arith.constant 6 : i32
      %dma_wait3A_682 = arith.constant 0 : i32
      %dma_wait3A_683 = arith.constant 0 : i32
      %dma_wait3A_684 = tpu.memref_slice %arg8[%dma_wait3A_680, %dma_wait3A_681, %dma_wait3A_682, %dma_wait3A_683] : memref<2x10x125x16xf32, #tpu.memory_space<vmem>> -> memref<1x1x125x16xf32, #tpu.memory_space<vmem>>
      %dma_wait3A_685 = tpu.memref_squeeze %dma_wait3A_684 : memref<1x1x125x16xf32, #tpu.memory_space<vmem>> -> memref<125x16xf32, #tpu.memory_space<vmem>>
      %dma_wait3A_686 = arith.constant 0 : i32
      %dma_wait3A_687 = tpu.memref_slice %arg6[%add3A_679, %dma_wait3A_686] : memref<80x125xi32, #tpu.memory_space<vmem>> -> memref<1x125xi32, #tpu.memory_space<vmem>>
      %dma_wait3A_688 = tpu.memref_squeeze %dma_wait3A_687 : memref<1x125xi32, #tpu.memory_space<vmem>> -> memref<125xi32, #tpu.memory_space<vmem>>
      %dma_wait3A_689 = arith.constant 0 : i32
      %dma_wait3A_690 = arith.constant 0 : i32
      %dma_wait3A_691 = tpu.memref_slice %arg2[%dma_wait3A_689, %dma_wait3A_690] : memref<10000x16xf32, #tpu.memory_space<hbm>> -> memref<10000x16xf32, #tpu.memory_space<hbm>>
      tpu.wait_indirect_dma semaphore(%arg12 : memref<!tpu.dma_semaphore, #tpu.memory_space<semaphore_mem>>) src(%dma_wait3A_691 : memref<10000x16xf32, #tpu.memory_space<hbm>>) dst(%dma_wait3A_685 : memref<125x16xf32, #tpu.memory_space<vmem>>)
      %mul3A_692 = arith.constant 10 : i32
      %mul3A_693 = arith.muli %add3A_579, %mul3A_692 : i32
      %add3A_694 = arith.constant 7 : i32
      %add3A_695 = arith.addi %mul3A_693, %add3A_694 : i32
      %dma_wait3A_696 = arith.constant 1 : i32
      %dma_wait3A_697 = arith.constant 7 : i32
      %dma_wait3A_698 = arith.constant 0 : i32
      %dma_wait3A_699 = arith.constant 0 : i32
      %dma_wait3A_700 = tpu.memref_slice %arg8[%dma_wait3A_696, %dma_wait3A_697, %dma_wait3A_698, %dma_wait3A_699] : memref<2x10x125x16xf32, #tpu.memory_space<vmem>> -> memref<1x1x125x16xf32, #tpu.memory_space<vmem>>
      %dma_wait3A_701 = tpu.memref_squeeze %dma_wait3A_700 : memref<1x1x125x16xf32, #tpu.memory_space<vmem>> -> memref<125x16xf32, #tpu.memory_space<vmem>>
      %dma_wait3A_702 = arith.constant 0 : i32
      %dma_wait3A_703 = tpu.memref_slice %arg6[%add3A_695, %dma_wait3A_702] : memref<80x125xi32, #tpu.memory_space<vmem>> -> memref<1x125xi32, #tpu.memory_space<vmem>>
      %dma_wait3A_704 = tpu.memref_squeeze %dma_wait3A_703 : memref<1x125xi32, #tpu.memory_space<vmem>> -> memref<125xi32, #tpu.memory_space<vmem>>
      %dma_wait3A_705 = arith.constant 0 : i32
      %dma_wait3A_706 = arith.constant 0 : i32
      %dma_wait3A_707 = tpu.memref_slice %arg2[%dma_wait3A_705, %dma_wait3A_706] : memref<10000x16xf32, #tpu.memory_space<hbm>> -> memref<10000x16xf32, #tpu.memory_space<hbm>>
      tpu.wait_indirect_dma semaphore(%arg12 : memref<!tpu.dma_semaphore, #tpu.memory_space<semaphore_mem>>) src(%dma_wait3A_707 : memref<10000x16xf32, #tpu.memory_space<hbm>>) dst(%dma_wait3A_701 : memref<125x16xf32, #tpu.memory_space<vmem>>)
      %mul3A_708 = arith.constant 10 : i32
      %mul3A_709 = arith.muli %add3A_579, %mul3A_708 : i32
      %add3A_710 = arith.constant 8 : i32
      %add3A_711 = arith.addi %mul3A_709, %add3A_710 : i32
      %dma_wait3A_712 = arith.constant 1 : i32
      %dma_wait3A_713 = arith.constant 8 : i32
      %dma_wait3A_714 = arith.constant 0 : i32
      %dma_wait3A_715 = arith.constant 0 : i32
      %dma_wait3A_716 = tpu.memref_slice %arg8[%dma_wait3A_712, %dma_wait3A_713, %dma_wait3A_714, %dma_wait3A_715] : memref<2x10x125x16xf32, #tpu.memory_space<vmem>> -> memref<1x1x125x16xf32, #tpu.memory_space<vmem>>
      %dma_wait3A_717 = tpu.memref_squeeze %dma_wait3A_716 : memref<1x1x125x16xf32, #tpu.memory_space<vmem>> -> memref<125x16xf32, #tpu.memory_space<vmem>>
      %dma_wait3A_718 = arith.constant 0 : i32
      %dma_wait3A_719 = tpu.memref_slice %arg6[%add3A_711, %dma_wait3A_718] : memref<80x125xi32, #tpu.memory_space<vmem>> -> memref<1x125xi32, #tpu.memory_space<vmem>>
      %dma_wait3A_720 = tpu.memref_squeeze %dma_wait3A_719 : memref<1x125xi32, #tpu.memory_space<vmem>> -> memref<125xi32, #tpu.memory_space<vmem>>
      %dma_wait3A_721 = arith.constant 0 : i32
      %dma_wait3A_722 = arith.constant 0 : i32
      %dma_wait3A_723 = tpu.memref_slice %arg2[%dma_wait3A_721, %dma_wait3A_722] : memref<10000x16xf32, #tpu.memory_space<hbm>> -> memref<10000x16xf32, #tpu.memory_space<hbm>>
      tpu.wait_indirect_dma semaphore(%arg12 : memref<!tpu.dma_semaphore, #tpu.memory_space<semaphore_mem>>) src(%dma_wait3A_723 : memref<10000x16xf32, #tpu.memory_space<hbm>>) dst(%dma_wait3A_717 : memref<125x16xf32, #tpu.memory_space<vmem>>)
      %mul3A_724 = arith.constant 10 : i32
      %mul3A_725 = arith.muli %add3A_579, %mul3A_724 : i32
      %add3A_726 = arith.constant 9 : i32
      %add3A_727 = arith.addi %mul3A_725, %add3A_726 : i32
      %dma_wait3A_728 = arith.constant 1 : i32
      %dma_wait3A_729 = arith.constant 9 : i32
      %dma_wait3A_730 = arith.constant 0 : i32
      %dma_wait3A_731 = arith.constant 0 : i32
      %dma_wait3A_732 = tpu.memref_slice %arg8[%dma_wait3A_728, %dma_wait3A_729, %dma_wait3A_730, %dma_wait3A_731] : memref<2x10x125x16xf32, #tpu.memory_space<vmem>> -> memref<1x1x125x16xf32, #tpu.memory_space<vmem>>
      %dma_wait3A_733 = tpu.memref_squeeze %dma_wait3A_732 : memref<1x1x125x16xf32, #tpu.memory_space<vmem>> -> memref<125x16xf32, #tpu.memory_space<vmem>>
      %dma_wait3A_734 = arith.constant 0 : i32
      %dma_wait3A_735 = tpu.memref_slice %arg6[%add3A_727, %dma_wait3A_734] : memref<80x125xi32, #tpu.memory_space<vmem>> -> memref<1x125xi32, #tpu.memory_space<vmem>>
      %dma_wait3A_736 = tpu.memref_squeeze %dma_wait3A_735 : memref<1x125xi32, #tpu.memory_space<vmem>> -> memref<125xi32, #tpu.memory_space<vmem>>
      %dma_wait3A_737 = arith.constant 0 : i32
      %dma_wait3A_738 = arith.constant 0 : i32
      %dma_wait3A_739 = tpu.memref_slice %arg2[%dma_wait3A_737, %dma_wait3A_738] : memref<10000x16xf32, #tpu.memory_space<hbm>> -> memref<10000x16xf32, #tpu.memory_space<hbm>>
      tpu.wait_indirect_dma semaphore(%arg12 : memref<!tpu.dma_semaphore, #tpu.memory_space<semaphore_mem>>) src(%dma_wait3A_739 : memref<10000x16xf32, #tpu.memory_space<hbm>>) dst(%dma_wait3A_733 : memref<125x16xf32, #tpu.memory_space<vmem>>)
      %mul3A_740 = arith.constant 10 : i32
      %mul3A_741 = arith.muli %add3A_579, %mul3A_740 : i32
      %add3A_742 = arith.constant 0 : i32
      %add3A_743 = arith.addi %mul3A_741, %add3A_742 : i32
      %run_scoped3A_744 = arith.constant 1 : i32
      %run_scoped3A_745 = arith.constant 0 : i32
      "tpu.region"() ({
        %run_scoped3A_800 = tpu.sem_alloc : memref<!tpu.dma_semaphore, #tpu.memory_space<semaphore_mem>>
        %dma_start3A_801 = arith.constant 0 : i32
        %dma_start3A_802 = arith.constant 0 : i32
        %dma_start3A_803 = tpu.memref_slice %arg8[%run_scoped3A_744, %run_scoped3A_745, %dma_start3A_801, %dma_start3A_802] : memref<2x10x125x16xf32, #tpu.memory_space<vmem>> -> memref<1x1x125x16xf32, #tpu.memory_space<vmem>>
        %dma_start3A_804 = tpu.memref_squeeze %dma_start3A_803 : memref<1x1x125x16xf32, #tpu.memory_space<vmem>> -> memref<125x16xf32, #tpu.memory_space<vmem>>
        %dma_start3A_805 = arith.constant 0 : i32
        %dma_start3A_806 = tpu.memref_slice %arg7[%add3A_743, %dma_start3A_805] : memref<80x125xi32, #tpu.memory_space<vmem>> -> memref<1x125xi32, #tpu.memory_space<vmem>>
        %dma_start3A_807 = tpu.memref_squeeze %dma_start3A_806 : memref<1x125xi32, #tpu.memory_space<vmem>> -> memref<125xi32, #tpu.memory_space<vmem>>
        %dma_start3A_808 = arith.constant 0 : i32
        %dma_start3A_809 = arith.constant 0 : i32
        %dma_start3A_810 = tpu.memref_slice %arg10[%dma_start3A_808, %dma_start3A_809] : memref<10240x16xf32, #tpu.memory_space<vmem_shared>> -> memref<10240x16xf32, #tpu.memory_space<vmem_shared>>
        tpu.enqueue_indirect_dma source(%dma_start3A_804 : memref<125x16xf32, #tpu.memory_space<vmem>>) target(%dma_start3A_810 : memref<10240x16xf32, #tpu.memory_space<vmem_shared>>) offsets(%dma_start3A_807 : memref<125xi32, #tpu.memory_space<vmem>>) semaphore(%run_scoped3A_800 : memref<!tpu.dma_semaphore, #tpu.memory_space<semaphore_mem>>) {add = true}
        %dma_wait3A_811 = arith.constant 0 : i32
        %dma_wait3A_812 = arith.constant 0 : i32
        %dma_wait3A_813 = tpu.memref_slice %arg8[%run_scoped3A_744, %run_scoped3A_745, %dma_wait3A_811, %dma_wait3A_812] : memref<2x10x125x16xf32, #tpu.memory_space<vmem>> -> memref<1x1x125x16xf32, #tpu.memory_space<vmem>>
        %dma_wait3A_814 = tpu.memref_squeeze %dma_wait3A_813 : memref<1x1x125x16xf32, #tpu.memory_space<vmem>> -> memref<125x16xf32, #tpu.memory_space<vmem>>
        %dma_wait3A_815 = arith.constant 0 : i32
        %dma_wait3A_816 = tpu.memref_slice %arg7[%add3A_743, %dma_wait3A_815] : memref<80x125xi32, #tpu.memory_space<vmem>> -> memref<1x125xi32, #tpu.memory_space<vmem>>
        %dma_wait3A_817 = tpu.memref_squeeze %dma_wait3A_816 : memref<1x125xi32, #tpu.memory_space<vmem>> -> memref<125xi32, #tpu.memory_space<vmem>>
        %dma_wait3A_818 = arith.constant 0 : i32
        %dma_wait3A_819 = arith.constant 0 : i32
        %dma_wait3A_820 = tpu.memref_slice %arg10[%dma_wait3A_818, %dma_wait3A_819] : memref<10240x16xf32, #tpu.memory_space<vmem_shared>> -> memref<10240x16xf32, #tpu.memory_space<vmem_shared>>
        tpu.wait_indirect_dma semaphore(%run_scoped3A_800 : memref<!tpu.dma_semaphore, #tpu.memory_space<semaphore_mem>>) src(%dma_wait3A_814 : memref<125x16xf32, #tpu.memory_space<vmem>>) dst(%dma_wait3A_820 : memref<10240x16xf32, #tpu.memory_space<vmem_shared>>)
        tpu.yield
      }) : () -> ()
      %mul3A_746 = arith.constant 10 : i32
      %mul3A_747 = arith.muli %add3A_579, %mul3A_746 : i32
      %add3A_748 = arith.constant 1 : i32
      %add3A_749 = arith.addi %mul3A_747, %add3A_748 : i32
      %run_scoped3A_750 = arith.constant 1 : i32
      %run_scoped3A_751 = arith.constant 1 : i32
      "tpu.region"() ({
        %run_scoped3A_800 = tpu.sem_alloc : memref<!tpu.dma_semaphore, #tpu.memory_space<semaphore_mem>>
        %dma_start3A_801 = arith.constant 0 : i32
        %dma_start3A_802 = arith.constant 0 : i32
        %dma_start3A_803 = tpu.memref_slice %arg8[%run_scoped3A_750, %run_scoped3A_751, %dma_start3A_801, %dma_start3A_802] : memref<2x10x125x16xf32, #tpu.memory_space<vmem>> -> memref<1x1x125x16xf32, #tpu.memory_space<vmem>>
        %dma_start3A_804 = tpu.memref_squeeze %dma_start3A_803 : memref<1x1x125x16xf32, #tpu.memory_space<vmem>> -> memref<125x16xf32, #tpu.memory_space<vmem>>
        %dma_start3A_805 = arith.constant 0 : i32
        %dma_start3A_806 = tpu.memref_slice %arg7[%add3A_749, %dma_start3A_805] : memref<80x125xi32, #tpu.memory_space<vmem>> -> memref<1x125xi32, #tpu.memory_space<vmem>>
        %dma_start3A_807 = tpu.memref_squeeze %dma_start3A_806 : memref<1x125xi32, #tpu.memory_space<vmem>> -> memref<125xi32, #tpu.memory_space<vmem>>
        %dma_start3A_808 = arith.constant 0 : i32
        %dma_start3A_809 = arith.constant 0 : i32
        %dma_start3A_810 = tpu.memref_slice %arg10[%dma_start3A_808, %dma_start3A_809] : memref<10240x16xf32, #tpu.memory_space<vmem_shared>> -> memref<10240x16xf32, #tpu.memory_space<vmem_shared>>
        tpu.enqueue_indirect_dma source(%dma_start3A_804 : memref<125x16xf32, #tpu.memory_space<vmem>>) target(%dma_start3A_810 : memref<10240x16xf32, #tpu.memory_space<vmem_shared>>) offsets(%dma_start3A_807 : memref<125xi32, #tpu.memory_space<vmem>>) semaphore(%run_scoped3A_800 : memref<!tpu.dma_semaphore, #tpu.memory_space<semaphore_mem>>) {add = true}
        %dma_wait3A_811 = arith.constant 0 : i32
        %dma_wait3A_812 = arith.constant 0 : i32
        %dma_wait3A_813 = tpu.memref_slice %arg8[%run_scoped3A_750, %run_scoped3A_751, %dma_wait3A_811, %dma_wait3A_812] : memref<2x10x125x16xf32, #tpu.memory_space<vmem>> -> memref<1x1x125x16xf32, #tpu.memory_space<vmem>>
        %dma_wait3A_814 = tpu.memref_squeeze %dma_wait3A_813 : memref<1x1x125x16xf32, #tpu.memory_space<vmem>> -> memref<125x16xf32, #tpu.memory_space<vmem>>
        %dma_wait3A_815 = arith.constant 0 : i32
        %dma_wait3A_816 = tpu.memref_slice %arg7[%add3A_749, %dma_wait3A_815] : memref<80x125xi32, #tpu.memory_space<vmem>> -> memref<1x125xi32, #tpu.memory_space<vmem>>
        %dma_wait3A_817 = tpu.memref_squeeze %dma_wait3A_816 : memref<1x125xi32, #tpu.memory_space<vmem>> -> memref<125xi32, #tpu.memory_space<vmem>>
        %dma_wait3A_818 = arith.constant 0 : i32
        %dma_wait3A_819 = arith.constant 0 : i32
        %dma_wait3A_820 = tpu.memref_slice %arg10[%dma_wait3A_818, %dma_wait3A_819] : memref<10240x16xf32, #tpu.memory_space<vmem_shared>> -> memref<10240x16xf32, #tpu.memory_space<vmem_shared>>
        tpu.wait_indirect_dma semaphore(%run_scoped3A_800 : memref<!tpu.dma_semaphore, #tpu.memory_space<semaphore_mem>>) src(%dma_wait3A_814 : memref<125x16xf32, #tpu.memory_space<vmem>>) dst(%dma_wait3A_820 : memref<10240x16xf32, #tpu.memory_space<vmem_shared>>)
        tpu.yield
      }) : () -> ()
      %mul3A_752 = arith.constant 10 : i32
      %mul3A_753 = arith.muli %add3A_579, %mul3A_752 : i32
      %add3A_754 = arith.constant 2 : i32
      %add3A_755 = arith.addi %mul3A_753, %add3A_754 : i32
      %run_scoped3A_756 = arith.constant 1 : i32
      %run_scoped3A_757 = arith.constant 2 : i32
      "tpu.region"() ({
        %run_scoped3A_800 = tpu.sem_alloc : memref<!tpu.dma_semaphore, #tpu.memory_space<semaphore_mem>>
        %dma_start3A_801 = arith.constant 0 : i32
        %dma_start3A_802 = arith.constant 0 : i32
        %dma_start3A_803 = tpu.memref_slice %arg8[%run_scoped3A_756, %run_scoped3A_757, %dma_start3A_801, %dma_start3A_802] : memref<2x10x125x16xf32, #tpu.memory_space<vmem>> -> memref<1x1x125x16xf32, #tpu.memory_space<vmem>>
        %dma_start3A_804 = tpu.memref_squeeze %dma_start3A_803 : memref<1x1x125x16xf32, #tpu.memory_space<vmem>> -> memref<125x16xf32, #tpu.memory_space<vmem>>
        %dma_start3A_805 = arith.constant 0 : i32
        %dma_start3A_806 = tpu.memref_slice %arg7[%add3A_755, %dma_start3A_805] : memref<80x125xi32, #tpu.memory_space<vmem>> -> memref<1x125xi32, #tpu.memory_space<vmem>>
        %dma_start3A_807 = tpu.memref_squeeze %dma_start3A_806 : memref<1x125xi32, #tpu.memory_space<vmem>> -> memref<125xi32, #tpu.memory_space<vmem>>
        %dma_start3A_808 = arith.constant 0 : i32
        %dma_start3A_809 = arith.constant 0 : i32
        %dma_start3A_810 = tpu.memref_slice %arg10[%dma_start3A_808, %dma_start3A_809] : memref<10240x16xf32, #tpu.memory_space<vmem_shared>> -> memref<10240x16xf32, #tpu.memory_space<vmem_shared>>
        tpu.enqueue_indirect_dma source(%dma_start3A_804 : memref<125x16xf32, #tpu.memory_space<vmem>>) target(%dma_start3A_810 : memref<10240x16xf32, #tpu.memory_space<vmem_shared>>) offsets(%dma_start3A_807 : memref<125xi32, #tpu.memory_space<vmem>>) semaphore(%run_scoped3A_800 : memref<!tpu.dma_semaphore, #tpu.memory_space<semaphore_mem>>) {add = true}
        %dma_wait3A_811 = arith.constant 0 : i32
        %dma_wait3A_812 = arith.constant 0 : i32
        %dma_wait3A_813 = tpu.memref_slice %arg8[%run_scoped3A_756, %run_scoped3A_757, %dma_wait3A_811, %dma_wait3A_812] : memref<2x10x125x16xf32, #tpu.memory_space<vmem>> -> memref<1x1x125x16xf32, #tpu.memory_space<vmem>>
        %dma_wait3A_814 = tpu.memref_squeeze %dma_wait3A_813 : memref<1x1x125x16xf32, #tpu.memory_space<vmem>> -> memref<125x16xf32, #tpu.memory_space<vmem>>
        %dma_wait3A_815 = arith.constant 0 : i32
        %dma_wait3A_816 = tpu.memref_slice %arg7[%add3A_755, %dma_wait3A_815] : memref<80x125xi32, #tpu.memory_space<vmem>> -> memref<1x125xi32, #tpu.memory_space<vmem>>
        %dma_wait3A_817 = tpu.memref_squeeze %dma_wait3A_816 : memref<1x125xi32, #tpu.memory_space<vmem>> -> memref<125xi32, #tpu.memory_space<vmem>>
        %dma_wait3A_818 = arith.constant 0 : i32
        %dma_wait3A_819 = arith.constant 0 : i32
        %dma_wait3A_820 = tpu.memref_slice %arg10[%dma_wait3A_818, %dma_wait3A_819] : memref<10240x16xf32, #tpu.memory_space<vmem_shared>> -> memref<10240x16xf32, #tpu.memory_space<vmem_shared>>
        tpu.wait_indirect_dma semaphore(%run_scoped3A_800 : memref<!tpu.dma_semaphore, #tpu.memory_space<semaphore_mem>>) src(%dma_wait3A_814 : memref<125x16xf32, #tpu.memory_space<vmem>>) dst(%dma_wait3A_820 : memref<10240x16xf32, #tpu.memory_space<vmem_shared>>)
        tpu.yield
      }) : () -> ()
      %mul3A_758 = arith.constant 10 : i32
      %mul3A_759 = arith.muli %add3A_579, %mul3A_758 : i32
      %add3A_760 = arith.constant 3 : i32
      %add3A_761 = arith.addi %mul3A_759, %add3A_760 : i32
      %run_scoped3A_762 = arith.constant 1 : i32
      %run_scoped3A_763 = arith.constant 3 : i32
      "tpu.region"() ({
        %run_scoped3A_800 = tpu.sem_alloc : memref<!tpu.dma_semaphore, #tpu.memory_space<semaphore_mem>>
        %dma_start3A_801 = arith.constant 0 : i32
        %dma_start3A_802 = arith.constant 0 : i32
        %dma_start3A_803 = tpu.memref_slice %arg8[%run_scoped3A_762, %run_scoped3A_763, %dma_start3A_801, %dma_start3A_802] : memref<2x10x125x16xf32, #tpu.memory_space<vmem>> -> memref<1x1x125x16xf32, #tpu.memory_space<vmem>>
        %dma_start3A_804 = tpu.memref_squeeze %dma_start3A_803 : memref<1x1x125x16xf32, #tpu.memory_space<vmem>> -> memref<125x16xf32, #tpu.memory_space<vmem>>
        %dma_start3A_805 = arith.constant 0 : i32
        %dma_start3A_806 = tpu.memref_slice %arg7[%add3A_761, %dma_start3A_805] : memref<80x125xi32, #tpu.memory_space<vmem>> -> memref<1x125xi32, #tpu.memory_space<vmem>>
        %dma_start3A_807 = tpu.memref_squeeze %dma_start3A_806 : memref<1x125xi32, #tpu.memory_space<vmem>> -> memref<125xi32, #tpu.memory_space<vmem>>
        %dma_start3A_808 = arith.constant 0 : i32
        %dma_start3A_809 = arith.constant 0 : i32
        %dma_start3A_810 = tpu.memref_slice %arg10[%dma_start3A_808, %dma_start3A_809] : memref<10240x16xf32, #tpu.memory_space<vmem_shared>> -> memref<10240x16xf32, #tpu.memory_space<vmem_shared>>
        tpu.enqueue_indirect_dma source(%dma_start3A_804 : memref<125x16xf32, #tpu.memory_space<vmem>>) target(%dma_start3A_810 : memref<10240x16xf32, #tpu.memory_space<vmem_shared>>) offsets(%dma_start3A_807 : memref<125xi32, #tpu.memory_space<vmem>>) semaphore(%run_scoped3A_800 : memref<!tpu.dma_semaphore, #tpu.memory_space<semaphore_mem>>) {add = true}
        %dma_wait3A_811 = arith.constant 0 : i32
        %dma_wait3A_812 = arith.constant 0 : i32
        %dma_wait3A_813 = tpu.memref_slice %arg8[%run_scoped3A_762, %run_scoped3A_763, %dma_wait3A_811, %dma_wait3A_812] : memref<2x10x125x16xf32, #tpu.memory_space<vmem>> -> memref<1x1x125x16xf32, #tpu.memory_space<vmem>>
        %dma_wait3A_814 = tpu.memref_squeeze %dma_wait3A_813 : memref<1x1x125x16xf32, #tpu.memory_space<vmem>> -> memref<125x16xf32, #tpu.memory_space<vmem>>
        %dma_wait3A_815 = arith.constant 0 : i32
        %dma_wait3A_816 = tpu.memref_slice %arg7[%add3A_761, %dma_wait3A_815] : memref<80x125xi32, #tpu.memory_space<vmem>> -> memref<1x125xi32, #tpu.memory_space<vmem>>
        %dma_wait3A_817 = tpu.memref_squeeze %dma_wait3A_816 : memref<1x125xi32, #tpu.memory_space<vmem>> -> memref<125xi32, #tpu.memory_space<vmem>>
        %dma_wait3A_818 = arith.constant 0 : i32
        %dma_wait3A_819 = arith.constant 0 : i32
        %dma_wait3A_820 = tpu.memref_slice %arg10[%dma_wait3A_818, %dma_wait3A_819] : memref<10240x16xf32, #tpu.memory_space<vmem_shared>> -> memref<10240x16xf32, #tpu.memory_space<vmem_shared>>
        tpu.wait_indirect_dma semaphore(%run_scoped3A_800 : memref<!tpu.dma_semaphore, #tpu.memory_space<semaphore_mem>>) src(%dma_wait3A_814 : memref<125x16xf32, #tpu.memory_space<vmem>>) dst(%dma_wait3A_820 : memref<10240x16xf32, #tpu.memory_space<vmem_shared>>)
        tpu.yield
      }) : () -> ()
      %mul3A_764 = arith.constant 10 : i32
      %mul3A_765 = arith.muli %add3A_579, %mul3A_764 : i32
      %add3A_766 = arith.constant 4 : i32
      %add3A_767 = arith.addi %mul3A_765, %add3A_766 : i32
      %run_scoped3A_768 = arith.constant 1 : i32
      %run_scoped3A_769 = arith.constant 4 : i32
      "tpu.region"() ({
        %run_scoped3A_800 = tpu.sem_alloc : memref<!tpu.dma_semaphore, #tpu.memory_space<semaphore_mem>>
        %dma_start3A_801 = arith.constant 0 : i32
        %dma_start3A_802 = arith.constant 0 : i32
        %dma_start3A_803 = tpu.memref_slice %arg8[%run_scoped3A_768, %run_scoped3A_769, %dma_start3A_801, %dma_start3A_802] : memref<2x10x125x16xf32, #tpu.memory_space<vmem>> -> memref<1x1x125x16xf32, #tpu.memory_space<vmem>>
        %dma_start3A_804 = tpu.memref_squeeze %dma_start3A_803 : memref<1x1x125x16xf32, #tpu.memory_space<vmem>> -> memref<125x16xf32, #tpu.memory_space<vmem>>
        %dma_start3A_805 = arith.constant 0 : i32
        %dma_start3A_806 = tpu.memref_slice %arg7[%add3A_767, %dma_start3A_805] : memref<80x125xi32, #tpu.memory_space<vmem>> -> memref<1x125xi32, #tpu.memory_space<vmem>>
        %dma_start3A_807 = tpu.memref_squeeze %dma_start3A_806 : memref<1x125xi32, #tpu.memory_space<vmem>> -> memref<125xi32, #tpu.memory_space<vmem>>
        %dma_start3A_808 = arith.constant 0 : i32
        %dma_start3A_809 = arith.constant 0 : i32
        %dma_start3A_810 = tpu.memref_slice %arg10[%dma_start3A_808, %dma_start3A_809] : memref<10240x16xf32, #tpu.memory_space<vmem_shared>> -> memref<10240x16xf32, #tpu.memory_space<vmem_shared>>
        tpu.enqueue_indirect_dma source(%dma_start3A_804 : memref<125x16xf32, #tpu.memory_space<vmem>>) target(%dma_start3A_810 : memref<10240x16xf32, #tpu.memory_space<vmem_shared>>) offsets(%dma_start3A_807 : memref<125xi32, #tpu.memory_space<vmem>>) semaphore(%run_scoped3A_800 : memref<!tpu.dma_semaphore, #tpu.memory_space<semaphore_mem>>) {add = true}
        %dma_wait3A_811 = arith.constant 0 : i32
        %dma_wait3A_812 = arith.constant 0 : i32
        %dma_wait3A_813 = tpu.memref_slice %arg8[%run_scoped3A_768, %run_scoped3A_769, %dma_wait3A_811, %dma_wait3A_812] : memref<2x10x125x16xf32, #tpu.memory_space<vmem>> -> memref<1x1x125x16xf32, #tpu.memory_space<vmem>>
        %dma_wait3A_814 = tpu.memref_squeeze %dma_wait3A_813 : memref<1x1x125x16xf32, #tpu.memory_space<vmem>> -> memref<125x16xf32, #tpu.memory_space<vmem>>
        %dma_wait3A_815 = arith.constant 0 : i32
        %dma_wait3A_816 = tpu.memref_slice %arg7[%add3A_767, %dma_wait3A_815] : memref<80x125xi32, #tpu.memory_space<vmem>> -> memref<1x125xi32, #tpu.memory_space<vmem>>
        %dma_wait3A_817 = tpu.memref_squeeze %dma_wait3A_816 : memref<1x125xi32, #tpu.memory_space<vmem>> -> memref<125xi32, #tpu.memory_space<vmem>>
        %dma_wait3A_818 = arith.constant 0 : i32
        %dma_wait3A_819 = arith.constant 0 : i32
        %dma_wait3A_820 = tpu.memref_slice %arg10[%dma_wait3A_818, %dma_wait3A_819] : memref<10240x16xf32, #tpu.memory_space<vmem_shared>> -> memref<10240x16xf32, #tpu.memory_space<vmem_shared>>
        tpu.wait_indirect_dma semaphore(%run_scoped3A_800 : memref<!tpu.dma_semaphore, #tpu.memory_space<semaphore_mem>>) src(%dma_wait3A_814 : memref<125x16xf32, #tpu.memory_space<vmem>>) dst(%dma_wait3A_820 : memref<10240x16xf32, #tpu.memory_space<vmem_shared>>)
        tpu.yield
      }) : () -> ()
      %mul3A_770 = arith.constant 10 : i32
      %mul3A_771 = arith.muli %add3A_579, %mul3A_770 : i32
      %add3A_772 = arith.constant 5 : i32
      %add3A_773 = arith.addi %mul3A_771, %add3A_772 : i32
      %run_scoped3A_774 = arith.constant 1 : i32
      %run_scoped3A_775 = arith.constant 5 : i32
      "tpu.region"() ({
        %run_scoped3A_800 = tpu.sem_alloc : memref<!tpu.dma_semaphore, #tpu.memory_space<semaphore_mem>>
        %dma_start3A_801 = arith.constant 0 : i32
        %dma_start3A_802 = arith.constant 0 : i32
        %dma_start3A_803 = tpu.memref_slice %arg8[%run_scoped3A_774, %run_scoped3A_775, %dma_start3A_801, %dma_start3A_802] : memref<2x10x125x16xf32, #tpu.memory_space<vmem>> -> memref<1x1x125x16xf32, #tpu.memory_space<vmem>>
        %dma_start3A_804 = tpu.memref_squeeze %dma_start3A_803 : memref<1x1x125x16xf32, #tpu.memory_space<vmem>> -> memref<125x16xf32, #tpu.memory_space<vmem>>
        %dma_start3A_805 = arith.constant 0 : i32
        %dma_start3A_806 = tpu.memref_slice %arg7[%add3A_773, %dma_start3A_805] : memref<80x125xi32, #tpu.memory_space<vmem>> -> memref<1x125xi32, #tpu.memory_space<vmem>>
        %dma_start3A_807 = tpu.memref_squeeze %dma_start3A_806 : memref<1x125xi32, #tpu.memory_space<vmem>> -> memref<125xi32, #tpu.memory_space<vmem>>
        %dma_start3A_808 = arith.constant 0 : i32
        %dma_start3A_809 = arith.constant 0 : i32
        %dma_start3A_810 = tpu.memref_slice %arg10[%dma_start3A_808, %dma_start3A_809] : memref<10240x16xf32, #tpu.memory_space<vmem_shared>> -> memref<10240x16xf32, #tpu.memory_space<vmem_shared>>
        tpu.enqueue_indirect_dma source(%dma_start3A_804 : memref<125x16xf32, #tpu.memory_space<vmem>>) target(%dma_start3A_810 : memref<10240x16xf32, #tpu.memory_space<vmem_shared>>) offsets(%dma_start3A_807 : memref<125xi32, #tpu.memory_space<vmem>>) semaphore(%run_scoped3A_800 : memref<!tpu.dma_semaphore, #tpu.memory_space<semaphore_mem>>) {add = true}
        %dma_wait3A_811 = arith.constant 0 : i32
        %dma_wait3A_812 = arith.constant 0 : i32
        %dma_wait3A_813 = tpu.memref_slice %arg8[%run_scoped3A_774, %run_scoped3A_775, %dma_wait3A_811, %dma_wait3A_812] : memref<2x10x125x16xf32, #tpu.memory_space<vmem>> -> memref<1x1x125x16xf32, #tpu.memory_space<vmem>>
        %dma_wait3A_814 = tpu.memref_squeeze %dma_wait3A_813 : memref<1x1x125x16xf32, #tpu.memory_space<vmem>> -> memref<125x16xf32, #tpu.memory_space<vmem>>
        %dma_wait3A_815 = arith.constant 0 : i32
        %dma_wait3A_816 = tpu.memref_slice %arg7[%add3A_773, %dma_wait3A_815] : memref<80x125xi32, #tpu.memory_space<vmem>> -> memref<1x125xi32, #tpu.memory_space<vmem>>
        %dma_wait3A_817 = tpu.memref_squeeze %dma_wait3A_816 : memref<1x125xi32, #tpu.memory_space<vmem>> -> memref<125xi32, #tpu.memory_space<vmem>>
        %dma_wait3A_818 = arith.constant 0 : i32
        %dma_wait3A_819 = arith.constant 0 : i32
        %dma_wait3A_820 = tpu.memref_slice %arg10[%dma_wait3A_818, %dma_wait3A_819] : memref<10240x16xf32, #tpu.memory_space<vmem_shared>> -> memref<10240x16xf32, #tpu.memory_space<vmem_shared>>
        tpu.wait_indirect_dma semaphore(%run_scoped3A_800 : memref<!tpu.dma_semaphore, #tpu.memory_space<semaphore_mem>>) src(%dma_wait3A_814 : memref<125x16xf32, #tpu.memory_space<vmem>>) dst(%dma_wait3A_820 : memref<10240x16xf32, #tpu.memory_space<vmem_shared>>)
        tpu.yield
      }) : () -> ()
      %mul3A_776 = arith.constant 10 : i32
      %mul3A_777 = arith.muli %add3A_579, %mul3A_776 : i32
      %add3A_778 = arith.constant 6 : i32
      %add3A_779 = arith.addi %mul3A_777, %add3A_778 : i32
      %run_scoped3A_780 = arith.constant 1 : i32
      %run_scoped3A_781 = arith.constant 6 : i32
      "tpu.region"() ({
        %run_scoped3A_800 = tpu.sem_alloc : memref<!tpu.dma_semaphore, #tpu.memory_space<semaphore_mem>>
        %dma_start3A_801 = arith.constant 0 : i32
        %dma_start3A_802 = arith.constant 0 : i32
        %dma_start3A_803 = tpu.memref_slice %arg8[%run_scoped3A_780, %run_scoped3A_781, %dma_start3A_801, %dma_start3A_802] : memref<2x10x125x16xf32, #tpu.memory_space<vmem>> -> memref<1x1x125x16xf32, #tpu.memory_space<vmem>>
        %dma_start3A_804 = tpu.memref_squeeze %dma_start3A_803 : memref<1x1x125x16xf32, #tpu.memory_space<vmem>> -> memref<125x16xf32, #tpu.memory_space<vmem>>
        %dma_start3A_805 = arith.constant 0 : i32
        %dma_start3A_806 = tpu.memref_slice %arg7[%add3A_779, %dma_start3A_805] : memref<80x125xi32, #tpu.memory_space<vmem>> -> memref<1x125xi32, #tpu.memory_space<vmem>>
        %dma_start3A_807 = tpu.memref_squeeze %dma_start3A_806 : memref<1x125xi32, #tpu.memory_space<vmem>> -> memref<125xi32, #tpu.memory_space<vmem>>
        %dma_start3A_808 = arith.constant 0 : i32
        %dma_start3A_809 = arith.constant 0 : i32
        %dma_start3A_810 = tpu.memref_slice %arg10[%dma_start3A_808, %dma_start3A_809] : memref<10240x16xf32, #tpu.memory_space<vmem_shared>> -> memref<10240x16xf32, #tpu.memory_space<vmem_shared>>
        tpu.enqueue_indirect_dma source(%dma_start3A_804 : memref<125x16xf32, #tpu.memory_space<vmem>>) target(%dma_start3A_810 : memref<10240x16xf32, #tpu.memory_space<vmem_shared>>) offsets(%dma_start3A_807 : memref<125xi32, #tpu.memory_space<vmem>>) semaphore(%run_scoped3A_800 : memref<!tpu.dma_semaphore, #tpu.memory_space<semaphore_mem>>) {add = true}
        %dma_wait3A_811 = arith.constant 0 : i32
        %dma_wait3A_812 = arith.constant 0 : i32
        %dma_wait3A_813 = tpu.memref_slice %arg8[%run_scoped3A_780, %run_scoped3A_781, %dma_wait3A_811, %dma_wait3A_812] : memref<2x10x125x16xf32, #tpu.memory_space<vmem>> -> memref<1x1x125x16xf32, #tpu.memory_space<vmem>>
        %dma_wait3A_814 = tpu.memref_squeeze %dma_wait3A_813 : memref<1x1x125x16xf32, #tpu.memory_space<vmem>> -> memref<125x16xf32, #tpu.memory_space<vmem>>
        %dma_wait3A_815 = arith.constant 0 : i32
        %dma_wait3A_816 = tpu.memref_slice %arg7[%add3A_779, %dma_wait3A_815] : memref<80x125xi32, #tpu.memory_space<vmem>> -> memref<1x125xi32, #tpu.memory_space<vmem>>
        %dma_wait3A_817 = tpu.memref_squeeze %dma_wait3A_816 : memref<1x125xi32, #tpu.memory_space<vmem>> -> memref<125xi32, #tpu.memory_space<vmem>>
        %dma_wait3A_818 = arith.constant 0 : i32
        %dma_wait3A_819 = arith.constant 0 : i32
        %dma_wait3A_820 = tpu.memref_slice %arg10[%dma_wait3A_818, %dma_wait3A_819] : memref<10240x16xf32, #tpu.memory_space<vmem_shared>> -> memref<10240x16xf32, #tpu.memory_space<vmem_shared>>
        tpu.wait_indirect_dma semaphore(%run_scoped3A_800 : memref<!tpu.dma_semaphore, #tpu.memory_space<semaphore_mem>>) src(%dma_wait3A_814 : memref<125x16xf32, #tpu.memory_space<vmem>>) dst(%dma_wait3A_820 : memref<10240x16xf32, #tpu.memory_space<vmem_shared>>)
        tpu.yield
      }) : () -> ()
      %mul3A_782 = arith.constant 10 : i32
      %mul3A_783 = arith.muli %add3A_579, %mul3A_782 : i32
      %add3A_784 = arith.constant 7 : i32
      %add3A_785 = arith.addi %mul3A_783, %add3A_784 : i32
      %run_scoped3A_786 = arith.constant 1 : i32
      %run_scoped3A_787 = arith.constant 7 : i32
      "tpu.region"() ({
        %run_scoped3A_800 = tpu.sem_alloc : memref<!tpu.dma_semaphore, #tpu.memory_space<semaphore_mem>>
        %dma_start3A_801 = arith.constant 0 : i32
        %dma_start3A_802 = arith.constant 0 : i32
        %dma_start3A_803 = tpu.memref_slice %arg8[%run_scoped3A_786, %run_scoped3A_787, %dma_start3A_801, %dma_start3A_802] : memref<2x10x125x16xf32, #tpu.memory_space<vmem>> -> memref<1x1x125x16xf32, #tpu.memory_space<vmem>>
        %dma_start3A_804 = tpu.memref_squeeze %dma_start3A_803 : memref<1x1x125x16xf32, #tpu.memory_space<vmem>> -> memref<125x16xf32, #tpu.memory_space<vmem>>
        %dma_start3A_805 = arith.constant 0 : i32
        %dma_start3A_806 = tpu.memref_slice %arg7[%add3A_785, %dma_start3A_805] : memref<80x125xi32, #tpu.memory_space<vmem>> -> memref<1x125xi32, #tpu.memory_space<vmem>>
        %dma_start3A_807 = tpu.memref_squeeze %dma_start3A_806 : memref<1x125xi32, #tpu.memory_space<vmem>> -> memref<125xi32, #tpu.memory_space<vmem>>
        %dma_start3A_808 = arith.constant 0 : i32
        %dma_start3A_809 = arith.constant 0 : i32
        %dma_start3A_810 = tpu.memref_slice %arg10[%dma_start3A_808, %dma_start3A_809] : memref<10240x16xf32, #tpu.memory_space<vmem_shared>> -> memref<10240x16xf32, #tpu.memory_space<vmem_shared>>
        tpu.enqueue_indirect_dma source(%dma_start3A_804 : memref<125x16xf32, #tpu.memory_space<vmem>>) target(%dma_start3A_810 : memref<10240x16xf32, #tpu.memory_space<vmem_shared>>) offsets(%dma_start3A_807 : memref<125xi32, #tpu.memory_space<vmem>>) semaphore(%run_scoped3A_800 : memref<!tpu.dma_semaphore, #tpu.memory_space<semaphore_mem>>) {add = true}
        %dma_wait3A_811 = arith.constant 0 : i32
        %dma_wait3A_812 = arith.constant 0 : i32
        %dma_wait3A_813 = tpu.memref_slice %arg8[%run_scoped3A_786, %run_scoped3A_787, %dma_wait3A_811, %dma_wait3A_812] : memref<2x10x125x16xf32, #tpu.memory_space<vmem>> -> memref<1x1x125x16xf32, #tpu.memory_space<vmem>>
        %dma_wait3A_814 = tpu.memref_squeeze %dma_wait3A_813 : memref<1x1x125x16xf32, #tpu.memory_space<vmem>> -> memref<125x16xf32, #tpu.memory_space<vmem>>
        %dma_wait3A_815 = arith.constant 0 : i32
        %dma_wait3A_816 = tpu.memref_slice %arg7[%add3A_785, %dma_wait3A_815] : memref<80x125xi32, #tpu.memory_space<vmem>> -> memref<1x125xi32, #tpu.memory_space<vmem>>
        %dma_wait3A_817 = tpu.memref_squeeze %dma_wait3A_816 : memref<1x125xi32, #tpu.memory_space<vmem>> -> memref<125xi32, #tpu.memory_space<vmem>>
        %dma_wait3A_818 = arith.constant 0 : i32
        %dma_wait3A_819 = arith.constant 0 : i32
        %dma_wait3A_820 = tpu.memref_slice %arg10[%dma_wait3A_818, %dma_wait3A_819] : memref<10240x16xf32, #tpu.memory_space<vmem_shared>> -> memref<10240x16xf32, #tpu.memory_space<vmem_shared>>
        tpu.wait_indirect_dma semaphore(%run_scoped3A_800 : memref<!tpu.dma_semaphore, #tpu.memory_space<semaphore_mem>>) src(%dma_wait3A_814 : memref<125x16xf32, #tpu.memory_space<vmem>>) dst(%dma_wait3A_820 : memref<10240x16xf32, #tpu.memory_space<vmem_shared>>)
        tpu.yield
      }) : () -> ()
      %mul3A_788 = arith.constant 10 : i32
      %mul3A_789 = arith.muli %add3A_579, %mul3A_788 : i32
      %add3A_790 = arith.constant 8 : i32
      %add3A_791 = arith.addi %mul3A_789, %add3A_790 : i32
      %run_scoped3A_792 = arith.constant 1 : i32
      %run_scoped3A_793 = arith.constant 8 : i32
      "tpu.region"() ({
        %run_scoped3A_800 = tpu.sem_alloc : memref<!tpu.dma_semaphore, #tpu.memory_space<semaphore_mem>>
        %dma_start3A_801 = arith.constant 0 : i32
        %dma_start3A_802 = arith.constant 0 : i32
        %dma_start3A_803 = tpu.memref_slice %arg8[%run_scoped3A_792, %run_scoped3A_793, %dma_start3A_801, %dma_start3A_802] : memref<2x10x125x16xf32, #tpu.memory_space<vmem>> -> memref<1x1x125x16xf32, #tpu.memory_space<vmem>>
        %dma_start3A_804 = tpu.memref_squeeze %dma_start3A_803 : memref<1x1x125x16xf32, #tpu.memory_space<vmem>> -> memref<125x16xf32, #tpu.memory_space<vmem>>
        %dma_start3A_805 = arith.constant 0 : i32
        %dma_start3A_806 = tpu.memref_slice %arg7[%add3A_791, %dma_start3A_805] : memref<80x125xi32, #tpu.memory_space<vmem>> -> memref<1x125xi32, #tpu.memory_space<vmem>>
        %dma_start3A_807 = tpu.memref_squeeze %dma_start3A_806 : memref<1x125xi32, #tpu.memory_space<vmem>> -> memref<125xi32, #tpu.memory_space<vmem>>
        %dma_start3A_808 = arith.constant 0 : i32
        %dma_start3A_809 = arith.constant 0 : i32
        %dma_start3A_810 = tpu.memref_slice %arg10[%dma_start3A_808, %dma_start3A_809] : memref<10240x16xf32, #tpu.memory_space<vmem_shared>> -> memref<10240x16xf32, #tpu.memory_space<vmem_shared>>
        tpu.enqueue_indirect_dma source(%dma_start3A_804 : memref<125x16xf32, #tpu.memory_space<vmem>>) target(%dma_start3A_810 : memref<10240x16xf32, #tpu.memory_space<vmem_shared>>) offsets(%dma_start3A_807 : memref<125xi32, #tpu.memory_space<vmem>>) semaphore(%run_scoped3A_800 : memref<!tpu.dma_semaphore, #tpu.memory_space<semaphore_mem>>) {add = true}
        %dma_wait3A_811 = arith.constant 0 : i32
        %dma_wait3A_812 = arith.constant 0 : i32
        %dma_wait3A_813 = tpu.memref_slice %arg8[%run_scoped3A_792, %run_scoped3A_793, %dma_wait3A_811, %dma_wait3A_812] : memref<2x10x125x16xf32, #tpu.memory_space<vmem>> -> memref<1x1x125x16xf32, #tpu.memory_space<vmem>>
        %dma_wait3A_814 = tpu.memref_squeeze %dma_wait3A_813 : memref<1x1x125x16xf32, #tpu.memory_space<vmem>> -> memref<125x16xf32, #tpu.memory_space<vmem>>
        %dma_wait3A_815 = arith.constant 0 : i32
        %dma_wait3A_816 = tpu.memref_slice %arg7[%add3A_791, %dma_wait3A_815] : memref<80x125xi32, #tpu.memory_space<vmem>> -> memref<1x125xi32, #tpu.memory_space<vmem>>
        %dma_wait3A_817 = tpu.memref_squeeze %dma_wait3A_816 : memref<1x125xi32, #tpu.memory_space<vmem>> -> memref<125xi32, #tpu.memory_space<vmem>>
        %dma_wait3A_818 = arith.constant 0 : i32
        %dma_wait3A_819 = arith.constant 0 : i32
        %dma_wait3A_820 = tpu.memref_slice %arg10[%dma_wait3A_818, %dma_wait3A_819] : memref<10240x16xf32, #tpu.memory_space<vmem_shared>> -> memref<10240x16xf32, #tpu.memory_space<vmem_shared>>
        tpu.wait_indirect_dma semaphore(%run_scoped3A_800 : memref<!tpu.dma_semaphore, #tpu.memory_space<semaphore_mem>>) src(%dma_wait3A_814 : memref<125x16xf32, #tpu.memory_space<vmem>>) dst(%dma_wait3A_820 : memref<10240x16xf32, #tpu.memory_space<vmem_shared>>)
        tpu.yield
      }) : () -> ()
      %mul3A_794 = arith.constant 10 : i32
      %mul3A_795 = arith.muli %add3A_579, %mul3A_794 : i32
      %add3A_796 = arith.constant 9 : i32
      %add3A_797 = arith.addi %mul3A_795, %add3A_796 : i32
      %run_scoped3A_798 = arith.constant 1 : i32
      %run_scoped3A_799 = arith.constant 9 : i32
      "tpu.region"() ({
        %run_scoped3A_800 = tpu.sem_alloc : memref<!tpu.dma_semaphore, #tpu.memory_space<semaphore_mem>>
        %dma_start3A_801 = arith.constant 0 : i32
        %dma_start3A_802 = arith.constant 0 : i32
        %dma_start3A_803 = tpu.memref_slice %arg8[%run_scoped3A_798, %run_scoped3A_799, %dma_start3A_801, %dma_start3A_802] : memref<2x10x125x16xf32, #tpu.memory_space<vmem>> -> memref<1x1x125x16xf32, #tpu.memory_space<vmem>>
        %dma_start3A_804 = tpu.memref_squeeze %dma_start3A_803 : memref<1x1x125x16xf32, #tpu.memory_space<vmem>> -> memref<125x16xf32, #tpu.memory_space<vmem>>
        %dma_start3A_805 = arith.constant 0 : i32
        %dma_start3A_806 = tpu.memref_slice %arg7[%add3A_797, %dma_start3A_805] : memref<80x125xi32, #tpu.memory_space<vmem>> -> memref<1x125xi32, #tpu.memory_space<vmem>>
        %dma_start3A_807 = tpu.memref_squeeze %dma_start3A_806 : memref<1x125xi32, #tpu.memory_space<vmem>> -> memref<125xi32, #tpu.memory_space<vmem>>
        %dma_start3A_808 = arith.constant 0 : i32
        %dma_start3A_809 = arith.constant 0 : i32
        %dma_start3A_810 = tpu.memref_slice %arg10[%dma_start3A_808, %dma_start3A_809] : memref<10240x16xf32, #tpu.memory_space<vmem_shared>> -> memref<10240x16xf32, #tpu.memory_space<vmem_shared>>
        tpu.enqueue_indirect_dma source(%dma_start3A_804 : memref<125x16xf32, #tpu.memory_space<vmem>>) target(%dma_start3A_810 : memref<10240x16xf32, #tpu.memory_space<vmem_shared>>) offsets(%dma_start3A_807 : memref<125xi32, #tpu.memory_space<vmem>>) semaphore(%run_scoped3A_800 : memref<!tpu.dma_semaphore, #tpu.memory_space<semaphore_mem>>) {add = true}
        %dma_wait3A_811 = arith.constant 0 : i32
        %dma_wait3A_812 = arith.constant 0 : i32
        %dma_wait3A_813 = tpu.memref_slice %arg8[%run_scoped3A_798, %run_scoped3A_799, %dma_wait3A_811, %dma_wait3A_812] : memref<2x10x125x16xf32, #tpu.memory_space<vmem>> -> memref<1x1x125x16xf32, #tpu.memory_space<vmem>>
        %dma_wait3A_814 = tpu.memref_squeeze %dma_wait3A_813 : memref<1x1x125x16xf32, #tpu.memory_space<vmem>> -> memref<125x16xf32, #tpu.memory_space<vmem>>
        %dma_wait3A_815 = arith.constant 0 : i32
        %dma_wait3A_816 = tpu.memref_slice %arg7[%add3A_797, %dma_wait3A_815] : memref<80x125xi32, #tpu.memory_space<vmem>> -> memref<1x125xi32, #tpu.memory_space<vmem>>
        %dma_wait3A_817 = tpu.memref_squeeze %dma_wait3A_816 : memref<1x125xi32, #tpu.memory_space<vmem>> -> memref<125xi32, #tpu.memory_space<vmem>>
        %dma_wait3A_818 = arith.constant 0 : i32
        %dma_wait3A_819 = arith.constant 0 : i32
        %dma_wait3A_820 = tpu.memref_slice %arg10[%dma_wait3A_818, %dma_wait3A_819] : memref<10240x16xf32, #tpu.memory_space<vmem_shared>> -> memref<10240x16xf32, #tpu.memory_space<vmem_shared>>
        tpu.wait_indirect_dma semaphore(%run_scoped3A_800 : memref<!tpu.dma_semaphore, #tpu.memory_space<semaphore_mem>>) src(%dma_wait3A_814 : memref<125x16xf32, #tpu.memory_space<vmem>>) dst(%dma_wait3A_820 : memref<10240x16xf32, #tpu.memory_space<vmem_shared>>)
        tpu.yield
      }) : () -> ()
    }
    %scan3A_183 = arith.constant 4 : i32
    %barrier3A_184 = arith.constant 0 : index
    tpu.barrier barrier_id(%barrier3A_184)
    %mul3A_185 = arith.constant 640 : i32
    %mul3A_186 = arith.muli %arg1, %mul3A_185 : i32
    %mul3A_187 = arith.constant 640 : i32
    %mul3A_188 = arith.muli %arg1, %mul3A_187 : i32
    "tpu.region"() ({
      %run_scoped3A = tpu.sem_alloc : memref<!tpu.dma_semaphore, #tpu.memory_space<semaphore_mem>>
      %dma_start3A_189 = arith.constant 0 : i32
      %dma_start3A_190 = tpu.memref_slice %arg5[%arg0, %mul3A_188, %dma_start3A_189] : memref<2x10240x16xf32, #tpu.memory_space<hbm>> -> memref<1x640x16xf32, #tpu.memory_space<hbm>>
      %dma_start3A_191 = tpu.memref_squeeze %dma_start3A_190 : memref<1x640x16xf32, #tpu.memory_space<hbm>> -> memref<640x16xf32, #tpu.memory_space<hbm>>
      %dma_start3A_192 = arith.constant 0 : i32
      %dma_start3A_193 = tpu.memref_slice %arg10[%mul3A_186, %dma_start3A_192] : memref<10240x16xf32, #tpu.memory_space<vmem_shared>> -> memref<640x16xf32, #tpu.memory_space<vmem_shared>>
      tpu.enqueue_dma source(%dma_start3A_193 : memref<640x16xf32, #tpu.memory_space<vmem_shared>>) target(%dma_start3A_191 : memref<640x16xf32, #tpu.memory_space<hbm>>) target_semaphore(%run_scoped3A : memref<!tpu.dma_semaphore, #tpu.memory_space<semaphore_mem>>)
      %dma_wait3A = arith.constant 0 : i32
      %dma_wait3A_194 = tpu.memref_slice %arg5[%arg0, %mul3A_188, %dma_wait3A] : memref<2x10240x16xf32, #tpu.memory_space<hbm>> -> memref<1x640x16xf32, #tpu.memory_space<hbm>>
      %dma_wait3A_195 = tpu.memref_squeeze %dma_wait3A_194 : memref<1x640x16xf32, #tpu.memory_space<hbm>> -> memref<640x16xf32, #tpu.memory_space<hbm>>
      %dma_wait3A_196 = arith.constant 0 : i32
      %dma_wait3A_197 = tpu.memref_slice %arg10[%mul3A_186, %dma_wait3A_196] : memref<10240x16xf32, #tpu.memory_space<vmem_shared>> -> memref<640x16xf32, #tpu.memory_space<vmem_shared>>
      tpu.wait_dma2 semaphore(%run_scoped3A : memref<!tpu.dma_semaphore, #tpu.memory_space<semaphore_mem>>) src(%dma_wait3A_197 : memref<640x16xf32, #tpu.memory_space<vmem_shared>>) dst(%dma_wait3A_195 : memref<640x16xf32, #tpu.memory_space<hbm>>)
      tpu.yield
    }) : () -> ()
    return
  }
}

module attributes {stable_mosaic.version = 14 : i64} {
  func.func @_proj1_body(%arg0: memref<10000x128xf32, #tpu.memory_space<vmem>>, %arg1: memref<128x64xf32, #tpu.memory_space<vmem>>, %arg2: memref<128x64xf32, #tpu.memory_space<vmem>>, %arg3: memref<64xf32, #tpu.memory_space<vmem>>, %arg4: memref<10000x64xf32, #tpu.memory_space<vmem>>, %arg5: memref<10000x64xf32, #tpu.memory_space<vmem>>) attributes {dimension_semantics = [], scalar_prefetch = 0 : i64, scratch_operands = 0 : i64, tpu.core_type = #tpu.core_type<tc>} {
    %get3A = arith.constant 0 : index
    %get3A_0 = arith.constant 0 : index
    %get3A_1 = vector.load %arg0[%get3A, %get3A_0] : memref<10000x128xf32, #tpu.memory_space<vmem>>, vector<10000x128xf32>
    %get3A_2 = arith.constant 0 : index
    %get3A_3 = arith.constant 0 : index
    %get3A_4 = vector.load %arg1[%get3A_2, %get3A_3] : memref<128x64xf32, #tpu.memory_space<vmem>>, vector<128x64xf32>
    %dot_general3A = arith.constant dense<0.000000e+00> : vector<10000x64xf32>
    %dot_general3A_5 = tpu.matmul %get3A_1, %get3A_4, %dot_general3A {dimension_numbers = #tpu.dot_dimension_numbers<[1], [0], [0], [1], [0, 0, 1, 1], [], []>, transpose_lhs_hint = false} : vector<10000x128xf32>, vector<128x64xf32>, vector<10000x64xf32> -> vector<10000x64xf32>
    %swap3A = arith.constant 0 : index
    %swap3A_6 = arith.constant 0 : index
    %swap3A_7 = vector.load %arg4[%swap3A, %swap3A_6] : memref<10000x64xf32, #tpu.memory_space<vmem>>, vector<10000x64xf32>
    tpu.vector_store %arg4[%swap3A, %swap3A_6], %dot_general3A_5 {strides = array<i32>} : memref<10000x64xf32, #tpu.memory_space<vmem>>, vector<10000x64xf32>,
    %get3A_8 = arith.constant 0 : index
    %get3A_9 = arith.constant 0 : index
    %get3A_10 = vector.load %arg2[%get3A_8, %get3A_9] : memref<128x64xf32, #tpu.memory_space<vmem>>, vector<128x64xf32>
    %dot_general3A_11 = arith.constant dense<0.000000e+00> : vector<10000x64xf32>
    %dot_general3A_12 = tpu.matmul %get3A_1, %get3A_10, %dot_general3A_11 {dimension_numbers = #tpu.dot_dimension_numbers<[1], [0], [0], [1], [0, 0, 1, 1], [], []>, transpose_lhs_hint = false} : vector<10000x128xf32>, vector<128x64xf32>, vector<10000x64xf32> -> vector<10000x64xf32>
    %get3A_13 = arith.constant 0 : index
    %get3A_14 = vector.load %arg3[%get3A_13] : memref<64xf32, #tpu.memory_space<vmem>>, vector<64xf32>
    %broadcast_in_dim3A = vector.shape_cast %get3A_14 : vector<64xf32> to vector<1x64xf32>
    %add3A = vector.broadcast %broadcast_in_dim3A : vector<1x64xf32> to vector<10000x64xf32>
    %add3A_15 = arith.addf %dot_general3A_12, %add3A : vector<10000x64xf32>
    %swap3A_16 = arith.constant 0 : index
    %swap3A_17 = arith.constant 0 : index
    %swap3A_18 = vector.load %arg5[%swap3A_16, %swap3A_17] : memref<10000x64xf32, #tpu.memory_space<vmem>>, vector<10000x64xf32>
    tpu.vector_store %arg5[%swap3A_16, %swap3A_17], %add3A_15 {strides = array<i32>} : memref<10000x64xf32, #tpu.memory_space<vmem>>, vector<10000x64xf32>,
    return
  }
}

module attributes {stable_mosaic.version = 14 : i64} {
  func.func @_mid_body(%arg0: memref<2x10240x64xf32, #tpu.memory_space<vmem>>, %arg1: memref<2x10240xf32, #tpu.memory_space<vmem>>, %arg2: memref<10000x64xf32, #tpu.memory_space<vmem>>, %arg3: memref<64x2xf32, #tpu.memory_space<vmem>>, %arg4: memref<64x2xf32, #tpu.memory_space<vmem>>, %arg5: memref<2xf32, #tpu.memory_space<vmem>>, %arg6: memref<10000x16xf32, #tpu.memory_space<vmem>>, %arg7: memref<10000x2xf32, #tpu.memory_space<vmem>>, %arg8: memref<10000x1xf32, #tpu.memory_space<vmem>>) attributes {dimension_semantics = [], scalar_prefetch = 0 : i64, scratch_operands = 0 : i64, tpu.core_type = #tpu.core_type<tc>} {
    %get3A = arith.constant 0 : index
    %get3A_0 = arith.constant 0 : index
    %get3A_1 = arith.constant 0 : index
    %get3A_2 = vector.load %arg0[%get3A, %get3A_0, %get3A_1] : memref<2x10240x64xf32, #tpu.memory_space<vmem>>, vector<1x10000x64xf32>
    %get3A_3 = vector.shape_cast %get3A_2 : vector<1x10000x64xf32> to vector<10000x64xf32>
    %get3A_4 = arith.constant 1 : index
    %get3A_5 = arith.constant 0 : index
    %get3A_6 = arith.constant 0 : index
    %get3A_7 = vector.load %arg0[%get3A_4, %get3A_5, %get3A_6] : memref<2x10240x64xf32, #tpu.memory_space<vmem>>, vector<1x10000x64xf32>
    %get3A_8 = vector.shape_cast %get3A_7 : vector<1x10000x64xf32> to vector<10000x64xf32>
    %add3A = arith.addf %get3A_3, %get3A_8 : vector<10000x64xf32>
    %get3A_9 = arith.constant 0 : index
    %get3A_10 = arith.constant 0 : index
    %get3A_11 = vector.load %arg1[%get3A_9, %get3A_10] : memref<2x10240xf32, #tpu.memory_space<vmem>>, vector<1x10000xf32>
    %get3A_12 = vector.shape_cast %get3A_11 : vector<1x10000xf32> to vector<10000xf32>
    %get3A_13 = arith.constant 1 : index
    %get3A_14 = arith.constant 0 : index
    %get3A_15 = vector.load %arg1[%get3A_13, %get3A_14] : memref<2x10240xf32, #tpu.memory_space<vmem>>, vector<1x10000xf32>
    %get3A_16 = vector.shape_cast %get3A_15 : vector<1x10000xf32> to vector<10000xf32>
    %add3A_17 = arith.addf %get3A_12, %get3A_16 : vector<10000xf32>
    %max3A = arith.constant 1.000000e+00 : f32
    %max3A_18 = vector.broadcast %max3A : f32 to vector<10000xf32>
    %max3A_19 = arith.maximumf %add3A_17, %max3A_18 : vector<10000xf32>
    %div3A = arith.constant 1.000000e+00 : f32
    %div3A_20 = vector.broadcast %div3A : f32 to vector<10000xf32>
    %div3A_21 = arith.divf %div3A_20, %max3A_19 : vector<10000xf32>
    %broadcast_in_dim3A = vector.shape_cast %div3A_21 : vector<10000xf32> to vector<10000x1xf32>
    %mul3A = vector.broadcast %broadcast_in_dim3A : vector<10000x1xf32> to vector<10000x64xf32>
    %mul3A_22 = arith.mulf %add3A, %mul3A : vector<10000x64xf32>
    %get3A_23 = arith.constant 0 : index
    %get3A_24 = arith.constant 0 : index
    %get3A_25 = vector.load %arg2[%get3A_23, %get3A_24] : memref<10000x64xf32, #tpu.memory_space<vmem>>, vector<10000x64xf32>
    %add3A_26 = arith.addf %mul3A_22, %get3A_25 : vector<10000x64xf32>
    %max3A_27 = arith.constant 0.000000e+00 : f32
    %max3A_28 = vector.broadcast %max3A_27 : f32 to vector<10000x64xf32>
    %max3A_29 = arith.maximumf %add3A_26, %max3A_28 : vector<10000x64xf32>
    %get3A_30 = arith.constant 0 : index
    %get3A_31 = arith.constant 0 : index
    %get3A_32 = vector.load %arg3[%get3A_30, %get3A_31] : memref<64x2xf32, #tpu.memory_space<vmem>>, vector<64x2xf32>
    %dot_general3A = arith.constant dense<0.000000e+00> : vector<10000x2xf32>
    %dot_general3A_33 = tpu.matmul %max3A_29, %get3A_32, %dot_general3A {dimension_numbers = #tpu.dot_dimension_numbers<[1], [0], [0], [1], [0, 0, 1, 1], [], []>, transpose_lhs_hint = false} : vector<10000x64xf32>, vector<64x2xf32>, vector<10000x2xf32> -> vector<10000x2xf32>
    %broadcast_in_dim3A_34 = arith.constant 0.000000e+00 : f32
    %broadcast_in_dim3A_35 = vector.broadcast %broadcast_in_dim3A_34 : f32 to vector<10000x14xf32>
    %concatenate3A = tpu.concatenate %dot_general3A_33, %broadcast_in_dim3A_35 in 1 : vector<10000x2xf32>, vector<10000x14xf32> -> vector<10000x16xf32>
    %swap3A = arith.constant 0 : index
    %swap3A_36 = arith.constant 0 : index
    %swap3A_37 = vector.load %arg6[%swap3A, %swap3A_36] : memref<10000x16xf32, #tpu.memory_space<vmem>>, vector<10000x16xf32>
    tpu.vector_store %arg6[%swap3A, %swap3A_36], %concatenate3A {strides = array<i32>} : memref<10000x16xf32, #tpu.memory_space<vmem>>, vector<10000x16xf32>,
    %get3A_38 = arith.constant 0 : index
    %get3A_39 = arith.constant 0 : index
    %get3A_40 = vector.load %arg4[%get3A_38, %get3A_39] : memref<64x2xf32, #tpu.memory_space<vmem>>, vector<64x2xf32>
    %dot_general3A_41 = arith.constant dense<0.000000e+00> : vector<10000x2xf32>
    %dot_general3A_42 = tpu.matmul %max3A_29, %get3A_40, %dot_general3A_41 {dimension_numbers = #tpu.dot_dimension_numbers<[1], [0], [0], [1], [0, 0, 1, 1], [], []>, transpose_lhs_hint = false} : vector<10000x64xf32>, vector<64x2xf32>, vector<10000x2xf32> -> vector<10000x2xf32>
    %get3A_43 = arith.constant 0 : index
    %get3A_44 = vector.load %arg5[%get3A_43] : memref<2xf32, #tpu.memory_space<vmem>>, vector<2xf32>
    %broadcast_in_dim3A_45 = vector.shape_cast %get3A_44 : vector<2xf32> to vector<1x2xf32>
    %add3A_46 = vector.broadcast %broadcast_in_dim3A_45 : vector<1x2xf32> to vector<10000x2xf32>
    %add3A_47 = arith.addf %dot_general3A_42, %add3A_46 : vector<10000x2xf32>
    %swap3A_48 = arith.constant 0 : index
    %swap3A_49 = arith.constant 0 : index
    %swap3A_50 = vector.load %arg7[%swap3A_48, %swap3A_49] : memref<10000x2xf32, #tpu.memory_space<vmem>>, vector<10000x2xf32>
    tpu.vector_store %arg7[%swap3A_48, %swap3A_49], %add3A_47 {strides = array<i32>} : memref<10000x2xf32, #tpu.memory_space<vmem>>, vector<10000x2xf32>,
    %swap3A_51 = arith.constant 0 : index
    %swap3A_52 = arith.constant 0 : index
    %swap3A_53 = vector.load %arg8[%swap3A_51, %swap3A_52] : memref<10000x1xf32, #tpu.memory_space<vmem>>, vector<10000x1xf32>
    tpu.vector_store %arg8[%swap3A_51, %swap3A_52], %broadcast_in_dim3A {strides = array<i32>} : memref<10000x1xf32, #tpu.memory_space<vmem>>, vector<10000x1xf32>,
    return
  }
}

module attributes {stable_mosaic.version = 14 : i64} {
  func.func @_out_body(%arg0: memref<2x10240x16xf32, #tpu.memory_space<vmem>>, %arg1: memref<10000x1xf32, #tpu.memory_space<vmem>>, %arg2: memref<10000x2xf32, #tpu.memory_space<vmem>>, %arg3: memref<10000x2xf32, #tpu.memory_space<vmem>>) attributes {dimension_semantics = [], scalar_prefetch = 0 : i64, scratch_operands = 0 : i64, tpu.core_type = #tpu.core_type<tc>} {
    %get3A = arith.constant 0 : index
    %get3A_0 = arith.constant 0 : index
    %get3A_1 = arith.constant 0 : index
    %get3A_2 = vector.load %arg0[%get3A, %get3A_0, %get3A_1] : memref<2x10240x16xf32, #tpu.memory_space<vmem>>, vector<1x10000x2xf32>
    %get3A_3 = vector.shape_cast %get3A_2 : vector<1x10000x2xf32> to vector<10000x2xf32>
    %get3A_4 = arith.constant 1 : index
    %get3A_5 = arith.constant 0 : index
    %get3A_6 = arith.constant 0 : index
    %get3A_7 = vector.load %arg0[%get3A_4, %get3A_5, %get3A_6] : memref<2x10240x16xf32, #tpu.memory_space<vmem>>, vector<1x10000x2xf32>
    %get3A_8 = vector.shape_cast %get3A_7 : vector<1x10000x2xf32> to vector<10000x2xf32>
    %add3A = arith.addf %get3A_3, %get3A_8 : vector<10000x2xf32>
    %get3A_9 = arith.constant 0 : index
    %get3A_10 = arith.constant 0 : index
    %get3A_11 = vector.load %arg1[%get3A_9, %get3A_10] : memref<10000x1xf32, #tpu.memory_space<vmem>>, vector<10000x1xf32>
    %mul3A = vector.broadcast %get3A_11 : vector<10000x1xf32> to vector<10000x2xf32>
    %mul3A_12 = arith.mulf %add3A, %mul3A : vector<10000x2xf32>
    %get3A_13 = arith.constant 0 : index
    %get3A_14 = arith.constant 0 : index
    %get3A_15 = vector.load %arg2[%get3A_13, %get3A_14] : memref<10000x2xf32, #tpu.memory_space<vmem>>, vector<10000x2xf32>
    %add3A_16 = arith.addf %mul3A_12, %get3A_15 : vector<10000x2xf32>
    %swap3A = arith.constant 0 : index
    %swap3A_17 = arith.constant 0 : index
    %swap3A_18 = vector.load %arg3[%swap3A, %swap3A_17] : memref<10000x2xf32, #tpu.memory_space<vmem>>, vector<10000x2xf32>
    tpu.vector_store %arg3[%swap3A, %swap3A_17], %add3A_16 {strides = array<i32>} : memref<10000x2xf32, #tpu.memory_space<vmem>>, vector<10000x2xf32>,
    return
  }
}

</mosaic_0001>

<sc_bundles>
// kernel: kernel.10.cloned.1.call-start
scs
__scs_entry_jumppad:
0x0: {  	(pc) =	sbr.rel $0x88, $3  }
0x1: {  	(tag) =	ssettag $0x0;
	lr =	simm.s32 $0x1  }
0x2: {  	[smem:$0x3F99] =	sst lr;
	_ =	strace $0xD0000000  }
0x3: {  	_ = 	snop  }
0x4: {  	_ = 	snop  }
0x5: {  	_ = 	snop  }
0x6: {  	_ = 	snop  }
0x7: {  	_ = 	snop  }
__scs_overlays_trampoline_lowered:
0x8: {  	[smem:$0x3FA8] =	sst s0  }
0x9: {  	[smem:$0x3FA9] =	sst s1  }
0xa: {  	[smem:$0x3FAA] =	sst s2  }
0xb: {  	[smem:$0x3FAB] =	sst s3  }
0xc: {  	[smem:$0x3FAC] =	sst s4  }
0xd: {  	[smem:$0x3FAD] =	sst s5  }
0xe: {  	[smem:$0x3FAE] =	sst s6  }
0xf: {  	[smem:$0x3FAF] =	sst s7  }
0x10: {  	[smem:$0x3FB0] =	sst s8  }
0x11: {  	[smem:$0x3FB1] =	sst s9;
	s0 =	simm.s32 @!p0 $0x0  }
0x12: {  	s1 =	sld [smem:$0x3F97];
	s0 =	simm.s32 @p0 $0x1  }
0x13: {  	[smem:$0x3FB2] =	sst s0;
	s0 =	simm.s32 @!p1 $0x0  }
0x14: {  	s2 =	sld [smem:$0x3F96];
	s0 =	simm.s32 @p1 $0x1  }
0x15: {  	[smem:$0x3FB3] =	sst s0;
	s0 =	simm.s32 @!p2 $0x0  }
0x16: {  	s3 =	sld [smem:$0x3FDB];
	s0 =	simm.s32 @p2 $0x1  }
0x17: {  	s4 =	simm.s32 $0x1BF5;
	[smem:$0x3FB5] =	sst s0  }
0x18: {  	s0 =	sld [smem:$0x3F98];
	_ =	swait.ge [sflag:s4], $0x0  }
0x19: {  	s7 =	sld [smem:$0x3F99]  }
0x1a: {  	s8 =	sadd.s32 $0xFFFFE003, lr  }
0x1b: {  	s9 =	sadd.s32 $0xFFFFFEF7, lr;
	s5 =	simm.s32 $0xFFFFFFFF;
	p2 =	slt.u32 s8, $0xFFFFF086  }
0x1c: {  	p1 =	slt.u32 s9, $0xF7A;
	s5 =	simm.s32 @!p2 $0x0  }
0x1d: {  	s5 =	simm.s32 @p1 $0x1;
	p0 =	seq.s32 s7, s2  }
0x1e: {  	s7 =	smul.u32 @!p0 $0xF7A, s2;
	p2 =	seq.s32 @!p0 s5, $0x0  }
0x1f: {  	s9 =	smul.u32 $0xF7A, s1;
	s8 =	simm.s32 @!p0 $0x1BF5;
	p2 =	por !p2, p0  }
0x20: {  	[sflag:s8] =	ssyncset.s32 @!p0 $0xFFFFF086;
	s6 =	sadd.s32 @!p0 s3, s7;
	s7 =	simm.s32 @!p0 $0x108  }
0x21: {  	s3 =	sadd.s32 s3, s9;
	s6 =	sadd.s32 @!p0 $0x88, s6;
	s7 =	simm.s32 @p2 $0x1082  }
0x22: {  	[simem:s7], [sflag:s8] =	dma.local @!p0 [hbm:s6], $0xF7A  }
0x23: {  	s9 =	sor.u32 $0xD0000000, s2;
	s6 =	simm.s32 $0x108;
	_ =	swait.ge @!p0 [sflag:s8], $0x0  }
0x24: {  	s3 =	sadd.s32 $0x88, s3;
	s6 =	simm.s32 @!p1 $0x1082;
	[sflag:s4] =	ssyncset.s32 $0xFFFFF086  }
0x25: {  	[simem:s6], [sflag:s4] =	dma.local [hbm:s3], $0xF7A  }
0x26: {  	[smem:$0x3F99] =	sst s1;
	(tag) =	ssettag s2;
	_ =	strace s9  }
0x27: {  	s1 =	sld [smem:$0x3FA9]  }
0x28: {  	s2 =	sld [smem:$0x3FAA]  }
0x29: {  	s4 =	sld [smem:$0x3FAC]  }
0x2a: {  	p0 =	seq.s32 s5, $0x0;
	s5 =	sld [smem:$0x3FAD]  }
0x2b: {  	s6 =	sld [smem:$0x3FAE]  }
0x2c: {  	s7 =	sld [smem:$0x3FAF]  }
0x2d: {  	s3 =	simm.s32 $0x108;
	s8 =	sld [smem:$0x3FB0]  }
0x2e: {  	s3 =	simm.s32 @!p0 $0x1082;
	s9 =	sld [smem:$0x3FB1]  }
0x2f: {  	lr =	sadd.s32 s0, s3;
	s0 =	sld [smem:$0x3FA8]  }
0x30: {  	s3 =	sld [smem:$0x3FAB]  }
0x31: {  	[smem:$0x3FB4] =	sst s10  }
0x32: {  	s10 =	sld [smem:$0x3FB2];
	_ =	sdelay $0x3  }
0x33: {  	p0 =	seq.s32 s10, $0x1;
	s10 =	sld [smem:$0x3FB4];
	_ =	sdelay $0x3  }
0x34: {  	[smem:$0x3FB4] =	sst s10  }
0x35: {  	s10 =	sld [smem:$0x3FB3];
	_ =	sdelay $0x3  }
0x36: {  	p1 =	seq.s32 s10, $0x1;
	s10 =	sld [smem:$0x3FB4];
	_ =	sdelay $0x3  }
0x37: {  	[smem:$0x3FB4] =	sst s10  }
0x38: {  	s10 =	sld [smem:$0x3FB5]  }
0x39: {  	_ = 	snop;
	(pc) =	sbr.ind lr, $3  }
0x3a: {  	_ = 	snop  }
0x3b: {  	_ = 	snop  }
0x3c: {  	p2 =	seq.s32 s10, $0x1;
	s10 =	sld [smem:$0x3FB4]  }
0x3d: {  	_ =	shalt  }
0x3e: {  	_ =	shalt  }
0x3f: {  	_ =	shalt  }
0x40: {  	_ =	shalt  }
0x41: {  	_ =	shalt  }
0x42: {  	_ =	shalt  }
0x43: {  	_ =	shalt  }
0x44: {  	_ =	shalt  }
0x45: {  	_ =	shalt  }
0x46: {  	_ =	shalt  }
0x47: {  	_ =	shalt  }
0x48: {  	_ =	shalt  }
0x49: {  	_ =	shalt  }
0x4a: {  	_ =	shalt  }
0x4b: {  	_ =	shalt  }
0x4c: {  	_ =	shalt  }
0x4d: {  	_ =	shalt  }
0x4e: {  	_ =	shalt  }
0x4f: {  	_ =	shalt  }
0x50: {  	_ =	shalt  }
0x51: {  	_ =	shalt  }
0x52: {  	_ =	shalt  }
0x53: {  	_ =	shalt  }
0x54: {  	_ =	shalt  }
0x55: {  	_ =	shalt  }
0x56: {  	_ =	shalt  }
0x57: {  	_ =	shalt  }
0x58: {  	_ =	shalt  }
0x59: {  	_ =	shalt  }
0x5a: {  	_ =	shalt  }
0x5b: {  	_ =	shalt  }
0x5c: {  	_ =	shalt  }
0x5d: {  	_ =	shalt  }
0x5e: {  	_ =	shalt  }
0x5f: {  	_ =	shalt  }
0x60: {  	_ =	shalt  }
0x61: {  	_ =	shalt  }
0x62: {  	_ =	shalt  }
0x63: {  	_ =	shalt  }
0x64: {  	_ =	shalt  }
0x65: {  	_ =	shalt  }
0x66: {  	_ =	shalt  }
0x67: {  	_ =	shalt  }
0x68: {  	_ =	shalt  }
0x69: {  	_ =	shalt  }
0x6a: {  	_ =	shalt  }
0x6b: {  	_ =	shalt  }
0x6c: {  	_ =	shalt  }
0x6d: {  	_ =	shalt  }
0x6e: {  	_ =	shalt  }
0x6f: {  	_ =	shalt  }
0x70: {  	_ =	shalt  }
0x71: {  	_ =	shalt  }
0x72: {  	_ =	shalt  }
0x73: {  	_ =	shalt  }
0x74: {  	_ =	shalt  }
0x75: {  	_ =	shalt  }
0x76: {  	_ =	shalt  }
0x77: {  	_ =	shalt  }
0x78: {  	_ =	shalt  }
0x79: {  	_ =	shalt  }
0x7a: {  	_ =	shalt  }
0x7b: {  	_ =	shalt  }
0x7c: {  	_ =	shalt  }
0x7d: {  	_ =	shalt  }
0x7e: {  	_ =	shalt  }
0x7f: {  	_ =	shalt  }
0x80: {  	_ =	shalt  }
0x81: {  	_ =	shalt  }
0x82: {  	_ =	shalt  }
0x83: {  	_ =	shalt  }
0x84: {  	_ =	shalt  }
0x85: {  	_ =	shalt  }
0x86: {  	_ =	shalt  }
0x87: {  	_ =	shalt  }
.Lfunc_end0:
.L_simem_size_0:
called_computation.1_lowered:
.L_overlay_start_0:
0x88: {  	s2 =	sld [smem:$0x3FD9]  }
0x89: {  	s3 =	sld [smem:$0x3FFE];
	_ =	sdelay $0x1  }
0x8a: {  	s1 =	srdreg.scid  }
0x8b: {  	s0 =	sand.u32 $0x1, s1  }
0x8c: {  	s16 =	sshll.u32 s0, $0xA;
	s2 =	sadd.s32 s3, s2  }
0x8d: {  	s2 =	sadd.s32 s2, s16  }
0x8e: {  	[smem:$0x3FC0] =	sst s2  }
0x8f: {  	_ = 	snop  }
0x90: {  	(tm) =	ssettm $0x1  }
0x91: {  	s17 =	sld [smem:$0x3FFB];
	_ =	sdelay $0x3  }
0x92: {  	_ =	strace s17  }
0x93: {  	s2 =	sld [smem:$0x3FFC];
	_ =	sdelay $0x3  }
0x94: {  	_ =	strace s2  }
0x95: {  	s2 =	sld [smem:$0x3FFD];
	_ =	sdelay $0x3  }
0x96: {  	_ =	strace s2  }
0x97: {  	_ =	strace $0x8FFFFFFF  }
0x98: {  	s18 =	sld [smem:$0x3FDB];
	_ =	sdelay $0x1  }
0x99: {  	s19 =	simm.s32 $_scs_section_size  }
0x9a: {  	s4 =	simm.s32 $_size__tile_overlayer_lowered;
	s5 =	simm.s32 $_tile_overlayer_lowered  }
0x9b: {  	s22 =	simm.s32 $0x1BFF;
	s21 =	sshll.u32 s5, $0x1;
	s2 =	sadd.s32 s19, s18  }
0x9c: {  	s6 =	simm.s32 $0x0;
	s20 =	sshll.u32 s4, $0x1;
	s4 =	sadd.s32 s21, s2  }
0x9d: {  	[timem:s6], [sflag:s22] =	dma.local [hbm:s4], s20  }
0x9e: {  	_ =	swait.ge [sflag:s22], s20  }
0x9f: {  	s3 =	ssub.s32 $0x0, s20;
	[sflag:s22] =	ssyncset.done $0x0  }
0xa0: {  	[sflag:s22] =	ssyncadd.s32 s3;
	_ =	sdelay $0x1  }
0xa1: {  	s23 =	simm.s32 $0x1B8B  }
0xa2: {  	_ =	swait.ge [sflag:s23], $0x1  }
0xa3: {  	[sflag:s23] =	ssyncset.done $0x0  }
0xa4: {  	s25 =	simm.s32 $0x1B8E;
	s24 =	sld [smem:$0x3FFE];
	[sflag:s23] =	ssyncadd.s32 $0xFFFFFFFF  }
0xa5: {  	s26 =	simm.s32 $execute0_lowered;
	[smem:$0x3FD2] =	sst s25  }
0xa6: {  	s4 =	sshll.u32 s26, $0x1;
	_ =	strace $0x80000049;
	[dreg:$0x1] =	wrdreg $0xFFFFFFFF  }
0xa7: {  	s28 =	simm.s32 $_size_execute0_lowered;
	s2 =	sadd.s32 s2, s4;
	[dreg:$0x0] =	wrdreg $0x0  }
0xa8: {  	s4 =	sshll.u32 s28, $0x1;
	[dreg:$0x2] =	wrdreg s2  }
0xa9: {  	[dreg:$0x3] =	wrdreg s4  }
0xaa: {  	[dreg:$0x4] =	wrdreg $0xC0  }
0xab: {  	_ =	task [dreg:s6], $0x5FFFF  }
0xac: {  	[dreg:$0x1] =	wrdreg $0xFFFFFFFF  }
0xad: {  	[dreg:$0x0] =	wrdreg $0x60  }
0xae: {  	[dreg:$0x2] =	wrdreg s24  }
0xaf: {  	[dreg:$0x3] =	wrdreg $0xF0400  }
0xb0: {  	[dreg:$0x4] =	wrdreg $0x9  }
0xb1: {  	_ =	task.clear_ibuf [dreg:s6], $0x5FFFF;
	_ =	strace $0x90000049  }
0xb2: {  	s29 =	simm.s32 $0x9;
	_ =	strace $0x8000004B  }
0xb3: {  	_ =	swait.ge [sflag:s29], $0x1  }
0xb4: {  	[sflag:s29] =	ssyncadd.s32 $0xFFFFFFFF  }
0xb5: {  	_ =	strace $0x9000004B  }
0xb6: {  	_ =	sfence  }
0xb7: {  	s30 =	sld [smem:$0x0];
	_ =	sdelay $0x2  }
0xb8: {  	s31 =	sshll.u32 s1, $0xD;
	s1 =	sshrl.u32 s1, $0x2  }
0xb9: {  	s3 =	sand.u32 $0x4000, s31;
	s1 =	sadd.s32 s1, s30  }
0xba: {  	s0 =	sor.u32 s3, s0;
	s1 =	sshll.u32 s1, $0x11  }
0xbb: {  	s0 =	sor.u32 s1, s0  }
0xbc: {  	s0 =	sadd.s32 $0x8F2B, s0  }
0xbd: {  	[sflag:s0] =	ssyncadd.remote.s32 $0x1  }
0xbe: {  	_ =	sfence.sel $0xFFFF  }
0xbf: {  	[dreg:$0x0] =	wrdreg $0xFFFFFFFF;
	(pc) =	sbr.abs _section_cstart, $3  }
0xc0: {  	[dreg:$0x1] =	wrdreg $0xFFFFFFFF  }
0xc1: {  	_ =	task.clear_ibuf [dreg:s6], $0x2FFFF;
	_ =	strace $0x9FFFFFFF  }
0xc2: {  	(tm) =	ssettm $0x7FFFFFFF  }
0xc3: {  	_ =	shalt  }
tec
execute0_lowered:
.L_overlay_start_1:
0x0: {  	(tag) =	ssettag $0x1  }
0x1: {  	s0 =	rddreg [dreg:$0x0]  }
0x2: {  	s2 =	rddreg [dreg:$0x1];
	s1 =	srdreg.scid  }
0x3: {  	s7 =	stileid.u32;
	s4 =	simm.s32 $0x0;
	s28 =	simm.s32 $0x6770  }
0x4: {  	s30 =	simm.s32 $0x6F40;
	s29 =	simm.s32 $0x9650;
	s9 =	simm.s32 $0xC530  }
0x5: {  	s10 =	simm.s32 $0xCD00;
	s11 =	simm.s32 $0xD4D0;
	s12 =	simm.s32 $0xDCA0  }
0x6: {  	s13 =	simm.s32 $0xE470;
	s14 =	simm.s32 $0x1;
	s1 =	sand.u32 $0x1, s1  }
0x7: {  	s31 =	simm.s32 $0x86B0;
	s5 =	smul.u32 $0x2800, s7;
	s3 =	sshll.u32 s1, $0x4  }
0x8: {  	s6 =	smul.u32 $0x28000, s1;
	s1 =	ssub.s32 $0x2, s1;
	s3 =	sor.u32 s7, s3  }
0x9: {  	[smem:$0x7FF] =	sst s4;
	s8 =	sshrl.u32 s1, $0x1;
	s3 =	smul.u32 $0x500, s3  }
0xa: {  	s4 =	sadd.s32 $0x15800, s0;
	s7 =	smul.u32 $0xA000, s7;
	s1 =	ssub.s32 s1, s8  }
0xb: {  	_ =	strace $0x8000004A;
	s26 =	smax.u32 s1, $0x1;
	s3 =	sadd.s32 s3, s0  }
0xc: {  	s15 =	sshrl.u32 s7, $0x2;
	[dreg:$0x10] =	wrdreg s26;
	s16 =	sadd.s32 $0xB800, s3  }
0xd: {  	s17 =	sadd.s32 s15, s2;
	s3 =	sadd.s32 $0x1800, s3;
	[dreg:$0x3] =	wrdreg s16  }
0xe: {  	s6 =	sadd.s32 s5, s6;
	s18 =	sadd.s32 $0x400, s17;
	[dreg:$0x4] =	wrdreg s3  }
0xf: {  	s8 =	simm.s32 $0xBD60;
	s19 =	sadd.s32 $0x800, s17;
	[dreg:$0x6] =	wrdreg s18  }
0x10: {  	s6 =	sshrl.u32 s6, $0x3;
	s20 =	sadd.s32 $0xC00, s17;
	[dreg:$0x7] =	wrdreg s19  }
0x11: {  	s1 =	simm.s32 $0x9E20;
	s21 =	sadd.s32 $0x1000, s17;
	[dreg:$0x8] =	wrdreg s20  }
0x12: {  	s7 =	simm.s32 $0x0;
	s22 =	sadd.s32 $0x1400, s17;
	[dreg:$0x9] =	wrdreg s21  }
0x13: {  	s0 =	sadd.s32 s6, s0;
	s23 =	sadd.s32 $0x1800, s17;
	[dreg:$0xa] =	wrdreg s22  }
0x14: {  	s26 =	simm.s32 $0x8E80;
	s24 =	sadd.s32 $0x1C00, s17;
	[dreg:$0xb] =	wrdreg s23  }
0x15: {  	s6 =	simm.s32 $0xB590;
	s25 =	sadd.s32 $0x2000, s17;
	[dreg:$0xc] =	wrdreg s24  }
0x16: {  	s15 =	simm.s32 $0x2;
	s0 =	sadd.s32 $0x1A800, s0;
	[dreg:$0xd] =	wrdreg s25  }
0x17: {  	s16 =	sadd.s32 s5, s2;
	s3 =	sadd.s32 $0x2400, s17;
	[dreg:$0xf] =	wrdreg s0  }
0x18: {  	s19 =	simm.s32 $0x3;
	s22 =	simm.s32 $0x7D;
	s23 =	simm.s32 $0x5000  }
0x19: {  	s24 =	simm.s32 $0x57D0;
	s25 =	simm.s32 $0x5FA0;
	s18 =	simm.s32 $0x7710  }
0x1a: {  	s20 =	simm.s32 $0x7EE0;
	s21 =	simm.s32 $0x86B0;
	[dreg:$0xe] =	wrdreg s3  }
0x1b: {  	v0 =	vimm.f32 $0.0e+00;
	s5 =	simm.s32 $0xADC0;
	s3 =	simm.s32 $0xA5F0;
	[dreg:$0x5] =	wrdreg s16  }
.LBB2_1:
0x1c: {  	[dreg:$0x11] =	wrdreg s7  }
0x1d: {  	s0 =	simm.s32 $0x0;
	s17 =	rddreg [dreg:$0x3]  }
0x1e: {  	[tilespmem:s0], [sflag:$0x3] =	stream.linear.gather [hbm4b:s17+s0], $0x2800, $0x38;
	[tilespmem:$0x11840] =	vst v63  }
0x1f: {  	_ =	swait.ge [sflag:s19], $0x2800  }
0x20: {  	[sflag:s19] =	ssyncset.done $0x0  }
0x21: {  	s17 =	simm.s32 $0x2800;
	s7 =	rddreg [dreg:$0x4];
	[sflag:s19] =	ssyncadd.s32 $0xFFFFD800  }
0x22: {  	[tilespmem:s17], [sflag:$0x3] =	stream.linear.gather [hbm4b:s7+s0], $0x2800, $0x38;
	[tilespmem:$0x11840] =	vst v63  }
0x23: {  	_ =	swait.ge [sflag:s19], $0x2800  }
0x24: {  	[sflag:s19] =	ssyncset.done $0x0  }
0x25: {  	s7 =	simm.s32 $0x40;
	s17 =	simm.s32 $0x0;
	[sflag:s19] =	ssyncadd.s32 $0xFFFFD800  }
.LBB2_2:
0x26: {  	p0 =	sne.s32 s7, $0xFC0;
	[tilespmem:s17+$0xEC40] =	vst v0;
	s17 =	smov.u32 s7;
	s7 =	sadd.s32 $0x40, s7  }
.Ltmp0:
0x27: {  	(pc) =	sbr.rel @p0 .LBB2_2-.Ltmp0, $2  }
0x28: {  	_ =	sdelay $0x2  }
0x29: {  	s17 =	sshra.s32 s17, $0x2  }
0x2a: {  	[tilespmem:s17+$0xEC40] =	vst v0;
	s7 =	simm.s32 $0xEC40  }
0x2b: {  	[spmem:s16] =	stream.linear.scatter [tilespmem:s7], [sflag:$0x3], $0x400, $0x38;
	[tilespmem:$0x11840] =	vst v63  }
0x2c: {  	_ =	swait.ge [sflag:s19], $0x400  }
0x2d: {  	[sflag:s19] =	ssyncset.done $0x0  }
0x2e: {  	s0 =	rddreg [dreg:$0x6];
	[sflag:s19] =	ssyncadd.s32 $0xFFFFFC00  }
0x2f: {  	[spmem:s0] =	stream.linear.scatter [tilespmem:s7], [sflag:$0x3], $0x400, $0x38;
	[tilespmem:$0x11840] =	vst v63  }
0x30: {  	_ =	swait.ge [sflag:s19], $0x400  }
0x31: {  	[sflag:s19] =	ssyncset.done $0x0  }
0x32: {  	s16 =	rddreg [dreg:$0x7];
	[sflag:s19] =	ssyncadd.s32 $0xFFFFFC00  }
0x33: {  	[spmem:s16] =	stream.linear.scatter [tilespmem:s7], [sflag:$0x3], $0x400, $0x38;
	[tilespmem:$0x11840] =	vst v63  }
0x34: {  	_ =	swait.ge [sflag:s19], $0x400  }
0x35: {  	[sflag:s19] =	ssyncset.done $0x0  }
0x36: {  	s17 =	rddreg [dreg:$0x8];
	[sflag:s19] =	ssyncadd.s32 $0xFFFFFC00  }
0x37: {  	[spmem:s17] =	stream.linear.scatter [tilespmem:s7], [sflag:$0x3], $0x400, $0x38;
	[tilespmem:$0x11840] =	vst v63  }
0x38: {  	_ =	swait.ge [sflag:s19], $0x400  }
0x39: {  	[sflag:s19] =	ssyncset.done $0x0  }
0x3a: {  	s16 =	rddreg [dreg:$0x9];
	[sflag:s19] =	ssyncadd.s32 $0xFFFFFC00  }
0x3b: {  	[spmem:s16] =	stream.linear.scatter [tilespmem:s7], [sflag:$0x3], $0x400, $0x38;
	[tilespmem:$0x11840] =	vst v63  }
0x3c: {  	_ =	swait.ge [sflag:s19], $0x400  }
0x3d: {  	[sflag:s19] =	ssyncset.done $0x0  }
0x3e: {  	s17 =	rddreg [dreg:$0xa];
	[sflag:s19] =	ssyncadd.s32 $0xFFFFFC00  }
0x3f: {  	[spmem:s17] =	stream.linear.scatter [tilespmem:s7], [sflag:$0x3], $0x400, $0x38;
	[tilespmem:$0x11840] =	vst v63  }
0x40: {  	_ =	swait.ge [sflag:s19], $0x400  }
0x41: {  	[sflag:s19] =	ssyncset.done $0x0  }
0x42: {  	s16 =	rddreg [dreg:$0xb];
	[sflag:s19] =	ssyncadd.s32 $0xFFFFFC00  }
0x43: {  	[spmem:s16] =	stream.linear.scatter [tilespmem:s7], [sflag:$0x3], $0x400, $0x38;
	[tilespmem:$0x11840] =	vst v63  }
0x44: {  	_ =	swait.ge [sflag:s19], $0x400  }
0x45: {  	[sflag:s19] =	ssyncset.done $0x0  }
0x46: {  	s17 =	rddreg [dreg:$0xc];
	[sflag:s19] =	ssyncadd.s32 $0xFFFFFC00  }
0x47: {  	[spmem:s17] =	stream.linear.scatter [tilespmem:s7], [sflag:$0x3], $0x400, $0x38;
	[tilespmem:$0x11840] =	vst v63  }
0x48: {  	_ =	swait.ge [sflag:s19], $0x400  }
0x49: {  	[sflag:s19] =	ssyncset.done $0x0  }
0x4a: {  	s16 =	rddreg [dreg:$0xd];
	[sflag:s19] =	ssyncadd.s32 $0xFFFFFC00  }
0x4b: {  	[spmem:s16] =	stream.linear.scatter [tilespmem:s7], [sflag:$0x3], $0x400, $0x38;
	[tilespmem:$0x11840] =	vst v63  }
0x4c: {  	_ =	swait.ge [sflag:s19], $0x400  }
0x4d: {  	[sflag:s19] =	ssyncset.done $0x0  }
0x4e: {  	s17 =	rddreg [dreg:$0xe];
	[sflag:s19] =	ssyncadd.s32 $0xFFFFFC00  }
0x4f: {  	[spmem:s17] =	stream.linear.scatter [tilespmem:s7], [sflag:$0x3], $0x400, $0x38;
	[tilespmem:$0x11840] =	vst v63  }
0x50: {  	_ =	swait.ge [sflag:s19], $0x400  }
0x51: {  	[sflag:s19] =	ssyncset.done $0x0  }
0x52: {  	[sflag:s19] =	ssyncadd.s32 $0xFFFFFC00  }
0x53: {  	s16 =	simm.s32 $0x0;
	[bflag:$0x0] =	sbarrier.arrive $0xFFFF  }
0x54: {  	[tilespmem:s23], [sflag:$0x1] =	stream.indirect.gather [hbm4b:s4+s22], $0x10, s16, s22, $0xb8;
	[tilespmem:$0x11840] =	vst v63  }
0x55: {  	s17 =	simm.s32 $0x80  }
0x56: {  	[tilespmem:s24], [sflag:$0x1] =	stream.indirect.gather [hbm4b:s4+s22], $0x10, s17, s22, $0xb8;
	[tilespmem:$0x11840] =	vst v63  }
0x57: {  	s7 =	simm.s32 $0x100  }
0x58: {  	[tilespmem:s25], [sflag:$0x1] =	stream.indirect.gather [hbm4b:s4+s22], $0x10, s7, s22, $0xb8;
	[tilespmem:$0x11840] =	vst v63  }
0x59: {  	s16 =	simm.s32 $0x180  }
0x5a: {  	[tilespmem:s28], [sflag:$0x1] =	stream.indirect.gather [hbm4b:s4+s22], $0x10, s16, s22, $0xb8;
	[tilespmem:$0x11840] =	vst v63  }
0x5b: {  	s17 =	simm.s32 $0x200  }
0x5c: {  	[tilespmem:s30], [sflag:$0x1] =	stream.indirect.gather [hbm4b:s4+s22], $0x10, s17, s22, $0xb8;
	[tilespmem:$0x11840] =	vst v63  }
0x5d: {  	s7 =	simm.s32 $0x280  }
0x5e: {  	[tilespmem:s18], [sflag:$0x1] =	stream.indirect.gather [hbm4b:s4+s22], $0x10, s7, s22, $0xb8;
	[tilespmem:$0x11840] =	vst v63  }
0x5f: {  	s16 =	simm.s32 $0x300  }
0x60: {  	[tilespmem:s20], [sflag:$0x1] =	stream.indirect.gather [hbm4b:s4+s22], $0x10, s16, s22, $0xb8;
	[tilespmem:$0x11840] =	vst v63  }
0x61: {  	s17 =	simm.s32 $0x380  }
0x62: {  	[tilespmem:s21], [sflag:$0x1] =	stream.indirect.gather [hbm4b:s4+s22], $0x10, s17, s22, $0xb8;
	[tilespmem:$0x11840] =	vst v63  }
0x63: {  	s7 =	simm.s32 $0x400  }
0x64: {  	[tilespmem:s26], [sflag:$0x1] =	stream.indirect.gather [hbm4b:s4+s22], $0x10, s7, s22, $0xb8;
	[tilespmem:$0x11840] =	vst v63  }
0x65: {  	s16 =	simm.s32 $0x480  }
0x66: {  	[tilespmem:s29], [sflag:$0x1] =	stream.indirect.gather [hbm4b:s4+s22], $0x10, s16, s22, $0xb8;
	[tilespmem:$0x11840] =	vst v63  }
0x67: {  	s17 =	simm.s32 $0x500  }
0x68: {  	[tilespmem:s1], [sflag:$0x2] =	stream.indirect.gather [hbm4b:s4+s22], $0x10, s17, s22, $0xb8;
	[tilespmem:$0x11840] =	vst v63  }
0x69: {  	s0 =	simm.s32 $0x580  }
0x6a: {  	[tilespmem:s3], [sflag:$0x2] =	stream.indirect.gather [hbm4b:s4+s22], $0x10, s0, s22, $0xb8;
	[tilespmem:$0x11840] =	vst v63  }
0x6b: {  	s16 =	simm.s32 $0x600  }
0x6c: {  	[tilespmem:s5], [sflag:$0x2] =	stream.indirect.gather [hbm4b:s4+s22], $0x10, s16, s22, $0xb8;
	[tilespmem:$0x11840] =	vst v63  }
0x6d: {  	s17 =	simm.s32 $0x680  }
0x6e: {  	[tilespmem:s6], [sflag:$0x2] =	stream.indirect.gather [hbm4b:s4+s22], $0x10, s17, s22, $0xb8;
	[tilespmem:$0x11840] =	vst v63  }
0x6f: {  	s0 =	simm.s32 $0x700  }
0x70: {  	[tilespmem:s8], [sflag:$0x2] =	stream.indirect.gather [hbm4b:s4+s22], $0x10, s0, s22, $0xb8;
	[tilespmem:$0x11840] =	vst v63  }
0x71: {  	s16 =	simm.s32 $0x780  }
0x72: {  	[tilespmem:s9], [sflag:$0x2] =	stream.indirect.gather [hbm4b:s4+s22], $0x10, s16, s22, $0xb8;
	[tilespmem:$0x11840] =	vst v63  }
0x73: {  	s17 =	simm.s32 $0x800  }
0x74: {  	[tilespmem:s10], [sflag:$0x2] =	stream.indirect.gather [hbm4b:s4+s22], $0x10, s17, s22, $0xb8;
	[tilespmem:$0x11840] =	vst v63  }
0x75: {  	s0 =	simm.s32 $0x880  }
0x76: {  	[tilespmem:s11], [sflag:$0x2] =	stream.indirect.gather [hbm4b:s4+s22], $0x10, s0, s22, $0xb8;
	[tilespmem:$0x11840] =	vst v63  }
0x77: {  	s16 =	simm.s32 $0x900  }
0x78: {  	[tilespmem:s12], [sflag:$0x2] =	stream.indirect.gather [hbm4b:s4+s22], $0x10, s16, s22, $0xb8;
	[tilespmem:$0x11840] =	vst v63  }
0x79: {  	s17 =	simm.s32 $0x980  }
0x7a: {  	[tilespmem:s13], [sflag:$0x2] =	stream.indirect.gather [hbm4b:s4+s22], $0x10, s17, s22, $0xb8;
	[tilespmem:$0x11840] =	vst v63  }
0x7b: {  	_ =	swait.ge [sflag:s14], $0x7D0  }
0x7c: {  	[sflag:s14] =	ssyncset.done $0x0  }
0x7d: {  	[sflag:s14] =	ssyncadd.s32 $0xFFFFF830  }
0x7e: {  	_ =	swait.ge [sflag:s14], $0x7D0  }
0x7f: {  	[sflag:s14] =	ssyncset.done $0x0  }
0x80: {  	[sflag:s14] =	ssyncadd.s32 $0xFFFFF830  }
0x81: {  	_ =	swait.ge [sflag:s14], $0x7D0  }
0x82: {  	[sflag:s14] =	ssyncset.done $0x0  }
0x83: {  	[sflag:s14] =	ssyncadd.s32 $0xFFFFF830  }
0x84: {  	_ =	swait.ge [sflag:s14], $0x7D0  }
0x85: {  	[sflag:s14] =	ssyncset.done $0x0  }
0x86: {  	[sflag:s14] =	ssyncadd.s32 $0xFFFFF830  }
0x87: {  	_ =	swait.ge [sflag:s14], $0x7D0  }
0x88: {  	[sflag:s14] =	ssyncset.done $0x0  }
0x89: {  	[sflag:s14] =	ssyncadd.s32 $0xFFFFF830  }
0x8a: {  	_ =	swait.ge [sflag:s14], $0x7D0  }
0x8b: {  	[sflag:s14] =	ssyncset.done $0x0  }
0x8c: {  	[sflag:s14] =	ssyncadd.s32 $0xFFFFF830  }
0x8d: {  	_ =	swait.ge [sflag:s14], $0x7D0  }
0x8e: {  	[sflag:s14] =	ssyncset.done $0x0  }
0x8f: {  	[sflag:s14] =	ssyncadd.s32 $0xFFFFF830  }
0x90: {  	_ =	swait.ge [sflag:s14], $0x7D0  }
0x91: {  	[sflag:s14] =	ssyncset.done $0x0  }
0x92: {  	[sflag:s14] =	ssyncadd.s32 $0xFFFFF830  }
0x93: {  	_ =	swait.ge [sflag:s14], $0x7D0  }
0x94: {  	[sflag:s14] =	ssyncset.done $0x0  }
0x95: {  	[sflag:s14] =	ssyncadd.s32 $0xFFFFF830  }
0x96: {  	_ =	swait.ge [sflag:s14], $0x7D0  }
0x97: {  	[sflag:s14] =	ssyncset.done $0x0  }
0x98: {  	s0 =	simm.s32 $0x2800;
	[sflag:s14] =	ssyncadd.s32 $0xFFFFF830  }
0x99: {  	[spmem:s2] =	stream.indirect.scatter.add.f32 [tilespmem:s23], [sflag:$0x3], $0x10, s0, s22, $0xb8;
	[tilespmem:$0x11840] =	vst v63  }
0x9a: {  	_ =	swait.ge [sflag:s19], $0x7D0  }
0x9b: {  	[sflag:s19] =	ssyncset.done $0x0  }
0x9c: {  	s16 =	simm.s32 $0x2880;
	[sflag:s19] =	ssyncadd.s32 $0xFFFFF830  }
0x9d: {  	[spmem:s2] =	stream.indirect.scatter.add.f32 [tilespmem:s24], [sflag:$0x3], $0x10, s16, s22, $0xb8;
	[tilespmem:$0x11840] =	vst v63  }
0x9e: {  	_ =	swait.ge [sflag:s19], $0x7D0  }
0x9f: {  	[sflag:s19] =	ssyncset.done $0x0  }
0xa0: {  	s17 =	simm.s32 $0x2900;
	[sflag:s19] =	ssyncadd.s32 $0xFFFFF830  }
0xa1: {  	[spmem:s2] =	stream.indirect.scatter.add.f32 [tilespmem:s25], [sflag:$0x3], $0x10, s17, s22, $0xb8;
	[tilespmem:$0x11840] =	vst v63  }
0xa2: {  	_ =	swait.ge [sflag:s19], $0x7D0  }
0xa3: {  	[sflag:s19] =	ssyncset.done $0x0  }
0xa4: {  	s0 =	simm.s32 $0x2980;
	[sflag:s19] =	ssyncadd.s32 $0xFFFFF830  }
0xa5: {  	[spmem:s2] =	stream.indirect.scatter.add.f32 [tilespmem:s28], [sflag:$0x3], $0x10, s0, s22, $0xb8;
	[tilespmem:$0x11840] =	vst v63  }
0xa6: {  	_ =	swait.ge [sflag:s19], $0x7D0  }
0xa7: {  	[sflag:s19] =	ssyncset.done $0x0  }
0xa8: {  	s16 =	simm.s32 $0x2A00;
	[sflag:s19] =	ssyncadd.s32 $0xFFFFF830  }
0xa9: {  	[spmem:s2] =	stream.indirect.scatter.add.f32 [tilespmem:s30], [sflag:$0x3], $0x10, s16, s22, $0xb8;
	[tilespmem:$0x11840] =	vst v63  }
0xaa: {  	_ =	swait.ge [sflag:s19], $0x7D0  }
0xab: {  	[sflag:s19] =	ssyncset.done $0x0  }
0xac: {  	s17 =	simm.s32 $0x2A80;
	[sflag:s19] =	ssyncadd.s32 $0xFFFFF830  }
0xad: {  	[spmem:s2] =	stream.indirect.scatter.add.f32 [tilespmem:s18], [sflag:$0x3], $0x10, s17, s22, $0xb8;
	[tilespmem:$0x11840] =	vst v63  }
0xae: {  	_ =	swait.ge [sflag:s19], $0x7D0  }
0xaf: {  	[sflag:s19] =	ssyncset.done $0x0  }
0xb0: {  	s0 =	simm.s32 $0x2B00;
	[sflag:s19] =	ssyncadd.s32 $0xFFFFF830  }
0xb1: {  	[spmem:s2] =	stream.indirect.scatter.add.f32 [tilespmem:s20], [sflag:$0x3], $0x10, s0, s22, $0xb8;
	[tilespmem:$0x11840] =	vst v63  }
0xb2: {  	_ =	swait.ge [sflag:s19], $0x7D0  }
0xb3: {  	[sflag:s19] =	ssyncset.done $0x0  }
0xb4: {  	s16 =	simm.s32 $0x2B80;
	[sflag:s19] =	ssyncadd.s32 $0xFFFFF830  }
0xb5: {  	[spmem:s2] =	stream.indirect.scatter.add.f32 [tilespmem:s21], [sflag:$0x3], $0x10, s16, s22, $0xb8;
	[tilespmem:$0x11840] =	vst v63  }
0xb6: {  	_ =	swait.ge [sflag:s19], $0x7D0  }
0xb7: {  	[sflag:s19] =	ssyncset.done $0x0  }
0xb8: {  	s17 =	simm.s32 $0x2C00;
	[sflag:s19] =	ssyncadd.s32 $0xFFFFF830  }
0xb9: {  	[spmem:s2] =	stream.indirect.scatter.add.f32 [tilespmem:s26], [sflag:$0x3], $0x10, s17, s22, $0xb8;
	[tilespmem:$0x11840] =	vst v63  }
0xba: {  	_ =	swait.ge [sflag:s19], $0x7D0  }
0xbb: {  	[sflag:s19] =	ssyncset.done $0x0  }
0xbc: {  	s18 =	simm.s32 $0x2C80;
	[sflag:s19] =	ssyncadd.s32 $0xFFFFF830  }
0xbd: {  	[spmem:s2] =	stream.indirect.scatter.add.f32 [tilespmem:s29], [sflag:$0x3], $0x10, s18, s22, $0xb8;
	[tilespmem:$0x11840] =	vst v63  }
0xbe: {  	p0 =	por $0x0, $0x0;
	_ =	swait.ge [sflag:s19], $0x7D0  }
0xbf: {  	s7 =	simm.s32 @!p0 $0x5000;
	[sflag:s19] =	ssyncset.done $0x0  }
0xc0: {  	s17 =	simm.s32 @!p0 $0xA00;
	s18 =	simm.s32 @!p0 $0x7D;
	[sflag:s19] =	ssyncadd.s32 $0xFFFFF830  }
0xc1: {  	[tilespmem:s7], [sflag:$0x1] =	stream.indirect.gather @!p0 [hbm4b:s4+s18], $0x10, s17, s18, $0xb8;
	[tilespmem:$0x11840] =	vst v63  }
0xc2: {  	s7 =	simm.s32 @!p0 $0xA80;
	s17 =	simm.s32 @!p0 $0x57D0  }
0xc3: {  	[tilespmem:s17], [sflag:$0x1] =	stream.indirect.gather @!p0 [hbm4b:s4+s18], $0x10, s7, s18, $0xb8;
	[tilespmem:$0x11840] =	vst v63  }
0xc4: {  	s7 =	simm.s32 @!p0 $0xB00;
	s17 =	simm.s32 @!p0 $0x5FA0  }
0xc5: {  	[tilespmem:s17], [sflag:$0x1] =	stream.indirect.gather @!p0 [hbm4b:s4+s18], $0x10, s7, s18, $0xb8;
	[tilespmem:$0x11840] =	vst v63  }
0xc6: {  	s7 =	simm.s32 @!p0 $0xB80;
	s17 =	simm.s32 @!p0 $0x6770  }
0xc7: {  	[tilespmem:s17], [sflag:$0x1] =	stream.indirect.gather @!p0 [hbm4b:s4+s18], $0x10, s7, s18, $0xb8;
	[tilespmem:$0x11840] =	vst v63  }
0xc8: {  	s7 =	simm.s32 @!p0 $0xC00;
	s17 =	simm.s32 @!p0 $0x6F40  }
0xc9: {  	[tilespmem:s17], [sflag:$0x1] =	stream.indirect.gather @!p0 [hbm4b:s4+s18], $0x10, s7, s18, $0xb8;
	[tilespmem:$0x11840] =	vst v63  }
0xca: {  	s7 =	simm.s32 @!p0 $0xC80;
	s17 =	simm.s32 @!p0 $0x7710  }
0xcb: {  	[tilespmem:s17], [sflag:$0x1] =	stream.indirect.gather @!p0 [hbm4b:s4+s18], $0x10, s7, s18, $0xb8;
	[tilespmem:$0x11840] =	vst v63  }
0xcc: {  	s7 =	simm.s32 @!p0 $0xD00;
	s17 =	simm.s32 @!p0 $0x7EE0  }
0xcd: {  	[tilespmem:s17], [sflag:$0x1] =	stream.indirect.gather @!p0 [hbm4b:s4+s18], $0x10, s7, s18, $0xb8;
	[tilespmem:$0x11840] =	vst v63  }
0xce: {  	s7 =	simm.s32 @!p0 $0xD80;
	s17 =	simm.s32 @!p0 $0x86B0  }
0xcf: {  	[tilespmem:s17], [sflag:$0x1] =	stream.indirect.gather @!p0 [hbm4b:s4+s18], $0x10, s7, s18, $0xb8;
	[tilespmem:$0x11840] =	vst v63  }
0xd0: {  	s7 =	simm.s32 @!p0 $0xE00;
	s17 =	simm.s32 @!p0 $0x8E80  }
0xd1: {  	[tilespmem:s17], [sflag:$0x1] =	stream.indirect.gather @!p0 [hbm4b:s4+s18], $0x10, s7, s18, $0xb8;
	[tilespmem:$0x11840] =	vst v63  }
0xd2: {  	s7 =	simm.s32 @!p0 $0xE80;
	s17 =	simm.s32 @!p0 $0x9650  }
0xd3: {  	[tilespmem:s17], [sflag:$0x1] =	stream.indirect.gather @!p0 [hbm4b:s4+s18], $0x10, s7, s18, $0xb8;
	[tilespmem:$0x11840] =	vst v63  }
0xd4: {  	_ =	swait.ge [sflag:s15], $0x7D0  }
0xd5: {  	[sflag:s15] =	ssyncset.done $0x0  }
0xd6: {  	[sflag:s15] =	ssyncadd.s32 $0xFFFFF830  }
0xd7: {  	_ =	swait.ge [sflag:s15], $0x7D0  }
0xd8: {  	[sflag:s15] =	ssyncset.done $0x0  }
0xd9: {  	[sflag:s15] =	ssyncadd.s32 $0xFFFFF830  }
0xda: {  	_ =	swait.ge [sflag:s15], $0x7D0  }
0xdb: {  	[sflag:s15] =	ssyncset.done $0x0  }
0xdc: {  	[sflag:s15] =	ssyncadd.s32 $0xFFFFF830  }
0xdd: {  	_ =	swait.ge [sflag:s15], $0x7D0  }
0xde: {  	[sflag:s15] =	ssyncset.done $0x0  }
0xdf: {  	[sflag:s15] =	ssyncadd.s32 $0xFFFFF830  }
0xe0: {  	_ =	swait.ge [sflag:s15], $0x7D0  }
0xe1: {  	[sflag:s15] =	ssyncset.done $0x0  }
0xe2: {  	[sflag:s15] =	ssyncadd.s32 $0xFFFFF830  }
0xe3: {  	_ =	swait.ge [sflag:s15], $0x7D0  }
0xe4: {  	[sflag:s15] =	ssyncset.done $0x0  }
0xe5: {  	[sflag:s15] =	ssyncadd.s32 $0xFFFFF830  }
0xe6: {  	_ =	swait.ge [sflag:s15], $0x7D0  }
0xe7: {  	[sflag:s15] =	ssyncset.done $0x0  }
0xe8: {  	[sflag:s15] =	ssyncadd.s32 $0xFFFFF830  }
0xe9: {  	_ =	swait.ge [sflag:s15], $0x7D0  }
0xea: {  	[sflag:s15] =	ssyncset.done $0x0  }
0xeb: {  	[sflag:s15] =	ssyncadd.s32 $0xFFFFF830  }
0xec: {  	_ =	swait.ge [sflag:s15], $0x7D0  }
0xed: {  	[sflag:s15] =	ssyncset.done $0x0  }
0xee: {  	[sflag:s15] =	ssyncadd.s32 $0xFFFFF830  }
0xef: {  	_ =	swait.ge [sflag:s15], $0x7D0  }
0xf0: {  	[sflag:s15] =	ssyncset.done $0x0  }
0xf1: {  	s20 =	simm.s32 $0x2D00;
	[sflag:s15] =	ssyncadd.s32 $0xFFFFF830  }
0xf2: {  	[spmem:s2] =	stream.indirect.scatter.add.f32 [tilespmem:s1], [sflag:$0x3], $0x10, s20, s22, $0xb8;
	[tilespmem:$0x11840] =	vst v63  }
0xf3: {  	_ =	swait.ge [sflag:s19], $0x7D0  }
0xf4: {  	[sflag:s19] =	ssyncset.done $0x0  }
0xf5: {  	s21 =	simm.s32 $0x2D80;
	[sflag:s19] =	ssyncadd.s32 $0xFFFFF830  }
0xf6: {  	[spmem:s2] =	stream.indirect.scatter.add.f32 [tilespmem:s3], [sflag:$0x3], $0x10, s21, s22, $0xb8;
	[tilespmem:$0x11840] =	vst v63  }
0xf7: {  	_ =	swait.ge [sflag:s19], $0x7D0  }
0xf8: {  	[sflag:s19] =	ssyncset.done $0x0  }
0xf9: {  	s26 =	simm.s32 $0x2E00;
	[sflag:s19] =	ssyncadd.s32 $0xFFFFF830  }
0xfa: {  	[spmem:s2] =	stream.indirect.scatter.add.f32 [tilespmem:s5], [sflag:$0x3], $0x10, s26, s22, $0xb8;
	[tilespmem:$0x11840] =	vst v63  }
0xfb: {  	_ =	swait.ge [sflag:s19], $0x7D0  }
0xfc: {  	[sflag:s19] =	ssyncset.done $0x0  }
0xfd: {  	s0 =	simm.s32 $0x2E80;
	[sflag:s19] =	ssyncadd.s32 $0xFFFFF830  }
0xfe: {  	[spmem:s2] =	stream.indirect.scatter.add.f32 [tilespmem:s6], [sflag:$0x3], $0x10, s0, s22, $0xb8;
	[tilespmem:$0x11840] =	vst v63  }
0xff: {  	_ =	swait.ge [sflag:s19], $0x7D0  }
0x100: {  	[sflag:s19] =	ssyncset.done $0x0  }
0x101: {  	s16 =	simm.s32 $0x2F00;
	[sflag:s19] =	ssyncadd.s32 $0xFFFFF830  }
0x102: {  	[spmem:s2] =	stream.indirect.scatter.add.f32 [tilespmem:s8], [sflag:$0x3], $0x10, s16, s22, $0xb8;
	[tilespmem:$0x11840] =	vst v63  }
0x103: {  	_ =	swait.ge [sflag:s19], $0x7D0  }
0x104: {  	[sflag:s19] =	ssyncset.done $0x0  }
0x105: {  	s17 =	simm.s32 $0x2F80;
	[sflag:s19] =	ssyncadd.s32 $0xFFFFF830  }
0x106: {  	[spmem:s2] =	stream.indirect.scatter.add.f32 [tilespmem:s9], [sflag:$0x3], $0x10, s17, s22, $0xb8;
	[tilespmem:$0x11840] =	vst v63  }
0x107: {  	_ =	swait.ge [sflag:s19], $0x7D0  }
0x108: {  	[sflag:s19] =	ssyncset.done $0x0  }
0x109: {  	s18 =	simm.s32 $0x3000;
	[sflag:s19] =	ssyncadd.s32 $0xFFFFF830  }
0x10a: {  	[spmem:s2] =	stream.indirect.scatter.add.f32 [tilespmem:s10], [sflag:$0x3], $0x10, s18, s22, $0xb8;
	[tilespmem:$0x11840] =	vst v63  }
0x10b: {  	_ =	swait.ge [sflag:s19], $0x7D0  }
0x10c: {  	[sflag:s19] =	ssyncset.done $0x0  }
0x10d: {  	s20 =	simm.s32 $0x3080;
	[sflag:s19] =	ssyncadd.s32 $0xFFFFF830  }
0x10e: {  	[spmem:s2] =	stream.indirect.scatter.add.f32 [tilespmem:s11], [sflag:$0x3], $0x10, s20, s22, $0xb8;
	[tilespmem:$0x11840] =	vst v63  }
0x10f: {  	_ =	swait.ge [sflag:s19], $0x7D0  }
0x110: {  	[sflag:s19] =	ssyncset.done $0x0  }
0x111: {  	s21 =	simm.s32 $0x3100;
	[sflag:s19] =	ssyncadd.s32 $0xFFFFF830  }
0x112: {  	[spmem:s2] =	stream.indirect.scatter.add.f32 [tilespmem:s12], [sflag:$0x3], $0x10, s21, s22, $0xb8;
	[tilespmem:$0x11840] =	vst v63  }
0x113: {  	_ =	swait.ge [sflag:s19], $0x7D0  }
0x114: {  	s29 =	simm.s32 $0x7710;
	[sflag:s19] =	ssyncset.done $0x0  }
0x115: {  	s7 =	simm.s32 $0x5000;
	s26 =	simm.s32 $0x3180;
	[sflag:s19] =	ssyncadd.s32 $0xFFFFF830  }
0x116: {  	[spmem:s2] =	stream.indirect.scatter.add.f32 [tilespmem:s13], [sflag:$0x3], $0x10, s26, s22, $0xb8;
	[tilespmem:$0x11840] =	vst v63  }
0x117: {  	s17 =	simm.s32 $0xA00;
	s18 =	simm.s32 $0x2800;
	_ =	swait.ge [sflag:s19], $0x7D0  }
0x118: {  	s20 =	simm.s32 $0x7EE0;
	s26 =	simm.s32 $0x8E80;
	[sflag:s19] =	ssyncset.done $0x0  }
.LBB2_4:
0x119: {  	s16 =	sadd.s32 $0x500, s17  }
0x11a: {  	[sflag:s19] =	ssyncadd.s32 $0xFFFFF830;
	s21 =	smov.u32 s7;
	s7 =	sadd.s32 $0x2800, s7  }
0x11b: {  	[tilespmem:s1], [sflag:$0x2] =	stream.indirect.gather [hbm4b:s4+s22], $0x10, s16, s22, $0xb8;
	[tilespmem:$0x11840] =	vst v63  }
0x11c: {  	p0 =	sne.s32 s7, $0xA000;
	s16 =	sadd.s32 $0x580, s17  }
0x11d: {  	[tilespmem:s3], [sflag:$0x2] =	stream.indirect.gather [hbm4b:s4+s22], $0x10, s16, s22, $0xb8;
	[tilespmem:$0x11840] =	vst v63  }
0x11e: {  	s16 =	sadd.s32 $0x600, s17  }
0x11f: {  	[tilespmem:s5], [sflag:$0x2] =	stream.indirect.gather [hbm4b:s4+s22], $0x10, s16, s22, $0xb8;
	[tilespmem:$0x11840] =	vst v63  }
0x120: {  	s16 =	sadd.s32 $0x680, s17  }
0x121: {  	[tilespmem:s6], [sflag:$0x2] =	stream.indirect.gather [hbm4b:s4+s22], $0x10, s16, s22, $0xb8;
	[tilespmem:$0x11840] =	vst v63  }
0x122: {  	s16 =	sadd.s32 $0x700, s17  }
0x123: {  	[tilespmem:s8], [sflag:$0x2] =	stream.indirect.gather [hbm4b:s4+s22], $0x10, s16, s22, $0xb8;
	[tilespmem:$0x11840] =	vst v63  }
0x124: {  	s16 =	sadd.s32 $0x780, s17  }
0x125: {  	[tilespmem:s9], [sflag:$0x2] =	stream.indirect.gather [hbm4b:s4+s22], $0x10, s16, s22, $0xb8;
	[tilespmem:$0x11840] =	vst v63  }
0x126: {  	s16 =	sadd.s32 $0x800, s17  }
0x127: {  	[tilespmem:s10], [sflag:$0x2] =	stream.indirect.gather [hbm4b:s4+s22], $0x10, s16, s22, $0xb8;
	[tilespmem:$0x11840] =	vst v63  }
0x128: {  	s16 =	sadd.s32 $0x880, s17  }
0x129: {  	[tilespmem:s11], [sflag:$0x2] =	stream.indirect.gather [hbm4b:s4+s22], $0x10, s16, s22, $0xb8;
	[tilespmem:$0x11840] =	vst v63  }
0x12a: {  	s16 =	sadd.s32 $0x900, s17  }
0x12b: {  	[tilespmem:s12], [sflag:$0x2] =	stream.indirect.gather [hbm4b:s4+s22], $0x10, s16, s22, $0xb8;
	[tilespmem:$0x11840] =	vst v63  }
0x12c: {  	s16 =	sadd.s32 $0x980, s17  }
0x12d: {  	[tilespmem:s13], [sflag:$0x2] =	stream.indirect.gather [hbm4b:s4+s22], $0x10, s16, s22, $0xb8;
	[tilespmem:$0x11840] =	vst v63  }
0x12e: {  	_ =	swait.ge [sflag:s14], $0x7D0  }
0x12f: {  	[sflag:s14] =	ssyncset.done $0x0  }
0x130: {  	[sflag:s14] =	ssyncadd.s32 $0xFFFFF830  }
0x131: {  	_ =	swait.ge [sflag:s14], $0x7D0  }
0x132: {  	[sflag:s14] =	ssyncset.done $0x0  }
0x133: {  	[sflag:s14] =	ssyncadd.s32 $0xFFFFF830  }
0x134: {  	_ =	swait.ge [sflag:s14], $0x7D0  }
0x135: {  	[sflag:s14] =	ssyncset.done $0x0  }
0x136: {  	[sflag:s14] =	ssyncadd.s32 $0xFFFFF830  }
0x137: {  	_ =	swait.ge [sflag:s14], $0x7D0  }
0x138: {  	[sflag:s14] =	ssyncset.done $0x0  }
0x139: {  	[sflag:s14] =	ssyncadd.s32 $0xFFFFF830  }
0x13a: {  	_ =	swait.ge [sflag:s14], $0x7D0  }
0x13b: {  	[sflag:s14] =	ssyncset.done $0x0  }
0x13c: {  	[sflag:s14] =	ssyncadd.s32 $0xFFFFF830  }
0x13d: {  	_ =	swait.ge [sflag:s14], $0x7D0  }
0x13e: {  	[sflag:s14] =	ssyncset.done $0x0  }
0x13f: {  	[sflag:s14] =	ssyncadd.s32 $0xFFFFF830  }
0x140: {  	_ =	swait.ge [sflag:s14], $0x7D0  }
0x141: {  	[sflag:s14] =	ssyncset.done $0x0  }
0x142: {  	[sflag:s14] =	ssyncadd.s32 $0xFFFFF830  }
0x143: {  	_ =	swait.ge [sflag:s14], $0x7D0  }
0x144: {  	[sflag:s14] =	ssyncset.done $0x0  }
0x145: {  	[sflag:s14] =	ssyncadd.s32 $0xFFFFF830  }
0x146: {  	_ =	swait.ge [sflag:s14], $0x7D0  }
0x147: {  	[sflag:s14] =	ssyncset.done $0x0  }
0x148: {  	[sflag:s14] =	ssyncadd.s32 $0xFFFFF830  }
0x149: {  	_ =	swait.ge [sflag:s14], $0x7D0  }
0x14a: {  	[sflag:s14] =	ssyncset.done $0x0  }
0x14b: {  	s16 =	sadd.s32 $0x2800, s17;
	[sflag:s14] =	ssyncadd.s32 $0xFFFFF830  }
0x14c: {  	[spmem:s2] =	stream.indirect.scatter.add.f32 [tilespmem:s23], [sflag:$0x3], $0x10, s16, s22, $0xb8;
	[tilespmem:$0x11840] =	vst v63  }
0x14d: {  	_ =	swait.ge [sflag:s19], $0x7D0  }
0x14e: {  	[sflag:s19] =	ssyncset.done $0x0  }
0x14f: {  	s16 =	sadd.s32 $0x2880, s17;
	[sflag:s19] =	ssyncadd.s32 $0xFFFFF830  }
0x150: {  	[spmem:s2] =	stream.indirect.scatter.add.f32 [tilespmem:s24], [sflag:$0x3], $0x10, s16, s22, $0xb8;
	[tilespmem:$0x11840] =	vst v63  }
0x151: {  	_ =	swait.ge [sflag:s19], $0x7D0  }
0x152: {  	[sflag:s19] =	ssyncset.done $0x0  }
0x153: {  	s16 =	sadd.s32 $0x2900, s17;
	[sflag:s19] =	ssyncadd.s32 $0xFFFFF830  }
0x154: {  	[spmem:s2] =	stream.indirect.scatter.add.f32 [tilespmem:s25], [sflag:$0x3], $0x10, s16, s22, $0xb8;
	[tilespmem:$0x11840] =	vst v63  }
0x155: {  	_ =	swait.ge [sflag:s19], $0x7D0  }
0x156: {  	[sflag:s19] =	ssyncset.done $0x0  }
0x157: {  	s16 =	sadd.s32 $0x2980, s17;
	[sflag:s19] =	ssyncadd.s32 $0xFFFFF830  }
0x158: {  	[spmem:s2] =	stream.indirect.scatter.add.f32 [tilespmem:s28], [sflag:$0x3], $0x10, s16, s22, $0xb8;
	[tilespmem:$0x11840] =	vst v63  }
0x159: {  	_ =	swait.ge [sflag:s19], $0x7D0  }
0x15a: {  	[sflag:s19] =	ssyncset.done $0x0  }
0x15b: {  	s16 =	sadd.s32 $0x2A00, s17;
	[sflag:s19] =	ssyncadd.s32 $0xFFFFF830  }
0x15c: {  	[spmem:s2] =	stream.indirect.scatter.add.f32 [tilespmem:s30], [sflag:$0x3], $0x10, s16, s22, $0xb8;
	[tilespmem:$0x11840] =	vst v63  }
0x15d: {  	_ =	swait.ge [sflag:s19], $0x7D0  }
0x15e: {  	[sflag:s19] =	ssyncset.done $0x0  }
0x15f: {  	s16 =	sadd.s32 $0x2A80, s17;
	[sflag:s19] =	ssyncadd.s32 $0xFFFFF830  }
0x160: {  	[spmem:s2] =	stream.indirect.scatter.add.f32 [tilespmem:s29], [sflag:$0x3], $0x10, s16, s22, $0xb8;
	[tilespmem:$0x11840] =	vst v63  }
0x161: {  	_ =	swait.ge [sflag:s19], $0x7D0  }
0x162: {  	[sflag:s19] =	ssyncset.done $0x0  }
0x163: {  	s16 =	sadd.s32 $0x2B00, s17;
	[sflag:s19] =	ssyncadd.s32 $0xFFFFF830  }
0x164: {  	[spmem:s2] =	stream.indirect.scatter.add.f32 [tilespmem:s20], [sflag:$0x3], $0x10, s16, s22, $0xb8;
	[tilespmem:$0x11840] =	vst v63  }
0x165: {  	_ =	swait.ge [sflag:s19], $0x7D0  }
0x166: {  	[sflag:s19] =	ssyncset.done $0x0  }
0x167: {  	s16 =	sadd.s32 $0x2B80, s17;
	[sflag:s19] =	ssyncadd.s32 $0xFFFFF830  }
0x168: {  	[spmem:s2] =	stream.indirect.scatter.add.f32 [tilespmem:s31], [sflag:$0x3], $0x10, s16, s22, $0xb8;
	[tilespmem:$0x11840] =	vst v63  }
0x169: {  	_ =	swait.ge [sflag:s19], $0x7D0  }
0x16a: {  	[sflag:s19] =	ssyncset.done $0x0  }
0x16b: {  	s16 =	sadd.s32 $0x2C00, s17;
	[sflag:s19] =	ssyncadd.s32 $0xFFFFF830  }
0x16c: {  	[spmem:s2] =	stream.indirect.scatter.add.f32 [tilespmem:s26], [sflag:$0x3], $0x10, s16, s22, $0xb8;
	[tilespmem:$0x11840] =	vst v63  }
0x16d: {  	_ =	swait.ge [sflag:s19], $0x7D0  }
0x16e: {  	[sflag:s19] =	ssyncset.done $0x0  }
0x16f: {  	s0 =	simm.s32 $0x9650;
	s16 =	sadd.s32 $0x2C80, s17;
	[sflag:s19] =	ssyncadd.s32 $0xFFFFF830  }
0x170: {  	[spmem:s2] =	stream.indirect.scatter.add.f32 [tilespmem:s0], [sflag:$0x3], $0x10, s16, s22, $0xb8;
	[tilespmem:$0x11840] =	vst v63  }
0x171: {  	p1 =	seq.s32 s18, $0x7800;
	_ =	swait.ge [sflag:s19], $0x7D0  }
0x172: {  	s16 =	sshra.s32 @!p1 s18, $0x2;
	s18 =	simm.s32 @!p1 $0x5000;
	[sflag:s19] =	ssyncset.done $0x0  }
0x173: {  	s25 =	simm.s32 @!p1 $0x7D;
	s23 =	sadd.s32 @!p1 $0xA00, s16;
	[sflag:s19] =	ssyncadd.s32 $0xFFFFF830  }
0x174: {  	[tilespmem:s18], [sflag:$0x1] =	stream.indirect.gather @!p1 [hbm4b:s4+s25], $0x10, s23, s25, $0xb8;
	[tilespmem:$0x11840] =	vst v63  }
0x175: {  	s28 =	sadd.s32 @!p1 $0xB00, s16;
	s18 =	sadd.s32 @!p1 $0xA80, s16;
	s23 =	simm.s32 @!p1 $0x57D0  }
0x176: {  	[tilespmem:s23], [sflag:$0x1] =	stream.indirect.gather @!p1 [hbm4b:s4+s25], $0x10, s18, s25, $0xb8;
	[tilespmem:$0x11840] =	vst v63  }
0x177: {  	s30 =	sadd.s32 @!p1 $0xC00, s16;
	s18 =	simm.s32 @!p1 $0x5FA0;
	s23 =	sadd.s32 @!p1 $0xB80, s16  }
0x178: {  	[tilespmem:s18], [sflag:$0x1] =	stream.indirect.gather @!p1 [hbm4b:s4+s25], $0x10, s28, s25, $0xb8;
	[tilespmem:$0x11840] =	vst v63  }
0x179: {  	s0 =	sadd.s32 @!p1 $0xD00, s16;
	s18 =	simm.s32 @!p1 $0x6770;
	s28 =	sadd.s32 @!p1 $0xC80, s16  }
0x17a: {  	[tilespmem:s18], [sflag:$0x1] =	stream.indirect.gather @!p1 [hbm4b:s4+s25], $0x10, s23, s25, $0xb8;
	[tilespmem:$0x11840] =	vst v63  }
0x17b: {  	s24 =	sadd.s32 @!p1 $0xE00, s16;
	s18 =	simm.s32 @!p1 $0x6F40;
	s23 =	sadd.s32 @!p1 $0xD80, s16  }
0x17c: {  	[tilespmem:s18], [sflag:$0x1] =	stream.indirect.gather @!p1 [hbm4b:s4+s25], $0x10, s30, s25, $0xb8;
	[tilespmem:$0x11840] =	vst v63  }
0x17d: {  	s16 =	sadd.s32 @!p1 $0xE80, s16;
	s30 =	simm.s32 @!p1 $0x7710;
	s18 =	smov.u32 s21  }
0x17e: {  	[tilespmem:s30], [sflag:$0x1] =	stream.indirect.gather @!p1 [hbm4b:s4+s25], $0x10, s28, s25, $0xb8;
	[tilespmem:$0x11840] =	vst v63  }
0x17f: {  	s30 =	simm.s32 $0x6F40;
	s28 =	simm.s32 $0x6770  }
0x180: {  	s21 =	simm.s32 @!p1 $0x7EE0  }
0x181: {  	[tilespmem:s21], [sflag:$0x1] =	stream.indirect.gather @!p1 [hbm4b:s4+s25], $0x10, s0, s25, $0xb8;
	[tilespmem:$0x11840] =	vst v63  }
0x182: {  	s0 =	simm.s32 @!p1 $0x86B0  }
0x183: {  	[tilespmem:s0], [sflag:$0x1] =	stream.indirect.gather @!p1 [hbm4b:s4+s25], $0x10, s23, s25, $0xb8;
	[tilespmem:$0x11840] =	vst v63  }
0x184: {  	s23 =	simm.s32 $0x5000  }
0x185: {  	s0 =	simm.s32 @!p1 $0x8E80  }
0x186: {  	[tilespmem:s0], [sflag:$0x1] =	stream.indirect.gather @!p1 [hbm4b:s4+s25], $0x10, s24, s25, $0xb8;
	[tilespmem:$0x11840] =	vst v63  }
0x187: {  	s24 =	simm.s32 $0x57D0  }
0x188: {  	s0 =	simm.s32 @!p1 $0x9650  }
0x189: {  	[tilespmem:s0], [sflag:$0x1] =	stream.indirect.gather @!p1 [hbm4b:s4+s25], $0x10, s16, s25, $0xb8;
	[tilespmem:$0x11840] =	vst v63  }
0x18a: {  	s25 =	simm.s32 $0x5FA0  }
0x18b: {  	_ =	swait.ge [sflag:s15], $0x7D0  }
0x18c: {  	[sflag:s15] =	ssyncset.done $0x0  }
0x18d: {  	[sflag:s15] =	ssyncadd.s32 $0xFFFFF830  }
0x18e: {  	_ =	swait.ge [sflag:s15], $0x7D0  }
0x18f: {  	[sflag:s15] =	ssyncset.done $0x0  }
0x190: {  	[sflag:s15] =	ssyncadd.s32 $0xFFFFF830  }
0x191: {  	_ =	swait.ge [sflag:s15], $0x7D0  }
0x192: {  	[sflag:s15] =	ssyncset.done $0x0  }
0x193: {  	[sflag:s15] =	ssyncadd.s32 $0xFFFFF830  }
0x194: {  	_ =	swait.ge [sflag:s15], $0x7D0  }
0x195: {  	[sflag:s15] =	ssyncset.done $0x0  }
0x196: {  	[sflag:s15] =	ssyncadd.s32 $0xFFFFF830  }
0x197: {  	_ =	swait.ge [sflag:s15], $0x7D0  }
0x198: {  	[sflag:s15] =	ssyncset.done $0x0  }
0x199: {  	[sflag:s15] =	ssyncadd.s32 $0xFFFFF830  }
0x19a: {  	_ =	swait.ge [sflag:s15], $0x7D0  }
0x19b: {  	[sflag:s15] =	ssyncset.done $0x0  }
0x19c: {  	[sflag:s15] =	ssyncadd.s32 $0xFFFFF830  }
0x19d: {  	_ =	swait.ge [sflag:s15], $0x7D0  }
0x19e: {  	[sflag:s15] =	ssyncset.done $0x0  }
0x19f: {  	[sflag:s15] =	ssyncadd.s32 $0xFFFFF830  }
0x1a0: {  	_ =	swait.ge [sflag:s15], $0x7D0  }
0x1a1: {  	[sflag:s15] =	ssyncset.done $0x0  }
0x1a2: {  	[sflag:s15] =	ssyncadd.s32 $0xFFFFF830  }
0x1a3: {  	_ =	swait.ge [sflag:s15], $0x7D0  }
0x1a4: {  	[sflag:s15] =	ssyncset.done $0x0  }
0x1a5: {  	[sflag:s15] =	ssyncadd.s32 $0xFFFFF830  }
0x1a6: {  	_ =	swait.ge [sflag:s15], $0x7D0  }
0x1a7: {  	[sflag:s15] =	ssyncset.done $0x0  }
0x1a8: {  	s0 =	sadd.s32 $0x2D00, s17;
	[sflag:s15] =	ssyncadd.s32 $0xFFFFF830  }
0x1a9: {  	[spmem:s2] =	stream.indirect.scatter.add.f32 [tilespmem:s1], [sflag:$0x3], $0x10, s0, s22, $0xb8;
	[tilespmem:$0x11840] =	vst v63  }
0x1aa: {  	_ =	swait.ge [sflag:s19], $0x7D0  }
0x1ab: {  	[sflag:s19] =	ssyncset.done $0x0  }
0x1ac: {  	s0 =	sadd.s32 $0x2D80, s17;
	[sflag:s19] =	ssyncadd.s32 $0xFFFFF830  }
0x1ad: {  	[spmem:s2] =	stream.indirect.scatter.add.f32 [tilespmem:s3], [sflag:$0x3], $0x10, s0, s22, $0xb8;
	[tilespmem:$0x11840] =	vst v63  }
0x1ae: {  	_ =	swait.ge [sflag:s19], $0x7D0  }
0x1af: {  	[sflag:s19] =	ssyncset.done $0x0  }
0x1b0: {  	s0 =	sadd.s32 $0x2E00, s17;
	[sflag:s19] =	ssyncadd.s32 $0xFFFFF830  }
0x1b1: {  	[spmem:s2] =	stream.indirect.scatter.add.f32 [tilespmem:s5], [sflag:$0x3], $0x10, s0, s22, $0xb8;
	[tilespmem:$0x11840] =	vst v63  }
0x1b2: {  	_ =	swait.ge [sflag:s19], $0x7D0  }
0x1b3: {  	[sflag:s19] =	ssyncset.done $0x0  }
0x1b4: {  	s0 =	sadd.s32 $0x2E80, s17;
	[sflag:s19] =	ssyncadd.s32 $0xFFFFF830  }
0x1b5: {  	[spmem:s2] =	stream.indirect.scatter.add.f32 [tilespmem:s6], [sflag:$0x3], $0x10, s0, s22, $0xb8;
	[tilespmem:$0x11840] =	vst v63  }
0x1b6: {  	_ =	swait.ge [sflag:s19], $0x7D0  }
0x1b7: {  	[sflag:s19] =	ssyncset.done $0x0  }
0x1b8: {  	s0 =	sadd.s32 $0x2F00, s17;
	[sflag:s19] =	ssyncadd.s32 $0xFFFFF830  }
0x1b9: {  	[spmem:s2] =	stream.indirect.scatter.add.f32 [tilespmem:s8], [sflag:$0x3], $0x10, s0, s22, $0xb8;
	[tilespmem:$0x11840] =	vst v63  }
0x1ba: {  	_ =	swait.ge [sflag:s19], $0x7D0  }
0x1bb: {  	[sflag:s19] =	ssyncset.done $0x0  }
0x1bc: {  	s0 =	sadd.s32 $0x2F80, s17;
	[sflag:s19] =	ssyncadd.s32 $0xFFFFF830  }
0x1bd: {  	[spmem:s2] =	stream.indirect.scatter.add.f32 [tilespmem:s9], [sflag:$0x3], $0x10, s0, s22, $0xb8;
	[tilespmem:$0x11840] =	vst v63  }
0x1be: {  	_ =	swait.ge [sflag:s19], $0x7D0  }
0x1bf: {  	[sflag:s19] =	ssyncset.done $0x0  }
0x1c0: {  	s0 =	sadd.s32 $0x3000, s17;
	[sflag:s19] =	ssyncadd.s32 $0xFFFFF830  }
0x1c1: {  	[spmem:s2] =	stream.indirect.scatter.add.f32 [tilespmem:s10], [sflag:$0x3], $0x10, s0, s22, $0xb8;
	[tilespmem:$0x11840] =	vst v63  }
0x1c2: {  	_ =	swait.ge [sflag:s19], $0x7D0  }
0x1c3: {  	[sflag:s19] =	ssyncset.done $0x0  }
0x1c4: {  	s0 =	sadd.s32 $0x3080, s17;
	[sflag:s19] =	ssyncadd.s32 $0xFFFFF830  }
0x1c5: {  	[spmem:s2] =	stream.indirect.scatter.add.f32 [tilespmem:s11], [sflag:$0x3], $0x10, s0, s22, $0xb8;
	[tilespmem:$0x11840] =	vst v63  }
0x1c6: {  	_ =	swait.ge [sflag:s19], $0x7D0  }
0x1c7: {  	[sflag:s19] =	ssyncset.done $0x0  }
0x1c8: {  	s0 =	sadd.s32 $0x3100, s17;
	[sflag:s19] =	ssyncadd.s32 $0xFFFFF830  }
0x1c9: {  	[spmem:s2] =	stream.indirect.scatter.add.f32 [tilespmem:s12], [sflag:$0x3], $0x10, s0, s22, $0xb8;
	[tilespmem:$0x11840] =	vst v63  }
0x1ca: {  	_ =	swait.ge [sflag:s19], $0x7D0  }
.Ltmp1:
0x1cb: {  	[sflag:s19] =	ssyncset.done $0x0;
	(pc) =	sbr.rel @p0 .LBB2_4-.Ltmp1, $4  }
0x1cc: {  	s0 =	sadd.s32 $0x3180, s17;
	[sflag:s19] =	ssyncadd.s32 $0xFFFFF830  }
0x1cd: {  	[spmem:s2] =	stream.indirect.scatter.add.f32 [tilespmem:s13], [sflag:$0x3], $0x10, s0, s22, $0xb8;
	[tilespmem:$0x11840] =	vst v63  }
0x1ce: {  	_ =	swait.ge [sflag:s19], $0x7D0  }
0x1cf: {  	s17 =	sshra.s32 s18, $0x2;
	[sflag:s19] =	ssyncset.done $0x0  }
0x1d0: {  	s0 =	sadd.s32 $0x500, s17;
	[sflag:s19] =	ssyncadd.s32 $0xFFFFF830  }
0x1d1: {  	[tilespmem:s1], [sflag:$0x2] =	stream.indirect.gather [hbm4b:s4+s22], $0x10, s0, s22, $0xb8;
	[tilespmem:$0x11840] =	vst v63  }
0x1d2: {  	s21 =	sadd.s32 $0x580, s17  }
0x1d3: {  	[tilespmem:s3], [sflag:$0x2] =	stream.indirect.gather [hbm4b:s4+s22], $0x10, s21, s22, $0xb8;
	[tilespmem:$0x11840] =	vst v63  }
0x1d4: {  	s7 =	sadd.s32 $0x600, s17  }
0x1d5: {  	[tilespmem:s5], [sflag:$0x2] =	stream.indirect.gather [hbm4b:s4+s22], $0x10, s7, s22, $0xb8;
	[tilespmem:$0x11840] =	vst v63  }
0x1d6: {  	s16 =	sadd.s32 $0x680, s17  }
0x1d7: {  	[tilespmem:s6], [sflag:$0x2] =	stream.indirect.gather [hbm4b:s4+s22], $0x10, s16, s22, $0xb8;
	[tilespmem:$0x11840] =	vst v63  }
0x1d8: {  	s21 =	sadd.s32 $0x700, s17  }
0x1d9: {  	[tilespmem:s8], [sflag:$0x2] =	stream.indirect.gather [hbm4b:s4+s22], $0x10, s21, s22, $0xb8;
	[tilespmem:$0x11840] =	vst v63  }
0x1da: {  	s7 =	sadd.s32 $0x780, s17  }
0x1db: {  	[tilespmem:s9], [sflag:$0x2] =	stream.indirect.gather [hbm4b:s4+s22], $0x10, s7, s22, $0xb8;
	[tilespmem:$0x11840] =	vst v63  }
0x1dc: {  	s16 =	sadd.s32 $0x800, s17  }
0x1dd: {  	[tilespmem:s10], [sflag:$0x2] =	stream.indirect.gather [hbm4b:s4+s22], $0x10, s16, s22, $0xb8;
	[tilespmem:$0x11840] =	vst v63  }
0x1de: {  	s21 =	sadd.s32 $0x880, s17  }
0x1df: {  	[tilespmem:s11], [sflag:$0x2] =	stream.indirect.gather [hbm4b:s4+s22], $0x10, s21, s22, $0xb8;
	[tilespmem:$0x11840] =	vst v63  }
0x1e0: {  	s7 =	sadd.s32 $0x900, s17  }
0x1e1: {  	[tilespmem:s12], [sflag:$0x2] =	stream.indirect.gather [hbm4b:s4+s22], $0x10, s7, s22, $0xb8;
	[tilespmem:$0x11840] =	vst v63  }
0x1e2: {  	s16 =	sadd.s32 $0x980, s17  }
0x1e3: {  	[tilespmem:s13], [sflag:$0x2] =	stream.indirect.gather [hbm4b:s4+s22], $0x10, s16, s22, $0xb8;
	[tilespmem:$0x11840] =	vst v63  }
0x1e4: {  	_ =	swait.ge [sflag:s14], $0x7D0  }
0x1e5: {  	[sflag:s14] =	ssyncset.done $0x0  }
0x1e6: {  	[sflag:s14] =	ssyncadd.s32 $0xFFFFF830  }
0x1e7: {  	_ =	swait.ge [sflag:s14], $0x7D0  }
0x1e8: {  	[sflag:s14] =	ssyncset.done $0x0  }
0x1e9: {  	[sflag:s14] =	ssyncadd.s32 $0xFFFFF830  }
0x1ea: {  	_ =	swait.ge [sflag:s14], $0x7D0  }
0x1eb: {  	[sflag:s14] =	ssyncset.done $0x0  }
0x1ec: {  	[sflag:s14] =	ssyncadd.s32 $0xFFFFF830  }
0x1ed: {  	_ =	swait.ge [sflag:s14], $0x7D0  }
0x1ee: {  	[sflag:s14] =	ssyncset.done $0x0  }
0x1ef: {  	[sflag:s14] =	ssyncadd.s32 $0xFFFFF830  }
0x1f0: {  	_ =	swait.ge [sflag:s14], $0x7D0  }
0x1f1: {  	[sflag:s14] =	ssyncset.done $0x0  }
0x1f2: {  	[sflag:s14] =	ssyncadd.s32 $0xFFFFF830  }
0x1f3: {  	_ =	swait.ge [sflag:s14], $0x7D0  }
0x1f4: {  	[sflag:s14] =	ssyncset.done $0x0  }
0x1f5: {  	[sflag:s14] =	ssyncadd.s32 $0xFFFFF830  }
0x1f6: {  	_ =	swait.ge [sflag:s14], $0x7D0  }
0x1f7: {  	[sflag:s14] =	ssyncset.done $0x0  }
0x1f8: {  	[sflag:s14] =	ssyncadd.s32 $0xFFFFF830  }
0x1f9: {  	_ =	swait.ge [sflag:s14], $0x7D0  }
0x1fa: {  	[sflag:s14] =	ssyncset.done $0x0  }
0x1fb: {  	[sflag:s14] =	ssyncadd.s32 $0xFFFFF830  }
0x1fc: {  	_ =	swait.ge [sflag:s14], $0x7D0  }
0x1fd: {  	[sflag:s14] =	ssyncset.done $0x0  }
0x1fe: {  	[sflag:s14] =	ssyncadd.s32 $0xFFFFF830  }
0x1ff: {  	_ =	swait.ge [sflag:s14], $0x7D0  }
0x200: {  	[sflag:s14] =	ssyncset.done $0x0  }
0x201: {  	s21 =	sadd.s32 $0x2800, s17;
	[sflag:s14] =	ssyncadd.s32 $0xFFFFF830  }
0x202: {  	[spmem:s2] =	stream.indirect.scatter.add.f32 [tilespmem:s23], [sflag:$0x3], $0x10, s21, s22, $0xb8;
	[tilespmem:$0x11840] =	vst v63  }
0x203: {  	_ =	swait.ge [sflag:s19], $0x7D0  }
0x204: {  	[sflag:s19] =	ssyncset.done $0x0  }
0x205: {  	s7 =	sadd.s32 $0x2880, s17;
	[sflag:s19] =	ssyncadd.s32 $0xFFFFF830  }
0x206: {  	[spmem:s2] =	stream.indirect.scatter.add.f32 [tilespmem:s24], [sflag:$0x3], $0x10, s7, s22, $0xb8;
	[tilespmem:$0x11840] =	vst v63  }
0x207: {  	_ =	swait.ge [sflag:s19], $0x7D0  }
0x208: {  	[sflag:s19] =	ssyncset.done $0x0  }
0x209: {  	s16 =	sadd.s32 $0x2900, s17;
	[sflag:s19] =	ssyncadd.s32 $0xFFFFF830  }
0x20a: {  	[spmem:s2] =	stream.indirect.scatter.add.f32 [tilespmem:s25], [sflag:$0x3], $0x10, s16, s22, $0xb8;
	[tilespmem:$0x11840] =	vst v63  }
0x20b: {  	_ =	swait.ge [sflag:s19], $0x7D0  }
0x20c: {  	[sflag:s19] =	ssyncset.done $0x0  }
0x20d: {  	s21 =	sadd.s32 $0x2980, s17;
	[sflag:s19] =	ssyncadd.s32 $0xFFFFF830  }
0x20e: {  	[spmem:s2] =	stream.indirect.scatter.add.f32 [tilespmem:s28], [sflag:$0x3], $0x10, s21, s22, $0xb8;
	[tilespmem:$0x11840] =	vst v63  }
0x20f: {  	_ =	swait.ge [sflag:s19], $0x7D0  }
0x210: {  	[sflag:s19] =	ssyncset.done $0x0  }
0x211: {  	s7 =	sadd.s32 $0x2A00, s17;
	[sflag:s19] =	ssyncadd.s32 $0xFFFFF830  }
0x212: {  	[spmem:s2] =	stream.indirect.scatter.add.f32 [tilespmem:s30], [sflag:$0x3], $0x10, s7, s22, $0xb8;
	[tilespmem:$0x11840] =	vst v63  }
0x213: {  	_ =	swait.ge [sflag:s19], $0x7D0  }
0x214: {  	[sflag:s19] =	ssyncset.done $0x0  }
0x215: {  	s16 =	sadd.s32 $0x2A80, s17;
	[sflag:s19] =	ssyncadd.s32 $0xFFFFF830  }
0x216: {  	[spmem:s2] =	stream.indirect.scatter.add.f32 [tilespmem:s29], [sflag:$0x3], $0x10, s16, s22, $0xb8;
	[tilespmem:$0x11840] =	vst v63  }
0x217: {  	_ =	swait.ge [sflag:s19], $0x7D0  }
0x218: {  	[sflag:s19] =	ssyncset.done $0x0  }
0x219: {  	s21 =	sadd.s32 $0x2B00, s17;
	[sflag:s19] =	ssyncadd.s32 $0xFFFFF830  }
0x21a: {  	[spmem:s2] =	stream.indirect.scatter.add.f32 [tilespmem:s20], [sflag:$0x3], $0x10, s21, s22, $0xb8;
	[tilespmem:$0x11840] =	vst v63  }
0x21b: {  	_ =	swait.ge [sflag:s19], $0x7D0  }
0x21c: {  	[sflag:s19] =	ssyncset.done $0x0  }
0x21d: {  	s7 =	sadd.s32 $0x2B80, s17;
	[sflag:s19] =	ssyncadd.s32 $0xFFFFF830  }
0x21e: {  	[spmem:s2] =	stream.indirect.scatter.add.f32 [tilespmem:s31], [sflag:$0x3], $0x10, s7, s22, $0xb8;
	[tilespmem:$0x11840] =	vst v63  }
0x21f: {  	_ =	swait.ge [sflag:s19], $0x7D0  }
0x220: {  	[sflag:s19] =	ssyncset.done $0x0  }
0x221: {  	s16 =	sadd.s32 $0x2C00, s17;
	[sflag:s19] =	ssyncadd.s32 $0xFFFFF830  }
0x222: {  	[spmem:s2] =	stream.indirect.scatter.add.f32 [tilespmem:s26], [sflag:$0x3], $0x10, s16, s22, $0xb8;
	[tilespmem:$0x11840] =	vst v63  }
0x223: {  	_ =	swait.ge [sflag:s19], $0x7D0  }
0x224: {  	[sflag:s19] =	ssyncset.done $0x0  }
0x225: {  	s20 =	sadd.s32 $0x2C80, s17;
	s7 =	simm.s32 $0x9650;
	[sflag:s19] =	ssyncadd.s32 $0xFFFFF830  }
0x226: {  	[spmem:s2] =	stream.indirect.scatter.add.f32 [tilespmem:s7], [sflag:$0x3], $0x10, s20, s22, $0xb8;
	[tilespmem:$0x11840] =	vst v63  }
0x227: {  	p0 =	seq.s32 s18, $0x7800;
	_ =	swait.ge [sflag:s19], $0x7D0  }
0x228: {  	s0 =	sshra.s32 @!p0 s18, $0x2;
	s18 =	simm.s32 @!p0 $0x7D;
	[sflag:s19] =	ssyncset.done $0x0  }
0x229: {  	s16 =	sadd.s32 @!p0 $0xA00, s0;
	s7 =	simm.s32 @!p0 $0x5000;
	[sflag:s19] =	ssyncadd.s32 $0xFFFFF830  }
0x22a: {  	[tilespmem:s7], [sflag:$0x1] =	stream.indirect.gather @!p0 [hbm4b:s4+s18], $0x10, s16, s18, $0xb8;
	[tilespmem:$0x11840] =	vst v63  }
0x22b: {  	s7 =	sadd.s32 @!p0 $0xA80, s0;
	s16 =	simm.s32 @!p0 $0x57D0  }
0x22c: {  	[tilespmem:s16], [sflag:$0x1] =	stream.indirect.gather @!p0 [hbm4b:s4+s18], $0x10, s7, s18, $0xb8;
	[tilespmem:$0x11840] =	vst v63  }
0x22d: {  	s7 =	sadd.s32 @!p0 $0xB00, s0;
	s16 =	simm.s32 @!p0 $0x5FA0  }
0x22e: {  	[tilespmem:s16], [sflag:$0x1] =	stream.indirect.gather @!p0 [hbm4b:s4+s18], $0x10, s7, s18, $0xb8;
	[tilespmem:$0x11840] =	vst v63  }
0x22f: {  	s7 =	sadd.s32 @!p0 $0xB80, s0;
	s16 =	simm.s32 @!p0 $0x6770  }
0x230: {  	[tilespmem:s16], [sflag:$0x1] =	stream.indirect.gather @!p0 [hbm4b:s4+s18], $0x10, s7, s18, $0xb8;
	[tilespmem:$0x11840] =	vst v63  }
0x231: {  	s7 =	sadd.s32 @!p0 $0xC00, s0;
	s16 =	simm.s32 @!p0 $0x6F40  }
0x232: {  	[tilespmem:s16], [sflag:$0x1] =	stream.indirect.gather @!p0 [hbm4b:s4+s18], $0x10, s7, s18, $0xb8;
	[tilespmem:$0x11840] =	vst v63  }
0x233: {  	s7 =	sadd.s32 @!p0 $0xC80, s0;
	s16 =	simm.s32 @!p0 $0x7710  }
0x234: {  	[tilespmem:s16], [sflag:$0x1] =	stream.indirect.gather @!p0 [hbm4b:s4+s18], $0x10, s7, s18, $0xb8;
	[tilespmem:$0x11840] =	vst v63  }
0x235: {  	s7 =	sadd.s32 @!p0 $0xD00, s0;
	s16 =	simm.s32 @!p0 $0x7EE0  }
0x236: {  	[tilespmem:s16], [sflag:$0x1] =	stream.indirect.gather @!p0 [hbm4b:s4+s18], $0x10, s7, s18, $0xb8;
	[tilespmem:$0x11840] =	vst v63  }
0x237: {  	s7 =	sadd.s32 @!p0 $0xD80, s0;
	s16 =	simm.s32 @!p0 $0x86B0  }
0x238: {  	[tilespmem:s16], [sflag:$0x1] =	stream.indirect.gather @!p0 [hbm4b:s4+s18], $0x10, s7, s18, $0xb8;
	[tilespmem:$0x11840] =	vst v63  }
0x239: {  	s7 =	sadd.s32 @!p0 $0xE00, s0;
	s16 =	simm.s32 @!p0 $0x8E80  }
0x23a: {  	[tilespmem:s16], [sflag:$0x1] =	stream.indirect.gather @!p0 [hbm4b:s4+s18], $0x10, s7, s18, $0xb8;
	[tilespmem:$0x11840] =	vst v63  }
0x23b: {  	s0 =	sadd.s32 @!p0 $0xE80, s0;
	s7 =	simm.s32 @!p0 $0x9650  }
0x23c: {  	[tilespmem:s7], [sflag:$0x1] =	stream.indirect.gather @!p0 [hbm4b:s4+s18], $0x10, s0, s18, $0xb8;
	[tilespmem:$0x11840] =	vst v63  }
0x23d: {  	_ =	swait.ge [sflag:s15], $0x7D0  }
0x23e: {  	[sflag:s15] =	ssyncset.done $0x0  }
0x23f: {  	[sflag:s15] =	ssyncadd.s32 $0xFFFFF830  }
0x240: {  	_ =	swait.ge [sflag:s15], $0x7D0  }
0x241: {  	[sflag:s15] =	ssyncset.done $0x0  }
0x242: {  	[sflag:s15] =	ssyncadd.s32 $0xFFFFF830  }
0x243: {  	_ =	swait.ge [sflag:s15], $0x7D0  }
0x244: {  	[sflag:s15] =	ssyncset.done $0x0  }
0x245: {  	[sflag:s15] =	ssyncadd.s32 $0xFFFFF830  }
0x246: {  	_ =	swait.ge [sflag:s15], $0x7D0  }
0x247: {  	[sflag:s15] =	ssyncset.done $0x0  }
0x248: {  	[sflag:s15] =	ssyncadd.s32 $0xFFFFF830  }
0x249: {  	_ =	swait.ge [sflag:s15], $0x7D0  }
0x24a: {  	[sflag:s15] =	ssyncset.done $0x0  }
0x24b: {  	[sflag:s15] =	ssyncadd.s32 $0xFFFFF830  }
0x24c: {  	_ =	swait.ge [sflag:s15], $0x7D0  }
0x24d: {  	[sflag:s15] =	ssyncset.done $0x0  }
0x24e: {  	[sflag:s15] =	ssyncadd.s32 $0xFFFFF830  }
0x24f: {  	_ =	swait.ge [sflag:s15], $0x7D0  }
0x250: {  	[sflag:s15] =	ssyncset.done $0x0  }
0x251: {  	[sflag:s15] =	ssyncadd.s32 $0xFFFFF830  }
0x252: {  	_ =	swait.ge [sflag:s15], $0x7D0  }
0x253: {  	[sflag:s15] =	ssyncset.done $0x0  }
0x254: {  	[sflag:s15] =	ssyncadd.s32 $0xFFFFF830  }
0x255: {  	_ =	swait.ge [sflag:s15], $0x7D0  }
0x256: {  	[sflag:s15] =	ssyncset.done $0x0  }
0x257: {  	[sflag:s15] =	ssyncadd.s32 $0xFFFFF830  }
0x258: {  	_ =	swait.ge [sflag:s15], $0x7D0  }
0x259: {  	[sflag:s15] =	ssyncset.done $0x0  }
0x25a: {  	s21 =	sadd.s32 $0x2D00, s17;
	[sflag:s15] =	ssyncadd.s32 $0xFFFFF830  }
0x25b: {  	[spmem:s2] =	stream.indirect.scatter.add.f32 [tilespmem:s1], [sflag:$0x3], $0x10, s21, s22, $0xb8;
	[tilespmem:$0x11840] =	vst v63  }
0x25c: {  	_ =	swait.ge [sflag:s19], $0x7D0  }
0x25d: {  	[sflag:s19] =	ssyncset.done $0x0  }
0x25e: {  	s26 =	sadd.s32 $0x2D80, s17;
	[sflag:s19] =	ssyncadd.s32 $0xFFFFF830  }
0x25f: {  	[spmem:s2] =	stream.indirect.scatter.add.f32 [tilespmem:s3], [sflag:$0x3], $0x10, s26, s22, $0xb8;
	[tilespmem:$0x11840] =	vst v63  }
0x260: {  	_ =	swait.ge [sflag:s19], $0x7D0  }
0x261: {  	[sflag:s19] =	ssyncset.done $0x0  }
0x262: {  	s7 =	sadd.s32 $0x2E00, s17;
	[sflag:s19] =	ssyncadd.s32 $0xFFFFF830  }
0x263: {  	[spmem:s2] =	stream.indirect.scatter.add.f32 [tilespmem:s5], [sflag:$0x3], $0x10, s7, s22, $0xb8;
	[tilespmem:$0x11840] =	vst v63  }
0x264: {  	_ =	swait.ge [sflag:s19], $0x7D0  }
0x265: {  	[sflag:s19] =	ssyncset.done $0x0  }
0x266: {  	s16 =	sadd.s32 $0x2E80, s17;
	[sflag:s19] =	ssyncadd.s32 $0xFFFFF830  }
0x267: {  	[spmem:s2] =	stream.indirect.scatter.add.f32 [tilespmem:s6], [sflag:$0x3], $0x10, s16, s22, $0xb8;
	[tilespmem:$0x11840] =	vst v63  }
0x268: {  	_ =	swait.ge [sflag:s19], $0x7D0  }
0x269: {  	[sflag:s19] =	ssyncset.done $0x0  }
0x26a: {  	s18 =	sadd.s32 $0x2F00, s17;
	[sflag:s19] =	ssyncadd.s32 $0xFFFFF830  }
0x26b: {  	[spmem:s2] =	stream.indirect.scatter.add.f32 [tilespmem:s8], [sflag:$0x3], $0x10, s18, s22, $0xb8;
	[tilespmem:$0x11840] =	vst v63  }
0x26c: {  	_ =	swait.ge [sflag:s19], $0x7D0  }
0x26d: {  	[sflag:s19] =	ssyncset.done $0x0  }
0x26e: {  	s20 =	sadd.s32 $0x2F80, s17;
	[sflag:s19] =	ssyncadd.s32 $0xFFFFF830  }
0x26f: {  	[spmem:s2] =	stream.indirect.scatter.add.f32 [tilespmem:s9], [sflag:$0x3], $0x10, s20, s22, $0xb8;
	[tilespmem:$0x11840] =	vst v63  }
0x270: {  	_ =	swait.ge [sflag:s19], $0x7D0  }
0x271: {  	[sflag:s19] =	ssyncset.done $0x0  }
0x272: {  	s21 =	sadd.s32 $0x3000, s17;
	[sflag:s19] =	ssyncadd.s32 $0xFFFFF830  }
0x273: {  	[spmem:s2] =	stream.indirect.scatter.add.f32 [tilespmem:s10], [sflag:$0x3], $0x10, s21, s22, $0xb8;
	[tilespmem:$0x11840] =	vst v63  }
0x274: {  	_ =	swait.ge [sflag:s19], $0x7D0  }
0x275: {  	[sflag:s19] =	ssyncset.done $0x0  }
0x276: {  	s26 =	sadd.s32 $0x3080, s17;
	[sflag:s19] =	ssyncadd.s32 $0xFFFFF830  }
0x277: {  	[spmem:s2] =	stream.indirect.scatter.add.f32 [tilespmem:s11], [sflag:$0x3], $0x10, s26, s22, $0xb8;
	[tilespmem:$0x11840] =	vst v63  }
0x278: {  	_ =	swait.ge [sflag:s19], $0x7D0  }
0x279: {  	[sflag:s19] =	ssyncset.done $0x0  }
0x27a: {  	s7 =	sadd.s32 $0x3100, s17;
	[sflag:s19] =	ssyncadd.s32 $0xFFFFF830  }
0x27b: {  	[spmem:s2] =	stream.indirect.scatter.add.f32 [tilespmem:s12], [sflag:$0x3], $0x10, s7, s22, $0xb8;
	[tilespmem:$0x11840] =	vst v63  }
0x27c: {  	_ =	swait.ge [sflag:s19], $0x7D0  }
0x27d: {  	[sflag:s19] =	ssyncset.done $0x0  }
0x27e: {  	s16 =	sadd.s32 $0x3180, s17;
	[sflag:s19] =	ssyncadd.s32 $0xFFFFF830  }
0x27f: {  	[spmem:s2] =	stream.indirect.scatter.add.f32 [tilespmem:s13], [sflag:$0x3], $0x10, s16, s22, $0xb8;
	[tilespmem:$0x11840] =	vst v63  }
0x280: {  	_ =	swait.ge [sflag:s19], $0x7D0  }
0x281: {  	[sflag:s19] =	ssyncset.done $0x0  }
0x282: {  	[sflag:s19] =	ssyncadd.s32 $0xFFFFF830  }
0x283: {  	s17 =	stileid.u32;
	[bflag:$0x0] =	sbarrier.arrive $0xFFFF  }
0x284: {  	s0 =	sshll.u32 s17, $0x6;
	s16 =	rddreg [dreg:$0x5]  }
0x285: {  	s0 =	sor.u32 $0x1C03, s0;
	s20 =	rddreg [dreg:$0xf];
	s18 =	sshrl.u32 s16, $0x3  }
0x286: {  	[hbm:s20], [sflag:s0] =	dma.local [spmem:s18], $0x500  }
0x287: {  	_ =	swait.ge [sflag:s19], $0x500  }
0x288: {  	s21 =	rddreg [dreg:$0x11]  }
0x289: {  	s26 =	rddreg [dreg:$0x10];
	s7 =	sadd.s32 $0x1, s21  }
0x28a: {  	p0 =	sne.s32 s7, s26  }
.Ltmp2:
0x28b: {  	_ = 	snop;
	(pc) =	sbr.rel @p0 .LBB2_1-.Ltmp2, $4  }
0x28c: {  	_ = 	snop  }
0x28d: {  	s29 =	simm.s32 $0x9650  }
0x28e: {  	s18 =	simm.s32 $0x7710;
	s20 =	simm.s32 $0x7EE0;
	[sflag:s19] =	ssyncset.done $0x0  }
0x28f: {  	[sflag:s19] =	ssyncadd.s32 $0xFFFFFB00;
	s21 =	simm.s32 $0x86B0;
	s26 =	simm.s32 $0x8E80  }
0x290: {  	_ =	sfence.sel $0x180000  }
0x291: {  	[bflag:$0x0] =	sbarrier.arrive $0xFFFF  }
0x292: {  	_ =	strace $0x9000004A  }
0x293: {  	s0 =	stileid.u32;
	[bflag:$0x2] =	sbarrier.arrive $0xFFFF  }
0x294: {  	p0 =	sne.s32 s0, $0x0;
	s0 =	rddreg [dreg:$0x2]  }
0x295: {  	s0 =	sadd.s32 @!p0 $0x100000, s0  }
0x296: {  	[sflag:s0] =	ssyncadd.tile.s32 @!p0 $0x1;
	_ =	shalt  }
.Lfunc_end2:
_tile_overlayer_lowered:
.L_overlay_start_2:
0x297: {  	(tag) =	ssettag $0x2  }
0x298: {  	s0 =	rddreg [dreg:$0x0];
	s2 =	stileid.u32  }
0x299: {  	s1 =	rddreg [dreg:$0x1];
	p0 =	sne.s32 s2, $0x0  }
0x29a: {  	s3 =	rddreg [dreg:$0x2];
	[bflag:$0x3] =	sbarrier.arrive $0xFFFF;
	s2 =	simm.s32 @!p0 $0x1C03  }
0x29b: {  	[timem:s3], [sflag:s2] =	dma.local @!p0 [hbm:s0], s1  }
0x29c: {  	s0 =	simm.s32 @!p0 $0x3  }
0x29d: {  	_ =	swait.ge @!p0 [sflag:s0], s1  }
0x29e: {  	s1 =	ssub.s32 @!p0 $0x0, s1;
	[sflag:s0] =	ssyncset.done @!p0 $0x0  }
0x29f: {  	[sflag:s0] =	ssyncadd.s32 @!p0 s1  }
0x2a0: {  	[bflag:$0x3] =	sbarrier.arrive $0xFFFF  }
0x2a1: {  	_ =	shalt  }

// kernel: kernel.7.cloned.1.call-start
scs
__scs_entry_jumppad:
0x0: {  	(pc) =	sbr.rel $0x88, $3  }
0x1: {  	(tag) =	ssettag $0x0;
	lr =	simm.s32 $0x1  }
0x2: {  	[smem:$0x3F99] =	sst lr;
	_ =	strace $0xD0000000  }
0x3: {  	_ = 	snop  }
0x4: {  	_ = 	snop  }
0x5: {  	_ = 	snop  }
0x6: {  	_ = 	snop  }
0x7: {  	_ = 	snop  }
__scs_overlays_trampoline_lowered:
0x8: {  	[smem:$0x3FA8] =	sst s0  }
0x9: {  	[smem:$0x3FA9] =	sst s1  }
0xa: {  	[smem:$0x3FAA] =	sst s2  }
0xb: {  	[smem:$0x3FAB] =	sst s3  }
0xc: {  	[smem:$0x3FAC] =	sst s4  }
0xd: {  	[smem:$0x3FAD] =	sst s5  }
0xe: {  	[smem:$0x3FAE] =	sst s6  }
0xf: {  	[smem:$0x3FAF] =	sst s7  }
0x10: {  	[smem:$0x3FB0] =	sst s8  }
0x11: {  	[smem:$0x3FB1] =	sst s9;
	s0 =	simm.s32 @!p0 $0x0  }
0x12: {  	s1 =	sld [smem:$0x3F97];
	s0 =	simm.s32 @p0 $0x1  }
0x13: {  	[smem:$0x3FB2] =	sst s0;
	s0 =	simm.s32 @!p1 $0x0  }
0x14: {  	s2 =	sld [smem:$0x3F96];
	s0 =	simm.s32 @p1 $0x1  }
0x15: {  	[smem:$0x3FB3] =	sst s0;
	s0 =	simm.s32 @!p2 $0x0  }
0x16: {  	s3 =	sld [smem:$0x3FDB];
	s0 =	simm.s32 @p2 $0x1  }
0x17: {  	s4 =	simm.s32 $0x1BF5;
	[smem:$0x3FB5] =	sst s0  }
0x18: {  	s0 =	sld [smem:$0x3F98];
	_ =	swait.ge [sflag:s4], $0x0  }
0x19: {  	s7 =	sld [smem:$0x3F99]  }
0x1a: {  	s8 =	sadd.s32 $0xFFFFE003, lr  }
0x1b: {  	s9 =	sadd.s32 $0xFFFFFEF7, lr;
	s5 =	simm.s32 $0xFFFFFFFF;
	p2 =	slt.u32 s8, $0xFFFFF086  }
0x1c: {  	p1 =	slt.u32 s9, $0xF7A;
	s5 =	simm.s32 @!p2 $0x0  }
0x1d: {  	s5 =	simm.s32 @p1 $0x1;
	p0 =	seq.s32 s7, s2  }
0x1e: {  	s7 =	smul.u32 @!p0 $0xF7A, s2;
	p2 =	seq.s32 @!p0 s5, $0x0  }
0x1f: {  	s9 =	smul.u32 $0xF7A, s1;
	s8 =	simm.s32 @!p0 $0x1BF5;
	p2 =	por !p2, p0  }
0x20: {  	[sflag:s8] =	ssyncset.s32 @!p0 $0xFFFFF086;
	s6 =	sadd.s32 @!p0 s3, s7;
	s7 =	simm.s32 @!p0 $0x108  }
0x21: {  	s3 =	sadd.s32 s3, s9;
	s6 =	sadd.s32 @!p0 $0x88, s6;
	s7 =	simm.s32 @p2 $0x1082  }
0x22: {  	[simem:s7], [sflag:s8] =	dma.local @!p0 [hbm:s6], $0xF7A  }
0x23: {  	s9 =	sor.u32 $0xD0000000, s2;
	s6 =	simm.s32 $0x108;
	_ =	swait.ge @!p0 [sflag:s8], $0x0  }
0x24: {  	s3 =	sadd.s32 $0x88, s3;
	s6 =	simm.s32 @!p1 $0x1082;
	[sflag:s4] =	ssyncset.s32 $0xFFFFF086  }
0x25: {  	[simem:s6], [sflag:s4] =	dma.local [hbm:s3], $0xF7A  }
0x26: {  	[smem:$0x3F99] =	sst s1;
	(tag) =	ssettag s2;
	_ =	strace s9  }
0x27: {  	s1 =	sld [smem:$0x3FA9]  }
0x28: {  	s2 =	sld [smem:$0x3FAA]  }
0x29: {  	s4 =	sld [smem:$0x3FAC]  }
0x2a: {  	p0 =	seq.s32 s5, $0x0;
	s5 =	sld [smem:$0x3FAD]  }
0x2b: {  	s6 =	sld [smem:$0x3FAE]  }
0x2c: {  	s7 =	sld [smem:$0x3FAF]  }
0x2d: {  	s3 =	simm.s32 $0x108;
	s8 =	sld [smem:$0x3FB0]  }
0x2e: {  	s3 =	simm.s32 @!p0 $0x1082;
	s9 =	sld [smem:$0x3FB1]  }
0x2f: {  	lr =	sadd.s32 s0, s3;
	s0 =	sld [smem:$0x3FA8]  }
0x30: {  	s3 =	sld [smem:$0x3FAB]  }
0x31: {  	[smem:$0x3FB4] =	sst s10  }
0x32: {  	s10 =	sld [smem:$0x3FB2];
	_ =	sdelay $0x3  }
0x33: {  	p0 =	seq.s32 s10, $0x1;
	s10 =	sld [smem:$0x3FB4];
	_ =	sdelay $0x3  }
0x34: {  	[smem:$0x3FB4] =	sst s10  }
0x35: {  	s10 =	sld [smem:$0x3FB3];
	_ =	sdelay $0x3  }
0x36: {  	p1 =	seq.s32 s10, $0x1;
	s10 =	sld [smem:$0x3FB4];
	_ =	sdelay $0x3  }
0x37: {  	[smem:$0x3FB4] =	sst s10  }
0x38: {  	s10 =	sld [smem:$0x3FB5]  }
0x39: {  	_ = 	snop;
	(pc) =	sbr.ind lr, $3  }
0x3a: {  	_ = 	snop  }
0x3b: {  	_ = 	snop  }
0x3c: {  	p2 =	seq.s32 s10, $0x1;
	s10 =	sld [smem:$0x3FB4]  }
0x3d: {  	_ =	shalt  }
0x3e: {  	_ =	shalt  }
0x3f: {  	_ =	shalt  }
0x40: {  	_ =	shalt  }
0x41: {  	_ =	shalt  }
0x42: {  	_ =	shalt  }
0x43: {  	_ =	shalt  }
0x44: {  	_ =	shalt  }
0x45: {  	_ =	shalt  }
0x46: {  	_ =	shalt  }
0x47: {  	_ =	shalt  }
0x48: {  	_ =	shalt  }
0x49: {  	_ =	shalt  }
0x4a: {  	_ =	shalt  }
0x4b: {  	_ =	shalt  }
0x4c: {  	_ =	shalt  }
0x4d: {  	_ =	shalt  }
0x4e: {  	_ =	shalt  }
0x4f: {  	_ =	shalt  }
0x50: {  	_ =	shalt  }
0x51: {  	_ =	shalt  }
0x52: {  	_ =	shalt  }
0x53: {  	_ =	shalt  }
0x54: {  	_ =	shalt  }
0x55: {  	_ =	shalt  }
0x56: {  	_ =	shalt  }
0x57: {  	_ =	shalt  }
0x58: {  	_ =	shalt  }
0x59: {  	_ =	shalt  }
0x5a: {  	_ =	shalt  }
0x5b: {  	_ =	shalt  }
0x5c: {  	_ =	shalt  }
0x5d: {  	_ =	shalt  }
0x5e: {  	_ =	shalt  }
0x5f: {  	_ =	shalt  }
0x60: {  	_ =	shalt  }
0x61: {  	_ =	shalt  }
0x62: {  	_ =	shalt  }
0x63: {  	_ =	shalt  }
0x64: {  	_ =	shalt  }
0x65: {  	_ =	shalt  }
0x66: {  	_ =	shalt  }
0x67: {  	_ =	shalt  }
0x68: {  	_ =	shalt  }
0x69: {  	_ =	shalt  }
0x6a: {  	_ =	shalt  }
0x6b: {  	_ =	shalt  }
0x6c: {  	_ =	shalt  }
0x6d: {  	_ =	shalt  }
0x6e: {  	_ =	shalt  }
0x6f: {  	_ =	shalt  }
0x70: {  	_ =	shalt  }
0x71: {  	_ =	shalt  }
0x72: {  	_ =	shalt  }
0x73: {  	_ =	shalt  }
0x74: {  	_ =	shalt  }
0x75: {  	_ =	shalt  }
0x76: {  	_ =	shalt  }
0x77: {  	_ =	shalt  }
0x78: {  	_ =	shalt  }
0x79: {  	_ =	shalt  }
0x7a: {  	_ =	shalt  }
0x7b: {  	_ =	shalt  }
0x7c: {  	_ =	shalt  }
0x7d: {  	_ =	shalt  }
0x7e: {  	_ =	shalt  }
0x7f: {  	_ =	shalt  }
0x80: {  	_ =	shalt  }
0x81: {  	_ =	shalt  }
0x82: {  	_ =	shalt  }
0x83: {  	_ =	shalt  }
0x84: {  	_ =	shalt  }
0x85: {  	_ =	shalt  }
0x86: {  	_ =	shalt  }
0x87: {  	_ =	shalt  }
.Lfunc_end0:
.L_simem_size_0:
called_computation_lowered:
.L_overlay_start_0:
0x88: {  	s2 =	sld [smem:$0x3FD9]  }
0x89: {  	s3 =	sld [smem:$0x3FFE];
	_ =	sdelay $0x1  }
0x8a: {  	s1 =	srdreg.scid  }
0x8b: {  	s0 =	sand.u32 $0x1, s1  }
0x8c: {  	s16 =	sshll.u32 s0, $0xA;
	s2 =	sadd.s32 s3, s2  }
0x8d: {  	s2 =	sadd.s32 s2, s16  }
0x8e: {  	[smem:$0x3FC0] =	sst s2  }
0x8f: {  	_ = 	snop  }
0x90: {  	(tm) =	ssettm $0x1  }
0x91: {  	s17 =	sld [smem:$0x3FFB];
	_ =	sdelay $0x3  }
0x92: {  	_ =	strace s17  }
0x93: {  	s2 =	sld [smem:$0x3FFC];
	_ =	sdelay $0x3  }
0x94: {  	_ =	strace s2  }
0x95: {  	s2 =	sld [smem:$0x3FFD];
	_ =	sdelay $0x3  }
0x96: {  	_ =	strace s2  }
0x97: {  	_ =	strace $0x8FFFFFFF  }
0x98: {  	s18 =	sld [smem:$0x3FDB];
	_ =	sdelay $0x1  }
0x99: {  	s19 =	simm.s32 $_scs_section_size  }
0x9a: {  	s4 =	simm.s32 $_size__tile_overlayer_lowered;
	s5 =	simm.s32 $_tile_overlayer_lowered  }
0x9b: {  	s22 =	simm.s32 $0x1BFF;
	s21 =	sshll.u32 s5, $0x1;
	s2 =	sadd.s32 s19, s18  }
0x9c: {  	s6 =	simm.s32 $0x0;
	s20 =	sshll.u32 s4, $0x1;
	s4 =	sadd.s32 s21, s2  }
0x9d: {  	[timem:s6], [sflag:s22] =	dma.local [hbm:s4], s20  }
0x9e: {  	_ =	swait.ge [sflag:s22], s20  }
0x9f: {  	s3 =	ssub.s32 $0x0, s20;
	[sflag:s22] =	ssyncset.done $0x0  }
0xa0: {  	[sflag:s22] =	ssyncadd.s32 s3;
	_ =	sdelay $0x1  }
0xa1: {  	s23 =	simm.s32 $0x1B8B  }
0xa2: {  	_ =	swait.ge [sflag:s23], $0x1  }
0xa3: {  	[sflag:s23] =	ssyncset.done $0x0  }
0xa4: {  	s25 =	simm.s32 $0x1B8E;
	s24 =	sld [smem:$0x3FFE];
	[sflag:s23] =	ssyncadd.s32 $0xFFFFFFFF  }
0xa5: {  	s26 =	simm.s32 $execute0_lowered;
	[smem:$0x3FD2] =	sst s25  }
0xa6: {  	s4 =	sshll.u32 s26, $0x1;
	_ =	strace $0x80000046;
	[dreg:$0x1] =	wrdreg $0xFFFFFFFF  }
0xa7: {  	s28 =	simm.s32 $_size_execute0_lowered;
	s2 =	sadd.s32 s2, s4;
	[dreg:$0x0] =	wrdreg $0x0  }
0xa8: {  	s4 =	sshll.u32 s28, $0x1;
	[dreg:$0x2] =	wrdreg s2  }
0xa9: {  	[dreg:$0x3] =	wrdreg s4  }
0xaa: {  	[dreg:$0x4] =	wrdreg $0xC0  }
0xab: {  	_ =	task [dreg:s6], $0x5FFFF  }
0xac: {  	[dreg:$0x1] =	wrdreg $0xFFFFFFFF  }
0xad: {  	[dreg:$0x0] =	wrdreg $0x60  }
0xae: {  	[dreg:$0x2] =	wrdreg s24  }
0xaf: {  	[dreg:$0x3] =	wrdreg $0x15A800  }
0xb0: {  	[dreg:$0x4] =	wrdreg $0x1FA800  }
0xb1: {  	[dreg:$0x5] =	wrdreg $0x9  }
0xb2: {  	_ =	task.clear_ibuf [dreg:s6], $0x6FFFF;
	_ =	strace $0x90000046  }
0xb3: {  	s29 =	simm.s32 $0x9;
	_ =	strace $0x80000048  }
0xb4: {  	_ =	swait.ge [sflag:s29], $0x1  }
0xb5: {  	[sflag:s29] =	ssyncadd.s32 $0xFFFFFFFF  }
0xb6: {  	_ =	strace $0x90000048  }
0xb7: {  	_ =	sfence  }
0xb8: {  	s30 =	sld [smem:$0x0];
	_ =	sdelay $0x2  }
0xb9: {  	s31 =	sshll.u32 s1, $0xD;
	s1 =	sshrl.u32 s1, $0x2  }
0xba: {  	s3 =	sand.u32 $0x4000, s31;
	s1 =	sadd.s32 s1, s30  }
0xbb: {  	s0 =	sor.u32 s3, s0;
	s1 =	sshll.u32 s1, $0x11  }
0xbc: {  	s0 =	sor.u32 s1, s0  }
0xbd: {  	s0 =	sadd.s32 $0x8F2B, s0  }
0xbe: {  	[sflag:s0] =	ssyncadd.remote.s32 $0x1  }
0xbf: {  	_ =	sfence.sel $0xFFFF  }
0xc0: {  	[dreg:$0x0] =	wrdreg $0xFFFFFFFF;
	(pc) =	sbr.abs _section_cstart, $3  }
0xc1: {  	[dreg:$0x1] =	wrdreg $0xFFFFFFFF  }
0xc2: {  	_ =	task.clear_ibuf [dreg:s6], $0x2FFFF;
	_ =	strace $0x9FFFFFFF  }
0xc3: {  	(tm) =	ssettm $0x7FFFFFFF  }
tec
execute0_lowered:
.L_overlay_start_1:
0x0: {  	(tag) =	ssettag $0x1  }
0x1: {  	s0 =	rddreg [dreg:$0x0]  }
0x2: {  	s1 =	rddreg [dreg:$0x1]  }
0x3: {  	s2 =	rddreg [dreg:$0x2]  }
0x4: {  	s3 =	srdreg.scid;
	s20 =	stileid.u32  }
0x5: {  	s5 =	simm.s32 $0x0;
	s3 =	sand.u32 $0x1, s3;
	s4 =	smul.u32 $0xA000, s20  }
0x6: {  	[smem:$0x7FF] =	sst s5;
	s5 =	sadd.s32 $0x15800, s0;
	p0 =	sne.s32 s20, $0x0  }
0x7: {  	s17 =	sshll.u32 s3, $0x4;
	s6 =	smul.u32 $0xA0000, s3;
	_ =	strace $0x80000047  }
0x8: {  	s8 =	smul.u32 $0x500, s3;
	s3 =	ssub.s32 $0x2, s3;
	s7 =	sor.u32 s20, s17  }
0x9: {  	s9 =	sshrl.u32 s3, $0x1;
	s7 =	smul.u32 $0x500, s7;
	s6 =	sadd.s32 s4, s6  }
0xa: {  	s3 =	ssub.s32 s3, s9;
	s9 =	smul.u32 $0x280, s20;
	s6 =	sshrl.u32 s6, $0x3  }
0xb: {  	s31 =	smax.u32 s3, $0x1;
	s3 =	simm.s32 $0x14A00;
	s7 =	sadd.s32 s7, s0  }
0xc: {  	s6 =	sadd.s32 s6, s0;
	s0 =	sadd.s32 s8, s0;
	s8 =	sadd.s32 s4, s1  }
0xd: {  	s4 =	sor.u32 $0x40, s9;
	s10 =	sadd.s32 $0xC0, s9;
	s22 =	sadd.s32 $0x100, s9  }
0xe: {  	s25 =	sadd.s32 $0x1C0, s9;
	s18 =	sadd.s32 $0xB800, s7;
	s7 =	sadd.s32 $0x1800, s7  }
0xf: {  	s11 =	sshll.u32 s4, $0x6;
	s13 =	sshll.u32 s10, $0x6;
	s14 =	sshll.u32 s22, $0x6  }
0x10: {  	s17 =	sshll.u32 s25, $0x6;
	s4 =	sadd.s32 s4, s2;
	[dreg:$0x4] =	wrdreg s18  }
0x11: {  	s22 =	sadd.s32 s22, s2;
	s25 =	sadd.s32 s25, s2;
	[dreg:$0x5] =	wrdreg s7  }
0x12: {  	s29 =	sadd.s32 $0x29C00, s6;
	s30 =	sadd.s32 $0x29200, s0;
	[dreg:$0x10] =	wrdreg s4  }
0x13: {  	s0 =	simm.s32 $0x3;
	s6 =	simm.s32 $0x5000;
	[dreg:$0x13] =	wrdreg s22  }
0x14: {  	s7 =	sadd.s32 $0x80, s9;
	s11 =	sadd.s32 s11, s1;
	[dreg:$0x16] =	wrdreg s25  }
0x15: {  	s21 =	sadd.s32 s13, s1;
	s13 =	sadd.s32 $0x180, s9;
	[dreg:$0x6] =	wrdreg s11  }
0x16: {  	s14 =	sadd.s32 s14, s1;
	s17 =	sadd.s32 s17, s1;
	[dreg:$0x8] =	wrdreg s21  }
0x17: {  	s4 =	simm.s32 $0x7D;
	s12 =	sshll.u32 s7, $0x6;
	[dreg:$0x9] =	wrdreg s14  }
0x18: {  	s16 =	sshll.u32 s13, $0x6;
	[dreg:$0xc] =	wrdreg s17;
	s21 =	sadd.s32 s10, s2  }
0x19: {  	s10 =	simm.s32 $0xADC0;
	s11 =	simm.s32 $0xCD00;
	s14 =	simm.s32 $0x12AC0  }
0x1a: {  	s17 =	simm.s32 $0x2;
	s19 =	sadd.s32 s12, s1;
	[dreg:$0x12] =	wrdreg s21  }
0x1b: {  	s12 =	sadd.s32 $0x140, s9;
	s24 =	sadd.s32 s16, s1;
	[dreg:$0x7] =	wrdreg s19  }
0x1c: {  	s16 =	sadd.s32 $0x240, s9;
	s15 =	sshll.u32 s12, $0x6;
	[dreg:$0xb] =	wrdreg s24  }
0x1d: {  	s19 =	sshll.u32 s16, $0x6;
	s24 =	sadd.s32 s13, s2;
	s28 =	sadd.s32 s16, s2  }
0x1e: {  	s13 =	simm.s32 $0x10B80;
	s23 =	sadd.s32 s15, s1;
	[dreg:$0x15] =	wrdreg s24  }
0x1f: {  	s15 =	sadd.s32 $0x200, s9;
	s9 =	sadd.s32 s9, s2;
	[dreg:$0xa] =	wrdreg s23  }
0x20: {  	s18 =	sshll.u32 s15, $0x6;
	[dreg:$0xf] =	wrdreg s9;
	s23 =	sadd.s32 s12, s2  }
0x21: {  	s16 =	simm.s32 $0x15A00;
	s26 =	sadd.s32 s18, s1;
	[dreg:$0x14] =	wrdreg s23  }
0x22: {  	s9 =	simm.s32 $0x8E80;
	s18 =	sadd.s32 s19, s1;
	[dreg:$0xd] =	wrdreg s26  }
0x23: {  	s12 =	simm.s32 $0xEC40;
	s19 =	sadd.s32 s7, s2;
	[dreg:$0xe] =	wrdreg s18  }
0x24: {  	s7 =	simm.s32 $0x6F40;
	[dreg:$0x11] =	wrdreg s19;
	s26 =	sadd.s32 s15, s2  }
0x25: {  	v0 =	vimm.f32 $0.0e+00;
	v1 =	vimm.f32 $1.000000000e+00;
	s15 =	simm.s32 $0x1;
	s18 =	simm.s32 $0x0;
	[dreg:$0x17] =	wrdreg s26  }
.LBB2_1:
0x26: {  	s19 =	simm.s32 $0x0;
	s20 =	rddreg [dreg:$0x4]  }
0x27: {  	[tilespmem:s19], [sflag:$0x3] =	stream.linear.gather [hbm4b:s20+s19], $0x2800, $0x38;
	[tilespmem:$0x1FD00] =	vst v63  }
0x28: {  	_ =	swait.ge [sflag:s0], $0x2800  }
0x29: {  	[sflag:s0] =	ssyncset.done $0x0  }
0x2a: {  	s21 =	simm.s32 $0x2800;
	s26 =	rddreg [dreg:$0x5];
	[sflag:s0] =	ssyncadd.s32 $0xFFFFD800  }
0x2b: {  	[tilespmem:s21], [sflag:$0x3] =	stream.linear.gather [hbm4b:s26+s19], $0x2800, $0x38;
	[tilespmem:$0x1FD00] =	vst v63  }
0x2c: {  	_ =	swait.ge [sflag:s0], $0x2800  }
0x2d: {  	[sflag:s0] =	ssyncset.done $0x0  }
0x2e: {  	s20 =	simm.s32 $0x100;
	s19 =	simm.s32 $0x0;
	[sflag:s0] =	ssyncadd.s32 $0xFFFFD800  }
.LBB2_2:
0x2f: {  	p1 =	sne.s32 s20, $0x3F00;
	[tilespmem:s19+$0x14A30] =	vst v0;
	s21 =	smov.u32 s20;
	s20 =	sadd.s32 $0x100, s20  }
.Ltmp0:
0x30: {  	[tilespmem:s19+$0x14A20] =	vst v0;
	(pc) =	sbr.rel @p1 .LBB2_2-.Ltmp0, $3  }
0x31: {  	[tilespmem:s19+$0x14A00] =	vst v0  }
0x32: {  	[tilespmem:s19+$0x14A10] =	vst v0;
	_ =	sdelay $0x1  }
0x33: {  	s19 =	sshra.s32 s21, $0x2  }
0x34: {  	[tilespmem:s19+$0x14A30] =	vst v0  }
0x35: {  	[tilespmem:s19+$0x14A20] =	vst v0  }
0x36: {  	[tilespmem:s19+$0x14A00] =	vst v0  }
0x37: {  	[tilespmem:s19+$0x14A10] =	vst v0  }
0x38: {  	[spmem:s8] =	stream.linear.scatter [tilespmem:s3], [sflag:$0x3], $0x1000, $0x38;
	[tilespmem:$0x1FD00] =	vst v63  }
0x39: {  	_ =	swait.ge [sflag:s0], $0x1000  }
0x3a: {  	[sflag:s0] =	ssyncset.done $0x0  }
0x3b: {  	s21 =	rddreg [dreg:$0x6];
	[sflag:s0] =	ssyncadd.s32 $0xFFFFF000  }
0x3c: {  	[spmem:s21] =	stream.linear.scatter [tilespmem:s3], [sflag:$0x3], $0x1000, $0x38;
	[tilespmem:$0x1FD00] =	vst v63  }
0x3d: {  	_ =	swait.ge [sflag:s0], $0x1000  }
0x3e: {  	[sflag:s0] =	ssyncset.done $0x0  }
0x3f: {  	s22 =	rddreg [dreg:$0x7];
	[sflag:s0] =	ssyncadd.s32 $0xFFFFF000  }
0x40: {  	[spmem:s22] =	stream.linear.scatter [tilespmem:s3], [sflag:$0x3], $0x1000, $0x38;
	[tilespmem:$0x1FD00] =	vst v63  }
0x41: {  	_ =	swait.ge [sflag:s0], $0x1000  }
0x42: {  	[sflag:s0] =	ssyncset.done $0x0  }
0x43: {  	s23 =	rddreg [dreg:$0x8];
	[sflag:s0] =	ssyncadd.s32 $0xFFFFF000  }
0x44: {  	[spmem:s23] =	stream.linear.scatter [tilespmem:s3], [sflag:$0x3], $0x1000, $0x38;
	[tilespmem:$0x1FD00] =	vst v63  }
0x45: {  	_ =	swait.ge [sflag:s0], $0x1000  }
0x46: {  	[sflag:s0] =	ssyncset.done $0x0  }
0x47: {  	s24 =	rddreg [dreg:$0x9];
	[sflag:s0] =	ssyncadd.s32 $0xFFFFF000  }
0x48: {  	[spmem:s24] =	stream.linear.scatter [tilespmem:s3], [sflag:$0x3], $0x1000, $0x38;
	[tilespmem:$0x1FD00] =	vst v63  }
0x49: {  	_ =	swait.ge [sflag:s0], $0x1000  }
0x4a: {  	[sflag:s0] =	ssyncset.done $0x0  }
0x4b: {  	s25 =	rddreg [dreg:$0xa];
	[sflag:s0] =	ssyncadd.s32 $0xFFFFF000  }
0x4c: {  	[spmem:s25] =	stream.linear.scatter [tilespmem:s3], [sflag:$0x3], $0x1000, $0x38;
	[tilespmem:$0x1FD00] =	vst v63  }
0x4d: {  	_ =	swait.ge [sflag:s0], $0x1000  }
0x4e: {  	[sflag:s0] =	ssyncset.done $0x0  }
0x4f: {  	s26 =	rddreg [dreg:$0xb];
	[sflag:s0] =	ssyncadd.s32 $0xFFFFF000  }
0x50: {  	[spmem:s26] =	stream.linear.scatter [tilespmem:s3], [sflag:$0x3], $0x1000, $0x38;
	[tilespmem:$0x1FD00] =	vst v63  }
0x51: {  	_ =	swait.ge [sflag:s0], $0x1000  }
0x52: {  	[sflag:s0] =	ssyncset.done $0x0  }
0x53: {  	s20 =	rddreg [dreg:$0xc];
	[sflag:s0] =	ssyncadd.s32 $0xFFFFF000  }
0x54: {  	[spmem:s20] =	stream.linear.scatter [tilespmem:s3], [sflag:$0x3], $0x1000, $0x38;
	[tilespmem:$0x1FD00] =	vst v63  }
0x55: {  	_ =	swait.ge [sflag:s0], $0x1000  }
0x56: {  	[sflag:s0] =	ssyncset.done $0x0  }
0x57: {  	s21 =	rddreg [dreg:$0xd];
	[sflag:s0] =	ssyncadd.s32 $0xFFFFF000  }
0x58: {  	[spmem:s21] =	stream.linear.scatter [tilespmem:s3], [sflag:$0x3], $0x1000, $0x38;
	[tilespmem:$0x1FD00] =	vst v63  }
0x59: {  	_ =	swait.ge [sflag:s0], $0x1000  }
0x5a: {  	[sflag:s0] =	ssyncset.done $0x0  }
0x5b: {  	s22 =	rddreg [dreg:$0xe];
	[sflag:s0] =	ssyncadd.s32 $0xFFFFF000  }
0x5c: {  	[spmem:s22] =	stream.linear.scatter [tilespmem:s3], [sflag:$0x3], $0x1000, $0x38;
	[tilespmem:$0x1FD00] =	vst v63  }
0x5d: {  	_ =	swait.ge [sflag:s0], $0x1000  }
0x5e: {  	[sflag:s0] =	ssyncset.done $0x0  }
0x5f: {  	[sflag:s0] =	ssyncadd.s32 $0xFFFFF000  }
0x60: {  	[tilespmem:$0x15A00] =	vst v1  }
0x61: {  	[tilespmem:$0x15A10] =	vst v1  }
0x62: {  	[tilespmem:$0x15A20] =	vst v1  }
0x63: {  	[tilespmem:$0x15A30] =	vst v1  }
0x64: {  	[tilespmem:$0x15A40] =	vst v1  }
0x65: {  	[tilespmem:$0x15A50] =	vst v1  }
0x66: {  	[tilespmem:$0x15A60] =	vst v1  }
0x67: {  	s23 =	rddreg [dreg:$0xf];
	[tilespmem:$0x15A6D] =	vst v1  }
0x68: {  	[spmem:s23] =	stream.linear.scatter [tilespmem:s3], [sflag:$0x3], $0x40, $0x38;
	[tilespmem:$0x1FD00] =	vst v63  }
0x69: {  	_ =	swait.ge [sflag:s0], $0x40  }
0x6a: {  	[sflag:s0] =	ssyncset.done $0x0  }
0x6b: {  	s24 =	rddreg [dreg:$0x10];
	[sflag:s0] =	ssyncadd.s32 $0xFFFFFFC0  }
0x6c: {  	[spmem:s24] =	stream.linear.scatter [tilespmem:s3], [sflag:$0x3], $0x40, $0x38;
	[tilespmem:$0x1FD00] =	vst v63  }
0x6d: {  	_ =	swait.ge [sflag:s0], $0x40  }
0x6e: {  	[sflag:s0] =	ssyncset.done $0x0  }
0x6f: {  	s25 =	rddreg [dreg:$0x11];
	[sflag:s0] =	ssyncadd.s32 $0xFFFFFFC0  }
0x70: {  	[spmem:s25] =	stream.linear.scatter [tilespmem:s3], [sflag:$0x3], $0x40, $0x38;
	[tilespmem:$0x1FD00] =	vst v63  }
0x71: {  	_ =	swait.ge [sflag:s0], $0x40  }
0x72: {  	[sflag:s0] =	ssyncset.done $0x0  }
0x73: {  	s26 =	rddreg [dreg:$0x12];
	[sflag:s0] =	ssyncadd.s32 $0xFFFFFFC0  }
0x74: {  	[spmem:s26] =	stream.linear.scatter [tilespmem:s3], [sflag:$0x3], $0x40, $0x38;
	[tilespmem:$0x1FD00] =	vst v63  }
0x75: {  	_ =	swait.ge [sflag:s0], $0x40  }
0x76: {  	[sflag:s0] =	ssyncset.done $0x0  }
0x77: {  	s20 =	rddreg [dreg:$0x13];
	[sflag:s0] =	ssyncadd.s32 $0xFFFFFFC0  }
0x78: {  	[spmem:s20] =	stream.linear.scatter [tilespmem:s3], [sflag:$0x3], $0x40, $0x38;
	[tilespmem:$0x1FD00] =	vst v63  }
0x79: {  	_ =	swait.ge [sflag:s0], $0x40  }
0x7a: {  	[sflag:s0] =	ssyncset.done $0x0  }
0x7b: {  	s21 =	rddreg [dreg:$0x14];
	[sflag:s0] =	ssyncadd.s32 $0xFFFFFFC0  }
0x7c: {  	[spmem:s21] =	stream.linear.scatter [tilespmem:s3], [sflag:$0x3], $0x40, $0x38;
	[tilespmem:$0x1FD00] =	vst v63  }
0x7d: {  	_ =	swait.ge [sflag:s0], $0x40  }
0x7e: {  	[sflag:s0] =	ssyncset.done $0x0  }
0x7f: {  	s22 =	rddreg [dreg:$0x15];
	[sflag:s0] =	ssyncadd.s32 $0xFFFFFFC0  }
0x80: {  	[spmem:s22] =	stream.linear.scatter [tilespmem:s3], [sflag:$0x3], $0x40, $0x38;
	[tilespmem:$0x1FD00] =	vst v63  }
0x81: {  	_ =	swait.ge [sflag:s0], $0x40  }
0x82: {  	[sflag:s0] =	ssyncset.done $0x0  }
0x83: {  	s23 =	rddreg [dreg:$0x16];
	[sflag:s0] =	ssyncadd.s32 $0xFFFFFFC0  }
0x84: {  	[spmem:s23] =	stream.linear.scatter [tilespmem:s3], [sflag:$0x3], $0x40, $0x38;
	[tilespmem:$0x1FD00] =	vst v63  }
0x85: {  	_ =	swait.ge [sflag:s0], $0x40  }
0x86: {  	[sflag:s0] =	ssyncset.done $0x0  }
0x87: {  	s24 =	rddreg [dreg:$0x17];
	[sflag:s0] =	ssyncadd.s32 $0xFFFFFFC0  }
0x88: {  	[spmem:s24] =	stream.linear.scatter [tilespmem:s3], [sflag:$0x3], $0x40, $0x38;
	[tilespmem:$0x1FD00] =	vst v63  }
0x89: {  	_ =	swait.ge [sflag:s0], $0x40  }
0x8a: {  	[sflag:s0] =	ssyncset.done $0x0  }
0x8b: {  	[sflag:s0] =	ssyncadd.s32 $0xFFFFFFC0  }
0x8c: {  	[spmem:s28] =	stream.linear.scatter [tilespmem:s3], [sflag:$0x3], $0x40, $0x38;
	[tilespmem:$0x1FD00] =	vst v63  }
0x8d: {  	_ =	swait.ge [sflag:s0], $0x40  }
0x8e: {  	[sflag:s0] =	ssyncset.done $0x0  }
0x8f: {  	[sflag:s0] =	ssyncadd.s32 $0xFFFFFFC0  }
0x90: {  	s25 =	simm.s32 $0x0;
	[bflag:$0x0] =	sbarrier.arrive $0xFFFF  }
0x91: {  	[tilespmem:s6], [sflag:$0x1] =	stream.indirect.gather [hbm4b:s5+s4], $0x40, s25, s4, $0xb8;
	[tilespmem:$0x1FD00] =	vst v63  }
0x92: {  	s26 =	simm.s32 $0x80  }
0x93: {  	[tilespmem:s7], [sflag:$0x1] =	stream.indirect.gather [hbm4b:s5+s4], $0x40, s26, s4, $0xb8;
	[tilespmem:$0x1FD00] =	vst v63  }
0x94: {  	s20 =	simm.s32 $0x100  }
0x95: {  	[tilespmem:s9], [sflag:$0x1] =	stream.indirect.gather [hbm4b:s5+s4], $0x40, s20, s4, $0xb8;
	[tilespmem:$0x1FD00] =	vst v63  }
0x96: {  	s21 =	simm.s32 $0x180  }
0x97: {  	[tilespmem:s10], [sflag:$0x1] =	stream.indirect.gather [hbm4b:s5+s4], $0x40, s21, s4, $0xb8;
	[tilespmem:$0x1FD00] =	vst v63  }
0x98: {  	s22 =	simm.s32 $0x200  }
0x99: {  	[tilespmem:s11], [sflag:$0x2] =	stream.indirect.gather [hbm4b:s5+s4], $0x40, s22, s4, $0xb8;
	[tilespmem:$0x1FD00] =	vst v63  }
0x9a: {  	s23 =	simm.s32 $0x280  }
0x9b: {  	[tilespmem:s12], [sflag:$0x2] =	stream.indirect.gather [hbm4b:s5+s4], $0x40, s23, s4, $0xb8;
	[tilespmem:$0x1FD00] =	vst v63  }
0x9c: {  	s24 =	simm.s32 $0x300  }
0x9d: {  	[tilespmem:s13], [sflag:$0x2] =	stream.indirect.gather [hbm4b:s5+s4], $0x40, s24, s4, $0xb8;
	[tilespmem:$0x1FD00] =	vst v63  }
0x9e: {  	s25 =	simm.s32 $0x380  }
0x9f: {  	[tilespmem:s14], [sflag:$0x2] =	stream.indirect.gather [hbm4b:s5+s4], $0x40, s25, s4, $0xb8;
	[tilespmem:$0x1FD00] =	vst v63  }
0xa0: {  	_ =	swait.ge [sflag:s15], $0x1F40  }
0xa1: {  	[sflag:s15] =	ssyncset.done $0x0  }
0xa2: {  	[sflag:s15] =	ssyncadd.s32 $0xFFFFE0C0  }
0xa3: {  	_ =	swait.ge [sflag:s15], $0x1F40  }
0xa4: {  	[sflag:s15] =	ssyncset.done $0x0  }
0xa5: {  	[sflag:s15] =	ssyncadd.s32 $0xFFFFE0C0  }
0xa6: {  	_ =	swait.ge [sflag:s15], $0x1F40  }
0xa7: {  	[sflag:s15] =	ssyncset.done $0x0  }
0xa8: {  	[sflag:s15] =	ssyncadd.s32 $0xFFFFE0C0  }
0xa9: {  	_ =	swait.ge [sflag:s15], $0x1F40  }
0xaa: {  	[sflag:s15] =	ssyncset.done $0x0  }
0xab: {  	s26 =	simm.s32 $0x2800;
	[sflag:s15] =	ssyncadd.s32 $0xFFFFE0C0  }
0xac: {  	[spmem:s1] =	stream.indirect.scatter.add.f32 [tilespmem:s6], [sflag:$0x3], $0x40, s26, s4, $0xb8;
	[tilespmem:$0x1FD00] =	vst v63  }
0xad: {  	_ =	swait.ge [sflag:s0], $0x1F40  }
0xae: {  	[sflag:s0] =	ssyncset.done $0x0  }
0xaf: {  	s20 =	simm.s32 $0x2880;
	[sflag:s0] =	ssyncadd.s32 $0xFFFFE0C0  }
0xb0: {  	[spmem:s1] =	stream.indirect.scatter.add.f32 [tilespmem:s7], [sflag:$0x3], $0x40, s20, s4, $0xb8;
	[tilespmem:$0x1FD00] =	vst v63  }
0xb1: {  	_ =	swait.ge [sflag:s0], $0x1F40  }
0xb2: {  	[sflag:s0] =	ssyncset.done $0x0  }
0xb3: {  	s21 =	simm.s32 $0x2900;
	[sflag:s0] =	ssyncadd.s32 $0xFFFFE0C0  }
0xb4: {  	[spmem:s1] =	stream.indirect.scatter.add.f32 [tilespmem:s9], [sflag:$0x3], $0x40, s21, s4, $0xb8;
	[tilespmem:$0x1FD00] =	vst v63  }
0xb5: {  	_ =	swait.ge [sflag:s0], $0x1F40  }
0xb6: {  	[sflag:s0] =	ssyncset.done $0x0  }
0xb7: {  	s22 =	simm.s32 $0x2980;
	[sflag:s0] =	ssyncadd.s32 $0xFFFFE0C0  }
0xb8: {  	[spmem:s1] =	stream.indirect.scatter.add.f32 [tilespmem:s10], [sflag:$0x3], $0x40, s22, s4, $0xb8;
	[tilespmem:$0x1FD00] =	vst v63  }
0xb9: {  	_ =	swait.ge [sflag:s0], $0x1F40  }
0xba: {  	[sflag:s0] =	ssyncset.done $0x0  }
0xbb: {  	[sflag:s0] =	ssyncadd.s32 $0xFFFFE0C0  }
0xbc: {  	[spmem:s2] =	stream.indirect.scatter.add.f32 [tilespmem:s16], [sflag:$0x3], $0x1, s26, s4, $0xb8;
	[tilespmem:$0x1FD00] =	vst v63  }
0xbd: {  	_ =	swait.ge [sflag:s0], $0x7D  }
0xbe: {  	[sflag:s0] =	ssyncset.done $0x0  }
0xbf: {  	[sflag:s0] =	ssyncadd.s32 $0xFFFFFF83  }
0xc0: {  	[spmem:s2] =	stream.indirect.scatter.add.f32 [tilespmem:s16], [sflag:$0x3], $0x1, s20, s4, $0xb8;
	[tilespmem:$0x1FD00] =	vst v63  }
0xc1: {  	_ =	swait.ge [sflag:s0], $0x7D  }
0xc2: {  	[sflag:s0] =	ssyncset.done $0x0  }
0xc3: {  	[sflag:s0] =	ssyncadd.s32 $0xFFFFFF83  }
0xc4: {  	[spmem:s2] =	stream.indirect.scatter.add.f32 [tilespmem:s16], [sflag:$0x3], $0x1, s21, s4, $0xb8;
	[tilespmem:$0x1FD00] =	vst v63  }
0xc5: {  	_ =	swait.ge [sflag:s0], $0x7D  }
0xc6: {  	[sflag:s0] =	ssyncset.done $0x0  }
0xc7: {  	[sflag:s0] =	ssyncadd.s32 $0xFFFFFF83  }
0xc8: {  	[spmem:s2] =	stream.indirect.scatter.add.f32 [tilespmem:s16], [sflag:$0x3], $0x1, s22, s4, $0xb8;
	[tilespmem:$0x1FD00] =	vst v63  }
0xc9: {  	p1 =	por $0x0, $0x0;
	_ =	swait.ge [sflag:s0], $0x7D  }
0xca: {  	s19 =	simm.s32 @!p1 $0x5000;
	[sflag:s0] =	ssyncset.done $0x0  }
0xcb: {  	s20 =	simm.s32 @!p1 $0x400;
	s21 =	simm.s32 @!p1 $0x7D;
	[sflag:s0] =	ssyncadd.s32 $0xFFFFFF83  }
0xcc: {  	[tilespmem:s19], [sflag:$0x1] =	stream.indirect.gather @!p1 [hbm4b:s5+s21], $0x40, s20, s21, $0xb8;
	[tilespmem:$0x1FD00] =	vst v63  }
0xcd: {  	s19 =	simm.s32 @!p1 $0x480;
	s20 =	simm.s32 @!p1 $0x6F40  }
0xce: {  	[tilespmem:s20], [sflag:$0x1] =	stream.indirect.gather @!p1 [hbm4b:s5+s21], $0x40, s19, s21, $0xb8;
	[tilespmem:$0x1FD00] =	vst v63  }
0xcf: {  	s19 =	simm.s32 @!p1 $0x500;
	s20 =	simm.s32 @!p1 $0x8E80  }
0xd0: {  	[tilespmem:s20], [sflag:$0x1] =	stream.indirect.gather @!p1 [hbm4b:s5+s21], $0x40, s19, s21, $0xb8;
	[tilespmem:$0x1FD00] =	vst v63  }
0xd1: {  	s19 =	simm.s32 @!p1 $0x580;
	s20 =	simm.s32 @!p1 $0xADC0  }
0xd2: {  	[tilespmem:s20], [sflag:$0x1] =	stream.indirect.gather @!p1 [hbm4b:s5+s21], $0x40, s19, s21, $0xb8;
	[tilespmem:$0x1FD00] =	vst v63  }
0xd3: {  	_ =	swait.ge [sflag:s17], $0x1F40  }
0xd4: {  	[sflag:s17] =	ssyncset.done $0x0  }
0xd5: {  	[sflag:s17] =	ssyncadd.s32 $0xFFFFE0C0  }
0xd6: {  	_ =	swait.ge [sflag:s17], $0x1F40  }
0xd7: {  	[sflag:s17] =	ssyncset.done $0x0  }
0xd8: {  	[sflag:s17] =	ssyncadd.s32 $0xFFFFE0C0  }
0xd9: {  	_ =	swait.ge [sflag:s17], $0x1F40  }
0xda: {  	[sflag:s17] =	ssyncset.done $0x0  }
0xdb: {  	[sflag:s17] =	ssyncadd.s32 $0xFFFFE0C0  }
0xdc: {  	_ =	swait.ge [sflag:s17], $0x1F40  }
0xdd: {  	[sflag:s17] =	ssyncset.done $0x0  }
0xde: {  	s23 =	simm.s32 $0x2A00;
	[sflag:s17] =	ssyncadd.s32 $0xFFFFE0C0  }
0xdf: {  	[spmem:s1] =	stream.indirect.scatter.add.f32 [tilespmem:s11], [sflag:$0x3], $0x40, s23, s4, $0xb8;
	[tilespmem:$0x1FD00] =	vst v63  }
0xe0: {  	_ =	swait.ge [sflag:s0], $0x1F40  }
0xe1: {  	[sflag:s0] =	ssyncset.done $0x0  }
0xe2: {  	s24 =	simm.s32 $0x2A80;
	[sflag:s0] =	ssyncadd.s32 $0xFFFFE0C0  }
0xe3: {  	[spmem:s1] =	stream.indirect.scatter.add.f32 [tilespmem:s12], [sflag:$0x3], $0x40, s24, s4, $0xb8;
	[tilespmem:$0x1FD00] =	vst v63  }
0xe4: {  	_ =	swait.ge [sflag:s0], $0x1F40  }
0xe5: {  	[sflag:s0] =	ssyncset.done $0x0  }
0xe6: {  	s25 =	simm.s32 $0x2B00;
	[sflag:s0] =	ssyncadd.s32 $0xFFFFE0C0  }
0xe7: {  	[spmem:s1] =	stream.indirect.scatter.add.f32 [tilespmem:s13], [sflag:$0x3], $0x40, s25, s4, $0xb8;
	[tilespmem:$0x1FD00] =	vst v63  }
0xe8: {  	_ =	swait.ge [sflag:s0], $0x1F40  }
0xe9: {  	[sflag:s0] =	ssyncset.done $0x0  }
0xea: {  	s26 =	simm.s32 $0x2B80;
	[sflag:s0] =	ssyncadd.s32 $0xFFFFE0C0  }
0xeb: {  	[spmem:s1] =	stream.indirect.scatter.add.f32 [tilespmem:s14], [sflag:$0x3], $0x40, s26, s4, $0xb8;
	[tilespmem:$0x1FD00] =	vst v63  }
0xec: {  	_ =	swait.ge [sflag:s0], $0x1F40  }
0xed: {  	[sflag:s0] =	ssyncset.done $0x0  }
0xee: {  	[sflag:s0] =	ssyncadd.s32 $0xFFFFE0C0  }
0xef: {  	[spmem:s2] =	stream.indirect.scatter.add.f32 [tilespmem:s16], [sflag:$0x3], $0x1, s23, s4, $0xb8;
	[tilespmem:$0x1FD00] =	vst v63  }
0xf0: {  	_ =	swait.ge [sflag:s0], $0x7D  }
0xf1: {  	[sflag:s0] =	ssyncset.done $0x0  }
0xf2: {  	[sflag:s0] =	ssyncadd.s32 $0xFFFFFF83  }
0xf3: {  	[spmem:s2] =	stream.indirect.scatter.add.f32 [tilespmem:s16], [sflag:$0x3], $0x1, s24, s4, $0xb8;
	[tilespmem:$0x1FD00] =	vst v63  }
0xf4: {  	_ =	swait.ge [sflag:s0], $0x7D  }
0xf5: {  	[sflag:s0] =	ssyncset.done $0x0  }
0xf6: {  	[sflag:s0] =	ssyncadd.s32 $0xFFFFFF83  }
0xf7: {  	[spmem:s2] =	stream.indirect.scatter.add.f32 [tilespmem:s16], [sflag:$0x3], $0x1, s25, s4, $0xb8;
	[tilespmem:$0x1FD00] =	vst v63  }
0xf8: {  	_ =	swait.ge [sflag:s0], $0x7D  }
0xf9: {  	[sflag:s0] =	ssyncset.done $0x0  }
0xfa: {  	[sflag:s0] =	ssyncadd.s32 $0xFFFFFF83  }
0xfb: {  	[spmem:s2] =	stream.indirect.scatter.add.f32 [tilespmem:s16], [sflag:$0x3], $0x1, s26, s4, $0xb8;
	[tilespmem:$0x1FD00] =	vst v63  }
0xfc: {  	s20 =	simm.s32 $0x1000;
	_ =	swait.ge [sflag:s0], $0x7D  }
0xfd: {  	s21 =	simm.s32 $0x2000;
	s19 =	simm.s32 $0x400;
	[sflag:s0] =	ssyncset.done $0x0  }
.LBB2_4:
0xfe: {  	s23 =	sadd.s32 $0x200, s19  }
0xff: {  	[sflag:s0] =	ssyncadd.s32 $0xFFFFFF83;
	s22 =	smov.u32 s21;
	s21 =	sadd.s32 $0x1000, s21  }
0x100: {  	[tilespmem:s11], [sflag:$0x2] =	stream.indirect.gather [hbm4b:s5+s4], $0x40, s23, s4, $0xb8;
	[tilespmem:$0x1FD00] =	vst v63  }
0x101: {  	p1 =	sne.s32 s21, $0xA000;
	s23 =	sadd.s32 $0x280, s19  }
0x102: {  	[tilespmem:s12], [sflag:$0x2] =	stream.indirect.gather [hbm4b:s5+s4], $0x40, s23, s4, $0xb8;
	[tilespmem:$0x1FD00] =	vst v63  }
0x103: {  	s23 =	sadd.s32 $0x300, s19  }
0x104: {  	[tilespmem:s13], [sflag:$0x2] =	stream.indirect.gather [hbm4b:s5+s4], $0x40, s23, s4, $0xb8;
	[tilespmem:$0x1FD00] =	vst v63  }
0x105: {  	s23 =	sadd.s32 $0x380, s19  }
0x106: {  	[tilespmem:s14], [sflag:$0x2] =	stream.indirect.gather [hbm4b:s5+s4], $0x40, s23, s4, $0xb8;
	[tilespmem:$0x1FD00] =	vst v63  }
0x107: {  	_ =	swait.ge [sflag:s15], $0x1F40  }
0x108: {  	[sflag:s15] =	ssyncset.done $0x0  }
0x109: {  	[sflag:s15] =	ssyncadd.s32 $0xFFFFE0C0  }
0x10a: {  	_ =	swait.ge [sflag:s15], $0x1F40  }
0x10b: {  	[sflag:s15] =	ssyncset.done $0x0  }
0x10c: {  	[sflag:s15] =	ssyncadd.s32 $0xFFFFE0C0  }
0x10d: {  	_ =	swait.ge [sflag:s15], $0x1F40  }
0x10e: {  	[sflag:s15] =	ssyncset.done $0x0  }
0x10f: {  	[sflag:s15] =	ssyncadd.s32 $0xFFFFE0C0  }
0x110: {  	_ =	swait.ge [sflag:s15], $0x1F40  }
0x111: {  	[sflag:s15] =	ssyncset.done $0x0  }
0x112: {  	s23 =	sadd.s32 $0x2800, s19;
	[sflag:s15] =	ssyncadd.s32 $0xFFFFE0C0  }
0x113: {  	[spmem:s1] =	stream.indirect.scatter.add.f32 [tilespmem:s6], [sflag:$0x3], $0x40, s23, s4, $0xb8;
	[tilespmem:$0x1FD00] =	vst v63  }
0x114: {  	_ =	swait.ge [sflag:s0], $0x1F40  }
0x115: {  	[sflag:s0] =	ssyncset.done $0x0  }
0x116: {  	s24 =	sadd.s32 $0x2880, s19;
	[sflag:s0] =	ssyncadd.s32 $0xFFFFE0C0  }
0x117: {  	[spmem:s1] =	stream.indirect.scatter.add.f32 [tilespmem:s7], [sflag:$0x3], $0x40, s24, s4, $0xb8;
	[tilespmem:$0x1FD00] =	vst v63  }
0x118: {  	_ =	swait.ge [sflag:s0], $0x1F40  }
0x119: {  	[sflag:s0] =	ssyncset.done $0x0  }
0x11a: {  	s25 =	sadd.s32 $0x2900, s19;
	[sflag:s0] =	ssyncadd.s32 $0xFFFFE0C0  }
0x11b: {  	[spmem:s1] =	stream.indirect.scatter.add.f32 [tilespmem:s9], [sflag:$0x3], $0x40, s25, s4, $0xb8;
	[tilespmem:$0x1FD00] =	vst v63  }
0x11c: {  	_ =	swait.ge [sflag:s0], $0x1F40  }
0x11d: {  	[sflag:s0] =	ssyncset.done $0x0  }
0x11e: {  	s26 =	sadd.s32 $0x2980, s19;
	[sflag:s0] =	ssyncadd.s32 $0xFFFFE0C0  }
0x11f: {  	[spmem:s1] =	stream.indirect.scatter.add.f32 [tilespmem:s10], [sflag:$0x3], $0x40, s26, s4, $0xb8;
	[tilespmem:$0x1FD00] =	vst v63  }
0x120: {  	_ =	swait.ge [sflag:s0], $0x1F40  }
0x121: {  	[sflag:s0] =	ssyncset.done $0x0  }
0x122: {  	[sflag:s0] =	ssyncadd.s32 $0xFFFFE0C0  }
0x123: {  	[spmem:s2] =	stream.indirect.scatter.add.f32 [tilespmem:s16], [sflag:$0x3], $0x1, s23, s4, $0xb8;
	[tilespmem:$0x1FD00] =	vst v63  }
0x124: {  	_ =	swait.ge [sflag:s0], $0x7D  }
0x125: {  	[sflag:s0] =	ssyncset.done $0x0  }
0x126: {  	[sflag:s0] =	ssyncadd.s32 $0xFFFFFF83  }
0x127: {  	[spmem:s2] =	stream.indirect.scatter.add.f32 [tilespmem:s16], [sflag:$0x3], $0x1, s24, s4, $0xb8;
	[tilespmem:$0x1FD00] =	vst v63  }
0x128: {  	_ =	swait.ge [sflag:s0], $0x7D  }
0x129: {  	[sflag:s0] =	ssyncset.done $0x0  }
0x12a: {  	[sflag:s0] =	ssyncadd.s32 $0xFFFFFF83  }
0x12b: {  	[spmem:s2] =	stream.indirect.scatter.add.f32 [tilespmem:s16], [sflag:$0x3], $0x1, s25, s4, $0xb8;
	[tilespmem:$0x1FD00] =	vst v63  }
0x12c: {  	_ =	swait.ge [sflag:s0], $0x7D  }
0x12d: {  	[sflag:s0] =	ssyncset.done $0x0  }
0x12e: {  	[sflag:s0] =	ssyncadd.s32 $0xFFFFFF83  }
0x12f: {  	[spmem:s2] =	stream.indirect.scatter.add.f32 [tilespmem:s16], [sflag:$0x3], $0x1, s26, s4, $0xb8;
	[tilespmem:$0x1FD00] =	vst v63  }
0x130: {  	p2 =	seq.s32 s20, $0x9000;
	_ =	swait.ge [sflag:s0], $0x7D  }
0x131: {  	s20 =	sshra.s32 @!p2 s20, $0x2;
	s23 =	simm.s32 @!p2 $0x5000;
	[sflag:s0] =	ssyncset.done $0x0  }
0x132: {  	s24 =	sadd.s32 @!p2 $0x400, s20;
	s25 =	simm.s32 @!p2 $0x7D;
	[sflag:s0] =	ssyncadd.s32 $0xFFFFFF83  }
0x133: {  	[tilespmem:s23], [sflag:$0x1] =	stream.indirect.gather @!p2 [hbm4b:s5+s25], $0x40, s24, s25, $0xb8;
	[tilespmem:$0x1FD00] =	vst v63  }
0x134: {  	s26 =	sadd.s32 @!p2 $0x500, s20;
	s23 =	sadd.s32 @!p2 $0x480, s20;
	s24 =	simm.s32 @!p2 $0x6F40  }
0x135: {  	[tilespmem:s24], [sflag:$0x1] =	stream.indirect.gather @!p2 [hbm4b:s5+s25], $0x40, s23, s25, $0xb8;
	[tilespmem:$0x1FD00] =	vst v63  }
0x136: {  	s23 =	simm.s32 @!p2 $0x8E80;
	s24 =	sadd.s32 @!p2 $0x580, s20;
	s20 =	smov.u32 s22  }
0x137: {  	[tilespmem:s23], [sflag:$0x1] =	stream.indirect.gather @!p2 [hbm4b:s5+s25], $0x40, s26, s25, $0xb8;
	[tilespmem:$0x1FD00] =	vst v63  }
0x138: {  	s22 =	simm.s32 @!p2 $0xADC0  }
0x139: {  	[tilespmem:s22], [sflag:$0x1] =	stream.indirect.gather @!p2 [hbm4b:s5+s25], $0x40, s24, s25, $0xb8;
	[tilespmem:$0x1FD00] =	vst v63  }
0x13a: {  	_ =	swait.ge [sflag:s17], $0x1F40  }
0x13b: {  	[sflag:s17] =	ssyncset.done $0x0  }
0x13c: {  	[sflag:s17] =	ssyncadd.s32 $0xFFFFE0C0  }
0x13d: {  	_ =	swait.ge [sflag:s17], $0x1F40  }
0x13e: {  	[sflag:s17] =	ssyncset.done $0x0  }
0x13f: {  	[sflag:s17] =	ssyncadd.s32 $0xFFFFE0C0  }
0x140: {  	_ =	swait.ge [sflag:s17], $0x1F40  }
0x141: {  	[sflag:s17] =	ssyncset.done $0x0  }
0x142: {  	[sflag:s17] =	ssyncadd.s32 $0xFFFFE0C0  }
0x143: {  	_ =	swait.ge [sflag:s17], $0x1F40  }
0x144: {  	[sflag:s17] =	ssyncset.done $0x0  }
0x145: {  	s22 =	sadd.s32 $0x2A00, s19;
	[sflag:s17] =	ssyncadd.s32 $0xFFFFE0C0  }
0x146: {  	[spmem:s1] =	stream.indirect.scatter.add.f32 [tilespmem:s11], [sflag:$0x3], $0x40, s22, s4, $0xb8;
	[tilespmem:$0x1FD00] =	vst v63  }
0x147: {  	_ =	swait.ge [sflag:s0], $0x1F40  }
0x148: {  	[sflag:s0] =	ssyncset.done $0x0  }
0x149: {  	s23 =	sadd.s32 $0x2A80, s19;
	[sflag:s0] =	ssyncadd.s32 $0xFFFFE0C0  }
0x14a: {  	[spmem:s1] =	stream.indirect.scatter.add.f32 [tilespmem:s12], [sflag:$0x3], $0x40, s23, s4, $0xb8;
	[tilespmem:$0x1FD00] =	vst v63  }
0x14b: {  	_ =	swait.ge [sflag:s0], $0x1F40  }
0x14c: {  	[sflag:s0] =	ssyncset.done $0x0  }
0x14d: {  	s24 =	sadd.s32 $0x2B00, s19;
	[sflag:s0] =	ssyncadd.s32 $0xFFFFE0C0  }
0x14e: {  	[spmem:s1] =	stream.indirect.scatter.add.f32 [tilespmem:s13], [sflag:$0x3], $0x40, s24, s4, $0xb8;
	[tilespmem:$0x1FD00] =	vst v63  }
0x14f: {  	_ =	swait.ge [sflag:s0], $0x1F40  }
0x150: {  	[sflag:s0] =	ssyncset.done $0x0  }
0x151: {  	s19 =	sadd.s32 $0x2B80, s19;
	[sflag:s0] =	ssyncadd.s32 $0xFFFFE0C0  }
0x152: {  	[spmem:s1] =	stream.indirect.scatter.add.f32 [tilespmem:s14], [sflag:$0x3], $0x40, s19, s4, $0xb8;
	[tilespmem:$0x1FD00] =	vst v63  }
0x153: {  	_ =	swait.ge [sflag:s0], $0x1F40  }
0x154: {  	[sflag:s0] =	ssyncset.done $0x0  }
0x155: {  	[sflag:s0] =	ssyncadd.s32 $0xFFFFE0C0  }
0x156: {  	[spmem:s2] =	stream.indirect.scatter.add.f32 [tilespmem:s16], [sflag:$0x3], $0x1, s22, s4, $0xb8;
	[tilespmem:$0x1FD00] =	vst v63  }
0x157: {  	_ =	swait.ge [sflag:s0], $0x7D  }
0x158: {  	[sflag:s0] =	ssyncset.done $0x0  }
0x159: {  	[sflag:s0] =	ssyncadd.s32 $0xFFFFFF83  }
0x15a: {  	[spmem:s2] =	stream.indirect.scatter.add.f32 [tilespmem:s16], [sflag:$0x3], $0x1, s23, s4, $0xb8;
	[tilespmem:$0x1FD00] =	vst v63  }
0x15b: {  	_ =	swait.ge [sflag:s0], $0x7D  }
0x15c: {  	[sflag:s0] =	ssyncset.done $0x0  }
0x15d: {  	[sflag:s0] =	ssyncadd.s32 $0xFFFFFF83  }
0x15e: {  	[spmem:s2] =	stream.indirect.scatter.add.f32 [tilespmem:s16], [sflag:$0x3], $0x1, s24, s4, $0xb8;
	[tilespmem:$0x1FD00] =	vst v63  }
0x15f: {  	_ =	swait.ge [sflag:s0], $0x7D  }
.Ltmp1:
0x160: {  	[sflag:s0] =	ssyncset.done $0x0;
	(pc) =	sbr.rel @p1 .LBB2_4-.Ltmp1, $4  }
0x161: {  	[sflag:s0] =	ssyncadd.s32 $0xFFFFFF83  }
0x162: {  	[spmem:s2] =	stream.indirect.scatter.add.f32 [tilespmem:s16], [sflag:$0x3], $0x1, s19, s4, $0xb8;
	[tilespmem:$0x1FD00] =	vst v63  }
0x163: {  	_ =	swait.ge [sflag:s0], $0x7D  }
0x164: {  	s19 =	sshra.s32 s20, $0x2;
	[sflag:s0] =	ssyncset.done $0x0  }
0x165: {  	s21 =	sadd.s32 $0x200, s19;
	[sflag:s0] =	ssyncadd.s32 $0xFFFFFF83  }
0x166: {  	[tilespmem:s11], [sflag:$0x2] =	stream.indirect.gather [hbm4b:s5+s4], $0x40, s21, s4, $0xb8;
	[tilespmem:$0x1FD00] =	vst v63  }
0x167: {  	s23 =	sadd.s32 $0x280, s19  }
0x168: {  	[tilespmem:s12], [sflag:$0x2] =	stream.indirect.gather [hbm4b:s5+s4], $0x40, s23, s4, $0xb8;
	[tilespmem:$0x1FD00] =	vst v63  }
0x169: {  	s24 =	sadd.s32 $0x300, s19  }
0x16a: {  	[tilespmem:s13], [sflag:$0x2] =	stream.indirect.gather [hbm4b:s5+s4], $0x40, s24, s4, $0xb8;
	[tilespmem:$0x1FD00] =	vst v63  }
0x16b: {  	s25 =	sadd.s32 $0x380, s19  }
0x16c: {  	[tilespmem:s14], [sflag:$0x2] =	stream.indirect.gather [hbm4b:s5+s4], $0x40, s25, s4, $0xb8;
	[tilespmem:$0x1FD00] =	vst v63  }
0x16d: {  	_ =	swait.ge [sflag:s15], $0x1F40  }
0x16e: {  	[sflag:s15] =	ssyncset.done $0x0  }
0x16f: {  	[sflag:s15] =	ssyncadd.s32 $0xFFFFE0C0  }
0x170: {  	_ =	swait.ge [sflag:s15], $0x1F40  }
0x171: {  	[sflag:s15] =	ssyncset.done $0x0  }
0x172: {  	[sflag:s15] =	ssyncadd.s32 $0xFFFFE0C0  }
0x173: {  	_ =	swait.ge [sflag:s15], $0x1F40  }
0x174: {  	[sflag:s15] =	ssyncset.done $0x0  }
0x175: {  	[sflag:s15] =	ssyncadd.s32 $0xFFFFE0C0  }
0x176: {  	_ =	swait.ge [sflag:s15], $0x1F40  }
0x177: {  	[sflag:s15] =	ssyncset.done $0x0  }
0x178: {  	s26 =	sadd.s32 $0x2800, s19;
	[sflag:s15] =	ssyncadd.s32 $0xFFFFE0C0  }
0x179: {  	[spmem:s1] =	stream.indirect.scatter.add.f32 [tilespmem:s6], [sflag:$0x3], $0x40, s26, s4, $0xb8;
	[tilespmem:$0x1FD00] =	vst v63  }
0x17a: {  	_ =	swait.ge [sflag:s0], $0x1F40  }
0x17b: {  	[sflag:s0] =	ssyncset.done $0x0  }
0x17c: {  	s22 =	sadd.s32 $0x2880, s19;
	[sflag:s0] =	ssyncadd.s32 $0xFFFFE0C0  }
0x17d: {  	[spmem:s1] =	stream.indirect.scatter.add.f32 [tilespmem:s7], [sflag:$0x3], $0x40, s22, s4, $0xb8;
	[tilespmem:$0x1FD00] =	vst v63  }
0x17e: {  	_ =	swait.ge [sflag:s0], $0x1F40  }
0x17f: {  	[sflag:s0] =	ssyncset.done $0x0  }
0x180: {  	s23 =	sadd.s32 $0x2900, s19;
	[sflag:s0] =	ssyncadd.s32 $0xFFFFE0C0  }
0x181: {  	[spmem:s1] =	stream.indirect.scatter.add.f32 [tilespmem:s9], [sflag:$0x3], $0x40, s23, s4, $0xb8;
	[tilespmem:$0x1FD00] =	vst v63  }
0x182: {  	_ =	swait.ge [sflag:s0], $0x1F40  }
0x183: {  	[sflag:s0] =	ssyncset.done $0x0  }
0x184: {  	s24 =	sadd.s32 $0x2980, s19;
	[sflag:s0] =	ssyncadd.s32 $0xFFFFE0C0  }
0x185: {  	[spmem:s1] =	stream.indirect.scatter.add.f32 [tilespmem:s10], [sflag:$0x3], $0x40, s24, s4, $0xb8;
	[tilespmem:$0x1FD00] =	vst v63  }
0x186: {  	_ =	swait.ge [sflag:s0], $0x1F40  }
0x187: {  	[sflag:s0] =	ssyncset.done $0x0  }
0x188: {  	[sflag:s0] =	ssyncadd.s32 $0xFFFFE0C0  }
0x189: {  	[spmem:s2] =	stream.indirect.scatter.add.f32 [tilespmem:s16], [sflag:$0x3], $0x1, s26, s4, $0xb8;
	[tilespmem:$0x1FD00] =	vst v63  }
0x18a: {  	_ =	swait.ge [sflag:s0], $0x7D  }
0x18b: {  	[sflag:s0] =	ssyncset.done $0x0  }
0x18c: {  	[sflag:s0] =	ssyncadd.s32 $0xFFFFFF83  }
0x18d: {  	[spmem:s2] =	stream.indirect.scatter.add.f32 [tilespmem:s16], [sflag:$0x3], $0x1, s22, s4, $0xb8;
	[tilespmem:$0x1FD00] =	vst v63  }
0x18e: {  	_ =	swait.ge [sflag:s0], $0x7D  }
0x18f: {  	[sflag:s0] =	ssyncset.done $0x0  }
0x190: {  	[sflag:s0] =	ssyncadd.s32 $0xFFFFFF83  }
0x191: {  	[spmem:s2] =	stream.indirect.scatter.add.f32 [tilespmem:s16], [sflag:$0x3], $0x1, s23, s4, $0xb8;
	[tilespmem:$0x1FD00] =	vst v63  }
0x192: {  	_ =	swait.ge [sflag:s0], $0x7D  }
0x193: {  	[sflag:s0] =	ssyncset.done $0x0  }
0x194: {  	[sflag:s0] =	ssyncadd.s32 $0xFFFFFF83  }
0x195: {  	[spmem:s2] =	stream.indirect.scatter.add.f32 [tilespmem:s16], [sflag:$0x3], $0x1, s24, s4, $0xb8;
	[tilespmem:$0x1FD00] =	vst v63  }
0x196: {  	p1 =	seq.s32 s20, $0x9000;
	_ =	swait.ge [sflag:s0], $0x7D  }
0x197: {  	s20 =	sshra.s32 @!p1 s20, $0x2;
	s21 =	simm.s32 @!p1 $0x5000;
	[sflag:s0] =	ssyncset.done $0x0  }
0x198: {  	s22 =	sadd.s32 @!p1 $0x400, s20;
	s23 =	simm.s32 @!p1 $0x7D;
	[sflag:s0] =	ssyncadd.s32 $0xFFFFFF83  }
0x199: {  	[tilespmem:s21], [sflag:$0x1] =	stream.indirect.gather @!p1 [hbm4b:s5+s23], $0x40, s22, s23, $0xb8;
	[tilespmem:$0x1FD00] =	vst v63  }
0x19a: {  	s21 =	sadd.s32 @!p1 $0x480, s20;
	s22 =	simm.s32 @!p1 $0x6F40  }
0x19b: {  	[tilespmem:s22], [sflag:$0x1] =	stream.indirect.gather @!p1 [hbm4b:s5+s23], $0x40, s21, s23, $0xb8;
	[tilespmem:$0x1FD00] =	vst v63  }
0x19c: {  	s21 =	sadd.s32 @!p1 $0x500, s20;
	s22 =	simm.s32 @!p1 $0x8E80  }
0x19d: {  	[tilespmem:s22], [sflag:$0x1] =	stream.indirect.gather @!p1 [hbm4b:s5+s23], $0x40, s21, s23, $0xb8;
	[tilespmem:$0x1FD00] =	vst v63  }
0x19e: {  	s20 =	sadd.s32 @!p1 $0x580, s20;
	s21 =	simm.s32 @!p1 $0xADC0  }
0x19f: {  	[tilespmem:s21], [sflag:$0x1] =	stream.indirect.gather @!p1 [hbm4b:s5+s23], $0x40, s20, s23, $0xb8;
	[tilespmem:$0x1FD00] =	vst v63  }
0x1a0: {  	_ =	swait.ge [sflag:s17], $0x1F40  }
0x1a1: {  	[sflag:s17] =	ssyncset.done $0x0  }
0x1a2: {  	[sflag:s17] =	ssyncadd.s32 $0xFFFFE0C0  }
0x1a3: {  	_ =	swait.ge [sflag:s17], $0x1F40  }
0x1a4: {  	[sflag:s17] =	ssyncset.done $0x0  }
0x1a5: {  	[sflag:s17] =	ssyncadd.s32 $0xFFFFE0C0  }
0x1a6: {  	_ =	swait.ge [sflag:s17], $0x1F40  }
0x1a7: {  	[sflag:s17] =	ssyncset.done $0x0  }
0x1a8: {  	[sflag:s17] =	ssyncadd.s32 $0xFFFFE0C0  }
0x1a9: {  	_ =	swait.ge [sflag:s17], $0x1F40  }
0x1aa: {  	[sflag:s17] =	ssyncset.done $0x0  }
0x1ab: {  	s21 =	sadd.s32 $0x2A00, s19;
	[sflag:s17] =	ssyncadd.s32 $0xFFFFE0C0  }
0x1ac: {  	[spmem:s1] =	stream.indirect.scatter.add.f32 [tilespmem:s11], [sflag:$0x3], $0x40, s21, s4, $0xb8;
	[tilespmem:$0x1FD00] =	vst v63  }
0x1ad: {  	_ =	swait.ge [sflag:s0], $0x1F40  }
0x1ae: {  	[sflag:s0] =	ssyncset.done $0x0  }
0x1af: {  	s22 =	sadd.s32 $0x2A80, s19;
	[sflag:s0] =	ssyncadd.s32 $0xFFFFE0C0  }
0x1b0: {  	[spmem:s1] =	stream.indirect.scatter.add.f32 [tilespmem:s12], [sflag:$0x3], $0x40, s22, s4, $0xb8;
	[tilespmem:$0x1FD00] =	vst v63  }
0x1b1: {  	_ =	swait.ge [sflag:s0], $0x1F40  }
0x1b2: {  	[sflag:s0] =	ssyncset.done $0x0  }
0x1b3: {  	s23 =	sadd.s32 $0x2B00, s19;
	[sflag:s0] =	ssyncadd.s32 $0xFFFFE0C0  }
0x1b4: {  	[spmem:s1] =	stream.indirect.scatter.add.f32 [tilespmem:s13], [sflag:$0x3], $0x40, s23, s4, $0xb8;
	[tilespmem:$0x1FD00] =	vst v63  }
0x1b5: {  	_ =	swait.ge [sflag:s0], $0x1F40  }
0x1b6: {  	[sflag:s0] =	ssyncset.done $0x0  }
0x1b7: {  	s24 =	sadd.s32 $0x2B80, s19;
	[sflag:s0] =	ssyncadd.s32 $0xFFFFE0C0  }
0x1b8: {  	[spmem:s1] =	stream.indirect.scatter.add.f32 [tilespmem:s14], [sflag:$0x3], $0x40, s24, s4, $0xb8;
	[tilespmem:$0x1FD00] =	vst v63  }
0x1b9: {  	_ =	swait.ge [sflag:s0], $0x1F40  }
0x1ba: {  	[sflag:s0] =	ssyncset.done $0x0  }
0x1bb: {  	[sflag:s0] =	ssyncadd.s32 $0xFFFFE0C0  }
0x1bc: {  	[spmem:s2] =	stream.indirect.scatter.add.f32 [tilespmem:s16], [sflag:$0x3], $0x1, s21, s4, $0xb8;
	[tilespmem:$0x1FD00] =	vst v63  }
0x1bd: {  	_ =	swait.ge [sflag:s0], $0x7D  }
0x1be: {  	[sflag:s0] =	ssyncset.done $0x0  }
0x1bf: {  	[sflag:s0] =	ssyncadd.s32 $0xFFFFFF83  }
0x1c0: {  	[spmem:s2] =	stream.indirect.scatter.add.f32 [tilespmem:s16], [sflag:$0x3], $0x1, s22, s4, $0xb8;
	[tilespmem:$0x1FD00] =	vst v63  }
0x1c1: {  	_ =	swait.ge [sflag:s0], $0x7D  }
0x1c2: {  	[sflag:s0] =	ssyncset.done $0x0  }
0x1c3: {  	[sflag:s0] =	ssyncadd.s32 $0xFFFFFF83  }
0x1c4: {  	[spmem:s2] =	stream.indirect.scatter.add.f32 [tilespmem:s16], [sflag:$0x3], $0x1, s23, s4, $0xb8;
	[tilespmem:$0x1FD00] =	vst v63  }
0x1c5: {  	_ =	swait.ge [sflag:s0], $0x7D  }
0x1c6: {  	[sflag:s0] =	ssyncset.done $0x0  }
0x1c7: {  	[sflag:s0] =	ssyncadd.s32 $0xFFFFFF83  }
0x1c8: {  	[spmem:s2] =	stream.indirect.scatter.add.f32 [tilespmem:s16], [sflag:$0x3], $0x1, s24, s4, $0xb8;
	[tilespmem:$0x1FD00] =	vst v63  }
0x1c9: {  	_ =	swait.ge [sflag:s0], $0x7D  }
0x1ca: {  	s25 =	stileid.u32;
	[sflag:s0] =	ssyncset.done $0x0  }
0x1cb: {  	s19 =	sshll.u32 s25, $0x6;
	[sflag:s0] =	ssyncadd.s32 $0xFFFFFF83  }
0x1cc: {  	s26 =	sshrl.u32 s8, $0x3;
	s19 =	sor.u32 $0x1C03, s19;
	[bflag:$0x0] =	sbarrier.arrive $0xFFFF  }
0x1cd: {  	[hbm:s29], [sflag:s19] =	dma.local [spmem:s26], $0x1400  }
0x1ce: {  	_ =	swait.ge [sflag:s0], $0x1400  }
0x1cf: {  	s18 =	sadd.s32 $0x1, s18;
	[sflag:s0] =	ssyncset.done $0x0  }
0x1d0: {  	s20 =	sshrl.u32 @!p0 s2, $0x3;
	p1 =	sne.s32 s18, s31;
	[sflag:s0] =	ssyncadd.s32 $0xFFFFEC00  }
0x1d1: {  	[hbm:s30], [sflag:s19] =	dma.local @!p0 [spmem:s20], $0x500  }
.Ltmp2:
0x1d2: {  	_ = 	snop;
	(pc) =	sbr.rel @p1 .LBB2_1-.Ltmp2, $4  }
0x1d3: {  	s19 =	simm.s32 @!p0 $0x3  }
0x1d4: {  	_ =	swait.ge @!p0 [sflag:s19], $0x500  }
0x1d5: {  	[sflag:s19] =	ssyncset.done @!p0 $0x0  }
0x1d6: {  	[sflag:s19] =	ssyncadd.s32 @!p0 $0xFFFFFB00  }
0x1d7: {  	_ =	sfence.sel $0x180000  }
0x1d8: {  	[bflag:$0x0] =	sbarrier.arrive $0xFFFF  }
0x1d9: {  	_ =	strace $0x90000047  }
0x1da: {  	[bflag:$0x2] =	sbarrier.arrive $0xFFFF  }
0x1db: {  	s0 =	rddreg [dreg:$0x3]  }
0x1dc: {  	s0 =	sadd.s32 @!p0 $0x100000, s0  }
0x1dd: {  	[sflag:s0] =	ssyncadd.tile.s32 @!p0 $0x1;
	_ =	shalt  }
.Lfunc_end2:
_tile_overlayer_lowered:
.L_overlay_start_2:
0x1de: {  	(tag) =	ssettag $0x2  }
0x1df: {  	s0 =	rddreg [dreg:$0x0];
	s2 =	stileid.u32  }
0x1e0: {  	s1 =	rddreg [dreg:$0x1];
	p0 =	sne.s32 s2, $0x0  }
0x1e1: {  	s3 =	rddreg [dreg:$0x2];
	[bflag:$0x3] =	sbarrier.arrive $0xFFFF;
	s2 =	simm.s32 @!p0 $0x1C03  }
0x1e2: {  	[timem:s3], [sflag:s2] =	dma.local @!p0 [hbm:s0], s1  }
0x1e3: {  	s0 =	simm.s32 @!p0 $0x3  }
0x1e4: {  	_ =	swait.ge @!p0 [sflag:s0], s1  }
0x1e5: {  	s1 =	ssub.s32 @!p0 $0x0, s1;
	[sflag:s0] =	ssyncset.done @!p0 $0x0  }
0x1e6: {  	[sflag:s0] =	ssyncadd.s32 @!p0 s1  }
0x1e7: {  	[bflag:$0x3] =	sbarrier.arrive $0xFFFF  }
0x1e8: {  	_ =	shalt  }

</sc_bundles>
